<compile_context>
chip_gen: v7x
topology: tpu7x:2x2x1
jax: 0.10.2.dev20260603
libtpu: 0.0.44.dev20260713+nightly
codegen_flags: <defaults>
</compile_context>

<pallas_src>
import functools

import jax
import jax.numpy as jnp
from jax import lax
from jax.experimental import pallas as pl
from jax.experimental.pallas import tpu as pltpu
from jax.experimental.pallas import tpu_sc as plsc

N = 10000
E = 320000
NC = 2
NS = 16
L = 128
NW = NC * NS
GPW = 80
E_PAD = NW * GPW * L
G0 = 145
G1 = 15
GMAX = max(G0, G1)
NPAD = 10048
RPT = NPAD // NS
CW = 8
SB = 1
STEPS = GPW // SB
NB = 5
GA = 4


def _sc_aggregate(width, with_cnt):
    out_type = [jax.ShapeDtypeStruct((NC, NPAD, width), jnp.float32)]
    scratch = [
        pltpu.VMEM((GMAX, SB * L), jnp.int32),
        pltpu.VMEM((GMAX, SB * L), jnp.int32),
        [pltpu.VMEM((SB * L, width), jnp.float32) for _ in range(NB)],
        pltpu.VMEM_SHARED((NPAD, width), jnp.float32),
        [pltpu.SemaphoreType.DMA for _ in range(NB)],
        [pltpu.SemaphoreType.DMA for _ in range(NB)],
    ]
    if with_cnt:
        out_type.append(jax.ShapeDtypeStruct((NC, NPAD, CW), jnp.float32))
        scratch += [
            pltpu.VMEM((SB * L, CW), jnp.float32),
            pltpu.VMEM_SHARED((NPAD, CW), jnp.float32),
        ]

    mesh = plsc.VectorSubcoreMesh(
        core_axis_name="c", subcore_axis_name="s", num_cores=NC, num_subcores=NS
    )

    def body(*refs):
        if with_cnt:
            (p_hbm, srcg, dstg, zeros_w, zeros_c, ones_c,
             agg_out, cnt_out,
             sidx, didx, rows, agg_sh, sem_g, sem_s,
             ones_v, cnt_sh) = refs
        else:
            (p_hbm, srcg, dstg, zeros_w,
             agg_out,
             sidx, didx, rows, agg_sh, sem_g, sem_s) = refs

        c = lax.axis_index("c")
        s = lax.axis_index("s")
        base = jnp.where(c == 0, s * G0, NS * G0 + s * G1)
        msteps = jnp.where(c == 0, G0, G1)

        @pl.when(c == 0)
        def _():
            pltpu.sync_copy(srcg.at[pl.ds(s * G0, G0)], sidx.at[pl.ds(0, G0)])
            pltpu.sync_copy(dstg.at[pl.ds(s * G0, G0)], didx.at[pl.ds(0, G0)])

        @pl.when(c == 1)
        def _():
            b1 = NS * G0 + s * G1
            pltpu.sync_copy(srcg.at[pl.ds(b1, G1)], sidx.at[pl.ds(0, G1)])
            pltpu.sync_copy(dstg.at[pl.ds(b1, G1)], didx.at[pl.ds(0, G1)])

        pltpu.sync_copy(zeros_w, agg_sh.at[pl.ds(s * RPT, RPT)])
        if with_cnt:
            pltpu.sync_copy(ones_c, ones_v)
            pltpu.sync_copy(zeros_c, cnt_sh.at[pl.ds(s * RPT, RPT)])
        plsc.subcore_barrier()

        def gidx(t):
            return sidx.at[t]

        def scat_idx(t):
            return didx.at[t]

        for k in range(GA):
            pltpu.async_copy(p_hbm.at[gidx(k)], rows[k], sem_g[k])

        @pl.loop(0, msteps // NB)
        def _(i):
            for k in range(NB):
                t = i * NB + k
                pltpu.make_async_copy(p_hbm.at[gidx(t)], rows[k],
                                      sem_g[k]).wait()
                pltpu.async_copy(rows[k], agg_sh.at[scat_idx(t)], sem_s[k],
                                 add=True)
                if with_cnt:
                    pltpu.async_copy(ones_v, cnt_sh.at[scat_idx(t)], sem_s[k],
                                     add=True)
                kn = (k + GA) % NB
                tn = t + GA

                @pl.when(tn - NB >= 0)
                def _():
                    pltpu.make_async_copy(rows[kn], agg_sh.at[scat_idx(t)],
                                          sem_s[kn]).wait()
                    if with_cnt:
                        pltpu.make_async_copy(ones_v, cnt_sh.at[scat_idx(t)],
                                              sem_s[kn]).wait()

                @pl.when(tn < msteps)
                def _():
                    pltpu.async_copy(p_hbm.at[gidx(tn)], rows[kn], sem_g[kn])

        for t in range(STEPS - (NB - GA), STEPS):
            k = t % NB
            pltpu.make_async_copy(rows[k], agg_sh.at[scat_idx(0)],
                                  sem_s[k]).wait()
            if with_cnt:
                pltpu.make_async_copy(ones_v, cnt_sh.at[scat_idx(0)],
                                      sem_s[k]).wait()

        plsc.subcore_barrier()
        pltpu.sync_copy(agg_sh.at[pl.ds(s * RPT, RPT)],
                        agg_out.at[c, pl.ds(s * RPT, RPT)])
        if with_cnt:
            pltpu.sync_copy(cnt_sh.at[pl.ds(s * RPT, RPT)],
                            cnt_out.at[c, pl.ds(s * RPT, RPT)])

    return pl.kernel(
        body,
        out_type=out_type,
        mesh=mesh,
        scratch_types=scratch,
        compiler_params=pltpu.CompilerParams(use_tc_tiling_on_sc=False),
    )


_BLK = 2000


def _tc_prep(x, Wl, Wr, b):
    din, dout = Wl.shape

    def body(x_ref, wl_ref, wr_ref, b_ref, p_ref, r_ref):
        xb = x_ref[...]
        p_ref[...] = jnp.dot(xb, wl_ref[...], preferred_element_type=jnp.float32)
        r_ref[...] = (jnp.dot(xb, wr_ref[...], preferred_element_type=jnp.float32)
                      + b_ref[...])

    return pl.pallas_call(
        body,
        grid=(N // _BLK,),
        in_specs=[
            pl.BlockSpec((_BLK, din), lambda i: (i, 0)),
            pl.BlockSpec((din, dout), lambda i: (0, 0)),
            pl.BlockSpec((din, dout), lambda i: (0, 0)),
            pl.BlockSpec((1, dout), lambda i: (0, 0)),
        ],
        out_specs=[
            pl.BlockSpec((_BLK, dout), lambda i: (i, 0)),
            pl.BlockSpec((_BLK, dout), lambda i: (i, 0)),
        ],
        out_shape=[
            jax.ShapeDtypeStruct((N, dout), jnp.float32),
            jax.ShapeDtypeStruct((N, dout), jnp.float32),
        ],
    )(x, Wl, Wr, b.reshape(1, -1))


def _tc_combine(agg_a, agg_b, cnt_a, cnt_b, r, Wl, Wr, b):
    din, dout = Wl.shape

    def body(aa, ab, ca, cb, r_ref, wl_ref, wr_ref, b_ref, p_ref, rn_ref):
        cnt = ca[...][:, 0:1] + cb[...][:, 0:1]
        mean = (aa[...] + ab[...]) / jnp.maximum(cnt, 1.0)
        h = jnp.maximum(mean + r_ref[...], 0.0)
        p_ref[...] = jnp.dot(h, wl_ref[...], preferred_element_type=jnp.float32)
        rn_ref[...] = (jnp.dot(h, wr_ref[...], preferred_element_type=jnp.float32)
                       + b_ref[...])

    return pl.pallas_call(
        body,
        grid=(N // _BLK,),
        in_specs=[
            pl.BlockSpec((_BLK, din), lambda i: (i, 0)),
            pl.BlockSpec((_BLK, din), lambda i: (i, 0)),
            pl.BlockSpec((_BLK, CW), lambda i: (i, 0)),
            pl.BlockSpec((_BLK, CW), lambda i: (i, 0)),
            pl.BlockSpec((_BLK, din), lambda i: (i, 0)),
            pl.BlockSpec((din, dout), lambda i: (0, 0)),
            pl.BlockSpec((din, dout), lambda i: (0, 0)),
            pl.BlockSpec((1, dout), lambda i: (0, 0)),
        ],
        out_specs=[
            pl.BlockSpec((_BLK, dout), lambda i: (i, 0)),
            pl.BlockSpec((_BLK, dout), lambda i: (i, 0)),
        ],
        out_shape=[
            jax.ShapeDtypeStruct((N, dout), jnp.float32),
            jax.ShapeDtypeStruct((N, dout), jnp.float32),
        ],
    )(agg_a, agg_b, cnt_a, cnt_b, r, Wl, Wr, b.reshape(1, -1))


def _tc_final(agg_a, agg_b, cnt_a, cnt_b, r):

    def body(aa, ab, ca, cb, r_ref, o_ref):
        cnt = ca[...][:, 0:1] + cb[...][:, 0:1]
        o_ref[...] = (aa[...] + ab[...]) / jnp.maximum(cnt, 1.0) + r_ref[...]

    spec = pl.BlockSpec((_BLK, CW), lambda i: (i, 0))
    return pl.pallas_call(
        body,
        grid=(N // _BLK,),
        in_specs=[spec] * 5,
        out_specs=spec,
        out_shape=jax.ShapeDtypeStruct((N, CW), jnp.float32),
    )(agg_a, agg_b, cnt_a, cnt_b, r)


def kernel(x, edge_index, Wl0, Wr0, b0, Wl1, Wr1, b1, Wl2, Wr2, b2, Wl3, Wr3, b3):
    src = edge_index[0].astype(jnp.int32)
    dst = edge_index[1].astype(jnp.int32)
    pad = E_PAD - E
    srcg = jnp.concatenate(
        [src, jnp.zeros((pad + GMAX * SB * L,), jnp.int32)]).reshape(-1, SB * L)
    fake_dst = N + (jnp.arange(pad + GMAX * SB * L, dtype=jnp.int32) % (NPAD - N))
    dstg = jnp.concatenate([dst, fake_dst]).reshape(-1, SB * L)

    ones_c = jnp.ones((SB * L, CW), jnp.float32)
    zeros_c = jnp.zeros((RPT, CW), jnp.float32)
    zeros64 = jnp.zeros((RPT, 64), jnp.float32)

    Wl3p = jnp.pad(Wl3, ((0, 0), (0, CW - Wl3.shape[1])))
    Wr3p = jnp.pad(Wr3, ((0, 0), (0, CW - Wr3.shape[1])))
    b3p = jnp.pad(b3, (0, CW - b3.shape[0]))

    agg64c = _sc_aggregate(64, True)
    agg64 = _sc_aggregate(64, False)
    agg8 = _sc_aggregate(CW, False)

    p, r = _tc_prep(x, Wl0, Wr0, b0)
    agg, cnt = agg64c(p, srcg, dstg, zeros64, zeros_c, ones_c)
    cnt_a, cnt_b = cnt[0, :N], cnt[1, :N]
    p, r = _tc_combine(agg[0, :N], agg[1, :N], cnt_a, cnt_b, r, Wl1, Wr1, b1)
    (agg,) = agg64(p, srcg, dstg, zeros64)
    p, r = _tc_combine(agg[0, :N], agg[1, :N], cnt_a, cnt_b, r, Wl2, Wr2, b2)
    (agg,) = agg64(p, srcg, dstg, zeros64)
    p, r = _tc_combine(agg[0, :N], agg[1, :N], cnt_a, cnt_b, r, Wl3p, Wr3p, b3p)
    (agg,) = agg8(p, srcg, dstg, zeros_c)
    out = _tc_final(agg[0, :N], agg[1, :N], cnt_a, cnt_b, r)
    return out[:, 0]

# --- scband reference (transcript-rebuilt; emitter-appended) ---
"""Pipeline reference for scband-puphawunsupervised-45698452029460 (READ-ONLY COPY).

The authoritative reference and input builder live on the scoring server;
editing this copy changes nothing except your own understanding.
"""

import jax, jax.numpy as jnp
import numpy as np

N_NODES = 10000
N_EDGES = 320000
IN_CH = 128
HID = 64
NUM_LAYERS = 4
DIMS = [IN_CH, HID, HID, HID, 1]


def setup_inputs(seed: int = 0) -> dict:
    key = jax.random.key(seed)
    ks = jax.random.split(key, 2 + 3 * NUM_LAYERS)
    x = jax.random.normal(ks[0], (N_NODES, IN_CH), dtype=jnp.float32)
    edge_index = jax.random.randint(ks[1], (2, N_EDGES), 0, N_NODES)
    inp = {"x": x, "edge_index": edge_index}
    for i in range(NUM_LAYERS):
        fan_in, fan_out = DIMS[i], DIMS[i + 1]
        s = 1.0 / np.sqrt(fan_in)
        inp[f"Wl{i}"] = jax.random.uniform(ks[2 + 3 * i], (fan_in, fan_out), minval=-s, maxval=s, dtype=jnp.float32)
        inp[f"Wr{i}"] = jax.random.uniform(ks[3 + 3 * i], (fan_in, fan_out), minval=-s, maxval=s, dtype=jnp.float32)
        inp[f"b{i}"] = jax.random.uniform(ks[4 + 3 * i], (fan_out,), minval=-s, maxval=s, dtype=jnp.float32)
    return inp


def _sage_conv(h, src, dst, Wl, Wr, b):
    # GraphSAGE mean aggregation: gather neighbor feats, segment-mean by dst
    msgs = h[src]  # gather [E, d]
    agg = jax.ops.segment_sum(msgs, dst, num_segments=N_NODES)
    cnt = jax.ops.segment_sum(jnp.ones((src.shape[0], 1), dtype=h.dtype), dst, num_segments=N_NODES)
    mean = agg / jnp.maximum(cnt, 1.0)
    return mean @ Wl + h @ Wr + b


def reference(x, edge_index, Wl0, Wr0, b0, Wl1, Wr1, b1, Wl2, Wr2, b2, Wl3, Wr3, b3):
    src = edge_index[0]
    dst = edge_index[1]
    params = [(Wl0, Wr0, b0), (Wl1, Wr1, b1), (Wl2, Wr2, b2), (Wl3, Wr3, b3)]
    h = x
    for i, (Wl, Wr, b) in enumerate(params):
        h = _sage_conv(h, src, dst, Wl, Wr, b)
        if i < NUM_LAYERS - 1:
            h = jax.nn.relu(h)
    return jnp.squeeze(h, axis=-1)  # [N_NODES]

if __name__ == "__main__":
    import jax
    _d = setup_inputs()
    print(jax.jit(kernel)(*tuple(_d.values())))

</pallas_src>

<mosaic_0001>
#map = affine_map<(d0, d1) -> (0, 0)>
#map1 = affine_map<(d0, d1) -> (0, 0, 0)>
module attributes {stable_mosaic.version = 14 : i64} {
  func.func @body(%arg0: i32, %arg1: i32, %arg2: memref<10000x64xf32, #tpu.memory_space<hbm>>, %arg3: memref<2705x128xi32, #tpu.memory_space<hbm>>, %arg4: memref<2705x128xi32, #tpu.memory_space<hbm>>, %arg5: memref<628x64xf32, #tpu.memory_space<hbm>>, %arg6: memref<2x10048x64xf32, #tpu.memory_space<hbm>>, %arg7: memref<145x128xi32, #tpu.memory_space<vmem>>, %arg8: memref<145x128xi32, #tpu.memory_space<vmem>>, %arg9: memref<128x64xf32, #tpu.memory_space<vmem>>, %arg10: memref<128x64xf32, #tpu.memory_space<vmem>>, %arg11: memref<128x64xf32, #tpu.memory_space<vmem>>, %arg12: memref<128x64xf32, #tpu.memory_space<vmem>>, %arg13: memref<128x64xf32, #tpu.memory_space<vmem>>, %arg14: memref<10048x64xf32, #tpu.memory_space<vmem_shared>>, %arg15: memref<!tpu.dma_semaphore, #tpu.memory_space<semaphore_mem>>, %arg16: memref<!tpu.dma_semaphore, #tpu.memory_space<semaphore_mem>>, %arg17: memref<!tpu.dma_semaphore, #tpu.memory_space<semaphore_mem>>, %arg18: memref<!tpu.dma_semaphore, #tpu.memory_space<semaphore_mem>>, %arg19: memref<!tpu.dma_semaphore, #tpu.memory_space<semaphore_mem>>, %arg20: memref<!tpu.dma_semaphore, #tpu.memory_space<semaphore_mem>>, %arg21: memref<!tpu.dma_semaphore, #tpu.memory_space<semaphore_mem>>, %arg22: memref<!tpu.dma_semaphore, #tpu.memory_space<semaphore_mem>>, %arg23: memref<!tpu.dma_semaphore, #tpu.memory_space<semaphore_mem>>, %arg24: memref<!tpu.dma_semaphore, #tpu.memory_space<semaphore_mem>>) attributes {dimension_semantics = [#tpu.dimension_semantics<core_parallel>, #tpu.dimension_semantics<subcore_parallel>], iteration_bounds = array<i64: 2, 16>, scalar_prefetch = 0 : i64, scratch_operands = 18 : i64, tpu.core_type = #tpu.core_type<sc_vector_subcore>, window_params = [{transform_indices = #map}, {transform_indices = #map}, {transform_indices = #map}, {transform_indices = #map}, {transform_indices = #map1}]} {
    %eq3A = arith.constant 0 : i32
    %eq3A_0 = arith.cmpi eq, %arg0, %eq3A : i32
    %mul3A = arith.constant 145 : i32
    %mul3A_1 = arith.muli %arg1, %mul3A : i32
    %mul3A_2 = arith.constant 15 : i32
    %mul3A_3 = arith.muli %arg1, %mul3A_2 : i32
    %add3A = arith.constant 2320 : i32
    %add3A_4 = arith.addi %add3A, %mul3A_3 : i32
    %select_n3A = arith.select %eq3A_0, %mul3A_1, %add3A_4 : i32
    %eq3A_5 = arith.constant 0 : i32
    %eq3A_6 = arith.cmpi eq, %arg0, %eq3A_5 : i32
    %jit3A = arith.constant 145 : i32
    %jit3A_7 = arith.constant 15 : i32
    %select_n3A_8 = arith.select %eq3A_6, %jit3A, %jit3A_7 : i32
    %eq3A_9 = arith.constant 0 : i32
    %eq3A_10 = arith.cmpi eq, %arg0, %eq3A_9 : i32
    %convert_element_type3A = arith.extui %eq3A_10 : i1 to i32
    %cond3A = arith.constant 0 : i32
    %cond3A_11 = arith.cmpi ne, %convert_element_type3A, %cond3A : i32
    scf.if %cond3A_11 {
      %mul3A_93 = arith.constant 145 : i32
      %mul3A_94 = arith.muli %arg1, %mul3A_93 : i32
      "tpu.region"() ({
        %run_scoped3A = tpu.sem_alloc : memref<!tpu.dma_semaphore, #tpu.memory_space<semaphore_mem>>
        %dma_start3A_97 = arith.constant 0 : i32
        %dma_start3A_98 = arith.constant 0 : i32
        %dma_start3A_99 = tpu.memref_slice %arg7[%dma_start3A_97, %dma_start3A_98] : memref<145x128xi32, #tpu.memory_space<vmem>> -> memref<145x128xi32, #tpu.memory_space<vmem>>
        %dma_start3A_100 = arith.constant 0 : i32
        %dma_start3A_101 = tpu.memref_slice %arg3[%mul3A_94, %dma_start3A_100] : memref<2705x128xi32, #tpu.memory_space<hbm>> -> memref<145x128xi32, #tpu.memory_space<hbm>>
        %dma_start3A_102 = arith.constant 0 : i32
        %dma_start3A_103 = arith.constant 0 : i32
        %dma_start3A_104 = tpu.memref_slice %arg7[%dma_start3A_102, %dma_start3A_103] : memref<145x128xi32, #tpu.memory_space<vmem>> -> memref<145x128xi32, #tpu.memory_space<vmem>>
        %dma_start3A_105 = arith.constant 0 : i32
        %dma_start3A_106 = tpu.memref_slice %arg3[%mul3A_94, %dma_start3A_105] : memref<2705x128xi32, #tpu.memory_space<hbm>> -> memref<145x128xi32, #tpu.memory_space<hbm>>
        tpu.enqueue_dma source(%dma_start3A_106 : memref<145x128xi32, #tpu.memory_space<hbm>>) target(%dma_start3A_104 : memref<145x128xi32, #tpu.memory_space<vmem>>) target_semaphore(%run_scoped3A : memref<!tpu.dma_semaphore, #tpu.memory_space<semaphore_mem>>)
        %dma_wait3A_107 = arith.constant 0 : i32
        %dma_wait3A_108 = arith.constant 0 : i32
        %dma_wait3A_109 = tpu.memref_slice %arg7[%dma_wait3A_107, %dma_wait3A_108] : memref<145x128xi32, #tpu.memory_space<vmem>> -> memref<145x128xi32, #tpu.memory_space<vmem>>
        %dma_wait3A_110 = arith.constant 0 : i32
        %dma_wait3A_111 = tpu.memref_slice %arg3[%mul3A_94, %dma_wait3A_110] : memref<2705x128xi32, #tpu.memory_space<hbm>> -> memref<145x128xi32, #tpu.memory_space<hbm>>
        %dma_wait3A_112 = arith.constant 0 : i32
        %dma_wait3A_113 = arith.constant 0 : i32
        %dma_wait3A_114 = tpu.memref_slice %arg7[%dma_wait3A_112, %dma_wait3A_113] : memref<145x128xi32, #tpu.memory_space<vmem>> -> memref<145x128xi32, #tpu.memory_space<vmem>>
        %dma_wait3A_115 = arith.constant 0 : i32
        %dma_wait3A_116 = tpu.memref_slice %arg3[%mul3A_94, %dma_wait3A_115] : memref<2705x128xi32, #tpu.memory_space<hbm>> -> memref<145x128xi32, #tpu.memory_space<hbm>>
        tpu.wait_dma2 semaphore(%run_scoped3A : memref<!tpu.dma_semaphore, #tpu.memory_space<semaphore_mem>>) src(%dma_wait3A_116 : memref<145x128xi32, #tpu.memory_space<hbm>>) dst(%dma_wait3A_114 : memref<145x128xi32, #tpu.memory_space<vmem>>)
        tpu.yield
      }) : () -> ()
      %mul3A_95 = arith.constant 145 : i32
      %mul3A_96 = arith.muli %arg1, %mul3A_95 : i32
      "tpu.region"() ({
        %run_scoped3A = tpu.sem_alloc : memref<!tpu.dma_semaphore, #tpu.memory_space<semaphore_mem>>
        %dma_start3A_97 = arith.constant 0 : i32
        %dma_start3A_98 = arith.constant 0 : i32
        %dma_start3A_99 = tpu.memref_slice %arg8[%dma_start3A_97, %dma_start3A_98] : memref<145x128xi32, #tpu.memory_space<vmem>> -> memref<145x128xi32, #tpu.memory_space<vmem>>
        %dma_start3A_100 = arith.constant 0 : i32
        %dma_start3A_101 = tpu.memref_slice %arg4[%mul3A_96, %dma_start3A_100] : memref<2705x128xi32, #tpu.memory_space<hbm>> -> memref<145x128xi32, #tpu.memory_space<hbm>>
        %dma_start3A_102 = arith.constant 0 : i32
        %dma_start3A_103 = arith.constant 0 : i32
        %dma_start3A_104 = tpu.memref_slice %arg8[%dma_start3A_102, %dma_start3A_103] : memref<145x128xi32, #tpu.memory_space<vmem>> -> memref<145x128xi32, #tpu.memory_space<vmem>>
        %dma_start3A_105 = arith.constant 0 : i32
        %dma_start3A_106 = tpu.memref_slice %arg4[%mul3A_96, %dma_start3A_105] : memref<2705x128xi32, #tpu.memory_space<hbm>> -> memref<145x128xi32, #tpu.memory_space<hbm>>
        tpu.enqueue_dma source(%dma_start3A_106 : memref<145x128xi32, #tpu.memory_space<hbm>>) target(%dma_start3A_104 : memref<145x128xi32, #tpu.memory_space<vmem>>) target_semaphore(%run_scoped3A : memref<!tpu.dma_semaphore, #tpu.memory_space<semaphore_mem>>)
        %dma_wait3A_107 = arith.constant 0 : i32
        %dma_wait3A_108 = arith.constant 0 : i32
        %dma_wait3A_109 = tpu.memref_slice %arg8[%dma_wait3A_107, %dma_wait3A_108] : memref<145x128xi32, #tpu.memory_space<vmem>> -> memref<145x128xi32, #tpu.memory_space<vmem>>
        %dma_wait3A_110 = arith.constant 0 : i32
        %dma_wait3A_111 = tpu.memref_slice %arg4[%mul3A_96, %dma_wait3A_110] : memref<2705x128xi32, #tpu.memory_space<hbm>> -> memref<145x128xi32, #tpu.memory_space<hbm>>
        %dma_wait3A_112 = arith.constant 0 : i32
        %dma_wait3A_113 = arith.constant 0 : i32
        %dma_wait3A_114 = tpu.memref_slice %arg8[%dma_wait3A_112, %dma_wait3A_113] : memref<145x128xi32, #tpu.memory_space<vmem>> -> memref<145x128xi32, #tpu.memory_space<vmem>>
        %dma_wait3A_115 = arith.constant 0 : i32
        %dma_wait3A_116 = tpu.memref_slice %arg4[%mul3A_96, %dma_wait3A_115] : memref<2705x128xi32, #tpu.memory_space<hbm>> -> memref<145x128xi32, #tpu.memory_space<hbm>>
        tpu.wait_dma2 semaphore(%run_scoped3A : memref<!tpu.dma_semaphore, #tpu.memory_space<semaphore_mem>>) src(%dma_wait3A_116 : memref<145x128xi32, #tpu.memory_space<hbm>>) dst(%dma_wait3A_114 : memref<145x128xi32, #tpu.memory_space<vmem>>)
        tpu.yield
      }) : () -> ()
    } else {
    }
    %eq3A_12 = arith.constant 1 : i32
    %eq3A_13 = arith.cmpi eq, %arg0, %eq3A_12 : i32
    %convert_element_type3A_14 = arith.extui %eq3A_13 : i1 to i32
    %cond3A_15 = arith.constant 0 : i32
    %cond3A_16 = arith.cmpi ne, %convert_element_type3A_14, %cond3A_15 : i32
    scf.if %cond3A_16 {
      %mul3A_93 = arith.constant 15 : i32
      %mul3A_94 = arith.muli %arg1, %mul3A_93 : i32
      %add3A_95 = arith.constant 2320 : i32
      %add3A_96 = arith.addi %add3A_95, %mul3A_94 : i32
      "tpu.region"() ({
        %run_scoped3A = tpu.sem_alloc : memref<!tpu.dma_semaphore, #tpu.memory_space<semaphore_mem>>
        %dma_start3A_97 = arith.constant 0 : i32
        %dma_start3A_98 = arith.constant 0 : i32
        %dma_start3A_99 = tpu.memref_slice %arg7[%dma_start3A_97, %dma_start3A_98] : memref<145x128xi32, #tpu.memory_space<vmem>> -> memref<15x128xi32, #tpu.memory_space<vmem>>
        %dma_start3A_100 = arith.constant 0 : i32
        %dma_start3A_101 = tpu.memref_slice %arg3[%add3A_96, %dma_start3A_100] : memref<2705x128xi32, #tpu.memory_space<hbm>> -> memref<15x128xi32, #tpu.memory_space<hbm>>
        %dma_start3A_102 = arith.constant 0 : i32
        %dma_start3A_103 = arith.constant 0 : i32
        %dma_start3A_104 = tpu.memref_slice %arg7[%dma_start3A_102, %dma_start3A_103] : memref<145x128xi32, #tpu.memory_space<vmem>> -> memref<15x128xi32, #tpu.memory_space<vmem>>
        %dma_start3A_105 = arith.constant 0 : i32
        %dma_start3A_106 = tpu.memref_slice %arg3[%add3A_96, %dma_start3A_105] : memref<2705x128xi32, #tpu.memory_space<hbm>> -> memref<15x128xi32, #tpu.memory_space<hbm>>
        tpu.enqueue_dma source(%dma_start3A_106 : memref<15x128xi32, #tpu.memory_space<hbm>>) target(%dma_start3A_104 : memref<15x128xi32, #tpu.memory_space<vmem>>) target_semaphore(%run_scoped3A : memref<!tpu.dma_semaphore, #tpu.memory_space<semaphore_mem>>)
        %dma_wait3A_107 = arith.constant 0 : i32
        %dma_wait3A_108 = arith.constant 0 : i32
        %dma_wait3A_109 = tpu.memref_slice %arg7[%dma_wait3A_107, %dma_wait3A_108] : memref<145x128xi32, #tpu.memory_space<vmem>> -> memref<15x128xi32, #tpu.memory_space<vmem>>
        %dma_wait3A_110 = arith.constant 0 : i32
        %dma_wait3A_111 = tpu.memref_slice %arg3[%add3A_96, %dma_wait3A_110] : memref<2705x128xi32, #tpu.memory_space<hbm>> -> memref<15x128xi32, #tpu.memory_space<hbm>>
        %dma_wait3A_112 = arith.constant 0 : i32
        %dma_wait3A_113 = arith.constant 0 : i32
        %dma_wait3A_114 = tpu.memref_slice %arg7[%dma_wait3A_112, %dma_wait3A_113] : memref<145x128xi32, #tpu.memory_space<vmem>> -> memref<15x128xi32, #tpu.memory_space<vmem>>
        %dma_wait3A_115 = arith.constant 0 : i32
        %dma_wait3A_116 = tpu.memref_slice %arg3[%add3A_96, %dma_wait3A_115] : memref<2705x128xi32, #tpu.memory_space<hbm>> -> memref<15x128xi32, #tpu.memory_space<hbm>>
        tpu.wait_dma2 semaphore(%run_scoped3A : memref<!tpu.dma_semaphore, #tpu.memory_space<semaphore_mem>>) src(%dma_wait3A_116 : memref<15x128xi32, #tpu.memory_space<hbm>>) dst(%dma_wait3A_114 : memref<15x128xi32, #tpu.memory_space<vmem>>)
        tpu.yield
      }) : () -> ()
      "tpu.region"() ({
        %run_scoped3A = tpu.sem_alloc : memref<!tpu.dma_semaphore, #tpu.memory_space<semaphore_mem>>
        %dma_start3A_97 = arith.constant 0 : i32
        %dma_start3A_98 = arith.constant 0 : i32
        %dma_start3A_99 = tpu.memref_slice %arg8[%dma_start3A_97, %dma_start3A_98] : memref<145x128xi32, #tpu.memory_space<vmem>> -> memref<15x128xi32, #tpu.memory_space<vmem>>
        %dma_start3A_100 = arith.constant 0 : i32
        %dma_start3A_101 = tpu.memref_slice %arg4[%add3A_96, %dma_start3A_100] : memref<2705x128xi32, #tpu.memory_space<hbm>> -> memref<15x128xi32, #tpu.memory_space<hbm>>
        %dma_start3A_102 = arith.constant 0 : i32
        %dma_start3A_103 = arith.constant 0 : i32
        %dma_start3A_104 = tpu.memref_slice %arg8[%dma_start3A_102, %dma_start3A_103] : memref<145x128xi32, #tpu.memory_space<vmem>> -> memref<15x128xi32, #tpu.memory_space<vmem>>
        %dma_start3A_105 = arith.constant 0 : i32
        %dma_start3A_106 = tpu.memref_slice %arg4[%add3A_96, %dma_start3A_105] : memref<2705x128xi32, #tpu.memory_space<hbm>> -> memref<15x128xi32, #tpu.memory_space<hbm>>
        tpu.enqueue_dma source(%dma_start3A_106 : memref<15x128xi32, #tpu.memory_space<hbm>>) target(%dma_start3A_104 : memref<15x128xi32, #tpu.memory_space<vmem>>) target_semaphore(%run_scoped3A : memref<!tpu.dma_semaphore, #tpu.memory_space<semaphore_mem>>)
        %dma_wait3A_107 = arith.constant 0 : i32
        %dma_wait3A_108 = arith.constant 0 : i32
        %dma_wait3A_109 = tpu.memref_slice %arg8[%dma_wait3A_107, %dma_wait3A_108] : memref<145x128xi32, #tpu.memory_space<vmem>> -> memref<15x128xi32, #tpu.memory_space<vmem>>
        %dma_wait3A_110 = arith.constant 0 : i32
        %dma_wait3A_111 = tpu.memref_slice %arg4[%add3A_96, %dma_wait3A_110] : memref<2705x128xi32, #tpu.memory_space<hbm>> -> memref<15x128xi32, #tpu.memory_space<hbm>>
        %dma_wait3A_112 = arith.constant 0 : i32
        %dma_wait3A_113 = arith.constant 0 : i32
        %dma_wait3A_114 = tpu.memref_slice %arg8[%dma_wait3A_112, %dma_wait3A_113] : memref<145x128xi32, #tpu.memory_space<vmem>> -> memref<15x128xi32, #tpu.memory_space<vmem>>
        %dma_wait3A_115 = arith.constant 0 : i32
        %dma_wait3A_116 = tpu.memref_slice %arg4[%add3A_96, %dma_wait3A_115] : memref<2705x128xi32, #tpu.memory_space<hbm>> -> memref<15x128xi32, #tpu.memory_space<hbm>>
        tpu.wait_dma2 semaphore(%run_scoped3A : memref<!tpu.dma_semaphore, #tpu.memory_space<semaphore_mem>>) src(%dma_wait3A_116 : memref<15x128xi32, #tpu.memory_space<hbm>>) dst(%dma_wait3A_114 : memref<15x128xi32, #tpu.memory_space<vmem>>)
        tpu.yield
      }) : () -> ()
    } else {
    }
    %mul3A_17 = arith.constant 628 : i32
    %mul3A_18 = arith.muli %arg1, %mul3A_17 : i32
    "tpu.region"() ({
      %run_scoped3A = tpu.sem_alloc : memref<!tpu.dma_semaphore, #tpu.memory_space<semaphore_mem>>
      %dma_start3A_93 = arith.constant 0 : i32
      %dma_start3A_94 = tpu.memref_slice %arg14[%mul3A_18, %dma_start3A_93] : memref<10048x64xf32, #tpu.memory_space<vmem_shared>> -> memref<628x64xf32, #tpu.memory_space<vmem_shared>>
      tpu.enqueue_dma source(%arg5 : memref<628x64xf32, #tpu.memory_space<hbm>>) target(%dma_start3A_94 : memref<628x64xf32, #tpu.memory_space<vmem_shared>>) target_semaphore(%run_scoped3A : memref<!tpu.dma_semaphore, #tpu.memory_space<semaphore_mem>>)
      %dma_wait3A_95 = arith.constant 0 : i32
      %dma_wait3A_96 = tpu.memref_slice %arg14[%mul3A_18, %dma_wait3A_95] : memref<10048x64xf32, #tpu.memory_space<vmem_shared>> -> memref<628x64xf32, #tpu.memory_space<vmem_shared>>
      tpu.wait_dma2 semaphore(%run_scoped3A : memref<!tpu.dma_semaphore, #tpu.memory_space<semaphore_mem>>) src(%arg5 : memref<628x64xf32, #tpu.memory_space<hbm>>) dst(%dma_wait3A_96 : memref<628x64xf32, #tpu.memory_space<vmem_shared>>)
      tpu.yield
    }) : () -> ()
    %barrier3A = arith.constant 0 : index
    tpu.barrier barrier_id(%barrier3A)
    %dma_start3A = arith.constant 0 : i32
    %dma_start3A_19 = arith.constant 0 : i32
    %dma_start3A_20 = tpu.memref_slice %arg7[%dma_start3A, %dma_start3A_19] : memref<145x128xi32, #tpu.memory_space<vmem>> -> memref<1x128xi32, #tpu.memory_space<vmem>>
    %dma_start3A_21 = tpu.memref_squeeze %dma_start3A_20 : memref<1x128xi32, #tpu.memory_space<vmem>> -> memref<128xi32, #tpu.memory_space<vmem>>
    %dma_start3A_22 = arith.constant 0 : i32
    %dma_start3A_23 = arith.constant 0 : i32
    %dma_start3A_24 = tpu.memref_slice %arg2[%dma_start3A_22, %dma_start3A_23] : memref<10000x64xf32, #tpu.memory_space<hbm>> -> memref<10000x64xf32, #tpu.memory_space<hbm>>
    tpu.enqueue_indirect_dma source(%dma_start3A_24 : memref<10000x64xf32, #tpu.memory_space<hbm>>) target(%arg9 : memref<128x64xf32, #tpu.memory_space<vmem>>) offsets(%dma_start3A_21 : memref<128xi32, #tpu.memory_space<vmem>>) semaphore(%arg15 : memref<!tpu.dma_semaphore, #tpu.memory_space<semaphore_mem>>)
    %dma_start3A_25 = arith.constant 1 : i32
    %dma_start3A_26 = arith.constant 0 : i32
    %dma_start3A_27 = tpu.memref_slice %arg7[%dma_start3A_25, %dma_start3A_26] : memref<145x128xi32, #tpu.memory_space<vmem>> -> memref<1x128xi32, #tpu.memory_space<vmem>>
    %dma_start3A_28 = tpu.memref_squeeze %dma_start3A_27 : memref<1x128xi32, #tpu.memory_space<vmem>> -> memref<128xi32, #tpu.memory_space<vmem>>
    %dma_start3A_29 = arith.constant 0 : i32
    %dma_start3A_30 = arith.constant 0 : i32
    %dma_start3A_31 = tpu.memref_slice %arg2[%dma_start3A_29, %dma_start3A_30] : memref<10000x64xf32, #tpu.memory_space<hbm>> -> memref<10000x64xf32, #tpu.memory_space<hbm>>
    tpu.enqueue_indirect_dma source(%dma_start3A_31 : memref<10000x64xf32, #tpu.memory_space<hbm>>) target(%arg10 : memref<128x64xf32, #tpu.memory_space<vmem>>) offsets(%dma_start3A_28 : memref<128xi32, #tpu.memory_space<vmem>>) semaphore(%arg16 : memref<!tpu.dma_semaphore, #tpu.memory_space<semaphore_mem>>)
    %dma_start3A_32 = arith.constant 2 : i32
    %dma_start3A_33 = arith.constant 0 : i32
    %dma_start3A_34 = tpu.memref_slice %arg7[%dma_start3A_32, %dma_start3A_33] : memref<145x128xi32, #tpu.memory_space<vmem>> -> memref<1x128xi32, #tpu.memory_space<vmem>>
    %dma_start3A_35 = tpu.memref_squeeze %dma_start3A_34 : memref<1x128xi32, #tpu.memory_space<vmem>> -> memref<128xi32, #tpu.memory_space<vmem>>
    %dma_start3A_36 = arith.constant 0 : i32
    %dma_start3A_37 = arith.constant 0 : i32
    %dma_start3A_38 = tpu.memref_slice %arg2[%dma_start3A_36, %dma_start3A_37] : memref<10000x64xf32, #tpu.memory_space<hbm>> -> memref<10000x64xf32, #tpu.memory_space<hbm>>
    tpu.enqueue_indirect_dma source(%dma_start3A_38 : memref<10000x64xf32, #tpu.memory_space<hbm>>) target(%arg11 : memref<128x64xf32, #tpu.memory_space<vmem>>) offsets(%dma_start3A_35 : memref<128xi32, #tpu.memory_space<vmem>>) semaphore(%arg17 : memref<!tpu.dma_semaphore, #tpu.memory_space<semaphore_mem>>)
    %dma_start3A_39 = arith.constant 3 : i32
    %dma_start3A_40 = arith.constant 0 : i32
    %dma_start3A_41 = tpu.memref_slice %arg7[%dma_start3A_39, %dma_start3A_40] : memref<145x128xi32, #tpu.memory_space<vmem>> -> memref<1x128xi32, #tpu.memory_space<vmem>>
    %dma_start3A_42 = tpu.memref_squeeze %dma_start3A_41 : memref<1x128xi32, #tpu.memory_space<vmem>> -> memref<128xi32, #tpu.memory_space<vmem>>
    %dma_start3A_43 = arith.constant 0 : i32
    %dma_start3A_44 = arith.constant 0 : i32
    %dma_start3A_45 = tpu.memref_slice %arg2[%dma_start3A_43, %dma_start3A_44] : memref<10000x64xf32, #tpu.memory_space<hbm>> -> memref<10000x64xf32, #tpu.memory_space<hbm>>
    tpu.enqueue_indirect_dma source(%dma_start3A_45 : memref<10000x64xf32, #tpu.memory_space<hbm>>) target(%arg12 : memref<128x64xf32, #tpu.memory_space<vmem>>) offsets(%dma_start3A_42 : memref<128xi32, #tpu.memory_space<vmem>>) semaphore(%arg18 : memref<!tpu.dma_semaphore, #tpu.memory_space<semaphore_mem>>)
    %jit3A_46 = arith.constant 5 : i32
    %div3A = arith.divsi %select_n3A_8, %jit3A_46 : i32
    %sign3A = arith.constant 0 : i32
    %sign3A_47 = arith.cmpi sgt, %select_n3A_8, %sign3A : i32
    %sign3A_48 = arith.extui %sign3A_47 : i1 to i32
    %sign3A_49 = arith.constant 0 : i32
    %sign3A_50 = arith.cmpi slt, %select_n3A_8, %sign3A_49 : i32
    %sign3A_51 = arith.extui %sign3A_50 : i1 to i32
    %sign3A_52 = arith.subi %sign3A_48, %sign3A_51 : i32
    %sign3A_53 = arith.constant 0 : i32
    %sign3A_54 = arith.cmpi sgt, %jit3A_46, %sign3A_53 : i32
    %sign3A_55 = arith.extui %sign3A_54 : i1 to i32
    %sign3A_56 = arith.constant 0 : i32
    %sign3A_57 = arith.cmpi slt, %jit3A_46, %sign3A_56 : i32
    %sign3A_58 = arith.extui %sign3A_57 : i1 to i32
    %sign3A_59 = arith.subi %sign3A_55, %sign3A_58 : i32
    %ne3A = arith.cmpi ne, %sign3A_52, %sign3A_59 : i32
    %rem3A = arith.remsi %select_n3A_8, %jit3A_46 : i32
    %ne3A_60 = arith.constant 0 : i32
    %ne3A_61 = arith.cmpi ne, %rem3A, %ne3A_60 : i32
    %and3A = arith.andi %ne3A, %ne3A_61 : i1
    %sub3A = arith.constant 1 : i32
    %sub3A_62 = arith.subi %div3A, %sub3A : i32
    %select_n3A_63 = arith.select %and3A, %sub3A_62, %div3A : i32
    %sub3A_64 = arith.constant 0 : i32
    %sub3A_65 = arith.subi %select_n3A_63, %sub3A_64 : i32
    %sub3A_66 = arith.constant 1 : i32
    %sub3A_67 = arith.constant 1 : i32
    %sub3A_68 = arith.subi %sub3A_66, %sub3A_67 : i32
    %add3A_69 = arith.addi %sub3A_65, %sub3A_68 : i32
    %div3A_70 = arith.constant 1 : i32
    %div3A_71 = arith.divsi %add3A_69, %div3A_70 : i32
    %while3A = arith.constant 1 : i32
    %while3A_72 = arith.constant 0 : i32
    %while3A_73 = arith.constant 0 : i32
    %while3A_74 = arith.subi %div3A_71, %while3A_73 : i32
    %while3A_75 = arith.addi %while3A_73, %while3A_74 : i32
    %while3A_76 = arith.constant 1 : i32
    %while3A_77 = arith.divsi %while3A_74, %while3A_76 : i32
    %while3A_78 = arith.muli %while3A_77, %while3A_76 : i32
    %while3A_79 = arith.addi %while3A_73, %while3A_78 : i32
    %while3A_80 = arith.constant 1 : i32
    scf.for %while3A_93 = %while3A_73 to %while3A_79 step %while3A_80  : i32 {
      %mul3A_94 = arith.muli %while3A_93, %while3A : i32
      %add3A_95 = arith.addi %while3A_72, %mul3A_94 : i32
      %mul3A_96 = arith.constant 5 : i32
      %mul3A_97 = arith.muli %add3A_95, %mul3A_96 : i32
      %add3A_98 = arith.constant 0 : i32
      %add3A_99 = arith.addi %mul3A_97, %add3A_98 : i32
      %dma_wait3A_100 = arith.constant 0 : i32
      %dma_wait3A_101 = tpu.memref_slice %arg7[%add3A_99, %dma_wait3A_100] : memref<145x128xi32, #tpu.memory_space<vmem>> -> memref<1x128xi32, #tpu.memory_space<vmem>>
      %dma_wait3A_102 = tpu.memref_squeeze %dma_wait3A_101 : memref<1x128xi32, #tpu.memory_space<vmem>> -> memref<128xi32, #tpu.memory_space<vmem>>
      %dma_wait3A_103 = arith.constant 0 : i32
      %dma_wait3A_104 = arith.constant 0 : i32
      %dma_wait3A_105 = tpu.memref_slice %arg2[%dma_wait3A_103, %dma_wait3A_104] : memref<10000x64xf32, #tpu.memory_space<hbm>> -> memref<10000x64xf32, #tpu.memory_space<hbm>>
      tpu.wait_indirect_dma semaphore(%arg15 : memref<!tpu.dma_semaphore, #tpu.memory_space<semaphore_mem>>) src(%dma_wait3A_105 : memref<10000x64xf32, #tpu.memory_space<hbm>>) dst(%arg9 : memref<128x64xf32, #tpu.memory_space<vmem>>)
      %dma_start3A_106 = arith.constant 0 : i32
      %dma_start3A_107 = tpu.memref_slice %arg8[%add3A_99, %dma_start3A_106] : memref<145x128xi32, #tpu.memory_space<vmem>> -> memref<1x128xi32, #tpu.memory_space<vmem>>
      %dma_start3A_108 = tpu.memref_squeeze %dma_start3A_107 : memref<1x128xi32, #tpu.memory_space<vmem>> -> memref<128xi32, #tpu.memory_space<vmem>>
      %dma_start3A_109 = arith.constant 0 : i32
      %dma_start3A_110 = arith.constant 0 : i32
      %dma_start3A_111 = tpu.memref_slice %arg14[%dma_start3A_109, %dma_start3A_110] : memref<10048x64xf32, #tpu.memory_space<vmem_shared>> -> memref<10048x64xf32, #tpu.memory_space<vmem_shared>>
      tpu.enqueue_indirect_dma source(%arg9 : memref<128x64xf32, #tpu.memory_space<vmem>>) target(%dma_start3A_111 : memref<10048x64xf32, #tpu.memory_space<vmem_shared>>) offsets(%dma_start3A_108 : memref<128xi32, #tpu.memory_space<vmem>>) semaphore(%arg20 : memref<!tpu.dma_semaphore, #tpu.memory_space<semaphore_mem>>) {add = true}
      %add3A_112 = arith.constant 4 : i32
      %add3A_113 = arith.addi %add3A_99, %add3A_112 : i32
      %sub3A_114 = arith.constant 5 : i32
      %sub3A_115 = arith.subi %add3A_113, %sub3A_114 : i32
      %ge3A = arith.constant 0 : i32
      %ge3A_116 = arith.cmpi sge, %sub3A_115, %ge3A : i32
      %convert_element_type3A_117 = arith.extui %ge3A_116 : i1 to i32
      %cond3A_118 = arith.constant 0 : i32
      %cond3A_119 = arith.cmpi ne, %convert_element_type3A_117, %cond3A_118 : i32
      scf.if %cond3A_119 {
        %dma_wait3A_239 = arith.constant 0 : i32
        %dma_wait3A_240 = tpu.memref_slice %arg8[%add3A_99, %dma_wait3A_239] : memref<145x128xi32, #tpu.memory_space<vmem>> -> memref<1x128xi32, #tpu.memory_space<vmem>>
        %dma_wait3A_241 = tpu.memref_squeeze %dma_wait3A_240 : memref<1x128xi32, #tpu.memory_space<vmem>> -> memref<128xi32, #tpu.memory_space<vmem>>
        %dma_wait3A_242 = arith.constant 0 : i32
        %dma_wait3A_243 = arith.constant 0 : i32
        %dma_wait3A_244 = tpu.memref_slice %arg14[%dma_wait3A_242, %dma_wait3A_243] : memref<10048x64xf32, #tpu.memory_space<vmem_shared>> -> memref<10048x64xf32, #tpu.memory_space<vmem_shared>>
        tpu.wait_indirect_dma semaphore(%arg24 : memref<!tpu.dma_semaphore, #tpu.memory_space<semaphore_mem>>) src(%arg13 : memref<128x64xf32, #tpu.memory_space<vmem>>) dst(%dma_wait3A_244 : memref<10048x64xf32, #tpu.memory_space<vmem_shared>>)
      } else {
      }
      %lt3A = arith.cmpi slt, %add3A_113, %select_n3A_8 : i32
      %convert_element_type3A_120 = arith.extui %lt3A : i1 to i32
      %cond3A_121 = arith.constant 0 : i32
      %cond3A_122 = arith.cmpi ne, %convert_element_type3A_120, %cond3A_121 : i32
      scf.if %cond3A_122 {
        %dma_start3A_239 = arith.constant 0 : i32
        %dma_start3A_240 = tpu.memref_slice %arg7[%add3A_113, %dma_start3A_239] : memref<145x128xi32, #tpu.memory_space<vmem>> -> memref<1x128xi32, #tpu.memory_space<vmem>>
        %dma_start3A_241 = tpu.memref_squeeze %dma_start3A_240 : memref<1x128xi32, #tpu.memory_space<vmem>> -> memref<128xi32, #tpu.memory_space<vmem>>
        %dma_start3A_242 = arith.constant 0 : i32
        %dma_start3A_243 = arith.constant 0 : i32
        %dma_start3A_244 = tpu.memref_slice %arg2[%dma_start3A_242, %dma_start3A_243] : memref<10000x64xf32, #tpu.memory_space<hbm>> -> memref<10000x64xf32, #tpu.memory_space<hbm>>
        tpu.enqueue_indirect_dma source(%dma_start3A_244 : memref<10000x64xf32, #tpu.memory_space<hbm>>) target(%arg13 : memref<128x64xf32, #tpu.memory_space<vmem>>) offsets(%dma_start3A_241 : memref<128xi32, #tpu.memory_space<vmem>>) semaphore(%arg19 : memref<!tpu.dma_semaphore, #tpu.memory_space<semaphore_mem>>)
      } else {
      }
      %mul3A_123 = arith.constant 5 : i32
      %mul3A_124 = arith.muli %add3A_95, %mul3A_123 : i32
      %add3A_125 = arith.constant 1 : i32
      %add3A_126 = arith.addi %mul3A_124, %add3A_125 : i32
      %dma_wait3A_127 = arith.constant 0 : i32
      %dma_wait3A_128 = tpu.memref_slice %arg7[%add3A_126, %dma_wait3A_127] : memref<145x128xi32, #tpu.memory_space<vmem>> -> memref<1x128xi32, #tpu.memory_space<vmem>>
      %dma_wait3A_129 = tpu.memref_squeeze %dma_wait3A_128 : memref<1x128xi32, #tpu.memory_space<vmem>> -> memref<128xi32, #tpu.memory_space<vmem>>
      %dma_wait3A_130 = arith.constant 0 : i32
      %dma_wait3A_131 = arith.constant 0 : i32
      %dma_wait3A_132 = tpu.memref_slice %arg2[%dma_wait3A_130, %dma_wait3A_131] : memref<10000x64xf32, #tpu.memory_space<hbm>> -> memref<10000x64xf32, #tpu.memory_space<hbm>>
      tpu.wait_indirect_dma semaphore(%arg16 : memref<!tpu.dma_semaphore, #tpu.memory_space<semaphore_mem>>) src(%dma_wait3A_132 : memref<10000x64xf32, #tpu.memory_space<hbm>>) dst(%arg10 : memref<128x64xf32, #tpu.memory_space<vmem>>)
      %dma_start3A_133 = arith.constant 0 : i32
      %dma_start3A_134 = tpu.memref_slice %arg8[%add3A_126, %dma_start3A_133] : memref<145x128xi32, #tpu.memory_space<vmem>> -> memref<1x128xi32, #tpu.memory_space<vmem>>
      %dma_start3A_135 = tpu.memref_squeeze %dma_start3A_134 : memref<1x128xi32, #tpu.memory_space<vmem>> -> memref<128xi32, #tpu.memory_space<vmem>>
      %dma_start3A_136 = arith.constant 0 : i32
      %dma_start3A_137 = arith.constant 0 : i32
      %dma_start3A_138 = tpu.memref_slice %arg14[%dma_start3A_136, %dma_start3A_137] : memref<10048x64xf32, #tpu.memory_space<vmem_shared>> -> memref<10048x64xf32, #tpu.memory_space<vmem_shared>>
      tpu.enqueue_indirect_dma source(%arg10 : memref<128x64xf32, #tpu.memory_space<vmem>>) target(%dma_start3A_138 : memref<10048x64xf32, #tpu.memory_space<vmem_shared>>) offsets(%dma_start3A_135 : memref<128xi32, #tpu.memory_space<vmem>>) semaphore(%arg21 : memref<!tpu.dma_semaphore, #tpu.memory_space<semaphore_mem>>) {add = true}
      %add3A_139 = arith.constant 4 : i32
      %add3A_140 = arith.addi %add3A_126, %add3A_139 : i32
      %sub3A_141 = arith.constant 5 : i32
      %sub3A_142 = arith.subi %add3A_140, %sub3A_141 : i32
      %ge3A_143 = arith.constant 0 : i32
      %ge3A_144 = arith.cmpi sge, %sub3A_142, %ge3A_143 : i32
      %convert_element_type3A_145 = arith.extui %ge3A_144 : i1 to i32
      %cond3A_146 = arith.constant 0 : i32
      %cond3A_147 = arith.cmpi ne, %convert_element_type3A_145, %cond3A_146 : i32
      scf.if %cond3A_147 {
        %dma_wait3A_239 = arith.constant 0 : i32
        %dma_wait3A_240 = tpu.memref_slice %arg8[%add3A_126, %dma_wait3A_239] : memref<145x128xi32, #tpu.memory_space<vmem>> -> memref<1x128xi32, #tpu.memory_space<vmem>>
        %dma_wait3A_241 = tpu.memref_squeeze %dma_wait3A_240 : memref<1x128xi32, #tpu.memory_space<vmem>> -> memref<128xi32, #tpu.memory_space<vmem>>
        %dma_wait3A_242 = arith.constant 0 : i32
        %dma_wait3A_243 = arith.constant 0 : i32
        %dma_wait3A_244 = tpu.memref_slice %arg14[%dma_wait3A_242, %dma_wait3A_243] : memref<10048x64xf32, #tpu.memory_space<vmem_shared>> -> memref<10048x64xf32, #tpu.memory_space<vmem_shared>>
        tpu.wait_indirect_dma semaphore(%arg20 : memref<!tpu.dma_semaphore, #tpu.memory_space<semaphore_mem>>) src(%arg9 : memref<128x64xf32, #tpu.memory_space<vmem>>) dst(%dma_wait3A_244 : memref<10048x64xf32, #tpu.memory_space<vmem_shared>>)
      } else {
      }
      %lt3A_148 = arith.cmpi slt, %add3A_140, %select_n3A_8 : i32
      %convert_element_type3A_149 = arith.extui %lt3A_148 : i1 to i32
      %cond3A_150 = arith.constant 0 : i32
      %cond3A_151 = arith.cmpi ne, %convert_element_type3A_149, %cond3A_150 : i32
      scf.if %cond3A_151 {
        %dma_start3A_239 = arith.constant 0 : i32
        %dma_start3A_240 = tpu.memref_slice %arg7[%add3A_140, %dma_start3A_239] : memref<145x128xi32, #tpu.memory_space<vmem>> -> memref<1x128xi32, #tpu.memory_space<vmem>>
        %dma_start3A_241 = tpu.memref_squeeze %dma_start3A_240 : memref<1x128xi32, #tpu.memory_space<vmem>> -> memref<128xi32, #tpu.memory_space<vmem>>
        %dma_start3A_242 = arith.constant 0 : i32
        %dma_start3A_243 = arith.constant 0 : i32
        %dma_start3A_244 = tpu.memref_slice %arg2[%dma_start3A_242, %dma_start3A_243] : memref<10000x64xf32, #tpu.memory_space<hbm>> -> memref<10000x64xf32, #tpu.memory_space<hbm>>
        tpu.enqueue_indirect_dma source(%dma_start3A_244 : memref<10000x64xf32, #tpu.memory_space<hbm>>) target(%arg9 : memref<128x64xf32, #tpu.memory_space<vmem>>) offsets(%dma_start3A_241 : memref<128xi32, #tpu.memory_space<vmem>>) semaphore(%arg15 : memref<!tpu.dma_semaphore, #tpu.memory_space<semaphore_mem>>)
      } else {
      }
      %mul3A_152 = arith.constant 5 : i32
      %mul3A_153 = arith.muli %add3A_95, %mul3A_152 : i32
      %add3A_154 = arith.constant 2 : i32
      %add3A_155 = arith.addi %mul3A_153, %add3A_154 : i32
      %dma_wait3A_156 = arith.constant 0 : i32
      %dma_wait3A_157 = tpu.memref_slice %arg7[%add3A_155, %dma_wait3A_156] : memref<145x128xi32, #tpu.memory_space<vmem>> -> memref<1x128xi32, #tpu.memory_space<vmem>>
      %dma_wait3A_158 = tpu.memref_squeeze %dma_wait3A_157 : memref<1x128xi32, #tpu.memory_space<vmem>> -> memref<128xi32, #tpu.memory_space<vmem>>
      %dma_wait3A_159 = arith.constant 0 : i32
      %dma_wait3A_160 = arith.constant 0 : i32
      %dma_wait3A_161 = tpu.memref_slice %arg2[%dma_wait3A_159, %dma_wait3A_160] : memref<10000x64xf32, #tpu.memory_space<hbm>> -> memref<10000x64xf32, #tpu.memory_space<hbm>>
      tpu.wait_indirect_dma semaphore(%arg17 : memref<!tpu.dma_semaphore, #tpu.memory_space<semaphore_mem>>) src(%dma_wait3A_161 : memref<10000x64xf32, #tpu.memory_space<hbm>>) dst(%arg11 : memref<128x64xf32, #tpu.memory_space<vmem>>)
      %dma_start3A_162 = arith.constant 0 : i32
      %dma_start3A_163 = tpu.memref_slice %arg8[%add3A_155, %dma_start3A_162] : memref<145x128xi32, #tpu.memory_space<vmem>> -> memref<1x128xi32, #tpu.memory_space<vmem>>
      %dma_start3A_164 = tpu.memref_squeeze %dma_start3A_163 : memref<1x128xi32, #tpu.memory_space<vmem>> -> memref<128xi32, #tpu.memory_space<vmem>>
      %dma_start3A_165 = arith.constant 0 : i32
      %dma_start3A_166 = arith.constant 0 : i32
      %dma_start3A_167 = tpu.memref_slice %arg14[%dma_start3A_165, %dma_start3A_166] : memref<10048x64xf32, #tpu.memory_space<vmem_shared>> -> memref<10048x64xf32, #tpu.memory_space<vmem_shared>>
      tpu.enqueue_indirect_dma source(%arg11 : memref<128x64xf32, #tpu.memory_space<vmem>>) target(%dma_start3A_167 : memref<10048x64xf32, #tpu.memory_space<vmem_shared>>) offsets(%dma_start3A_164 : memref<128xi32, #tpu.memory_space<vmem>>) semaphore(%arg22 : memref<!tpu.dma_semaphore, #tpu.memory_space<semaphore_mem>>) {add = true}
      %add3A_168 = arith.constant 4 : i32
      %add3A_169 = arith.addi %add3A_155, %add3A_168 : i32
      %sub3A_170 = arith.constant 5 : i32
      %sub3A_171 = arith.subi %add3A_169, %sub3A_170 : i32
      %ge3A_172 = arith.constant 0 : i32
      %ge3A_173 = arith.cmpi sge, %sub3A_171, %ge3A_172 : i32
      %convert_element_type3A_174 = arith.extui %ge3A_173 : i1 to i32
      %cond3A_175 = arith.constant 0 : i32
      %cond3A_176 = arith.cmpi ne, %convert_element_type3A_174, %cond3A_175 : i32
      scf.if %cond3A_176 {
        %dma_wait3A_239 = arith.constant 0 : i32
        %dma_wait3A_240 = tpu.memref_slice %arg8[%add3A_155, %dma_wait3A_239] : memref<145x128xi32, #tpu.memory_space<vmem>> -> memref<1x128xi32, #tpu.memory_space<vmem>>
        %dma_wait3A_241 = tpu.memref_squeeze %dma_wait3A_240 : memref<1x128xi32, #tpu.memory_space<vmem>> -> memref<128xi32, #tpu.memory_space<vmem>>
        %dma_wait3A_242 = arith.constant 0 : i32
        %dma_wait3A_243 = arith.constant 0 : i32
        %dma_wait3A_244 = tpu.memref_slice %arg14[%dma_wait3A_242, %dma_wait3A_243] : memref<10048x64xf32, #tpu.memory_space<vmem_shared>> -> memref<10048x64xf32, #tpu.memory_space<vmem_shared>>
        tpu.wait_indirect_dma semaphore(%arg21 : memref<!tpu.dma_semaphore, #tpu.memory_space<semaphore_mem>>) src(%arg10 : memref<128x64xf32, #tpu.memory_space<vmem>>) dst(%dma_wait3A_244 : memref<10048x64xf32, #tpu.memory_space<vmem_shared>>)
      } else {
      }
      %lt3A_177 = arith.cmpi slt, %add3A_169, %select_n3A_8 : i32
      %convert_element_type3A_178 = arith.extui %lt3A_177 : i1 to i32
      %cond3A_179 = arith.constant 0 : i32
      %cond3A_180 = arith.cmpi ne, %convert_element_type3A_178, %cond3A_179 : i32
      scf.if %cond3A_180 {
        %dma_start3A_239 = arith.constant 0 : i32
        %dma_start3A_240 = tpu.memref_slice %arg7[%add3A_169, %dma_start3A_239] : memref<145x128xi32, #tpu.memory_space<vmem>> -> memref<1x128xi32, #tpu.memory_space<vmem>>
        %dma_start3A_241 = tpu.memref_squeeze %dma_start3A_240 : memref<1x128xi32, #tpu.memory_space<vmem>> -> memref<128xi32, #tpu.memory_space<vmem>>
        %dma_start3A_242 = arith.constant 0 : i32
        %dma_start3A_243 = arith.constant 0 : i32
        %dma_start3A_244 = tpu.memref_slice %arg2[%dma_start3A_242, %dma_start3A_243] : memref<10000x64xf32, #tpu.memory_space<hbm>> -> memref<10000x64xf32, #tpu.memory_space<hbm>>
        tpu.enqueue_indirect_dma source(%dma_start3A_244 : memref<10000x64xf32, #tpu.memory_space<hbm>>) target(%arg10 : memref<128x64xf32, #tpu.memory_space<vmem>>) offsets(%dma_start3A_241 : memref<128xi32, #tpu.memory_space<vmem>>) semaphore(%arg16 : memref<!tpu.dma_semaphore, #tpu.memory_space<semaphore_mem>>)
      } else {
      }
      %mul3A_181 = arith.constant 5 : i32
      %mul3A_182 = arith.muli %add3A_95, %mul3A_181 : i32
      %add3A_183 = arith.constant 3 : i32
      %add3A_184 = arith.addi %mul3A_182, %add3A_183 : i32
      %dma_wait3A_185 = arith.constant 0 : i32
      %dma_wait3A_186 = tpu.memref_slice %arg7[%add3A_184, %dma_wait3A_185] : memref<145x128xi32, #tpu.memory_space<vmem>> -> memref<1x128xi32, #tpu.memory_space<vmem>>
      %dma_wait3A_187 = tpu.memref_squeeze %dma_wait3A_186 : memref<1x128xi32, #tpu.memory_space<vmem>> -> memref<128xi32, #tpu.memory_space<vmem>>
      %dma_wait3A_188 = arith.constant 0 : i32
      %dma_wait3A_189 = arith.constant 0 : i32
      %dma_wait3A_190 = tpu.memref_slice %arg2[%dma_wait3A_188, %dma_wait3A_189] : memref<10000x64xf32, #tpu.memory_space<hbm>> -> memref<10000x64xf32, #tpu.memory_space<hbm>>
      tpu.wait_indirect_dma semaphore(%arg18 : memref<!tpu.dma_semaphore, #tpu.memory_space<semaphore_mem>>) src(%dma_wait3A_190 : memref<10000x64xf32, #tpu.memory_space<hbm>>) dst(%arg12 : memref<128x64xf32, #tpu.memory_space<vmem>>)
      %dma_start3A_191 = arith.constant 0 : i32
      %dma_start3A_192 = tpu.memref_slice %arg8[%add3A_184, %dma_start3A_191] : memref<145x128xi32, #tpu.memory_space<vmem>> -> memref<1x128xi32, #tpu.memory_space<vmem>>
      %dma_start3A_193 = tpu.memref_squeeze %dma_start3A_192 : memref<1x128xi32, #tpu.memory_space<vmem>> -> memref<128xi32, #tpu.memory_space<vmem>>
      %dma_start3A_194 = arith.constant 0 : i32
      %dma_start3A_195 = arith.constant 0 : i32
      %dma_start3A_196 = tpu.memref_slice %arg14[%dma_start3A_194, %dma_start3A_195] : memref<10048x64xf32, #tpu.memory_space<vmem_shared>> -> memref<10048x64xf32, #tpu.memory_space<vmem_shared>>
      tpu.enqueue_indirect_dma source(%arg12 : memref<128x64xf32, #tpu.memory_space<vmem>>) target(%dma_start3A_196 : memref<10048x64xf32, #tpu.memory_space<vmem_shared>>) offsets(%dma_start3A_193 : memref<128xi32, #tpu.memory_space<vmem>>) semaphore(%arg23 : memref<!tpu.dma_semaphore, #tpu.memory_space<semaphore_mem>>) {add = true}
      %add3A_197 = arith.constant 4 : i32
      %add3A_198 = arith.addi %add3A_184, %add3A_197 : i32
      %sub3A_199 = arith.constant 5 : i32
      %sub3A_200 = arith.subi %add3A_198, %sub3A_199 : i32
      %ge3A_201 = arith.constant 0 : i32
      %ge3A_202 = arith.cmpi sge, %sub3A_200, %ge3A_201 : i32
      %convert_element_type3A_203 = arith.extui %ge3A_202 : i1 to i32
      %cond3A_204 = arith.constant 0 : i32
      %cond3A_205 = arith.cmpi ne, %convert_element_type3A_203, %cond3A_204 : i32
      scf.if %cond3A_205 {
        %dma_wait3A_239 = arith.constant 0 : i32
        %dma_wait3A_240 = tpu.memref_slice %arg8[%add3A_184, %dma_wait3A_239] : memref<145x128xi32, #tpu.memory_space<vmem>> -> memref<1x128xi32, #tpu.memory_space<vmem>>
        %dma_wait3A_241 = tpu.memref_squeeze %dma_wait3A_240 : memref<1x128xi32, #tpu.memory_space<vmem>> -> memref<128xi32, #tpu.memory_space<vmem>>
        %dma_wait3A_242 = arith.constant 0 : i32
        %dma_wait3A_243 = arith.constant 0 : i32
        %dma_wait3A_244 = tpu.memref_slice %arg14[%dma_wait3A_242, %dma_wait3A_243] : memref<10048x64xf32, #tpu.memory_space<vmem_shared>> -> memref<10048x64xf32, #tpu.memory_space<vmem_shared>>
        tpu.wait_indirect_dma semaphore(%arg22 : memref<!tpu.dma_semaphore, #tpu.memory_space<semaphore_mem>>) src(%arg11 : memref<128x64xf32, #tpu.memory_space<vmem>>) dst(%dma_wait3A_244 : memref<10048x64xf32, #tpu.memory_space<vmem_shared>>)
      } else {
      }
      %lt3A_206 = arith.cmpi slt, %add3A_198, %select_n3A_8 : i32
      %convert_element_type3A_207 = arith.extui %lt3A_206 : i1 to i32
      %cond3A_208 = arith.constant 0 : i32
      %cond3A_209 = arith.cmpi ne, %convert_element_type3A_207, %cond3A_208 : i32
      scf.if %cond3A_209 {
        %dma_start3A_239 = arith.constant 0 : i32
        %dma_start3A_240 = tpu.memref_slice %arg7[%add3A_198, %dma_start3A_239] : memref<145x128xi32, #tpu.memory_space<vmem>> -> memref<1x128xi32, #tpu.memory_space<vmem>>
        %dma_start3A_241 = tpu.memref_squeeze %dma_start3A_240 : memref<1x128xi32, #tpu.memory_space<vmem>> -> memref<128xi32, #tpu.memory_space<vmem>>
        %dma_start3A_242 = arith.constant 0 : i32
        %dma_start3A_243 = arith.constant 0 : i32
        %dma_start3A_244 = tpu.memref_slice %arg2[%dma_start3A_242, %dma_start3A_243] : memref<10000x64xf32, #tpu.memory_space<hbm>> -> memref<10000x64xf32, #tpu.memory_space<hbm>>
        tpu.enqueue_indirect_dma source(%dma_start3A_244 : memref<10000x64xf32, #tpu.memory_space<hbm>>) target(%arg11 : memref<128x64xf32, #tpu.memory_space<vmem>>) offsets(%dma_start3A_241 : memref<128xi32, #tpu.memory_space<vmem>>) semaphore(%arg17 : memref<!tpu.dma_semaphore, #tpu.memory_space<semaphore_mem>>)
      } else {
      }
      %mul3A_210 = arith.constant 5 : i32
      %mul3A_211 = arith.muli %add3A_95, %mul3A_210 : i32
      %add3A_212 = arith.constant 4 : i32
      %add3A_213 = arith.addi %mul3A_211, %add3A_212 : i32
      %dma_wait3A_214 = arith.constant 0 : i32
      %dma_wait3A_215 = tpu.memref_slice %arg7[%add3A_213, %dma_wait3A_214] : memref<145x128xi32, #tpu.memory_space<vmem>> -> memref<1x128xi32, #tpu.memory_space<vmem>>
      %dma_wait3A_216 = tpu.memref_squeeze %dma_wait3A_215 : memref<1x128xi32, #tpu.memory_space<vmem>> -> memref<128xi32, #tpu.memory_space<vmem>>
      %dma_wait3A_217 = arith.constant 0 : i32
      %dma_wait3A_218 = arith.constant 0 : i32
      %dma_wait3A_219 = tpu.memref_slice %arg2[%dma_wait3A_217, %dma_wait3A_218] : memref<10000x64xf32, #tpu.memory_space<hbm>> -> memref<10000x64xf32, #tpu.memory_space<hbm>>
      tpu.wait_indirect_dma semaphore(%arg19 : memref<!tpu.dma_semaphore, #tpu.memory_space<semaphore_mem>>) src(%dma_wait3A_219 : memref<10000x64xf32, #tpu.memory_space<hbm>>) dst(%arg13 : memref<128x64xf32, #tpu.memory_space<vmem>>)
      %dma_start3A_220 = arith.constant 0 : i32
      %dma_start3A_221 = tpu.memref_slice %arg8[%add3A_213, %dma_start3A_220] : memref<145x128xi32, #tpu.memory_space<vmem>> -> memref<1x128xi32, #tpu.memory_space<vmem>>
      %dma_start3A_222 = tpu.memref_squeeze %dma_start3A_221 : memref<1x128xi32, #tpu.memory_space<vmem>> -> memref<128xi32, #tpu.memory_space<vmem>>
      %dma_start3A_223 = arith.constant 0 : i32
      %dma_start3A_224 = arith.constant 0 : i32
      %dma_start3A_225 = tpu.memref_slice %arg14[%dma_start3A_223, %dma_start3A_224] : memref<10048x64xf32, #tpu.memory_space<vmem_shared>> -> memref<10048x64xf32, #tpu.memory_space<vmem_shared>>
      tpu.enqueue_indirect_dma source(%arg13 : memref<128x64xf32, #tpu.memory_space<vmem>>) target(%dma_start3A_225 : memref<10048x64xf32, #tpu.memory_space<vmem_shared>>) offsets(%dma_start3A_222 : memref<128xi32, #tpu.memory_space<vmem>>) semaphore(%arg24 : memref<!tpu.dma_semaphore, #tpu.memory_space<semaphore_mem>>) {add = true}
      %add3A_226 = arith.constant 4 : i32
      %add3A_227 = arith.addi %add3A_213, %add3A_226 : i32
      %sub3A_228 = arith.constant 5 : i32
      %sub3A_229 = arith.subi %add3A_227, %sub3A_228 : i32
      %ge3A_230 = arith.constant 0 : i32
      %ge3A_231 = arith.cmpi sge, %sub3A_229, %ge3A_230 : i32
      %convert_element_type3A_232 = arith.extui %ge3A_231 : i1 to i32
      %cond3A_233 = arith.constant 0 : i32
      %cond3A_234 = arith.cmpi ne, %convert_element_type3A_232, %cond3A_233 : i32
      scf.if %cond3A_234 {
        %dma_wait3A_239 = arith.constant 0 : i32
        %dma_wait3A_240 = tpu.memref_slice %arg8[%add3A_213, %dma_wait3A_239] : memref<145x128xi32, #tpu.memory_space<vmem>> -> memref<1x128xi32, #tpu.memory_space<vmem>>
        %dma_wait3A_241 = tpu.memref_squeeze %dma_wait3A_240 : memref<1x128xi32, #tpu.memory_space<vmem>> -> memref<128xi32, #tpu.memory_space<vmem>>
        %dma_wait3A_242 = arith.constant 0 : i32
        %dma_wait3A_243 = arith.constant 0 : i32
        %dma_wait3A_244 = tpu.memref_slice %arg14[%dma_wait3A_242, %dma_wait3A_243] : memref<10048x64xf32, #tpu.memory_space<vmem_shared>> -> memref<10048x64xf32, #tpu.memory_space<vmem_shared>>
        tpu.wait_indirect_dma semaphore(%arg23 : memref<!tpu.dma_semaphore, #tpu.memory_space<semaphore_mem>>) src(%arg12 : memref<128x64xf32, #tpu.memory_space<vmem>>) dst(%dma_wait3A_244 : memref<10048x64xf32, #tpu.memory_space<vmem_shared>>)
      } else {
      }
      %lt3A_235 = arith.cmpi slt, %add3A_227, %select_n3A_8 : i32
      %convert_element_type3A_236 = arith.extui %lt3A_235 : i1 to i32
      %cond3A_237 = arith.constant 0 : i32
      %cond3A_238 = arith.cmpi ne, %convert_element_type3A_236, %cond3A_237 : i32
      scf.if %cond3A_238 {
        %dma_start3A_239 = arith.constant 0 : i32
        %dma_start3A_240 = tpu.memref_slice %arg7[%add3A_227, %dma_start3A_239] : memref<145x128xi32, #tpu.memory_space<vmem>> -> memref<1x128xi32, #tpu.memory_space<vmem>>
        %dma_start3A_241 = tpu.memref_squeeze %dma_start3A_240 : memref<1x128xi32, #tpu.memory_space<vmem>> -> memref<128xi32, #tpu.memory_space<vmem>>
        %dma_start3A_242 = arith.constant 0 : i32
        %dma_start3A_243 = arith.constant 0 : i32
        %dma_start3A_244 = tpu.memref_slice %arg2[%dma_start3A_242, %dma_start3A_243] : memref<10000x64xf32, #tpu.memory_space<hbm>> -> memref<10000x64xf32, #tpu.memory_space<hbm>>
        tpu.enqueue_indirect_dma source(%dma_start3A_244 : memref<10000x64xf32, #tpu.memory_space<hbm>>) target(%arg12 : memref<128x64xf32, #tpu.memory_space<vmem>>) offsets(%dma_start3A_241 : memref<128xi32, #tpu.memory_space<vmem>>) semaphore(%arg18 : memref<!tpu.dma_semaphore, #tpu.memory_space<semaphore_mem>>)
      } else {
      }
    }
    %while3A_81 = arith.constant 1 : i32
    scf.for %while3A_93 = %while3A_79 to %while3A_75 step %while3A_81  : i32 {
      %mul3A_94 = arith.muli %while3A_93, %while3A : i32
      %add3A_95 = arith.addi %while3A_72, %mul3A_94 : i32
      %mul3A_96 = arith.constant 5 : i32
      %mul3A_97 = arith.muli %add3A_95, %mul3A_96 : i32
      %add3A_98 = arith.constant 0 : i32
      %add3A_99 = arith.addi %mul3A_97, %add3A_98 : i32
      %dma_wait3A_100 = arith.constant 0 : i32
      %dma_wait3A_101 = tpu.memref_slice %arg7[%add3A_99, %dma_wait3A_100] : memref<145x128xi32, #tpu.memory_space<vmem>> -> memref<1x128xi32, #tpu.memory_space<vmem>>
      %dma_wait3A_102 = tpu.memref_squeeze %dma_wait3A_101 : memref<1x128xi32, #tpu.memory_space<vmem>> -> memref<128xi32, #tpu.memory_space<vmem>>
      %dma_wait3A_103 = arith.constant 0 : i32
      %dma_wait3A_104 = arith.constant 0 : i32
      %dma_wait3A_105 = tpu.memref_slice %arg2[%dma_wait3A_103, %dma_wait3A_104] : memref<10000x64xf32, #tpu.memory_space<hbm>> -> memref<10000x64xf32, #tpu.memory_space<hbm>>
      tpu.wait_indirect_dma semaphore(%arg15 : memref<!tpu.dma_semaphore, #tpu.memory_space<semaphore_mem>>) src(%dma_wait3A_105 : memref<10000x64xf32, #tpu.memory_space<hbm>>) dst(%arg9 : memref<128x64xf32, #tpu.memory_space<vmem>>)
      %dma_start3A_106 = arith.constant 0 : i32
      %dma_start3A_107 = tpu.memref_slice %arg8[%add3A_99, %dma_start3A_106] : memref<145x128xi32, #tpu.memory_space<vmem>> -> memref<1x128xi32, #tpu.memory_space<vmem>>
      %dma_start3A_108 = tpu.memref_squeeze %dma_start3A_107 : memref<1x128xi32, #tpu.memory_space<vmem>> -> memref<128xi32, #tpu.memory_space<vmem>>
      %dma_start3A_109 = arith.constant 0 : i32
      %dma_start3A_110 = arith.constant 0 : i32
      %dma_start3A_111 = tpu.memref_slice %arg14[%dma_start3A_109, %dma_start3A_110] : memref<10048x64xf32, #tpu.memory_space<vmem_shared>> -> memref<10048x64xf32, #tpu.memory_space<vmem_shared>>
      tpu.enqueue_indirect_dma source(%arg9 : memref<128x64xf32, #tpu.memory_space<vmem>>) target(%dma_start3A_111 : memref<10048x64xf32, #tpu.memory_space<vmem_shared>>) offsets(%dma_start3A_108 : memref<128xi32, #tpu.memory_space<vmem>>) semaphore(%arg20 : memref<!tpu.dma_semaphore, #tpu.memory_space<semaphore_mem>>) {add = true}
      %add3A_112 = arith.constant 4 : i32
      %add3A_113 = arith.addi %add3A_99, %add3A_112 : i32
      %sub3A_114 = arith.constant 5 : i32
      %sub3A_115 = arith.subi %add3A_113, %sub3A_114 : i32
      %ge3A = arith.constant 0 : i32
      %ge3A_116 = arith.cmpi sge, %sub3A_115, %ge3A : i32
      %convert_element_type3A_117 = arith.extui %ge3A_116 : i1 to i32
      %cond3A_118 = arith.constant 0 : i32
      %cond3A_119 = arith.cmpi ne, %convert_element_type3A_117, %cond3A_118 : i32
      scf.if %cond3A_119 {
        %dma_wait3A_239 = arith.constant 0 : i32
        %dma_wait3A_240 = tpu.memref_slice %arg8[%add3A_99, %dma_wait3A_239] : memref<145x128xi32, #tpu.memory_space<vmem>> -> memref<1x128xi32, #tpu.memory_space<vmem>>
        %dma_wait3A_241 = tpu.memref_squeeze %dma_wait3A_240 : memref<1x128xi32, #tpu.memory_space<vmem>> -> memref<128xi32, #tpu.memory_space<vmem>>
        %dma_wait3A_242 = arith.constant 0 : i32
        %dma_wait3A_243 = arith.constant 0 : i32
        %dma_wait3A_244 = tpu.memref_slice %arg14[%dma_wait3A_242, %dma_wait3A_243] : memref<10048x64xf32, #tpu.memory_space<vmem_shared>> -> memref<10048x64xf32, #tpu.memory_space<vmem_shared>>
        tpu.wait_indirect_dma semaphore(%arg24 : memref<!tpu.dma_semaphore, #tpu.memory_space<semaphore_mem>>) src(%arg13 : memref<128x64xf32, #tpu.memory_space<vmem>>) dst(%dma_wait3A_244 : memref<10048x64xf32, #tpu.memory_space<vmem_shared>>)
      } else {
      }
      %lt3A = arith.cmpi slt, %add3A_113, %select_n3A_8 : i32
      %convert_element_type3A_120 = arith.extui %lt3A : i1 to i32
      %cond3A_121 = arith.constant 0 : i32
      %cond3A_122 = arith.cmpi ne, %convert_element_type3A_120, %cond3A_121 : i32
      scf.if %cond3A_122 {
        %dma_start3A_239 = arith.constant 0 : i32
        %dma_start3A_240 = tpu.memref_slice %arg7[%add3A_113, %dma_start3A_239] : memref<145x128xi32, #tpu.memory_space<vmem>> -> memref<1x128xi32, #tpu.memory_space<vmem>>
        %dma_start3A_241 = tpu.memref_squeeze %dma_start3A_240 : memref<1x128xi32, #tpu.memory_space<vmem>> -> memref<128xi32, #tpu.memory_space<vmem>>
        %dma_start3A_242 = arith.constant 0 : i32
        %dma_start3A_243 = arith.constant 0 : i32
        %dma_start3A_244 = tpu.memref_slice %arg2[%dma_start3A_242, %dma_start3A_243] : memref<10000x64xf32, #tpu.memory_space<hbm>> -> memref<10000x64xf32, #tpu.memory_space<hbm>>
        tpu.enqueue_indirect_dma source(%dma_start3A_244 : memref<10000x64xf32, #tpu.memory_space<hbm>>) target(%arg13 : memref<128x64xf32, #tpu.memory_space<vmem>>) offsets(%dma_start3A_241 : memref<128xi32, #tpu.memory_space<vmem>>) semaphore(%arg19 : memref<!tpu.dma_semaphore, #tpu.memory_space<semaphore_mem>>)
      } else {
      }
      %mul3A_123 = arith.constant 5 : i32
      %mul3A_124 = arith.muli %add3A_95, %mul3A_123 : i32
      %add3A_125 = arith.constant 1 : i32
      %add3A_126 = arith.addi %mul3A_124, %add3A_125 : i32
      %dma_wait3A_127 = arith.constant 0 : i32
      %dma_wait3A_128 = tpu.memref_slice %arg7[%add3A_126, %dma_wait3A_127] : memref<145x128xi32, #tpu.memory_space<vmem>> -> memref<1x128xi32, #tpu.memory_space<vmem>>
      %dma_wait3A_129 = tpu.memref_squeeze %dma_wait3A_128 : memref<1x128xi32, #tpu.memory_space<vmem>> -> memref<128xi32, #tpu.memory_space<vmem>>
      %dma_wait3A_130 = arith.constant 0 : i32
      %dma_wait3A_131 = arith.constant 0 : i32
      %dma_wait3A_132 = tpu.memref_slice %arg2[%dma_wait3A_130, %dma_wait3A_131] : memref<10000x64xf32, #tpu.memory_space<hbm>> -> memref<10000x64xf32, #tpu.memory_space<hbm>>
      tpu.wait_indirect_dma semaphore(%arg16 : memref<!tpu.dma_semaphore, #tpu.memory_space<semaphore_mem>>) src(%dma_wait3A_132 : memref<10000x64xf32, #tpu.memory_space<hbm>>) dst(%arg10 : memref<128x64xf32, #tpu.memory_space<vmem>>)
      %dma_start3A_133 = arith.constant 0 : i32
      %dma_start3A_134 = tpu.memref_slice %arg8[%add3A_126, %dma_start3A_133] : memref<145x128xi32, #tpu.memory_space<vmem>> -> memref<1x128xi32, #tpu.memory_space<vmem>>
      %dma_start3A_135 = tpu.memref_squeeze %dma_start3A_134 : memref<1x128xi32, #tpu.memory_space<vmem>> -> memref<128xi32, #tpu.memory_space<vmem>>
      %dma_start3A_136 = arith.constant 0 : i32
      %dma_start3A_137 = arith.constant 0 : i32
      %dma_start3A_138 = tpu.memref_slice %arg14[%dma_start3A_136, %dma_start3A_137] : memref<10048x64xf32, #tpu.memory_space<vmem_shared>> -> memref<10048x64xf32, #tpu.memory_space<vmem_shared>>
      tpu.enqueue_indirect_dma source(%arg10 : memref<128x64xf32, #tpu.memory_space<vmem>>) target(%dma_start3A_138 : memref<10048x64xf32, #tpu.memory_space<vmem_shared>>) offsets(%dma_start3A_135 : memref<128xi32, #tpu.memory_space<vmem>>) semaphore(%arg21 : memref<!tpu.dma_semaphore, #tpu.memory_space<semaphore_mem>>) {add = true}
      %add3A_139 = arith.constant 4 : i32
      %add3A_140 = arith.addi %add3A_126, %add3A_139 : i32
      %sub3A_141 = arith.constant 5 : i32
      %sub3A_142 = arith.subi %add3A_140, %sub3A_141 : i32
      %ge3A_143 = arith.constant 0 : i32
      %ge3A_144 = arith.cmpi sge, %sub3A_142, %ge3A_143 : i32
      %convert_element_type3A_145 = arith.extui %ge3A_144 : i1 to i32
      %cond3A_146 = arith.constant 0 : i32
      %cond3A_147 = arith.cmpi ne, %convert_element_type3A_145, %cond3A_146 : i32
      scf.if %cond3A_147 {
        %dma_wait3A_239 = arith.constant 0 : i32
        %dma_wait3A_240 = tpu.memref_slice %arg8[%add3A_126, %dma_wait3A_239] : memref<145x128xi32, #tpu.memory_space<vmem>> -> memref<1x128xi32, #tpu.memory_space<vmem>>
        %dma_wait3A_241 = tpu.memref_squeeze %dma_wait3A_240 : memref<1x128xi32, #tpu.memory_space<vmem>> -> memref<128xi32, #tpu.memory_space<vmem>>
        %dma_wait3A_242 = arith.constant 0 : i32
        %dma_wait3A_243 = arith.constant 0 : i32
        %dma_wait3A_244 = tpu.memref_slice %arg14[%dma_wait3A_242, %dma_wait3A_243] : memref<10048x64xf32, #tpu.memory_space<vmem_shared>> -> memref<10048x64xf32, #tpu.memory_space<vmem_shared>>
        tpu.wait_indirect_dma semaphore(%arg20 : memref<!tpu.dma_semaphore, #tpu.memory_space<semaphore_mem>>) src(%arg9 : memref<128x64xf32, #tpu.memory_space<vmem>>) dst(%dma_wait3A_244 : memref<10048x64xf32, #tpu.memory_space<vmem_shared>>)
      } else {
      }
      %lt3A_148 = arith.cmpi slt, %add3A_140, %select_n3A_8 : i32
      %convert_element_type3A_149 = arith.extui %lt3A_148 : i1 to i32
      %cond3A_150 = arith.constant 0 : i32
      %cond3A_151 = arith.cmpi ne, %convert_element_type3A_149, %cond3A_150 : i32
      scf.if %cond3A_151 {
        %dma_start3A_239 = arith.constant 0 : i32
        %dma_start3A_240 = tpu.memref_slice %arg7[%add3A_140, %dma_start3A_239] : memref<145x128xi32, #tpu.memory_space<vmem>> -> memref<1x128xi32, #tpu.memory_space<vmem>>
        %dma_start3A_241 = tpu.memref_squeeze %dma_start3A_240 : memref<1x128xi32, #tpu.memory_space<vmem>> -> memref<128xi32, #tpu.memory_space<vmem>>
        %dma_start3A_242 = arith.constant 0 : i32
        %dma_start3A_243 = arith.constant 0 : i32
        %dma_start3A_244 = tpu.memref_slice %arg2[%dma_start3A_242, %dma_start3A_243] : memref<10000x64xf32, #tpu.memory_space<hbm>> -> memref<10000x64xf32, #tpu.memory_space<hbm>>
        tpu.enqueue_indirect_dma source(%dma_start3A_244 : memref<10000x64xf32, #tpu.memory_space<hbm>>) target(%arg9 : memref<128x64xf32, #tpu.memory_space<vmem>>) offsets(%dma_start3A_241 : memref<128xi32, #tpu.memory_space<vmem>>) semaphore(%arg15 : memref<!tpu.dma_semaphore, #tpu.memory_space<semaphore_mem>>)
      } else {
      }
      %mul3A_152 = arith.constant 5 : i32
      %mul3A_153 = arith.muli %add3A_95, %mul3A_152 : i32
      %add3A_154 = arith.constant 2 : i32
      %add3A_155 = arith.addi %mul3A_153, %add3A_154 : i32
      %dma_wait3A_156 = arith.constant 0 : i32
      %dma_wait3A_157 = tpu.memref_slice %arg7[%add3A_155, %dma_wait3A_156] : memref<145x128xi32, #tpu.memory_space<vmem>> -> memref<1x128xi32, #tpu.memory_space<vmem>>
      %dma_wait3A_158 = tpu.memref_squeeze %dma_wait3A_157 : memref<1x128xi32, #tpu.memory_space<vmem>> -> memref<128xi32, #tpu.memory_space<vmem>>
      %dma_wait3A_159 = arith.constant 0 : i32
      %dma_wait3A_160 = arith.constant 0 : i32
      %dma_wait3A_161 = tpu.memref_slice %arg2[%dma_wait3A_159, %dma_wait3A_160] : memref<10000x64xf32, #tpu.memory_space<hbm>> -> memref<10000x64xf32, #tpu.memory_space<hbm>>
      tpu.wait_indirect_dma semaphore(%arg17 : memref<!tpu.dma_semaphore, #tpu.memory_space<semaphore_mem>>) src(%dma_wait3A_161 : memref<10000x64xf32, #tpu.memory_space<hbm>>) dst(%arg11 : memref<128x64xf32, #tpu.memory_space<vmem>>)
      %dma_start3A_162 = arith.constant 0 : i32
      %dma_start3A_163 = tpu.memref_slice %arg8[%add3A_155, %dma_start3A_162] : memref<145x128xi32, #tpu.memory_space<vmem>> -> memref<1x128xi32, #tpu.memory_space<vmem>>
      %dma_start3A_164 = tpu.memref_squeeze %dma_start3A_163 : memref<1x128xi32, #tpu.memory_space<vmem>> -> memref<128xi32, #tpu.memory_space<vmem>>
      %dma_start3A_165 = arith.constant 0 : i32
      %dma_start3A_166 = arith.constant 0 : i32
      %dma_start3A_167 = tpu.memref_slice %arg14[%dma_start3A_165, %dma_start3A_166] : memref<10048x64xf32, #tpu.memory_space<vmem_shared>> -> memref<10048x64xf32, #tpu.memory_space<vmem_shared>>
      tpu.enqueue_indirect_dma source(%arg11 : memref<128x64xf32, #tpu.memory_space<vmem>>) target(%dma_start3A_167 : memref<10048x64xf32, #tpu.memory_space<vmem_shared>>) offsets(%dma_start3A_164 : memref<128xi32, #tpu.memory_space<vmem>>) semaphore(%arg22 : memref<!tpu.dma_semaphore, #tpu.memory_space<semaphore_mem>>) {add = true}
      %add3A_168 = arith.constant 4 : i32
      %add3A_169 = arith.addi %add3A_155, %add3A_168 : i32
      %sub3A_170 = arith.constant 5 : i32
      %sub3A_171 = arith.subi %add3A_169, %sub3A_170 : i32
      %ge3A_172 = arith.constant 0 : i32
      %ge3A_173 = arith.cmpi sge, %sub3A_171, %ge3A_172 : i32
      %convert_element_type3A_174 = arith.extui %ge3A_173 : i1 to i32
      %cond3A_175 = arith.constant 0 : i32
      %cond3A_176 = arith.cmpi ne, %convert_element_type3A_174, %cond3A_175 : i32
      scf.if %cond3A_176 {
        %dma_wait3A_239 = arith.constant 0 : i32
        %dma_wait3A_240 = tpu.memref_slice %arg8[%add3A_155, %dma_wait3A_239] : memref<145x128xi32, #tpu.memory_space<vmem>> -> memref<1x128xi32, #tpu.memory_space<vmem>>
        %dma_wait3A_241 = tpu.memref_squeeze %dma_wait3A_240 : memref<1x128xi32, #tpu.memory_space<vmem>> -> memref<128xi32, #tpu.memory_space<vmem>>
        %dma_wait3A_242 = arith.constant 0 : i32
        %dma_wait3A_243 = arith.constant 0 : i32
        %dma_wait3A_244 = tpu.memref_slice %arg14[%dma_wait3A_242, %dma_wait3A_243] : memref<10048x64xf32, #tpu.memory_space<vmem_shared>> -> memref<10048x64xf32, #tpu.memory_space<vmem_shared>>
        tpu.wait_indirect_dma semaphore(%arg21 : memref<!tpu.dma_semaphore, #tpu.memory_space<semaphore_mem>>) src(%arg10 : memref<128x64xf32, #tpu.memory_space<vmem>>) dst(%dma_wait3A_244 : memref<10048x64xf32, #tpu.memory_space<vmem_shared>>)
      } else {
      }
      %lt3A_177 = arith.cmpi slt, %add3A_169, %select_n3A_8 : i32
      %convert_element_type3A_178 = arith.extui %lt3A_177 : i1 to i32
      %cond3A_179 = arith.constant 0 : i32
      %cond3A_180 = arith.cmpi ne, %convert_element_type3A_178, %cond3A_179 : i32
      scf.if %cond3A_180 {
        %dma_start3A_239 = arith.constant 0 : i32
        %dma_start3A_240 = tpu.memref_slice %arg7[%add3A_169, %dma_start3A_239] : memref<145x128xi32, #tpu.memory_space<vmem>> -> memref<1x128xi32, #tpu.memory_space<vmem>>
        %dma_start3A_241 = tpu.memref_squeeze %dma_start3A_240 : memref<1x128xi32, #tpu.memory_space<vmem>> -> memref<128xi32, #tpu.memory_space<vmem>>
        %dma_start3A_242 = arith.constant 0 : i32
        %dma_start3A_243 = arith.constant 0 : i32
        %dma_start3A_244 = tpu.memref_slice %arg2[%dma_start3A_242, %dma_start3A_243] : memref<10000x64xf32, #tpu.memory_space<hbm>> -> memref<10000x64xf32, #tpu.memory_space<hbm>>
        tpu.enqueue_indirect_dma source(%dma_start3A_244 : memref<10000x64xf32, #tpu.memory_space<hbm>>) target(%arg10 : memref<128x64xf32, #tpu.memory_space<vmem>>) offsets(%dma_start3A_241 : memref<128xi32, #tpu.memory_space<vmem>>) semaphore(%arg16 : memref<!tpu.dma_semaphore, #tpu.memory_space<semaphore_mem>>)
      } else {
      }
      %mul3A_181 = arith.constant 5 : i32
      %mul3A_182 = arith.muli %add3A_95, %mul3A_181 : i32
      %add3A_183 = arith.constant 3 : i32
      %add3A_184 = arith.addi %mul3A_182, %add3A_183 : i32
      %dma_wait3A_185 = arith.constant 0 : i32
      %dma_wait3A_186 = tpu.memref_slice %arg7[%add3A_184, %dma_wait3A_185] : memref<145x128xi32, #tpu.memory_space<vmem>> -> memref<1x128xi32, #tpu.memory_space<vmem>>
      %dma_wait3A_187 = tpu.memref_squeeze %dma_wait3A_186 : memref<1x128xi32, #tpu.memory_space<vmem>> -> memref<128xi32, #tpu.memory_space<vmem>>
      %dma_wait3A_188 = arith.constant 0 : i32
      %dma_wait3A_189 = arith.constant 0 : i32
      %dma_wait3A_190 = tpu.memref_slice %arg2[%dma_wait3A_188, %dma_wait3A_189] : memref<10000x64xf32, #tpu.memory_space<hbm>> -> memref<10000x64xf32, #tpu.memory_space<hbm>>
      tpu.wait_indirect_dma semaphore(%arg18 : memref<!tpu.dma_semaphore, #tpu.memory_space<semaphore_mem>>) src(%dma_wait3A_190 : memref<10000x64xf32, #tpu.memory_space<hbm>>) dst(%arg12 : memref<128x64xf32, #tpu.memory_space<vmem>>)
      %dma_start3A_191 = arith.constant 0 : i32
      %dma_start3A_192 = tpu.memref_slice %arg8[%add3A_184, %dma_start3A_191] : memref<145x128xi32, #tpu.memory_space<vmem>> -> memref<1x128xi32, #tpu.memory_space<vmem>>
      %dma_start3A_193 = tpu.memref_squeeze %dma_start3A_192 : memref<1x128xi32, #tpu.memory_space<vmem>> -> memref<128xi32, #tpu.memory_space<vmem>>
      %dma_start3A_194 = arith.constant 0 : i32
      %dma_start3A_195 = arith.constant 0 : i32
      %dma_start3A_196 = tpu.memref_slice %arg14[%dma_start3A_194, %dma_start3A_195] : memref<10048x64xf32, #tpu.memory_space<vmem_shared>> -> memref<10048x64xf32, #tpu.memory_space<vmem_shared>>
      tpu.enqueue_indirect_dma source(%arg12 : memref<128x64xf32, #tpu.memory_space<vmem>>) target(%dma_start3A_196 : memref<10048x64xf32, #tpu.memory_space<vmem_shared>>) offsets(%dma_start3A_193 : memref<128xi32, #tpu.memory_space<vmem>>) semaphore(%arg23 : memref<!tpu.dma_semaphore, #tpu.memory_space<semaphore_mem>>) {add = true}
      %add3A_197 = arith.constant 4 : i32
      %add3A_198 = arith.addi %add3A_184, %add3A_197 : i32
      %sub3A_199 = arith.constant 5 : i32
      %sub3A_200 = arith.subi %add3A_198, %sub3A_199 : i32
      %ge3A_201 = arith.constant 0 : i32
      %ge3A_202 = arith.cmpi sge, %sub3A_200, %ge3A_201 : i32
      %convert_element_type3A_203 = arith.extui %ge3A_202 : i1 to i32
      %cond3A_204 = arith.constant 0 : i32
      %cond3A_205 = arith.cmpi ne, %convert_element_type3A_203, %cond3A_204 : i32
      scf.if %cond3A_205 {
        %dma_wait3A_239 = arith.constant 0 : i32
        %dma_wait3A_240 = tpu.memref_slice %arg8[%add3A_184, %dma_wait3A_239] : memref<145x128xi32, #tpu.memory_space<vmem>> -> memref<1x128xi32, #tpu.memory_space<vmem>>
        %dma_wait3A_241 = tpu.memref_squeeze %dma_wait3A_240 : memref<1x128xi32, #tpu.memory_space<vmem>> -> memref<128xi32, #tpu.memory_space<vmem>>
        %dma_wait3A_242 = arith.constant 0 : i32
        %dma_wait3A_243 = arith.constant 0 : i32
        %dma_wait3A_244 = tpu.memref_slice %arg14[%dma_wait3A_242, %dma_wait3A_243] : memref<10048x64xf32, #tpu.memory_space<vmem_shared>> -> memref<10048x64xf32, #tpu.memory_space<vmem_shared>>
        tpu.wait_indirect_dma semaphore(%arg22 : memref<!tpu.dma_semaphore, #tpu.memory_space<semaphore_mem>>) src(%arg11 : memref<128x64xf32, #tpu.memory_space<vmem>>) dst(%dma_wait3A_244 : memref<10048x64xf32, #tpu.memory_space<vmem_shared>>)
      } else {
      }
      %lt3A_206 = arith.cmpi slt, %add3A_198, %select_n3A_8 : i32
      %convert_element_type3A_207 = arith.extui %lt3A_206 : i1 to i32
      %cond3A_208 = arith.constant 0 : i32
      %cond3A_209 = arith.cmpi ne, %convert_element_type3A_207, %cond3A_208 : i32
      scf.if %cond3A_209 {
        %dma_start3A_239 = arith.constant 0 : i32
        %dma_start3A_240 = tpu.memref_slice %arg7[%add3A_198, %dma_start3A_239] : memref<145x128xi32, #tpu.memory_space<vmem>> -> memref<1x128xi32, #tpu.memory_space<vmem>>
        %dma_start3A_241 = tpu.memref_squeeze %dma_start3A_240 : memref<1x128xi32, #tpu.memory_space<vmem>> -> memref<128xi32, #tpu.memory_space<vmem>>
        %dma_start3A_242 = arith.constant 0 : i32
        %dma_start3A_243 = arith.constant 0 : i32
        %dma_start3A_244 = tpu.memref_slice %arg2[%dma_start3A_242, %dma_start3A_243] : memref<10000x64xf32, #tpu.memory_space<hbm>> -> memref<10000x64xf32, #tpu.memory_space<hbm>>
        tpu.enqueue_indirect_dma source(%dma_start3A_244 : memref<10000x64xf32, #tpu.memory_space<hbm>>) target(%arg11 : memref<128x64xf32, #tpu.memory_space<vmem>>) offsets(%dma_start3A_241 : memref<128xi32, #tpu.memory_space<vmem>>) semaphore(%arg17 : memref<!tpu.dma_semaphore, #tpu.memory_space<semaphore_mem>>)
      } else {
      }
      %mul3A_210 = arith.constant 5 : i32
      %mul3A_211 = arith.muli %add3A_95, %mul3A_210 : i32
      %add3A_212 = arith.constant 4 : i32
      %add3A_213 = arith.addi %mul3A_211, %add3A_212 : i32
      %dma_wait3A_214 = arith.constant 0 : i32
      %dma_wait3A_215 = tpu.memref_slice %arg7[%add3A_213, %dma_wait3A_214] : memref<145x128xi32, #tpu.memory_space<vmem>> -> memref<1x128xi32, #tpu.memory_space<vmem>>
      %dma_wait3A_216 = tpu.memref_squeeze %dma_wait3A_215 : memref<1x128xi32, #tpu.memory_space<vmem>> -> memref<128xi32, #tpu.memory_space<vmem>>
      %dma_wait3A_217 = arith.constant 0 : i32
      %dma_wait3A_218 = arith.constant 0 : i32
      %dma_wait3A_219 = tpu.memref_slice %arg2[%dma_wait3A_217, %dma_wait3A_218] : memref<10000x64xf32, #tpu.memory_space<hbm>> -> memref<10000x64xf32, #tpu.memory_space<hbm>>
      tpu.wait_indirect_dma semaphore(%arg19 : memref<!tpu.dma_semaphore, #tpu.memory_space<semaphore_mem>>) src(%dma_wait3A_219 : memref<10000x64xf32, #tpu.memory_space<hbm>>) dst(%arg13 : memref<128x64xf32, #tpu.memory_space<vmem>>)
      %dma_start3A_220 = arith.constant 0 : i32
      %dma_start3A_221 = tpu.memref_slice %arg8[%add3A_213, %dma_start3A_220] : memref<145x128xi32, #tpu.memory_space<vmem>> -> memref<1x128xi32, #tpu.memory_space<vmem>>
      %dma_start3A_222 = tpu.memref_squeeze %dma_start3A_221 : memref<1x128xi32, #tpu.memory_space<vmem>> -> memref<128xi32, #tpu.memory_space<vmem>>
      %dma_start3A_223 = arith.constant 0 : i32
      %dma_start3A_224 = arith.constant 0 : i32
      %dma_start3A_225 = tpu.memref_slice %arg14[%dma_start3A_223, %dma_start3A_224] : memref<10048x64xf32, #tpu.memory_space<vmem_shared>> -> memref<10048x64xf32, #tpu.memory_space<vmem_shared>>
      tpu.enqueue_indirect_dma source(%arg13 : memref<128x64xf32, #tpu.memory_space<vmem>>) target(%dma_start3A_225 : memref<10048x64xf32, #tpu.memory_space<vmem_shared>>) offsets(%dma_start3A_222 : memref<128xi32, #tpu.memory_space<vmem>>) semaphore(%arg24 : memref<!tpu.dma_semaphore, #tpu.memory_space<semaphore_mem>>) {add = true}
      %add3A_226 = arith.constant 4 : i32
      %add3A_227 = arith.addi %add3A_213, %add3A_226 : i32
      %sub3A_228 = arith.constant 5 : i32
      %sub3A_229 = arith.subi %add3A_227, %sub3A_228 : i32
      %ge3A_230 = arith.constant 0 : i32
      %ge3A_231 = arith.cmpi sge, %sub3A_229, %ge3A_230 : i32
      %convert_element_type3A_232 = arith.extui %ge3A_231 : i1 to i32
      %cond3A_233 = arith.constant 0 : i32
      %cond3A_234 = arith.cmpi ne, %convert_element_type3A_232, %cond3A_233 : i32
      scf.if %cond3A_234 {
        %dma_wait3A_239 = arith.constant 0 : i32
        %dma_wait3A_240 = tpu.memref_slice %arg8[%add3A_213, %dma_wait3A_239] : memref<145x128xi32, #tpu.memory_space<vmem>> -> memref<1x128xi32, #tpu.memory_space<vmem>>
        %dma_wait3A_241 = tpu.memref_squeeze %dma_wait3A_240 : memref<1x128xi32, #tpu.memory_space<vmem>> -> memref<128xi32, #tpu.memory_space<vmem>>
        %dma_wait3A_242 = arith.constant 0 : i32
        %dma_wait3A_243 = arith.constant 0 : i32
        %dma_wait3A_244 = tpu.memref_slice %arg14[%dma_wait3A_242, %dma_wait3A_243] : memref<10048x64xf32, #tpu.memory_space<vmem_shared>> -> memref<10048x64xf32, #tpu.memory_space<vmem_shared>>
        tpu.wait_indirect_dma semaphore(%arg23 : memref<!tpu.dma_semaphore, #tpu.memory_space<semaphore_mem>>) src(%arg12 : memref<128x64xf32, #tpu.memory_space<vmem>>) dst(%dma_wait3A_244 : memref<10048x64xf32, #tpu.memory_space<vmem_shared>>)
      } else {
      }
      %lt3A_235 = arith.cmpi slt, %add3A_227, %select_n3A_8 : i32
      %convert_element_type3A_236 = arith.extui %lt3A_235 : i1 to i32
      %cond3A_237 = arith.constant 0 : i32
      %cond3A_238 = arith.cmpi ne, %convert_element_type3A_236, %cond3A_237 : i32
      scf.if %cond3A_238 {
        %dma_start3A_239 = arith.constant 0 : i32
        %dma_start3A_240 = tpu.memref_slice %arg7[%add3A_227, %dma_start3A_239] : memref<145x128xi32, #tpu.memory_space<vmem>> -> memref<1x128xi32, #tpu.memory_space<vmem>>
        %dma_start3A_241 = tpu.memref_squeeze %dma_start3A_240 : memref<1x128xi32, #tpu.memory_space<vmem>> -> memref<128xi32, #tpu.memory_space<vmem>>
        %dma_start3A_242 = arith.constant 0 : i32
        %dma_start3A_243 = arith.constant 0 : i32
        %dma_start3A_244 = tpu.memref_slice %arg2[%dma_start3A_242, %dma_start3A_243] : memref<10000x64xf32, #tpu.memory_space<hbm>> -> memref<10000x64xf32, #tpu.memory_space<hbm>>
        tpu.enqueue_indirect_dma source(%dma_start3A_244 : memref<10000x64xf32, #tpu.memory_space<hbm>>) target(%arg12 : memref<128x64xf32, #tpu.memory_space<vmem>>) offsets(%dma_start3A_241 : memref<128xi32, #tpu.memory_space<vmem>>) semaphore(%arg18 : memref<!tpu.dma_semaphore, #tpu.memory_space<semaphore_mem>>)
      } else {
      }
    }
    %dma_wait3A = arith.constant 0 : i32
    %dma_wait3A_82 = arith.constant 0 : i32
    %dma_wait3A_83 = tpu.memref_slice %arg8[%dma_wait3A, %dma_wait3A_82] : memref<145x128xi32, #tpu.memory_space<vmem>> -> memref<1x128xi32, #tpu.memory_space<vmem>>
    %dma_wait3A_84 = tpu.memref_squeeze %dma_wait3A_83 : memref<1x128xi32, #tpu.memory_space<vmem>> -> memref<128xi32, #tpu.memory_space<vmem>>
    %dma_wait3A_85 = arith.constant 0 : i32
    %dma_wait3A_86 = arith.constant 0 : i32
    %dma_wait3A_87 = tpu.memref_slice %arg14[%dma_wait3A_85, %dma_wait3A_86] : memref<10048x64xf32, #tpu.memory_space<vmem_shared>> -> memref<10048x64xf32, #tpu.memory_space<vmem_shared>>
    tpu.wait_indirect_dma semaphore(%arg24 : memref<!tpu.dma_semaphore, #tpu.memory_space<semaphore_mem>>) src(%arg13 : memref<128x64xf32, #tpu.memory_space<vmem>>) dst(%dma_wait3A_87 : memref<10048x64xf32, #tpu.memory_space<vmem_shared>>)
    %barrier3A_88 = arith.constant 0 : index
    tpu.barrier barrier_id(%barrier3A_88)
    %mul3A_89 = arith.constant 628 : i32
    %mul3A_90 = arith.muli %arg1, %mul3A_89 : i32
    %mul3A_91 = arith.constant 628 : i32
    %mul3A_92 = arith.muli %arg1, %mul3A_91 : i32
    "tpu.region"() ({
      %run_scoped3A = tpu.sem_alloc : memref<!tpu.dma_semaphore, #tpu.memory_space<semaphore_mem>>
      %dma_start3A_93 = arith.constant 0 : i32
      %dma_start3A_94 = tpu.memref_slice %arg6[%arg0, %mul3A_92, %dma_start3A_93] : memref<2x10048x64xf32, #tpu.memory_space<hbm>> -> memref<1x628x64xf32, #tpu.memory_space<hbm>>
      %dma_start3A_95 = tpu.memref_squeeze %dma_start3A_94 : memref<1x628x64xf32, #tpu.memory_space<hbm>> -> memref<628x64xf32, #tpu.memory_space<hbm>>
      %dma_start3A_96 = arith.constant 0 : i32
      %dma_start3A_97 = tpu.memref_slice %arg14[%mul3A_90, %dma_start3A_96] : memref<10048x64xf32, #tpu.memory_space<vmem_shared>> -> memref<628x64xf32, #tpu.memory_space<vmem_shared>>
      tpu.enqueue_dma source(%dma_start3A_97 : memref<628x64xf32, #tpu.memory_space<vmem_shared>>) target(%dma_start3A_95 : memref<628x64xf32, #tpu.memory_space<hbm>>) target_semaphore(%run_scoped3A : memref<!tpu.dma_semaphore, #tpu.memory_space<semaphore_mem>>)
      %dma_wait3A_98 = arith.constant 0 : i32
      %dma_wait3A_99 = tpu.memref_slice %arg6[%arg0, %mul3A_92, %dma_wait3A_98] : memref<2x10048x64xf32, #tpu.memory_space<hbm>> -> memref<1x628x64xf32, #tpu.memory_space<hbm>>
      %dma_wait3A_100 = tpu.memref_squeeze %dma_wait3A_99 : memref<1x628x64xf32, #tpu.memory_space<hbm>> -> memref<628x64xf32, #tpu.memory_space<hbm>>
      %dma_wait3A_101 = arith.constant 0 : i32
      %dma_wait3A_102 = tpu.memref_slice %arg14[%mul3A_90, %dma_wait3A_101] : memref<10048x64xf32, #tpu.memory_space<vmem_shared>> -> memref<628x64xf32, #tpu.memory_space<vmem_shared>>
      tpu.wait_dma2 semaphore(%run_scoped3A : memref<!tpu.dma_semaphore, #tpu.memory_space<semaphore_mem>>) src(%dma_wait3A_102 : memref<628x64xf32, #tpu.memory_space<vmem_shared>>) dst(%dma_wait3A_100 : memref<628x64xf32, #tpu.memory_space<hbm>>)
      tpu.yield
    }) : () -> ()
    return
  }
}

#map = affine_map<(d0, d1) -> (0, 0)>
#map1 = affine_map<(d0, d1) -> (0, 0, 0)>
module attributes {stable_mosaic.version = 14 : i64} {
  func.func @body(%arg0: i32, %arg1: i32, %arg2: memref<10000x64xf32, #tpu.memory_space<hbm>>, %arg3: memref<2705x128xi32, #tpu.memory_space<hbm>>, %arg4: memref<2705x128xi32, #tpu.memory_space<hbm>>, %arg5: memref<628x64xf32, #tpu.memory_space<hbm>>, %arg6: memref<628x8xf32, #tpu.memory_space<hbm>>, %arg7: memref<128x8xf32, #tpu.memory_space<hbm>>, %arg8: memref<2x10048x64xf32, #tpu.memory_space<hbm>>, %arg9: memref<2x10048x8xf32, #tpu.memory_space<hbm>>, %arg10: memref<145x128xi32, #tpu.memory_space<vmem>>, %arg11: memref<145x128xi32, #tpu.memory_space<vmem>>, %arg12: memref<128x64xf32, #tpu.memory_space<vmem>>, %arg13: memref<128x64xf32, #tpu.memory_space<vmem>>, %arg14: memref<128x64xf32, #tpu.memory_space<vmem>>, %arg15: memref<128x64xf32, #tpu.memory_space<vmem>>, %arg16: memref<128x64xf32, #tpu.memory_space<vmem>>, %arg17: memref<10048x64xf32, #tpu.memory_space<vmem_shared>>, %arg18: memref<!tpu.dma_semaphore, #tpu.memory_space<semaphore_mem>>, %arg19: memref<!tpu.dma_semaphore, #tpu.memory_space<semaphore_mem>>, %arg20: memref<!tpu.dma_semaphore, #tpu.memory_space<semaphore_mem>>, %arg21: memref<!tpu.dma_semaphore, #tpu.memory_space<semaphore_mem>>, %arg22: memref<!tpu.dma_semaphore, #tpu.memory_space<semaphore_mem>>, %arg23: memref<!tpu.dma_semaphore, #tpu.memory_space<semaphore_mem>>, %arg24: memref<!tpu.dma_semaphore, #tpu.memory_space<semaphore_mem>>, %arg25: memref<!tpu.dma_semaphore, #tpu.memory_space<semaphore_mem>>, %arg26: memref<!tpu.dma_semaphore, #tpu.memory_space<semaphore_mem>>, %arg27: memref<!tpu.dma_semaphore, #tpu.memory_space<semaphore_mem>>, %arg28: memref<128x8xf32, #tpu.memory_space<vmem>>, %arg29: memref<10048x8xf32, #tpu.memory_space<vmem_shared>>) attributes {dimension_semantics = [#tpu.dimension_semantics<core_parallel>, #tpu.dimension_semantics<subcore_parallel>], iteration_bounds = array<i64: 2, 16>, scalar_prefetch = 0 : i64, scratch_operands = 20 : i64, tpu.core_type = #tpu.core_type<sc_vector_subcore>, window_params = [{transform_indices = #map}, {transform_indices = #map}, {transform_indices = #map}, {transform_indices = #map}, {transform_indices = #map}, {transform_indices = #map}, {transform_indices = #map1}, {transform_indices = #map1}]} {
    %eq3A = arith.constant 0 : i32
    %eq3A_0 = arith.cmpi eq, %arg0, %eq3A : i32
    %mul3A = arith.constant 145 : i32
    %mul3A_1 = arith.muli %arg1, %mul3A : i32
    %mul3A_2 = arith.constant 15 : i32
    %mul3A_3 = arith.muli %arg1, %mul3A_2 : i32
    %add3A = arith.constant 2320 : i32
    %add3A_4 = arith.addi %add3A, %mul3A_3 : i32
    %select_n3A = arith.select %eq3A_0, %mul3A_1, %add3A_4 : i32
    %eq3A_5 = arith.constant 0 : i32
    %eq3A_6 = arith.cmpi eq, %arg0, %eq3A_5 : i32
    %jit3A = arith.constant 145 : i32
    %jit3A_7 = arith.constant 15 : i32
    %select_n3A_8 = arith.select %eq3A_6, %jit3A, %jit3A_7 : i32
    %eq3A_9 = arith.constant 0 : i32
    %eq3A_10 = arith.cmpi eq, %arg0, %eq3A_9 : i32
    %convert_element_type3A = arith.extui %eq3A_10 : i1 to i32
    %cond3A = arith.constant 0 : i32
    %cond3A_11 = arith.cmpi ne, %convert_element_type3A, %cond3A : i32
    scf.if %cond3A_11 {
      %mul3A_106 = arith.constant 145 : i32
      %mul3A_107 = arith.muli %arg1, %mul3A_106 : i32
      "tpu.region"() ({
        %run_scoped3A = tpu.sem_alloc : memref<!tpu.dma_semaphore, #tpu.memory_space<semaphore_mem>>
        %dma_start3A_110 = arith.constant 0 : i32
        %dma_start3A_111 = arith.constant 0 : i32
        %dma_start3A_112 = tpu.memref_slice %arg10[%dma_start3A_110, %dma_start3A_111] : memref<145x128xi32, #tpu.memory_space<vmem>> -> memref<145x128xi32, #tpu.memory_space<vmem>>
        %dma_start3A_113 = arith.constant 0 : i32
        %dma_start3A_114 = tpu.memref_slice %arg3[%mul3A_107, %dma_start3A_113] : memref<2705x128xi32, #tpu.memory_space<hbm>> -> memref<145x128xi32, #tpu.memory_space<hbm>>
        %dma_start3A_115 = arith.constant 0 : i32
        %dma_start3A_116 = arith.constant 0 : i32
        %dma_start3A_117 = tpu.memref_slice %arg10[%dma_start3A_115, %dma_start3A_116] : memref<145x128xi32, #tpu.memory_space<vmem>> -> memref<145x128xi32, #tpu.memory_space<vmem>>
        %dma_start3A_118 = arith.constant 0 : i32
        %dma_start3A_119 = tpu.memref_slice %arg3[%mul3A_107, %dma_start3A_118] : memref<2705x128xi32, #tpu.memory_space<hbm>> -> memref<145x128xi32, #tpu.memory_space<hbm>>
        tpu.enqueue_dma source(%dma_start3A_119 : memref<145x128xi32, #tpu.memory_space<hbm>>) target(%dma_start3A_117 : memref<145x128xi32, #tpu.memory_space<vmem>>) target_semaphore(%run_scoped3A : memref<!tpu.dma_semaphore, #tpu.memory_space<semaphore_mem>>)
        %dma_wait3A_120 = arith.constant 0 : i32
        %dma_wait3A_121 = arith.constant 0 : i32
        %dma_wait3A_122 = tpu.memref_slice %arg10[%dma_wait3A_120, %dma_wait3A_121] : memref<145x128xi32, #tpu.memory_space<vmem>> -> memref<145x128xi32, #tpu.memory_space<vmem>>
        %dma_wait3A_123 = arith.constant 0 : i32
        %dma_wait3A_124 = tpu.memref_slice %arg3[%mul3A_107, %dma_wait3A_123] : memref<2705x128xi32, #tpu.memory_space<hbm>> -> memref<145x128xi32, #tpu.memory_space<hbm>>
        %dma_wait3A_125 = arith.constant 0 : i32
        %dma_wait3A_126 = arith.constant 0 : i32
        %dma_wait3A_127 = tpu.memref_slice %arg10[%dma_wait3A_125, %dma_wait3A_126] : memref<145x128xi32, #tpu.memory_space<vmem>> -> memref<145x128xi32, #tpu.memory_space<vmem>>
        %dma_wait3A_128 = arith.constant 0 : i32
        %dma_wait3A_129 = tpu.memref_slice %arg3[%mul3A_107, %dma_wait3A_128] : memref<2705x128xi32, #tpu.memory_space<hbm>> -> memref<145x128xi32, #tpu.memory_space<hbm>>
        tpu.wait_dma2 semaphore(%run_scoped3A : memref<!tpu.dma_semaphore, #tpu.memory_space<semaphore_mem>>) src(%dma_wait3A_129 : memref<145x128xi32, #tpu.memory_space<hbm>>) dst(%dma_wait3A_127 : memref<145x128xi32, #tpu.memory_space<vmem>>)
        tpu.yield
      }) : () -> ()
      %mul3A_108 = arith.constant 145 : i32
      %mul3A_109 = arith.muli %arg1, %mul3A_108 : i32
      "tpu.region"() ({
        %run_scoped3A = tpu.sem_alloc : memref<!tpu.dma_semaphore, #tpu.memory_space<semaphore_mem>>
        %dma_start3A_110 = arith.constant 0 : i32
        %dma_start3A_111 = arith.constant 0 : i32
        %dma_start3A_112 = tpu.memref_slice %arg11[%dma_start3A_110, %dma_start3A_111] : memref<145x128xi32, #tpu.memory_space<vmem>> -> memref<145x128xi32, #tpu.memory_space<vmem>>
        %dma_start3A_113 = arith.constant 0 : i32
        %dma_start3A_114 = tpu.memref_slice %arg4[%mul3A_109, %dma_start3A_113] : memref<2705x128xi32, #tpu.memory_space<hbm>> -> memref<145x128xi32, #tpu.memory_space<hbm>>
        %dma_start3A_115 = arith.constant 0 : i32
        %dma_start3A_116 = arith.constant 0 : i32
        %dma_start3A_117 = tpu.memref_slice %arg11[%dma_start3A_115, %dma_start3A_116] : memref<145x128xi32, #tpu.memory_space<vmem>> -> memref<145x128xi32, #tpu.memory_space<vmem>>
        %dma_start3A_118 = arith.constant 0 : i32
        %dma_start3A_119 = tpu.memref_slice %arg4[%mul3A_109, %dma_start3A_118] : memref<2705x128xi32, #tpu.memory_space<hbm>> -> memref<145x128xi32, #tpu.memory_space<hbm>>
        tpu.enqueue_dma source(%dma_start3A_119 : memref<145x128xi32, #tpu.memory_space<hbm>>) target(%dma_start3A_117 : memref<145x128xi32, #tpu.memory_space<vmem>>) target_semaphore(%run_scoped3A : memref<!tpu.dma_semaphore, #tpu.memory_space<semaphore_mem>>)
        %dma_wait3A_120 = arith.constant 0 : i32
        %dma_wait3A_121 = arith.constant 0 : i32
        %dma_wait3A_122 = tpu.memref_slice %arg11[%dma_wait3A_120, %dma_wait3A_121] : memref<145x128xi32, #tpu.memory_space<vmem>> -> memref<145x128xi32, #tpu.memory_space<vmem>>
        %dma_wait3A_123 = arith.constant 0 : i32
        %dma_wait3A_124 = tpu.memref_slice %arg4[%mul3A_109, %dma_wait3A_123] : memref<2705x128xi32, #tpu.memory_space<hbm>> -> memref<145x128xi32, #tpu.memory_space<hbm>>
        %dma_wait3A_125 = arith.constant 0 : i32
        %dma_wait3A_126 = arith.constant 0 : i32
        %dma_wait3A_127 = tpu.memref_slice %arg11[%dma_wait3A_125, %dma_wait3A_126] : memref<145x128xi32, #tpu.memory_space<vmem>> -> memref<145x128xi32, #tpu.memory_space<vmem>>
        %dma_wait3A_128 = arith.constant 0 : i32
        %dma_wait3A_129 = tpu.memref_slice %arg4[%mul3A_109, %dma_wait3A_128] : memref<2705x128xi32, #tpu.memory_space<hbm>> -> memref<145x128xi32, #tpu.memory_space<hbm>>
        tpu.wait_dma2 semaphore(%run_scoped3A : memref<!tpu.dma_semaphore, #tpu.memory_space<semaphore_mem>>) src(%dma_wait3A_129 : memref<145x128xi32, #tpu.memory_space<hbm>>) dst(%dma_wait3A_127 : memref<145x128xi32, #tpu.memory_space<vmem>>)
        tpu.yield
      }) : () -> ()
    } else {
    }
    %eq3A_12 = arith.constant 1 : i32
    %eq3A_13 = arith.cmpi eq, %arg0, %eq3A_12 : i32
    %convert_element_type3A_14 = arith.extui %eq3A_13 : i1 to i32
    %cond3A_15 = arith.constant 0 : i32
    %cond3A_16 = arith.cmpi ne, %convert_element_type3A_14, %cond3A_15 : i32
    scf.if %cond3A_16 {
      %mul3A_106 = arith.constant 15 : i32
      %mul3A_107 = arith.muli %arg1, %mul3A_106 : i32
      %add3A_108 = arith.constant 2320 : i32
      %add3A_109 = arith.addi %add3A_108, %mul3A_107 : i32
      "tpu.region"() ({
        %run_scoped3A = tpu.sem_alloc : memref<!tpu.dma_semaphore, #tpu.memory_space<semaphore_mem>>
        %dma_start3A_110 = arith.constant 0 : i32
        %dma_start3A_111 = arith.constant 0 : i32
        %dma_start3A_112 = tpu.memref_slice %arg10[%dma_start3A_110, %dma_start3A_111] : memref<145x128xi32, #tpu.memory_space<vmem>> -> memref<15x128xi32, #tpu.memory_space<vmem>>
        %dma_start3A_113 = arith.constant 0 : i32
        %dma_start3A_114 = tpu.memref_slice %arg3[%add3A_109, %dma_start3A_113] : memref<2705x128xi32, #tpu.memory_space<hbm>> -> memref<15x128xi32, #tpu.memory_space<hbm>>
        %dma_start3A_115 = arith.constant 0 : i32
        %dma_start3A_116 = arith.constant 0 : i32
        %dma_start3A_117 = tpu.memref_slice %arg10[%dma_start3A_115, %dma_start3A_116] : memref<145x128xi32, #tpu.memory_space<vmem>> -> memref<15x128xi32, #tpu.memory_space<vmem>>
        %dma_start3A_118 = arith.constant 0 : i32
        %dma_start3A_119 = tpu.memref_slice %arg3[%add3A_109, %dma_start3A_118] : memref<2705x128xi32, #tpu.memory_space<hbm>> -> memref<15x128xi32, #tpu.memory_space<hbm>>
        tpu.enqueue_dma source(%dma_start3A_119 : memref<15x128xi32, #tpu.memory_space<hbm>>) target(%dma_start3A_117 : memref<15x128xi32, #tpu.memory_space<vmem>>) target_semaphore(%run_scoped3A : memref<!tpu.dma_semaphore, #tpu.memory_space<semaphore_mem>>)
        %dma_wait3A_120 = arith.constant 0 : i32
        %dma_wait3A_121 = arith.constant 0 : i32
        %dma_wait3A_122 = tpu.memref_slice %arg10[%dma_wait3A_120, %dma_wait3A_121] : memref<145x128xi32, #tpu.memory_space<vmem>> -> memref<15x128xi32, #tpu.memory_space<vmem>>
        %dma_wait3A_123 = arith.constant 0 : i32
        %dma_wait3A_124 = tpu.memref_slice %arg3[%add3A_109, %dma_wait3A_123] : memref<2705x128xi32, #tpu.memory_space<hbm>> -> memref<15x128xi32, #tpu.memory_space<hbm>>
        %dma_wait3A_125 = arith.constant 0 : i32
        %dma_wait3A_126 = arith.constant 0 : i32
        %dma_wait3A_127 = tpu.memref_slice %arg10[%dma_wait3A_125, %dma_wait3A_126] : memref<145x128xi32, #tpu.memory_space<vmem>> -> memref<15x128xi32, #tpu.memory_space<vmem>>
        %dma_wait3A_128 = arith.constant 0 : i32
        %dma_wait3A_129 = tpu.memref_slice %arg3[%add3A_109, %dma_wait3A_128] : memref<2705x128xi32, #tpu.memory_space<hbm>> -> memref<15x128xi32, #tpu.memory_space<hbm>>
        tpu.wait_dma2 semaphore(%run_scoped3A : memref<!tpu.dma_semaphore, #tpu.memory_space<semaphore_mem>>) src(%dma_wait3A_129 : memref<15x128xi32, #tpu.memory_space<hbm>>) dst(%dma_wait3A_127 : memref<15x128xi32, #tpu.memory_space<vmem>>)
        tpu.yield
      }) : () -> ()
      "tpu.region"() ({
        %run_scoped3A = tpu.sem_alloc : memref<!tpu.dma_semaphore, #tpu.memory_space<semaphore_mem>>
        %dma_start3A_110 = arith.constant 0 : i32
        %dma_start3A_111 = arith.constant 0 : i32
        %dma_start3A_112 = tpu.memref_slice %arg11[%dma_start3A_110, %dma_start3A_111] : memref<145x128xi32, #tpu.memory_space<vmem>> -> memref<15x128xi32, #tpu.memory_space<vmem>>
        %dma_start3A_113 = arith.constant 0 : i32
        %dma_start3A_114 = tpu.memref_slice %arg4[%add3A_109, %dma_start3A_113] : memref<2705x128xi32, #tpu.memory_space<hbm>> -> memref<15x128xi32, #tpu.memory_space<hbm>>
        %dma_start3A_115 = arith.constant 0 : i32
        %dma_start3A_116 = arith.constant 0 : i32
        %dma_start3A_117 = tpu.memref_slice %arg11[%dma_start3A_115, %dma_start3A_116] : memref<145x128xi32, #tpu.memory_space<vmem>> -> memref<15x128xi32, #tpu.memory_space<vmem>>
        %dma_start3A_118 = arith.constant 0 : i32
        %dma_start3A_119 = tpu.memref_slice %arg4[%add3A_109, %dma_start3A_118] : memref<2705x128xi32, #tpu.memory_space<hbm>> -> memref<15x128xi32, #tpu.memory_space<hbm>>
        tpu.enqueue_dma source(%dma_start3A_119 : memref<15x128xi32, #tpu.memory_space<hbm>>) target(%dma_start3A_117 : memref<15x128xi32, #tpu.memory_space<vmem>>) target_semaphore(%run_scoped3A : memref<!tpu.dma_semaphore, #tpu.memory_space<semaphore_mem>>)
        %dma_wait3A_120 = arith.constant 0 : i32
        %dma_wait3A_121 = arith.constant 0 : i32
        %dma_wait3A_122 = tpu.memref_slice %arg11[%dma_wait3A_120, %dma_wait3A_121] : memref<145x128xi32, #tpu.memory_space<vmem>> -> memref<15x128xi32, #tpu.memory_space<vmem>>
        %dma_wait3A_123 = arith.constant 0 : i32
        %dma_wait3A_124 = tpu.memref_slice %arg4[%add3A_109, %dma_wait3A_123] : memref<2705x128xi32, #tpu.memory_space<hbm>> -> memref<15x128xi32, #tpu.memory_space<hbm>>
        %dma_wait3A_125 = arith.constant 0 : i32
        %dma_wait3A_126 = arith.constant 0 : i32
        %dma_wait3A_127 = tpu.memref_slice %arg11[%dma_wait3A_125, %dma_wait3A_126] : memref<145x128xi32, #tpu.memory_space<vmem>> -> memref<15x128xi32, #tpu.memory_space<vmem>>
        %dma_wait3A_128 = arith.constant 0 : i32
        %dma_wait3A_129 = tpu.memref_slice %arg4[%add3A_109, %dma_wait3A_128] : memref<2705x128xi32, #tpu.memory_space<hbm>> -> memref<15x128xi32, #tpu.memory_space<hbm>>
        tpu.wait_dma2 semaphore(%run_scoped3A : memref<!tpu.dma_semaphore, #tpu.memory_space<semaphore_mem>>) src(%dma_wait3A_129 : memref<15x128xi32, #tpu.memory_space<hbm>>) dst(%dma_wait3A_127 : memref<15x128xi32, #tpu.memory_space<vmem>>)
        tpu.yield
      }) : () -> ()
    } else {
    }
    %mul3A_17 = arith.constant 628 : i32
    %mul3A_18 = arith.muli %arg1, %mul3A_17 : i32
    "tpu.region"() ({
      %run_scoped3A = tpu.sem_alloc : memref<!tpu.dma_semaphore, #tpu.memory_space<semaphore_mem>>
      %dma_start3A_106 = arith.constant 0 : i32
      %dma_start3A_107 = tpu.memref_slice %arg17[%mul3A_18, %dma_start3A_106] : memref<10048x64xf32, #tpu.memory_space<vmem_shared>> -> memref<628x64xf32, #tpu.memory_space<vmem_shared>>
      tpu.enqueue_dma source(%arg5 : memref<628x64xf32, #tpu.memory_space<hbm>>) target(%dma_start3A_107 : memref<628x64xf32, #tpu.memory_space<vmem_shared>>) target_semaphore(%run_scoped3A : memref<!tpu.dma_semaphore, #tpu.memory_space<semaphore_mem>>)
      %dma_wait3A_108 = arith.constant 0 : i32
      %dma_wait3A_109 = tpu.memref_slice %arg17[%mul3A_18, %dma_wait3A_108] : memref<10048x64xf32, #tpu.memory_space<vmem_shared>> -> memref<628x64xf32, #tpu.memory_space<vmem_shared>>
      tpu.wait_dma2 semaphore(%run_scoped3A : memref<!tpu.dma_semaphore, #tpu.memory_space<semaphore_mem>>) src(%arg5 : memref<628x64xf32, #tpu.memory_space<hbm>>) dst(%dma_wait3A_109 : memref<628x64xf32, #tpu.memory_space<vmem_shared>>)
      tpu.yield
    }) : () -> ()
    "tpu.region"() ({
      %run_scoped3A = tpu.sem_alloc : memref<!tpu.dma_semaphore, #tpu.memory_space<semaphore_mem>>
      tpu.enqueue_dma source(%arg7 : memref<128x8xf32, #tpu.memory_space<hbm>>) target(%arg28 : memref<128x8xf32, #tpu.memory_space<vmem>>) target_semaphore(%run_scoped3A : memref<!tpu.dma_semaphore, #tpu.memory_space<semaphore_mem>>)
      tpu.wait_dma2 semaphore(%run_scoped3A : memref<!tpu.dma_semaphore, #tpu.memory_space<semaphore_mem>>) src(%arg7 : memref<128x8xf32, #tpu.memory_space<hbm>>) dst(%arg28 : memref<128x8xf32, #tpu.memory_space<vmem>>)
      tpu.yield
    }) : () -> ()
    %mul3A_19 = arith.constant 628 : i32
    %mul3A_20 = arith.muli %arg1, %mul3A_19 : i32
    "tpu.region"() ({
      %run_scoped3A = tpu.sem_alloc : memref<!tpu.dma_semaphore, #tpu.memory_space<semaphore_mem>>
      %dma_start3A_106 = arith.constant 0 : i32
      %dma_start3A_107 = tpu.memref_slice %arg29[%mul3A_20, %dma_start3A_106] : memref<10048x8xf32, #tpu.memory_space<vmem_shared>> -> memref<628x8xf32, #tpu.memory_space<vmem_shared>>
      tpu.enqueue_dma source(%arg6 : memref<628x8xf32, #tpu.memory_space<hbm>>) target(%dma_start3A_107 : memref<628x8xf32, #tpu.memory_space<vmem_shared>>) target_semaphore(%run_scoped3A : memref<!tpu.dma_semaphore, #tpu.memory_space<semaphore_mem>>)
      %dma_wait3A_108 = arith.constant 0 : i32
      %dma_wait3A_109 = tpu.memref_slice %arg29[%mul3A_20, %dma_wait3A_108] : memref<10048x8xf32, #tpu.memory_space<vmem_shared>> -> memref<628x8xf32, #tpu.memory_space<vmem_shared>>
      tpu.wait_dma2 semaphore(%run_scoped3A : memref<!tpu.dma_semaphore, #tpu.memory_space<semaphore_mem>>) src(%arg6 : memref<628x8xf32, #tpu.memory_space<hbm>>) dst(%dma_wait3A_109 : memref<628x8xf32, #tpu.memory_space<vmem_shared>>)
      tpu.yield
    }) : () -> ()
    %barrier3A = arith.constant 0 : index
    tpu.barrier barrier_id(%barrier3A)
    %dma_start3A = arith.constant 0 : i32
    %dma_start3A_21 = arith.constant 0 : i32
    %dma_start3A_22 = tpu.memref_slice %arg10[%dma_start3A, %dma_start3A_21] : memref<145x128xi32, #tpu.memory_space<vmem>> -> memref<1x128xi32, #tpu.memory_space<vmem>>
    %dma_start3A_23 = tpu.memref_squeeze %dma_start3A_22 : memref<1x128xi32, #tpu.memory_space<vmem>> -> memref<128xi32, #tpu.memory_space<vmem>>
    %dma_start3A_24 = arith.constant 0 : i32
    %dma_start3A_25 = arith.constant 0 : i32
    %dma_start3A_26 = tpu.memref_slice %arg2[%dma_start3A_24, %dma_start3A_25] : memref<10000x64xf32, #tpu.memory_space<hbm>> -> memref<10000x64xf32, #tpu.memory_space<hbm>>
    tpu.enqueue_indirect_dma source(%dma_start3A_26 : memref<10000x64xf32, #tpu.memory_space<hbm>>) target(%arg12 : memref<128x64xf32, #tpu.memory_space<vmem>>) offsets(%dma_start3A_23 : memref<128xi32, #tpu.memory_space<vmem>>) semaphore(%arg18 : memref<!tpu.dma_semaphore, #tpu.memory_space<semaphore_mem>>)
    %dma_start3A_27 = arith.constant 1 : i32
    %dma_start3A_28 = arith.constant 0 : i32
    %dma_start3A_29 = tpu.memref_slice %arg10[%dma_start3A_27, %dma_start3A_28] : memref<145x128xi32, #tpu.memory_space<vmem>> -> memref<1x128xi32, #tpu.memory_space<vmem>>
    %dma_start3A_30 = tpu.memref_squeeze %dma_start3A_29 : memref<1x128xi32, #tpu.memory_space<vmem>> -> memref<128xi32, #tpu.memory_space<vmem>>
    %dma_start3A_31 = arith.constant 0 : i32
    %dma_start3A_32 = arith.constant 0 : i32
    %dma_start3A_33 = tpu.memref_slice %arg2[%dma_start3A_31, %dma_start3A_32] : memref<10000x64xf32, #tpu.memory_space<hbm>> -> memref<10000x64xf32, #tpu.memory_space<hbm>>
    tpu.enqueue_indirect_dma source(%dma_start3A_33 : memref<10000x64xf32, #tpu.memory_space<hbm>>) target(%arg13 : memref<128x64xf32, #tpu.memory_space<vmem>>) offsets(%dma_start3A_30 : memref<128xi32, #tpu.memory_space<vmem>>) semaphore(%arg19 : memref<!tpu.dma_semaphore, #tpu.memory_space<semaphore_mem>>)
    %dma_start3A_34 = arith.constant 2 : i32
    %dma_start3A_35 = arith.constant 0 : i32
    %dma_start3A_36 = tpu.memref_slice %arg10[%dma_start3A_34, %dma_start3A_35] : memref<145x128xi32, #tpu.memory_space<vmem>> -> memref<1x128xi32, #tpu.memory_space<vmem>>
    %dma_start3A_37 = tpu.memref_squeeze %dma_start3A_36 : memref<1x128xi32, #tpu.memory_space<vmem>> -> memref<128xi32, #tpu.memory_space<vmem>>
    %dma_start3A_38 = arith.constant 0 : i32
    %dma_start3A_39 = arith.constant 0 : i32
    %dma_start3A_40 = tpu.memref_slice %arg2[%dma_start3A_38, %dma_start3A_39] : memref<10000x64xf32, #tpu.memory_space<hbm>> -> memref<10000x64xf32, #tpu.memory_space<hbm>>
    tpu.enqueue_indirect_dma source(%dma_start3A_40 : memref<10000x64xf32, #tpu.memory_space<hbm>>) target(%arg14 : memref<128x64xf32, #tpu.memory_space<vmem>>) offsets(%dma_start3A_37 : memref<128xi32, #tpu.memory_space<vmem>>) semaphore(%arg20 : memref<!tpu.dma_semaphore, #tpu.memory_space<semaphore_mem>>)
    %dma_start3A_41 = arith.constant 3 : i32
    %dma_start3A_42 = arith.constant 0 : i32
    %dma_start3A_43 = tpu.memref_slice %arg10[%dma_start3A_41, %dma_start3A_42] : memref<145x128xi32, #tpu.memory_space<vmem>> -> memref<1x128xi32, #tpu.memory_space<vmem>>
    %dma_start3A_44 = tpu.memref_squeeze %dma_start3A_43 : memref<1x128xi32, #tpu.memory_space<vmem>> -> memref<128xi32, #tpu.memory_space<vmem>>
    %dma_start3A_45 = arith.constant 0 : i32
    %dma_start3A_46 = arith.constant 0 : i32
    %dma_start3A_47 = tpu.memref_slice %arg2[%dma_start3A_45, %dma_start3A_46] : memref<10000x64xf32, #tpu.memory_space<hbm>> -> memref<10000x64xf32, #tpu.memory_space<hbm>>
    tpu.enqueue_indirect_dma source(%dma_start3A_47 : memref<10000x64xf32, #tpu.memory_space<hbm>>) target(%arg15 : memref<128x64xf32, #tpu.memory_space<vmem>>) offsets(%dma_start3A_44 : memref<128xi32, #tpu.memory_space<vmem>>) semaphore(%arg21 : memref<!tpu.dma_semaphore, #tpu.memory_space<semaphore_mem>>)
    %jit3A_48 = arith.constant 5 : i32
    %div3A = arith.divsi %select_n3A_8, %jit3A_48 : i32
    %sign3A = arith.constant 0 : i32
    %sign3A_49 = arith.cmpi sgt, %select_n3A_8, %sign3A : i32
    %sign3A_50 = arith.extui %sign3A_49 : i1 to i32
    %sign3A_51 = arith.constant 0 : i32
    %sign3A_52 = arith.cmpi slt, %select_n3A_8, %sign3A_51 : i32
    %sign3A_53 = arith.extui %sign3A_52 : i1 to i32
    %sign3A_54 = arith.subi %sign3A_50, %sign3A_53 : i32
    %sign3A_55 = arith.constant 0 : i32
    %sign3A_56 = arith.cmpi sgt, %jit3A_48, %sign3A_55 : i32
    %sign3A_57 = arith.extui %sign3A_56 : i1 to i32
    %sign3A_58 = arith.constant 0 : i32
    %sign3A_59 = arith.cmpi slt, %jit3A_48, %sign3A_58 : i32
    %sign3A_60 = arith.extui %sign3A_59 : i1 to i32
    %sign3A_61 = arith.subi %sign3A_57, %sign3A_60 : i32
    %ne3A = arith.cmpi ne, %sign3A_54, %sign3A_61 : i32
    %rem3A = arith.remsi %select_n3A_8, %jit3A_48 : i32
    %ne3A_62 = arith.constant 0 : i32
    %ne3A_63 = arith.cmpi ne, %rem3A, %ne3A_62 : i32
    %and3A = arith.andi %ne3A, %ne3A_63 : i1
    %sub3A = arith.constant 1 : i32
    %sub3A_64 = arith.subi %div3A, %sub3A : i32
    %select_n3A_65 = arith.select %and3A, %sub3A_64, %div3A : i32
    %sub3A_66 = arith.constant 0 : i32
    %sub3A_67 = arith.subi %select_n3A_65, %sub3A_66 : i32
    %sub3A_68 = arith.constant 1 : i32
    %sub3A_69 = arith.constant 1 : i32
    %sub3A_70 = arith.subi %sub3A_68, %sub3A_69 : i32
    %add3A_71 = arith.addi %sub3A_67, %sub3A_70 : i32
    %div3A_72 = arith.constant 1 : i32
    %div3A_73 = arith.divsi %add3A_71, %div3A_72 : i32
    %while3A = arith.constant 1 : i32
    %while3A_74 = arith.constant 0 : i32
    %while3A_75 = arith.constant 0 : i32
    %while3A_76 = arith.subi %div3A_73, %while3A_75 : i32
    %while3A_77 = arith.addi %while3A_75, %while3A_76 : i32
    %while3A_78 = arith.constant 1 : i32
    %while3A_79 = arith.divsi %while3A_76, %while3A_78 : i32
    %while3A_80 = arith.muli %while3A_79, %while3A_78 : i32
    %while3A_81 = arith.addi %while3A_75, %while3A_80 : i32
    %while3A_82 = arith.constant 1 : i32
    scf.for %while3A_106 = %while3A_75 to %while3A_81 step %while3A_82  : i32 {
      %mul3A_107 = arith.muli %while3A_106, %while3A : i32
      %add3A_108 = arith.addi %while3A_74, %mul3A_107 : i32
      %mul3A_109 = arith.constant 5 : i32
      %mul3A_110 = arith.muli %add3A_108, %mul3A_109 : i32
      %add3A_111 = arith.constant 0 : i32
      %add3A_112 = arith.addi %mul3A_110, %add3A_111 : i32
      %dma_wait3A_113 = arith.constant 0 : i32
      %dma_wait3A_114 = tpu.memref_slice %arg10[%add3A_112, %dma_wait3A_113] : memref<145x128xi32, #tpu.memory_space<vmem>> -> memref<1x128xi32, #tpu.memory_space<vmem>>
      %dma_wait3A_115 = tpu.memref_squeeze %dma_wait3A_114 : memref<1x128xi32, #tpu.memory_space<vmem>> -> memref<128xi32, #tpu.memory_space<vmem>>
      %dma_wait3A_116 = arith.constant 0 : i32
      %dma_wait3A_117 = arith.constant 0 : i32
      %dma_wait3A_118 = tpu.memref_slice %arg2[%dma_wait3A_116, %dma_wait3A_117] : memref<10000x64xf32, #tpu.memory_space<hbm>> -> memref<10000x64xf32, #tpu.memory_space<hbm>>
      tpu.wait_indirect_dma semaphore(%arg18 : memref<!tpu.dma_semaphore, #tpu.memory_space<semaphore_mem>>) src(%dma_wait3A_118 : memref<10000x64xf32, #tpu.memory_space<hbm>>) dst(%arg12 : memref<128x64xf32, #tpu.memory_space<vmem>>)
      %dma_start3A_119 = arith.constant 0 : i32
      %dma_start3A_120 = tpu.memref_slice %arg11[%add3A_112, %dma_start3A_119] : memref<145x128xi32, #tpu.memory_space<vmem>> -> memref<1x128xi32, #tpu.memory_space<vmem>>
      %dma_start3A_121 = tpu.memref_squeeze %dma_start3A_120 : memref<1x128xi32, #tpu.memory_space<vmem>> -> memref<128xi32, #tpu.memory_space<vmem>>
      %dma_start3A_122 = arith.constant 0 : i32
      %dma_start3A_123 = arith.constant 0 : i32
      %dma_start3A_124 = tpu.memref_slice %arg17[%dma_start3A_122, %dma_start3A_123] : memref<10048x64xf32, #tpu.memory_space<vmem_shared>> -> memref<10048x64xf32, #tpu.memory_space<vmem_shared>>
      tpu.enqueue_indirect_dma source(%arg12 : memref<128x64xf32, #tpu.memory_space<vmem>>) target(%dma_start3A_124 : memref<10048x64xf32, #tpu.memory_space<vmem_shared>>) offsets(%dma_start3A_121 : memref<128xi32, #tpu.memory_space<vmem>>) semaphore(%arg23 : memref<!tpu.dma_semaphore, #tpu.memory_space<semaphore_mem>>) {add = true}
      %dma_start3A_125 = arith.constant 0 : i32
      %dma_start3A_126 = tpu.memref_slice %arg11[%add3A_112, %dma_start3A_125] : memref<145x128xi32, #tpu.memory_space<vmem>> -> memref<1x128xi32, #tpu.memory_space<vmem>>
      %dma_start3A_127 = tpu.memref_squeeze %dma_start3A_126 : memref<1x128xi32, #tpu.memory_space<vmem>> -> memref<128xi32, #tpu.memory_space<vmem>>
      %dma_start3A_128 = arith.constant 0 : i32
      %dma_start3A_129 = arith.constant 0 : i32
      %dma_start3A_130 = tpu.memref_slice %arg29[%dma_start3A_128, %dma_start3A_129] : memref<10048x8xf32, #tpu.memory_space<vmem_shared>> -> memref<10048x8xf32, #tpu.memory_space<vmem_shared>>
      tpu.enqueue_indirect_dma source(%arg28 : memref<128x8xf32, #tpu.memory_space<vmem>>) target(%dma_start3A_130 : memref<10048x8xf32, #tpu.memory_space<vmem_shared>>) offsets(%dma_start3A_127 : memref<128xi32, #tpu.memory_space<vmem>>) semaphore(%arg23 : memref<!tpu.dma_semaphore, #tpu.memory_space<semaphore_mem>>) {add = true}
      %add3A_131 = arith.constant 4 : i32
      %add3A_132 = arith.addi %add3A_112, %add3A_131 : i32
      %sub3A_133 = arith.constant 5 : i32
      %sub3A_134 = arith.subi %add3A_132, %sub3A_133 : i32
      %ge3A = arith.constant 0 : i32
      %ge3A_135 = arith.cmpi sge, %sub3A_134, %ge3A : i32
      %convert_element_type3A_136 = arith.extui %ge3A_135 : i1 to i32
      %cond3A_137 = arith.constant 0 : i32
      %cond3A_138 = arith.cmpi ne, %convert_element_type3A_136, %cond3A_137 : i32
      scf.if %cond3A_138 {
        %dma_wait3A_282 = arith.constant 0 : i32
        %dma_wait3A_283 = tpu.memref_slice %arg11[%add3A_112, %dma_wait3A_282] : memref<145x128xi32, #tpu.memory_space<vmem>> -> memref<1x128xi32, #tpu.memory_space<vmem>>
        %dma_wait3A_284 = tpu.memref_squeeze %dma_wait3A_283 : memref<1x128xi32, #tpu.memory_space<vmem>> -> memref<128xi32, #tpu.memory_space<vmem>>
        %dma_wait3A_285 = arith.constant 0 : i32
        %dma_wait3A_286 = arith.constant 0 : i32
        %dma_wait3A_287 = tpu.memref_slice %arg17[%dma_wait3A_285, %dma_wait3A_286] : memref<10048x64xf32, #tpu.memory_space<vmem_shared>> -> memref<10048x64xf32, #tpu.memory_space<vmem_shared>>
        tpu.wait_indirect_dma semaphore(%arg27 : memref<!tpu.dma_semaphore, #tpu.memory_space<semaphore_mem>>) src(%arg16 : memref<128x64xf32, #tpu.memory_space<vmem>>) dst(%dma_wait3A_287 : memref<10048x64xf32, #tpu.memory_space<vmem_shared>>)
        %dma_wait3A_288 = arith.constant 0 : i32
        %dma_wait3A_289 = tpu.memref_slice %arg11[%add3A_112, %dma_wait3A_288] : memref<145x128xi32, #tpu.memory_space<vmem>> -> memref<1x128xi32, #tpu.memory_space<vmem>>
        %dma_wait3A_290 = tpu.memref_squeeze %dma_wait3A_289 : memref<1x128xi32, #tpu.memory_space<vmem>> -> memref<128xi32, #tpu.memory_space<vmem>>
        %dma_wait3A_291 = arith.constant 0 : i32
        %dma_wait3A_292 = arith.constant 0 : i32
        %dma_wait3A_293 = tpu.memref_slice %arg29[%dma_wait3A_291, %dma_wait3A_292] : memref<10048x8xf32, #tpu.memory_space<vmem_shared>> -> memref<10048x8xf32, #tpu.memory_space<vmem_shared>>
        tpu.wait_indirect_dma semaphore(%arg27 : memref<!tpu.dma_semaphore, #tpu.memory_space<semaphore_mem>>) src(%arg28 : memref<128x8xf32, #tpu.memory_space<vmem>>) dst(%dma_wait3A_293 : memref<10048x8xf32, #tpu.memory_space<vmem_shared>>)
      } else {
      }
      %lt3A = arith.cmpi slt, %add3A_132, %select_n3A_8 : i32
      %convert_element_type3A_139 = arith.extui %lt3A : i1 to i32
      %cond3A_140 = arith.constant 0 : i32
      %cond3A_141 = arith.cmpi ne, %convert_element_type3A_139, %cond3A_140 : i32
      scf.if %cond3A_141 {
        %dma_start3A_282 = arith.constant 0 : i32
        %dma_start3A_283 = tpu.memref_slice %arg10[%add3A_132, %dma_start3A_282] : memref<145x128xi32, #tpu.memory_space<vmem>> -> memref<1x128xi32, #tpu.memory_space<vmem>>
        %dma_start3A_284 = tpu.memref_squeeze %dma_start3A_283 : memref<1x128xi32, #tpu.memory_space<vmem>> -> memref<128xi32, #tpu.memory_space<vmem>>
        %dma_start3A_285 = arith.constant 0 : i32
        %dma_start3A_286 = arith.constant 0 : i32
        %dma_start3A_287 = tpu.memref_slice %arg2[%dma_start3A_285, %dma_start3A_286] : memref<10000x64xf32, #tpu.memory_space<hbm>> -> memref<10000x64xf32, #tpu.memory_space<hbm>>
        tpu.enqueue_indirect_dma source(%dma_start3A_287 : memref<10000x64xf32, #tpu.memory_space<hbm>>) target(%arg16 : memref<128x64xf32, #tpu.memory_space<vmem>>) offsets(%dma_start3A_284 : memref<128xi32, #tpu.memory_space<vmem>>) semaphore(%arg22 : memref<!tpu.dma_semaphore, #tpu.memory_space<semaphore_mem>>)
      } else {
      }
      %mul3A_142 = arith.constant 5 : i32
      %mul3A_143 = arith.muli %add3A_108, %mul3A_142 : i32
      %add3A_144 = arith.constant 1 : i32
      %add3A_145 = arith.addi %mul3A_143, %add3A_144 : i32
      %dma_wait3A_146 = arith.constant 0 : i32
      %dma_wait3A_147 = tpu.memref_slice %arg10[%add3A_145, %dma_wait3A_146] : memref<145x128xi32, #tpu.memory_space<vmem>> -> memref<1x128xi32, #tpu.memory_space<vmem>>
      %dma_wait3A_148 = tpu.memref_squeeze %dma_wait3A_147 : memref<1x128xi32, #tpu.memory_space<vmem>> -> memref<128xi32, #tpu.memory_space<vmem>>
      %dma_wait3A_149 = arith.constant 0 : i32
      %dma_wait3A_150 = arith.constant 0 : i32
      %dma_wait3A_151 = tpu.memref_slice %arg2[%dma_wait3A_149, %dma_wait3A_150] : memref<10000x64xf32, #tpu.memory_space<hbm>> -> memref<10000x64xf32, #tpu.memory_space<hbm>>
      tpu.wait_indirect_dma semaphore(%arg19 : memref<!tpu.dma_semaphore, #tpu.memory_space<semaphore_mem>>) src(%dma_wait3A_151 : memref<10000x64xf32, #tpu.memory_space<hbm>>) dst(%arg13 : memref<128x64xf32, #tpu.memory_space<vmem>>)
      %dma_start3A_152 = arith.constant 0 : i32
      %dma_start3A_153 = tpu.memref_slice %arg11[%add3A_145, %dma_start3A_152] : memref<145x128xi32, #tpu.memory_space<vmem>> -> memref<1x128xi32, #tpu.memory_space<vmem>>
      %dma_start3A_154 = tpu.memref_squeeze %dma_start3A_153 : memref<1x128xi32, #tpu.memory_space<vmem>> -> memref<128xi32, #tpu.memory_space<vmem>>
      %dma_start3A_155 = arith.constant 0 : i32
      %dma_start3A_156 = arith.constant 0 : i32
      %dma_start3A_157 = tpu.memref_slice %arg17[%dma_start3A_155, %dma_start3A_156] : memref<10048x64xf32, #tpu.memory_space<vmem_shared>> -> memref<10048x64xf32, #tpu.memory_space<vmem_shared>>
      tpu.enqueue_indirect_dma source(%arg13 : memref<128x64xf32, #tpu.memory_space<vmem>>) target(%dma_start3A_157 : memref<10048x64xf32, #tpu.memory_space<vmem_shared>>) offsets(%dma_start3A_154 : memref<128xi32, #tpu.memory_space<vmem>>) semaphore(%arg24 : memref<!tpu.dma_semaphore, #tpu.memory_space<semaphore_mem>>) {add = true}
      %dma_start3A_158 = arith.constant 0 : i32
      %dma_start3A_159 = tpu.memref_slice %arg11[%add3A_145, %dma_start3A_158] : memref<145x128xi32, #tpu.memory_space<vmem>> -> memref<1x128xi32, #tpu.memory_space<vmem>>
      %dma_start3A_160 = tpu.memref_squeeze %dma_start3A_159 : memref<1x128xi32, #tpu.memory_space<vmem>> -> memref<128xi32, #tpu.memory_space<vmem>>
      %dma_start3A_161 = arith.constant 0 : i32
      %dma_start3A_162 = arith.constant 0 : i32
      %dma_start3A_163 = tpu.memref_slice %arg29[%dma_start3A_161, %dma_start3A_162] : memref<10048x8xf32, #tpu.memory_space<vmem_shared>> -> memref<10048x8xf32, #tpu.memory_space<vmem_shared>>
      tpu.enqueue_indirect_dma source(%arg28 : memref<128x8xf32, #tpu.memory_space<vmem>>) target(%dma_start3A_163 : memref<10048x8xf32, #tpu.memory_space<vmem_shared>>) offsets(%dma_start3A_160 : memref<128xi32, #tpu.memory_space<vmem>>) semaphore(%arg24 : memref<!tpu.dma_semaphore, #tpu.memory_space<semaphore_mem>>) {add = true}
      %add3A_164 = arith.constant 4 : i32
      %add3A_165 = arith.addi %add3A_145, %add3A_164 : i32
      %sub3A_166 = arith.constant 5 : i32
      %sub3A_167 = arith.subi %add3A_165, %sub3A_166 : i32
      %ge3A_168 = arith.constant 0 : i32
      %ge3A_169 = arith.cmpi sge, %sub3A_167, %ge3A_168 : i32
      %convert_element_type3A_170 = arith.extui %ge3A_169 : i1 to i32
      %cond3A_171 = arith.constant 0 : i32
      %cond3A_172 = arith.cmpi ne, %convert_element_type3A_170, %cond3A_171 : i32
      scf.if %cond3A_172 {
        %dma_wait3A_282 = arith.constant 0 : i32
        %dma_wait3A_283 = tpu.memref_slice %arg11[%add3A_145, %dma_wait3A_282] : memref<145x128xi32, #tpu.memory_space<vmem>> -> memref<1x128xi32, #tpu.memory_space<vmem>>
        %dma_wait3A_284 = tpu.memref_squeeze %dma_wait3A_283 : memref<1x128xi32, #tpu.memory_space<vmem>> -> memref<128xi32, #tpu.memory_space<vmem>>
        %dma_wait3A_285 = arith.constant 0 : i32
        %dma_wait3A_286 = arith.constant 0 : i32
        %dma_wait3A_287 = tpu.memref_slice %arg17[%dma_wait3A_285, %dma_wait3A_286] : memref<10048x64xf32, #tpu.memory_space<vmem_shared>> -> memref<10048x64xf32, #tpu.memory_space<vmem_shared>>
        tpu.wait_indirect_dma semaphore(%arg23 : memref<!tpu.dma_semaphore, #tpu.memory_space<semaphore_mem>>) src(%arg12 : memref<128x64xf32, #tpu.memory_space<vmem>>) dst(%dma_wait3A_287 : memref<10048x64xf32, #tpu.memory_space<vmem_shared>>)
        %dma_wait3A_288 = arith.constant 0 : i32
        %dma_wait3A_289 = tpu.memref_slice %arg11[%add3A_145, %dma_wait3A_288] : memref<145x128xi32, #tpu.memory_space<vmem>> -> memref<1x128xi32, #tpu.memory_space<vmem>>
        %dma_wait3A_290 = tpu.memref_squeeze %dma_wait3A_289 : memref<1x128xi32, #tpu.memory_space<vmem>> -> memref<128xi32, #tpu.memory_space<vmem>>
        %dma_wait3A_291 = arith.constant 0 : i32
        %dma_wait3A_292 = arith.constant 0 : i32
        %dma_wait3A_293 = tpu.memref_slice %arg29[%dma_wait3A_291, %dma_wait3A_292] : memref<10048x8xf32, #tpu.memory_space<vmem_shared>> -> memref<10048x8xf32, #tpu.memory_space<vmem_shared>>
        tpu.wait_indirect_dma semaphore(%arg23 : memref<!tpu.dma_semaphore, #tpu.memory_space<semaphore_mem>>) src(%arg28 : memref<128x8xf32, #tpu.memory_space<vmem>>) dst(%dma_wait3A_293 : memref<10048x8xf32, #tpu.memory_space<vmem_shared>>)
      } else {
      }
      %lt3A_173 = arith.cmpi slt, %add3A_165, %select_n3A_8 : i32
      %convert_element_type3A_174 = arith.extui %lt3A_173 : i1 to i32
      %cond3A_175 = arith.constant 0 : i32
      %cond3A_176 = arith.cmpi ne, %convert_element_type3A_174, %cond3A_175 : i32
      scf.if %cond3A_176 {
        %dma_start3A_282 = arith.constant 0 : i32
        %dma_start3A_283 = tpu.memref_slice %arg10[%add3A_165, %dma_start3A_282] : memref<145x128xi32, #tpu.memory_space<vmem>> -> memref<1x128xi32, #tpu.memory_space<vmem>>
        %dma_start3A_284 = tpu.memref_squeeze %dma_start3A_283 : memref<1x128xi32, #tpu.memory_space<vmem>> -> memref<128xi32, #tpu.memory_space<vmem>>
        %dma_start3A_285 = arith.constant 0 : i32
        %dma_start3A_286 = arith.constant 0 : i32
        %dma_start3A_287 = tpu.memref_slice %arg2[%dma_start3A_285, %dma_start3A_286] : memref<10000x64xf32, #tpu.memory_space<hbm>> -> memref<10000x64xf32, #tpu.memory_space<hbm>>
        tpu.enqueue_indirect_dma source(%dma_start3A_287 : memref<10000x64xf32, #tpu.memory_space<hbm>>) target(%arg12 : memref<128x64xf32, #tpu.memory_space<vmem>>) offsets(%dma_start3A_284 : memref<128xi32, #tpu.memory_space<vmem>>) semaphore(%arg18 : memref<!tpu.dma_semaphore, #tpu.memory_space<semaphore_mem>>)
      } else {
      }
      %mul3A_177 = arith.constant 5 : i32
      %mul3A_178 = arith.muli %add3A_108, %mul3A_177 : i32
      %add3A_179 = arith.constant 2 : i32
      %add3A_180 = arith.addi %mul3A_178, %add3A_179 : i32
      %dma_wait3A_181 = arith.constant 0 : i32
      %dma_wait3A_182 = tpu.memref_slice %arg10[%add3A_180, %dma_wait3A_181] : memref<145x128xi32, #tpu.memory_space<vmem>> -> memref<1x128xi32, #tpu.memory_space<vmem>>
      %dma_wait3A_183 = tpu.memref_squeeze %dma_wait3A_182 : memref<1x128xi32, #tpu.memory_space<vmem>> -> memref<128xi32, #tpu.memory_space<vmem>>
      %dma_wait3A_184 = arith.constant 0 : i32
      %dma_wait3A_185 = arith.constant 0 : i32
      %dma_wait3A_186 = tpu.memref_slice %arg2[%dma_wait3A_184, %dma_wait3A_185] : memref<10000x64xf32, #tpu.memory_space<hbm>> -> memref<10000x64xf32, #tpu.memory_space<hbm>>
      tpu.wait_indirect_dma semaphore(%arg20 : memref<!tpu.dma_semaphore, #tpu.memory_space<semaphore_mem>>) src(%dma_wait3A_186 : memref<10000x64xf32, #tpu.memory_space<hbm>>) dst(%arg14 : memref<128x64xf32, #tpu.memory_space<vmem>>)
      %dma_start3A_187 = arith.constant 0 : i32
      %dma_start3A_188 = tpu.memref_slice %arg11[%add3A_180, %dma_start3A_187] : memref<145x128xi32, #tpu.memory_space<vmem>> -> memref<1x128xi32, #tpu.memory_space<vmem>>
      %dma_start3A_189 = tpu.memref_squeeze %dma_start3A_188 : memref<1x128xi32, #tpu.memory_space<vmem>> -> memref<128xi32, #tpu.memory_space<vmem>>
      %dma_start3A_190 = arith.constant 0 : i32
      %dma_start3A_191 = arith.constant 0 : i32
      %dma_start3A_192 = tpu.memref_slice %arg17[%dma_start3A_190, %dma_start3A_191] : memref<10048x64xf32, #tpu.memory_space<vmem_shared>> -> memref<10048x64xf32, #tpu.memory_space<vmem_shared>>
      tpu.enqueue_indirect_dma source(%arg14 : memref<128x64xf32, #tpu.memory_space<vmem>>) target(%dma_start3A_192 : memref<10048x64xf32, #tpu.memory_space<vmem_shared>>) offsets(%dma_start3A_189 : memref<128xi32, #tpu.memory_space<vmem>>) semaphore(%arg25 : memref<!tpu.dma_semaphore, #tpu.memory_space<semaphore_mem>>) {add = true}
      %dma_start3A_193 = arith.constant 0 : i32
      %dma_start3A_194 = tpu.memref_slice %arg11[%add3A_180, %dma_start3A_193] : memref<145x128xi32, #tpu.memory_space<vmem>> -> memref<1x128xi32, #tpu.memory_space<vmem>>
      %dma_start3A_195 = tpu.memref_squeeze %dma_start3A_194 : memref<1x128xi32, #tpu.memory_space<vmem>> -> memref<128xi32, #tpu.memory_space<vmem>>
      %dma_start3A_196 = arith.constant 0 : i32
      %dma_start3A_197 = arith.constant 0 : i32
      %dma_start3A_198 = tpu.memref_slice %arg29[%dma_start3A_196, %dma_start3A_197] : memref<10048x8xf32, #tpu.memory_space<vmem_shared>> -> memref<10048x8xf32, #tpu.memory_space<vmem_shared>>
      tpu.enqueue_indirect_dma source(%arg28 : memref<128x8xf32, #tpu.memory_space<vmem>>) target(%dma_start3A_198 : memref<10048x8xf32, #tpu.memory_space<vmem_shared>>) offsets(%dma_start3A_195 : memref<128xi32, #tpu.memory_space<vmem>>) semaphore(%arg25 : memref<!tpu.dma_semaphore, #tpu.memory_space<semaphore_mem>>) {add = true}
      %add3A_199 = arith.constant 4 : i32
      %add3A_200 = arith.addi %add3A_180, %add3A_199 : i32
      %sub3A_201 = arith.constant 5 : i32
      %sub3A_202 = arith.subi %add3A_200, %sub3A_201 : i32
      %ge3A_203 = arith.constant 0 : i32
      %ge3A_204 = arith.cmpi sge, %sub3A_202, %ge3A_203 : i32
      %convert_element_type3A_205 = arith.extui %ge3A_204 : i1 to i32
      %cond3A_206 = arith.constant 0 : i32
      %cond3A_207 = arith.cmpi ne, %convert_element_type3A_205, %cond3A_206 : i32
      scf.if %cond3A_207 {
        %dma_wait3A_282 = arith.constant 0 : i32
        %dma_wait3A_283 = tpu.memref_slice %arg11[%add3A_180, %dma_wait3A_282] : memref<145x128xi32, #tpu.memory_space<vmem>> -> memref<1x128xi32, #tpu.memory_space<vmem>>
        %dma_wait3A_284 = tpu.memref_squeeze %dma_wait3A_283 : memref<1x128xi32, #tpu.memory_space<vmem>> -> memref<128xi32, #tpu.memory_space<vmem>>
        %dma_wait3A_285 = arith.constant 0 : i32
        %dma_wait3A_286 = arith.constant 0 : i32
        %dma_wait3A_287 = tpu.memref_slice %arg17[%dma_wait3A_285, %dma_wait3A_286] : memref<10048x64xf32, #tpu.memory_space<vmem_shared>> -> memref<10048x64xf32, #tpu.memory_space<vmem_shared>>
        tpu.wait_indirect_dma semaphore(%arg24 : memref<!tpu.dma_semaphore, #tpu.memory_space<semaphore_mem>>) src(%arg13 : memref<128x64xf32, #tpu.memory_space<vmem>>) dst(%dma_wait3A_287 : memref<10048x64xf32, #tpu.memory_space<vmem_shared>>)
        %dma_wait3A_288 = arith.constant 0 : i32
        %dma_wait3A_289 = tpu.memref_slice %arg11[%add3A_180, %dma_wait3A_288] : memref<145x128xi32, #tpu.memory_space<vmem>> -> memref<1x128xi32, #tpu.memory_space<vmem>>
        %dma_wait3A_290 = tpu.memref_squeeze %dma_wait3A_289 : memref<1x128xi32, #tpu.memory_space<vmem>> -> memref<128xi32, #tpu.memory_space<vmem>>
        %dma_wait3A_291 = arith.constant 0 : i32
        %dma_wait3A_292 = arith.constant 0 : i32
        %dma_wait3A_293 = tpu.memref_slice %arg29[%dma_wait3A_291, %dma_wait3A_292] : memref<10048x8xf32, #tpu.memory_space<vmem_shared>> -> memref<10048x8xf32, #tpu.memory_space<vmem_shared>>
        tpu.wait_indirect_dma semaphore(%arg24 : memref<!tpu.dma_semaphore, #tpu.memory_space<semaphore_mem>>) src(%arg28 : memref<128x8xf32, #tpu.memory_space<vmem>>) dst(%dma_wait3A_293 : memref<10048x8xf32, #tpu.memory_space<vmem_shared>>)
      } else {
      }
      %lt3A_208 = arith.cmpi slt, %add3A_200, %select_n3A_8 : i32
      %convert_element_type3A_209 = arith.extui %lt3A_208 : i1 to i32
      %cond3A_210 = arith.constant 0 : i32
      %cond3A_211 = arith.cmpi ne, %convert_element_type3A_209, %cond3A_210 : i32
      scf.if %cond3A_211 {
        %dma_start3A_282 = arith.constant 0 : i32
        %dma_start3A_283 = tpu.memref_slice %arg10[%add3A_200, %dma_start3A_282] : memref<145x128xi32, #tpu.memory_space<vmem>> -> memref<1x128xi32, #tpu.memory_space<vmem>>
        %dma_start3A_284 = tpu.memref_squeeze %dma_start3A_283 : memref<1x128xi32, #tpu.memory_space<vmem>> -> memref<128xi32, #tpu.memory_space<vmem>>
        %dma_start3A_285 = arith.constant 0 : i32
        %dma_start3A_286 = arith.constant 0 : i32
        %dma_start3A_287 = tpu.memref_slice %arg2[%dma_start3A_285, %dma_start3A_286] : memref<10000x64xf32, #tpu.memory_space<hbm>> -> memref<10000x64xf32, #tpu.memory_space<hbm>>
        tpu.enqueue_indirect_dma source(%dma_start3A_287 : memref<10000x64xf32, #tpu.memory_space<hbm>>) target(%arg13 : memref<128x64xf32, #tpu.memory_space<vmem>>) offsets(%dma_start3A_284 : memref<128xi32, #tpu.memory_space<vmem>>) semaphore(%arg19 : memref<!tpu.dma_semaphore, #tpu.memory_space<semaphore_mem>>)
      } else {
      }
      %mul3A_212 = arith.constant 5 : i32
      %mul3A_213 = arith.muli %add3A_108, %mul3A_212 : i32
      %add3A_214 = arith.constant 3 : i32
      %add3A_215 = arith.addi %mul3A_213, %add3A_214 : i32
      %dma_wait3A_216 = arith.constant 0 : i32
      %dma_wait3A_217 = tpu.memref_slice %arg10[%add3A_215, %dma_wait3A_216] : memref<145x128xi32, #tpu.memory_space<vmem>> -> memref<1x128xi32, #tpu.memory_space<vmem>>
      %dma_wait3A_218 = tpu.memref_squeeze %dma_wait3A_217 : memref<1x128xi32, #tpu.memory_space<vmem>> -> memref<128xi32, #tpu.memory_space<vmem>>
      %dma_wait3A_219 = arith.constant 0 : i32
      %dma_wait3A_220 = arith.constant 0 : i32
      %dma_wait3A_221 = tpu.memref_slice %arg2[%dma_wait3A_219, %dma_wait3A_220] : memref<10000x64xf32, #tpu.memory_space<hbm>> -> memref<10000x64xf32, #tpu.memory_space<hbm>>
      tpu.wait_indirect_dma semaphore(%arg21 : memref<!tpu.dma_semaphore, #tpu.memory_space<semaphore_mem>>) src(%dma_wait3A_221 : memref<10000x64xf32, #tpu.memory_space<hbm>>) dst(%arg15 : memref<128x64xf32, #tpu.memory_space<vmem>>)
      %dma_start3A_222 = arith.constant 0 : i32
      %dma_start3A_223 = tpu.memref_slice %arg11[%add3A_215, %dma_start3A_222] : memref<145x128xi32, #tpu.memory_space<vmem>> -> memref<1x128xi32, #tpu.memory_space<vmem>>
      %dma_start3A_224 = tpu.memref_squeeze %dma_start3A_223 : memref<1x128xi32, #tpu.memory_space<vmem>> -> memref<128xi32, #tpu.memory_space<vmem>>
      %dma_start3A_225 = arith.constant 0 : i32
      %dma_start3A_226 = arith.constant 0 : i32
      %dma_start3A_227 = tpu.memref_slice %arg17[%dma_start3A_225, %dma_start3A_226] : memref<10048x64xf32, #tpu.memory_space<vmem_shared>> -> memref<10048x64xf32, #tpu.memory_space<vmem_shared>>
      tpu.enqueue_indirect_dma source(%arg15 : memref<128x64xf32, #tpu.memory_space<vmem>>) target(%dma_start3A_227 : memref<10048x64xf32, #tpu.memory_space<vmem_shared>>) offsets(%dma_start3A_224 : memref<128xi32, #tpu.memory_space<vmem>>) semaphore(%arg26 : memref<!tpu.dma_semaphore, #tpu.memory_space<semaphore_mem>>) {add = true}
      %dma_start3A_228 = arith.constant 0 : i32
      %dma_start3A_229 = tpu.memref_slice %arg11[%add3A_215, %dma_start3A_228] : memref<145x128xi32, #tpu.memory_space<vmem>> -> memref<1x128xi32, #tpu.memory_space<vmem>>
      %dma_start3A_230 = tpu.memref_squeeze %dma_start3A_229 : memref<1x128xi32, #tpu.memory_space<vmem>> -> memref<128xi32, #tpu.memory_space<vmem>>
      %dma_start3A_231 = arith.constant 0 : i32
      %dma_start3A_232 = arith.constant 0 : i32
      %dma_start3A_233 = tpu.memref_slice %arg29[%dma_start3A_231, %dma_start3A_232] : memref<10048x8xf32, #tpu.memory_space<vmem_shared>> -> memref<10048x8xf32, #tpu.memory_space<vmem_shared>>
      tpu.enqueue_indirect_dma source(%arg28 : memref<128x8xf32, #tpu.memory_space<vmem>>) target(%dma_start3A_233 : memref<10048x8xf32, #tpu.memory_space<vmem_shared>>) offsets(%dma_start3A_230 : memref<128xi32, #tpu.memory_space<vmem>>) semaphore(%arg26 : memref<!tpu.dma_semaphore, #tpu.memory_space<semaphore_mem>>) {add = true}
      %add3A_234 = arith.constant 4 : i32
      %add3A_235 = arith.addi %add3A_215, %add3A_234 : i32
      %sub3A_236 = arith.constant 5 : i32
      %sub3A_237 = arith.subi %add3A_235, %sub3A_236 : i32
      %ge3A_238 = arith.constant 0 : i32
      %ge3A_239 = arith.cmpi sge, %sub3A_237, %ge3A_238 : i32
      %convert_element_type3A_240 = arith.extui %ge3A_239 : i1 to i32
      %cond3A_241 = arith.constant 0 : i32
      %cond3A_242 = arith.cmpi ne, %convert_element_type3A_240, %cond3A_241 : i32
      scf.if %cond3A_242 {
        %dma_wait3A_282 = arith.constant 0 : i32
        %dma_wait3A_283 = tpu.memref_slice %arg11[%add3A_215, %dma_wait3A_282] : memref<145x128xi32, #tpu.memory_space<vmem>> -> memref<1x128xi32, #tpu.memory_space<vmem>>
        %dma_wait3A_284 = tpu.memref_squeeze %dma_wait3A_283 : memref<1x128xi32, #tpu.memory_space<vmem>> -> memref<128xi32, #tpu.memory_space<vmem>>
        %dma_wait3A_285 = arith.constant 0 : i32
        %dma_wait3A_286 = arith.constant 0 : i32
        %dma_wait3A_287 = tpu.memref_slice %arg17[%dma_wait3A_285, %dma_wait3A_286] : memref<10048x64xf32, #tpu.memory_space<vmem_shared>> -> memref<10048x64xf32, #tpu.memory_space<vmem_shared>>
        tpu.wait_indirect_dma semaphore(%arg25 : memref<!tpu.dma_semaphore, #tpu.memory_space<semaphore_mem>>) src(%arg14 : memref<128x64xf32, #tpu.memory_space<vmem>>) dst(%dma_wait3A_287 : memref<10048x64xf32, #tpu.memory_space<vmem_shared>>)
        %dma_wait3A_288 = arith.constant 0 : i32
        %dma_wait3A_289 = tpu.memref_slice %arg11[%add3A_215, %dma_wait3A_288] : memref<145x128xi32, #tpu.memory_space<vmem>> -> memref<1x128xi32, #tpu.memory_space<vmem>>
        %dma_wait3A_290 = tpu.memref_squeeze %dma_wait3A_289 : memref<1x128xi32, #tpu.memory_space<vmem>> -> memref<128xi32, #tpu.memory_space<vmem>>
        %dma_wait3A_291 = arith.constant 0 : i32
        %dma_wait3A_292 = arith.constant 0 : i32
        %dma_wait3A_293 = tpu.memref_slice %arg29[%dma_wait3A_291, %dma_wait3A_292] : memref<10048x8xf32, #tpu.memory_space<vmem_shared>> -> memref<10048x8xf32, #tpu.memory_space<vmem_shared>>
        tpu.wait_indirect_dma semaphore(%arg25 : memref<!tpu.dma_semaphore, #tpu.memory_space<semaphore_mem>>) src(%arg28 : memref<128x8xf32, #tpu.memory_space<vmem>>) dst(%dma_wait3A_293 : memref<10048x8xf32, #tpu.memory_space<vmem_shared>>)
      } else {
      }
      %lt3A_243 = arith.cmpi slt, %add3A_235, %select_n3A_8 : i32
      %convert_element_type3A_244 = arith.extui %lt3A_243 : i1 to i32
      %cond3A_245 = arith.constant 0 : i32
      %cond3A_246 = arith.cmpi ne, %convert_element_type3A_244, %cond3A_245 : i32
      scf.if %cond3A_246 {
        %dma_start3A_282 = arith.constant 0 : i32
        %dma_start3A_283 = tpu.memref_slice %arg10[%add3A_235, %dma_start3A_282] : memref<145x128xi32, #tpu.memory_space<vmem>> -> memref<1x128xi32, #tpu.memory_space<vmem>>
        %dma_start3A_284 = tpu.memref_squeeze %dma_start3A_283 : memref<1x128xi32, #tpu.memory_space<vmem>> -> memref<128xi32, #tpu.memory_space<vmem>>
        %dma_start3A_285 = arith.constant 0 : i32
        %dma_start3A_286 = arith.constant 0 : i32
        %dma_start3A_287 = tpu.memref_slice %arg2[%dma_start3A_285, %dma_start3A_286] : memref<10000x64xf32, #tpu.memory_space<hbm>> -> memref<10000x64xf32, #tpu.memory_space<hbm>>
        tpu.enqueue_indirect_dma source(%dma_start3A_287 : memref<10000x64xf32, #tpu.memory_space<hbm>>) target(%arg14 : memref<128x64xf32, #tpu.memory_space<vmem>>) offsets(%dma_start3A_284 : memref<128xi32, #tpu.memory_space<vmem>>) semaphore(%arg20 : memref<!tpu.dma_semaphore, #tpu.memory_space<semaphore_mem>>)
      } else {
      }
      %mul3A_247 = arith.constant 5 : i32
      %mul3A_248 = arith.muli %add3A_108, %mul3A_247 : i32
      %add3A_249 = arith.constant 4 : i32
      %add3A_250 = arith.addi %mul3A_248, %add3A_249 : i32
      %dma_wait3A_251 = arith.constant 0 : i32
      %dma_wait3A_252 = tpu.memref_slice %arg10[%add3A_250, %dma_wait3A_251] : memref<145x128xi32, #tpu.memory_space<vmem>> -> memref<1x128xi32, #tpu.memory_space<vmem>>
      %dma_wait3A_253 = tpu.memref_squeeze %dma_wait3A_252 : memref<1x128xi32, #tpu.memory_space<vmem>> -> memref<128xi32, #tpu.memory_space<vmem>>
      %dma_wait3A_254 = arith.constant 0 : i32
      %dma_wait3A_255 = arith.constant 0 : i32
      %dma_wait3A_256 = tpu.memref_slice %arg2[%dma_wait3A_254, %dma_wait3A_255] : memref<10000x64xf32, #tpu.memory_space<hbm>> -> memref<10000x64xf32, #tpu.memory_space<hbm>>
      tpu.wait_indirect_dma semaphore(%arg22 : memref<!tpu.dma_semaphore, #tpu.memory_space<semaphore_mem>>) src(%dma_wait3A_256 : memref<10000x64xf32, #tpu.memory_space<hbm>>) dst(%arg16 : memref<128x64xf32, #tpu.memory_space<vmem>>)
      %dma_start3A_257 = arith.constant 0 : i32
      %dma_start3A_258 = tpu.memref_slice %arg11[%add3A_250, %dma_start3A_257] : memref<145x128xi32, #tpu.memory_space<vmem>> -> memref<1x128xi32, #tpu.memory_space<vmem>>
      %dma_start3A_259 = tpu.memref_squeeze %dma_start3A_258 : memref<1x128xi32, #tpu.memory_space<vmem>> -> memref<128xi32, #tpu.memory_space<vmem>>
      %dma_start3A_260 = arith.constant 0 : i32
      %dma_start3A_261 = arith.constant 0 : i32
      %dma_start3A_262 = tpu.memref_slice %arg17[%dma_start3A_260, %dma_start3A_261] : memref<10048x64xf32, #tpu.memory_space<vmem_shared>> -> memref<10048x64xf32, #tpu.memory_space<vmem_shared>>
      tpu.enqueue_indirect_dma source(%arg16 : memref<128x64xf32, #tpu.memory_space<vmem>>) target(%dma_start3A_262 : memref<10048x64xf32, #tpu.memory_space<vmem_shared>>) offsets(%dma_start3A_259 : memref<128xi32, #tpu.memory_space<vmem>>) semaphore(%arg27 : memref<!tpu.dma_semaphore, #tpu.memory_space<semaphore_mem>>) {add = true}
      %dma_start3A_263 = arith.constant 0 : i32
      %dma_start3A_264 = tpu.memref_slice %arg11[%add3A_250, %dma_start3A_263] : memref<145x128xi32, #tpu.memory_space<vmem>> -> memref<1x128xi32, #tpu.memory_space<vmem>>
      %dma_start3A_265 = tpu.memref_squeeze %dma_start3A_264 : memref<1x128xi32, #tpu.memory_space<vmem>> -> memref<128xi32, #tpu.memory_space<vmem>>
      %dma_start3A_266 = arith.constant 0 : i32
      %dma_start3A_267 = arith.constant 0 : i32
      %dma_start3A_268 = tpu.memref_slice %arg29[%dma_start3A_266, %dma_start3A_267] : memref<10048x8xf32, #tpu.memory_space<vmem_shared>> -> memref<10048x8xf32, #tpu.memory_space<vmem_shared>>
      tpu.enqueue_indirect_dma source(%arg28 : memref<128x8xf32, #tpu.memory_space<vmem>>) target(%dma_start3A_268 : memref<10048x8xf32, #tpu.memory_space<vmem_shared>>) offsets(%dma_start3A_265 : memref<128xi32, #tpu.memory_space<vmem>>) semaphore(%arg27 : memref<!tpu.dma_semaphore, #tpu.memory_space<semaphore_mem>>) {add = true}
      %add3A_269 = arith.constant 4 : i32
      %add3A_270 = arith.addi %add3A_250, %add3A_269 : i32
      %sub3A_271 = arith.constant 5 : i32
      %sub3A_272 = arith.subi %add3A_270, %sub3A_271 : i32
      %ge3A_273 = arith.constant 0 : i32
      %ge3A_274 = arith.cmpi sge, %sub3A_272, %ge3A_273 : i32
      %convert_element_type3A_275 = arith.extui %ge3A_274 : i1 to i32
      %cond3A_276 = arith.constant 0 : i32
      %cond3A_277 = arith.cmpi ne, %convert_element_type3A_275, %cond3A_276 : i32
      scf.if %cond3A_277 {
        %dma_wait3A_282 = arith.constant 0 : i32
        %dma_wait3A_283 = tpu.memref_slice %arg11[%add3A_250, %dma_wait3A_282] : memref<145x128xi32, #tpu.memory_space<vmem>> -> memref<1x128xi32, #tpu.memory_space<vmem>>
        %dma_wait3A_284 = tpu.memref_squeeze %dma_wait3A_283 : memref<1x128xi32, #tpu.memory_space<vmem>> -> memref<128xi32, #tpu.memory_space<vmem>>
        %dma_wait3A_285 = arith.constant 0 : i32
        %dma_wait3A_286 = arith.constant 0 : i32
        %dma_wait3A_287 = tpu.memref_slice %arg17[%dma_wait3A_285, %dma_wait3A_286] : memref<10048x64xf32, #tpu.memory_space<vmem_shared>> -> memref<10048x64xf32, #tpu.memory_space<vmem_shared>>
        tpu.wait_indirect_dma semaphore(%arg26 : memref<!tpu.dma_semaphore, #tpu.memory_space<semaphore_mem>>) src(%arg15 : memref<128x64xf32, #tpu.memory_space<vmem>>) dst(%dma_wait3A_287 : memref<10048x64xf32, #tpu.memory_space<vmem_shared>>)
        %dma_wait3A_288 = arith.constant 0 : i32
        %dma_wait3A_289 = tpu.memref_slice %arg11[%add3A_250, %dma_wait3A_288] : memref<145x128xi32, #tpu.memory_space<vmem>> -> memref<1x128xi32, #tpu.memory_space<vmem>>
        %dma_wait3A_290 = tpu.memref_squeeze %dma_wait3A_289 : memref<1x128xi32, #tpu.memory_space<vmem>> -> memref<128xi32, #tpu.memory_space<vmem>>
        %dma_wait3A_291 = arith.constant 0 : i32
        %dma_wait3A_292 = arith.constant 0 : i32
        %dma_wait3A_293 = tpu.memref_slice %arg29[%dma_wait3A_291, %dma_wait3A_292] : memref<10048x8xf32, #tpu.memory_space<vmem_shared>> -> memref<10048x8xf32, #tpu.memory_space<vmem_shared>>
        tpu.wait_indirect_dma semaphore(%arg26 : memref<!tpu.dma_semaphore, #tpu.memory_space<semaphore_mem>>) src(%arg28 : memref<128x8xf32, #tpu.memory_space<vmem>>) dst(%dma_wait3A_293 : memref<10048x8xf32, #tpu.memory_space<vmem_shared>>)
      } else {
      }
      %lt3A_278 = arith.cmpi slt, %add3A_270, %select_n3A_8 : i32
      %convert_element_type3A_279 = arith.extui %lt3A_278 : i1 to i32
      %cond3A_280 = arith.constant 0 : i32
      %cond3A_281 = arith.cmpi ne, %convert_element_type3A_279, %cond3A_280 : i32
      scf.if %cond3A_281 {
        %dma_start3A_282 = arith.constant 0 : i32
        %dma_start3A_283 = tpu.memref_slice %arg10[%add3A_270, %dma_start3A_282] : memref<145x128xi32, #tpu.memory_space<vmem>> -> memref<1x128xi32, #tpu.memory_space<vmem>>
        %dma_start3A_284 = tpu.memref_squeeze %dma_start3A_283 : memref<1x128xi32, #tpu.memory_space<vmem>> -> memref<128xi32, #tpu.memory_space<vmem>>
        %dma_start3A_285 = arith.constant 0 : i32
        %dma_start3A_286 = arith.constant 0 : i32
        %dma_start3A_287 = tpu.memref_slice %arg2[%dma_start3A_285, %dma_start3A_286] : memref<10000x64xf32, #tpu.memory_space<hbm>> -> memref<10000x64xf32, #tpu.memory_space<hbm>>
        tpu.enqueue_indirect_dma source(%dma_start3A_287 : memref<10000x64xf32, #tpu.memory_space<hbm>>) target(%arg15 : memref<128x64xf32, #tpu.memory_space<vmem>>) offsets(%dma_start3A_284 : memref<128xi32, #tpu.memory_space<vmem>>) semaphore(%arg21 : memref<!tpu.dma_semaphore, #tpu.memory_space<semaphore_mem>>)
      } else {
      }
    }
    %while3A_83 = arith.constant 1 : i32
    scf.for %while3A_106 = %while3A_81 to %while3A_77 step %while3A_83  : i32 {
      %mul3A_107 = arith.muli %while3A_106, %while3A : i32
      %add3A_108 = arith.addi %while3A_74, %mul3A_107 : i32
      %mul3A_109 = arith.constant 5 : i32
      %mul3A_110 = arith.muli %add3A_108, %mul3A_109 : i32
      %add3A_111 = arith.constant 0 : i32
      %add3A_112 = arith.addi %mul3A_110, %add3A_111 : i32
      %dma_wait3A_113 = arith.constant 0 : i32
      %dma_wait3A_114 = tpu.memref_slice %arg10[%add3A_112, %dma_wait3A_113] : memref<145x128xi32, #tpu.memory_space<vmem>> -> memref<1x128xi32, #tpu.memory_space<vmem>>
      %dma_wait3A_115 = tpu.memref_squeeze %dma_wait3A_114 : memref<1x128xi32, #tpu.memory_space<vmem>> -> memref<128xi32, #tpu.memory_space<vmem>>
      %dma_wait3A_116 = arith.constant 0 : i32
      %dma_wait3A_117 = arith.constant 0 : i32
      %dma_wait3A_118 = tpu.memref_slice %arg2[%dma_wait3A_116, %dma_wait3A_117] : memref<10000x64xf32, #tpu.memory_space<hbm>> -> memref<10000x64xf32, #tpu.memory_space<hbm>>
      tpu.wait_indirect_dma semaphore(%arg18 : memref<!tpu.dma_semaphore, #tpu.memory_space<semaphore_mem>>) src(%dma_wait3A_118 : memref<10000x64xf32, #tpu.memory_space<hbm>>) dst(%arg12 : memref<128x64xf32, #tpu.memory_space<vmem>>)
      %dma_start3A_119 = arith.constant 0 : i32
      %dma_start3A_120 = tpu.memref_slice %arg11[%add3A_112, %dma_start3A_119] : memref<145x128xi32, #tpu.memory_space<vmem>> -> memref<1x128xi32, #tpu.memory_space<vmem>>
      %dma_start3A_121 = tpu.memref_squeeze %dma_start3A_120 : memref<1x128xi32, #tpu.memory_space<vmem>> -> memref<128xi32, #tpu.memory_space<vmem>>
      %dma_start3A_122 = arith.constant 0 : i32
      %dma_start3A_123 = arith.constant 0 : i32
      %dma_start3A_124 = tpu.memref_slice %arg17[%dma_start3A_122, %dma_start3A_123] : memref<10048x64xf32, #tpu.memory_space<vmem_shared>> -> memref<10048x64xf32, #tpu.memory_space<vmem_shared>>
      tpu.enqueue_indirect_dma source(%arg12 : memref<128x64xf32, #tpu.memory_space<vmem>>) target(%dma_start3A_124 : memref<10048x64xf32, #tpu.memory_space<vmem_shared>>) offsets(%dma_start3A_121 : memref<128xi32, #tpu.memory_space<vmem>>) semaphore(%arg23 : memref<!tpu.dma_semaphore, #tpu.memory_space<semaphore_mem>>) {add = true}
      %dma_start3A_125 = arith.constant 0 : i32
      %dma_start3A_126 = tpu.memref_slice %arg11[%add3A_112, %dma_start3A_125] : memref<145x128xi32, #tpu.memory_space<vmem>> -> memref<1x128xi32, #tpu.memory_space<vmem>>
      %dma_start3A_127 = tpu.memref_squeeze %dma_start3A_126 : memref<1x128xi32, #tpu.memory_space<vmem>> -> memref<128xi32, #tpu.memory_space<vmem>>
      %dma_start3A_128 = arith.constant 0 : i32
      %dma_start3A_129 = arith.constant 0 : i32
      %dma_start3A_130 = tpu.memref_slice %arg29[%dma_start3A_128, %dma_start3A_129] : memref<10048x8xf32, #tpu.memory_space<vmem_shared>> -> memref<10048x8xf32, #tpu.memory_space<vmem_shared>>
      tpu.enqueue_indirect_dma source(%arg28 : memref<128x8xf32, #tpu.memory_space<vmem>>) target(%dma_start3A_130 : memref<10048x8xf32, #tpu.memory_space<vmem_shared>>) offsets(%dma_start3A_127 : memref<128xi32, #tpu.memory_space<vmem>>) semaphore(%arg23 : memref<!tpu.dma_semaphore, #tpu.memory_space<semaphore_mem>>) {add = true}
      %add3A_131 = arith.constant 4 : i32
      %add3A_132 = arith.addi %add3A_112, %add3A_131 : i32
      %sub3A_133 = arith.constant 5 : i32
      %sub3A_134 = arith.subi %add3A_132, %sub3A_133 : i32
      %ge3A = arith.constant 0 : i32
      %ge3A_135 = arith.cmpi sge, %sub3A_134, %ge3A : i32
      %convert_element_type3A_136 = arith.extui %ge3A_135 : i1 to i32
      %cond3A_137 = arith.constant 0 : i32
      %cond3A_138 = arith.cmpi ne, %convert_element_type3A_136, %cond3A_137 : i32
      scf.if %cond3A_138 {
        %dma_wait3A_282 = arith.constant 0 : i32
        %dma_wait3A_283 = tpu.memref_slice %arg11[%add3A_112, %dma_wait3A_282] : memref<145x128xi32, #tpu.memory_space<vmem>> -> memref<1x128xi32, #tpu.memory_space<vmem>>
        %dma_wait3A_284 = tpu.memref_squeeze %dma_wait3A_283 : memref<1x128xi32, #tpu.memory_space<vmem>> -> memref<128xi32, #tpu.memory_space<vmem>>
        %dma_wait3A_285 = arith.constant 0 : i32
        %dma_wait3A_286 = arith.constant 0 : i32
        %dma_wait3A_287 = tpu.memref_slice %arg17[%dma_wait3A_285, %dma_wait3A_286] : memref<10048x64xf32, #tpu.memory_space<vmem_shared>> -> memref<10048x64xf32, #tpu.memory_space<vmem_shared>>
        tpu.wait_indirect_dma semaphore(%arg27 : memref<!tpu.dma_semaphore, #tpu.memory_space<semaphore_mem>>) src(%arg16 : memref<128x64xf32, #tpu.memory_space<vmem>>) dst(%dma_wait3A_287 : memref<10048x64xf32, #tpu.memory_space<vmem_shared>>)
        %dma_wait3A_288 = arith.constant 0 : i32
        %dma_wait3A_289 = tpu.memref_slice %arg11[%add3A_112, %dma_wait3A_288] : memref<145x128xi32, #tpu.memory_space<vmem>> -> memref<1x128xi32, #tpu.memory_space<vmem>>
        %dma_wait3A_290 = tpu.memref_squeeze %dma_wait3A_289 : memref<1x128xi32, #tpu.memory_space<vmem>> -> memref<128xi32, #tpu.memory_space<vmem>>
        %dma_wait3A_291 = arith.constant 0 : i32
        %dma_wait3A_292 = arith.constant 0 : i32
        %dma_wait3A_293 = tpu.memref_slice %arg29[%dma_wait3A_291, %dma_wait3A_292] : memref<10048x8xf32, #tpu.memory_space<vmem_shared>> -> memref<10048x8xf32, #tpu.memory_space<vmem_shared>>
        tpu.wait_indirect_dma semaphore(%arg27 : memref<!tpu.dma_semaphore, #tpu.memory_space<semaphore_mem>>) src(%arg28 : memref<128x8xf32, #tpu.memory_space<vmem>>) dst(%dma_wait3A_293 : memref<10048x8xf32, #tpu.memory_space<vmem_shared>>)
      } else {
      }
      %lt3A = arith.cmpi slt, %add3A_132, %select_n3A_8 : i32
      %convert_element_type3A_139 = arith.extui %lt3A : i1 to i32
      %cond3A_140 = arith.constant 0 : i32
      %cond3A_141 = arith.cmpi ne, %convert_element_type3A_139, %cond3A_140 : i32
      scf.if %cond3A_141 {
        %dma_start3A_282 = arith.constant 0 : i32
        %dma_start3A_283 = tpu.memref_slice %arg10[%add3A_132, %dma_start3A_282] : memref<145x128xi32, #tpu.memory_space<vmem>> -> memref<1x128xi32, #tpu.memory_space<vmem>>
        %dma_start3A_284 = tpu.memref_squeeze %dma_start3A_283 : memref<1x128xi32, #tpu.memory_space<vmem>> -> memref<128xi32, #tpu.memory_space<vmem>>
        %dma_start3A_285 = arith.constant 0 : i32
        %dma_start3A_286 = arith.constant 0 : i32
        %dma_start3A_287 = tpu.memref_slice %arg2[%dma_start3A_285, %dma_start3A_286] : memref<10000x64xf32, #tpu.memory_space<hbm>> -> memref<10000x64xf32, #tpu.memory_space<hbm>>
        tpu.enqueue_indirect_dma source(%dma_start3A_287 : memref<10000x64xf32, #tpu.memory_space<hbm>>) target(%arg16 : memref<128x64xf32, #tpu.memory_space<vmem>>) offsets(%dma_start3A_284 : memref<128xi32, #tpu.memory_space<vmem>>) semaphore(%arg22 : memref<!tpu.dma_semaphore, #tpu.memory_space<semaphore_mem>>)
      } else {
      }
      %mul3A_142 = arith.constant 5 : i32
      %mul3A_143 = arith.muli %add3A_108, %mul3A_142 : i32
      %add3A_144 = arith.constant 1 : i32
      %add3A_145 = arith.addi %mul3A_143, %add3A_144 : i32
      %dma_wait3A_146 = arith.constant 0 : i32
      %dma_wait3A_147 = tpu.memref_slice %arg10[%add3A_145, %dma_wait3A_146] : memref<145x128xi32, #tpu.memory_space<vmem>> -> memref<1x128xi32, #tpu.memory_space<vmem>>
      %dma_wait3A_148 = tpu.memref_squeeze %dma_wait3A_147 : memref<1x128xi32, #tpu.memory_space<vmem>> -> memref<128xi32, #tpu.memory_space<vmem>>
      %dma_wait3A_149 = arith.constant 0 : i32
      %dma_wait3A_150 = arith.constant 0 : i32
      %dma_wait3A_151 = tpu.memref_slice %arg2[%dma_wait3A_149, %dma_wait3A_150] : memref<10000x64xf32, #tpu.memory_space<hbm>> -> memref<10000x64xf32, #tpu.memory_space<hbm>>
      tpu.wait_indirect_dma semaphore(%arg19 : memref<!tpu.dma_semaphore, #tpu.memory_space<semaphore_mem>>) src(%dma_wait3A_151 : memref<10000x64xf32, #tpu.memory_space<hbm>>) dst(%arg13 : memref<128x64xf32, #tpu.memory_space<vmem>>)
      %dma_start3A_152 = arith.constant 0 : i32
      %dma_start3A_153 = tpu.memref_slice %arg11[%add3A_145, %dma_start3A_152] : memref<145x128xi32, #tpu.memory_space<vmem>> -> memref<1x128xi32, #tpu.memory_space<vmem>>
      %dma_start3A_154 = tpu.memref_squeeze %dma_start3A_153 : memref<1x128xi32, #tpu.memory_space<vmem>> -> memref<128xi32, #tpu.memory_space<vmem>>
      %dma_start3A_155 = arith.constant 0 : i32
      %dma_start3A_156 = arith.constant 0 : i32
      %dma_start3A_157 = tpu.memref_slice %arg17[%dma_start3A_155, %dma_start3A_156] : memref<10048x64xf32, #tpu.memory_space<vmem_shared>> -> memref<10048x64xf32, #tpu.memory_space<vmem_shared>>
      tpu.enqueue_indirect_dma source(%arg13 : memref<128x64xf32, #tpu.memory_space<vmem>>) target(%dma_start3A_157 : memref<10048x64xf32, #tpu.memory_space<vmem_shared>>) offsets(%dma_start3A_154 : memref<128xi32, #tpu.memory_space<vmem>>) semaphore(%arg24 : memref<!tpu.dma_semaphore, #tpu.memory_space<semaphore_mem>>) {add = true}
      %dma_start3A_158 = arith.constant 0 : i32
      %dma_start3A_159 = tpu.memref_slice %arg11[%add3A_145, %dma_start3A_158] : memref<145x128xi32, #tpu.memory_space<vmem>> -> memref<1x128xi32, #tpu.memory_space<vmem>>
      %dma_start3A_160 = tpu.memref_squeeze %dma_start3A_159 : memref<1x128xi32, #tpu.memory_space<vmem>> -> memref<128xi32, #tpu.memory_space<vmem>>
      %dma_start3A_161 = arith.constant 0 : i32
      %dma_start3A_162 = arith.constant 0 : i32
      %dma_start3A_163 = tpu.memref_slice %arg29[%dma_start3A_161, %dma_start3A_162] : memref<10048x8xf32, #tpu.memory_space<vmem_shared>> -> memref<10048x8xf32, #tpu.memory_space<vmem_shared>>
      tpu.enqueue_indirect_dma source(%arg28 : memref<128x8xf32, #tpu.memory_space<vmem>>) target(%dma_start3A_163 : memref<10048x8xf32, #tpu.memory_space<vmem_shared>>) offsets(%dma_start3A_160 : memref<128xi32, #tpu.memory_space<vmem>>) semaphore(%arg24 : memref<!tpu.dma_semaphore, #tpu.memory_space<semaphore_mem>>) {add = true}
      %add3A_164 = arith.constant 4 : i32
      %add3A_165 = arith.addi %add3A_145, %add3A_164 : i32
      %sub3A_166 = arith.constant 5 : i32
      %sub3A_167 = arith.subi %add3A_165, %sub3A_166 : i32
      %ge3A_168 = arith.constant 0 : i32
      %ge3A_169 = arith.cmpi sge, %sub3A_167, %ge3A_168 : i32
      %convert_element_type3A_170 = arith.extui %ge3A_169 : i1 to i32
      %cond3A_171 = arith.constant 0 : i32
      %cond3A_172 = arith.cmpi ne, %convert_element_type3A_170, %cond3A_171 : i32
      scf.if %cond3A_172 {
        %dma_wait3A_282 = arith.constant 0 : i32
        %dma_wait3A_283 = tpu.memref_slice %arg11[%add3A_145, %dma_wait3A_282] : memref<145x128xi32, #tpu.memory_space<vmem>> -> memref<1x128xi32, #tpu.memory_space<vmem>>
        %dma_wait3A_284 = tpu.memref_squeeze %dma_wait3A_283 : memref<1x128xi32, #tpu.memory_space<vmem>> -> memref<128xi32, #tpu.memory_space<vmem>>
        %dma_wait3A_285 = arith.constant 0 : i32
        %dma_wait3A_286 = arith.constant 0 : i32
        %dma_wait3A_287 = tpu.memref_slice %arg17[%dma_wait3A_285, %dma_wait3A_286] : memref<10048x64xf32, #tpu.memory_space<vmem_shared>> -> memref<10048x64xf32, #tpu.memory_space<vmem_shared>>
        tpu.wait_indirect_dma semaphore(%arg23 : memref<!tpu.dma_semaphore, #tpu.memory_space<semaphore_mem>>) src(%arg12 : memref<128x64xf32, #tpu.memory_space<vmem>>) dst(%dma_wait3A_287 : memref<10048x64xf32, #tpu.memory_space<vmem_shared>>)
        %dma_wait3A_288 = arith.constant 0 : i32
        %dma_wait3A_289 = tpu.memref_slice %arg11[%add3A_145, %dma_wait3A_288] : memref<145x128xi32, #tpu.memory_space<vmem>> -> memref<1x128xi32, #tpu.memory_space<vmem>>
        %dma_wait3A_290 = tpu.memref_squeeze %dma_wait3A_289 : memref<1x128xi32, #tpu.memory_space<vmem>> -> memref<128xi32, #tpu.memory_space<vmem>>
        %dma_wait3A_291 = arith.constant 0 : i32
        %dma_wait3A_292 = arith.constant 0 : i32
        %dma_wait3A_293 = tpu.memref_slice %arg29[%dma_wait3A_291, %dma_wait3A_292] : memref<10048x8xf32, #tpu.memory_space<vmem_shared>> -> memref<10048x8xf32, #tpu.memory_space<vmem_shared>>
        tpu.wait_indirect_dma semaphore(%arg23 : memref<!tpu.dma_semaphore, #tpu.memory_space<semaphore_mem>>) src(%arg28 : memref<128x8xf32, #tpu.memory_space<vmem>>) dst(%dma_wait3A_293 : memref<10048x8xf32, #tpu.memory_space<vmem_shared>>)
      } else {
      }
      %lt3A_173 = arith.cmpi slt, %add3A_165, %select_n3A_8 : i32
      %convert_element_type3A_174 = arith.extui %lt3A_173 : i1 to i32
      %cond3A_175 = arith.constant 0 : i32
      %cond3A_176 = arith.cmpi ne, %convert_element_type3A_174, %cond3A_175 : i32
      scf.if %cond3A_176 {
        %dma_start3A_282 = arith.constant 0 : i32
        %dma_start3A_283 = tpu.memref_slice %arg10[%add3A_165, %dma_start3A_282] : memref<145x128xi32, #tpu.memory_space<vmem>> -> memref<1x128xi32, #tpu.memory_space<vmem>>
        %dma_start3A_284 = tpu.memref_squeeze %dma_start3A_283 : memref<1x128xi32, #tpu.memory_space<vmem>> -> memref<128xi32, #tpu.memory_space<vmem>>
        %dma_start3A_285 = arith.constant 0 : i32
        %dma_start3A_286 = arith.constant 0 : i32
        %dma_start3A_287 = tpu.memref_slice %arg2[%dma_start3A_285, %dma_start3A_286] : memref<10000x64xf32, #tpu.memory_space<hbm>> -> memref<10000x64xf32, #tpu.memory_space<hbm>>
        tpu.enqueue_indirect_dma source(%dma_start3A_287 : memref<10000x64xf32, #tpu.memory_space<hbm>>) target(%arg12 : memref<128x64xf32, #tpu.memory_space<vmem>>) offsets(%dma_start3A_284 : memref<128xi32, #tpu.memory_space<vmem>>) semaphore(%arg18 : memref<!tpu.dma_semaphore, #tpu.memory_space<semaphore_mem>>)
      } else {
      }
      %mul3A_177 = arith.constant 5 : i32
      %mul3A_178 = arith.muli %add3A_108, %mul3A_177 : i32
      %add3A_179 = arith.constant 2 : i32
      %add3A_180 = arith.addi %mul3A_178, %add3A_179 : i32
      %dma_wait3A_181 = arith.constant 0 : i32
      %dma_wait3A_182 = tpu.memref_slice %arg10[%add3A_180, %dma_wait3A_181] : memref<145x128xi32, #tpu.memory_space<vmem>> -> memref<1x128xi32, #tpu.memory_space<vmem>>
      %dma_wait3A_183 = tpu.memref_squeeze %dma_wait3A_182 : memref<1x128xi32, #tpu.memory_space<vmem>> -> memref<128xi32, #tpu.memory_space<vmem>>
      %dma_wait3A_184 = arith.constant 0 : i32
      %dma_wait3A_185 = arith.constant 0 : i32
      %dma_wait3A_186 = tpu.memref_slice %arg2[%dma_wait3A_184, %dma_wait3A_185] : memref<10000x64xf32, #tpu.memory_space<hbm>> -> memref<10000x64xf32, #tpu.memory_space<hbm>>
      tpu.wait_indirect_dma semaphore(%arg20 : memref<!tpu.dma_semaphore, #tpu.memory_space<semaphore_mem>>) src(%dma_wait3A_186 : memref<10000x64xf32, #tpu.memory_space<hbm>>) dst(%arg14 : memref<128x64xf32, #tpu.memory_space<vmem>>)
      %dma_start3A_187 = arith.constant 0 : i32
      %dma_start3A_188 = tpu.memref_slice %arg11[%add3A_180, %dma_start3A_187] : memref<145x128xi32, #tpu.memory_space<vmem>> -> memref<1x128xi32, #tpu.memory_space<vmem>>
      %dma_start3A_189 = tpu.memref_squeeze %dma_start3A_188 : memref<1x128xi32, #tpu.memory_space<vmem>> -> memref<128xi32, #tpu.memory_space<vmem>>
      %dma_start3A_190 = arith.constant 0 : i32
      %dma_start3A_191 = arith.constant 0 : i32
      %dma_start3A_192 = tpu.memref_slice %arg17[%dma_start3A_190, %dma_start3A_191] : memref<10048x64xf32, #tpu.memory_space<vmem_shared>> -> memref<10048x64xf32, #tpu.memory_space<vmem_shared>>
      tpu.enqueue_indirect_dma source(%arg14 : memref<128x64xf32, #tpu.memory_space<vmem>>) target(%dma_start3A_192 : memref<10048x64xf32, #tpu.memory_space<vmem_shared>>) offsets(%dma_start3A_189 : memref<128xi32, #tpu.memory_space<vmem>>) semaphore(%arg25 : memref<!tpu.dma_semaphore, #tpu.memory_space<semaphore_mem>>) {add = true}
      %dma_start3A_193 = arith.constant 0 : i32
      %dma_start3A_194 = tpu.memref_slice %arg11[%add3A_180, %dma_start3A_193] : memref<145x128xi32, #tpu.memory_space<vmem>> -> memref<1x128xi32, #tpu.memory_space<vmem>>
      %dma_start3A_195 = tpu.memref_squeeze %dma_start3A_194 : memref<1x128xi32, #tpu.memory_space<vmem>> -> memref<128xi32, #tpu.memory_space<vmem>>
      %dma_start3A_196 = arith.constant 0 : i32
      %dma_start3A_197 = arith.constant 0 : i32
      %dma_start3A_198 = tpu.memref_slice %arg29[%dma_start3A_196, %dma_start3A_197] : memref<10048x8xf32, #tpu.memory_space<vmem_shared>> -> memref<10048x8xf32, #tpu.memory_space<vmem_shared>>
      tpu.enqueue_indirect_dma source(%arg28 : memref<128x8xf32, #tpu.memory_space<vmem>>) target(%dma_start3A_198 : memref<10048x8xf32, #tpu.memory_space<vmem_shared>>) offsets(%dma_start3A_195 : memref<128xi32, #tpu.memory_space<vmem>>) semaphore(%arg25 : memref<!tpu.dma_semaphore, #tpu.memory_space<semaphore_mem>>) {add = true}
      %add3A_199 = arith.constant 4 : i32
      %add3A_200 = arith.addi %add3A_180, %add3A_199 : i32
      %sub3A_201 = arith.constant 5 : i32
      %sub3A_202 = arith.subi %add3A_200, %sub3A_201 : i32
      %ge3A_203 = arith.constant 0 : i32
      %ge3A_204 = arith.cmpi sge, %sub3A_202, %ge3A_203 : i32
      %convert_element_type3A_205 = arith.extui %ge3A_204 : i1 to i32
      %cond3A_206 = arith.constant 0 : i32
      %cond3A_207 = arith.cmpi ne, %convert_element_type3A_205, %cond3A_206 : i32
      scf.if %cond3A_207 {
        %dma_wait3A_282 = arith.constant 0 : i32
        %dma_wait3A_283 = tpu.memref_slice %arg11[%add3A_180, %dma_wait3A_282] : memref<145x128xi32, #tpu.memory_space<vmem>> -> memref<1x128xi32, #tpu.memory_space<vmem>>
        %dma_wait3A_284 = tpu.memref_squeeze %dma_wait3A_283 : memref<1x128xi32, #tpu.memory_space<vmem>> -> memref<128xi32, #tpu.memory_space<vmem>>
        %dma_wait3A_285 = arith.constant 0 : i32
        %dma_wait3A_286 = arith.constant 0 : i32
        %dma_wait3A_287 = tpu.memref_slice %arg17[%dma_wait3A_285, %dma_wait3A_286] : memref<10048x64xf32, #tpu.memory_space<vmem_shared>> -> memref<10048x64xf32, #tpu.memory_space<vmem_shared>>
        tpu.wait_indirect_dma semaphore(%arg24 : memref<!tpu.dma_semaphore, #tpu.memory_space<semaphore_mem>>) src(%arg13 : memref<128x64xf32, #tpu.memory_space<vmem>>) dst(%dma_wait3A_287 : memref<10048x64xf32, #tpu.memory_space<vmem_shared>>)
        %dma_wait3A_288 = arith.constant 0 : i32
        %dma_wait3A_289 = tpu.memref_slice %arg11[%add3A_180, %dma_wait3A_288] : memref<145x128xi32, #tpu.memory_space<vmem>> -> memref<1x128xi32, #tpu.memory_space<vmem>>
        %dma_wait3A_290 = tpu.memref_squeeze %dma_wait3A_289 : memref<1x128xi32, #tpu.memory_space<vmem>> -> memref<128xi32, #tpu.memory_space<vmem>>
        %dma_wait3A_291 = arith.constant 0 : i32
        %dma_wait3A_292 = arith.constant 0 : i32
        %dma_wait3A_293 = tpu.memref_slice %arg29[%dma_wait3A_291, %dma_wait3A_292] : memref<10048x8xf32, #tpu.memory_space<vmem_shared>> -> memref<10048x8xf32, #tpu.memory_space<vmem_shared>>
        tpu.wait_indirect_dma semaphore(%arg24 : memref<!tpu.dma_semaphore, #tpu.memory_space<semaphore_mem>>) src(%arg28 : memref<128x8xf32, #tpu.memory_space<vmem>>) dst(%dma_wait3A_293 : memref<10048x8xf32, #tpu.memory_space<vmem_shared>>)
      } else {
      }
      %lt3A_208 = arith.cmpi slt, %add3A_200, %select_n3A_8 : i32
      %convert_element_type3A_209 = arith.extui %lt3A_208 : i1 to i32
      %cond3A_210 = arith.constant 0 : i32
      %cond3A_211 = arith.cmpi ne, %convert_element_type3A_209, %cond3A_210 : i32
      scf.if %cond3A_211 {
        %dma_start3A_282 = arith.constant 0 : i32
        %dma_start3A_283 = tpu.memref_slice %arg10[%add3A_200, %dma_start3A_282] : memref<145x128xi32, #tpu.memory_space<vmem>> -> memref<1x128xi32, #tpu.memory_space<vmem>>
        %dma_start3A_284 = tpu.memref_squeeze %dma_start3A_283 : memref<1x128xi32, #tpu.memory_space<vmem>> -> memref<128xi32, #tpu.memory_space<vmem>>
        %dma_start3A_285 = arith.constant 0 : i32
        %dma_start3A_286 = arith.constant 0 : i32
        %dma_start3A_287 = tpu.memref_slice %arg2[%dma_start3A_285, %dma_start3A_286] : memref<10000x64xf32, #tpu.memory_space<hbm>> -> memref<10000x64xf32, #tpu.memory_space<hbm>>
        tpu.enqueue_indirect_dma source(%dma_start3A_287 : memref<10000x64xf32, #tpu.memory_space<hbm>>) target(%arg13 : memref<128x64xf32, #tpu.memory_space<vmem>>) offsets(%dma_start3A_284 : memref<128xi32, #tpu.memory_space<vmem>>) semaphore(%arg19 : memref<!tpu.dma_semaphore, #tpu.memory_space<semaphore_mem>>)
      } else {
      }
      %mul3A_212 = arith.constant 5 : i32
      %mul3A_213 = arith.muli %add3A_108, %mul3A_212 : i32
      %add3A_214 = arith.constant 3 : i32
      %add3A_215 = arith.addi %mul3A_213, %add3A_214 : i32
      %dma_wait3A_216 = arith.constant 0 : i32
      %dma_wait3A_217 = tpu.memref_slice %arg10[%add3A_215, %dma_wait3A_216] : memref<145x128xi32, #tpu.memory_space<vmem>> -> memref<1x128xi32, #tpu.memory_space<vmem>>
      %dma_wait3A_218 = tpu.memref_squeeze %dma_wait3A_217 : memref<1x128xi32, #tpu.memory_space<vmem>> -> memref<128xi32, #tpu.memory_space<vmem>>
      %dma_wait3A_219 = arith.constant 0 : i32
      %dma_wait3A_220 = arith.constant 0 : i32
      %dma_wait3A_221 = tpu.memref_slice %arg2[%dma_wait3A_219, %dma_wait3A_220] : memref<10000x64xf32, #tpu.memory_space<hbm>> -> memref<10000x64xf32, #tpu.memory_space<hbm>>
      tpu.wait_indirect_dma semaphore(%arg21 : memref<!tpu.dma_semaphore, #tpu.memory_space<semaphore_mem>>) src(%dma_wait3A_221 : memref<10000x64xf32, #tpu.memory_space<hbm>>) dst(%arg15 : memref<128x64xf32, #tpu.memory_space<vmem>>)
      %dma_start3A_222 = arith.constant 0 : i32
      %dma_start3A_223 = tpu.memref_slice %arg11[%add3A_215, %dma_start3A_222] : memref<145x128xi32, #tpu.memory_space<vmem>> -> memref<1x128xi32, #tpu.memory_space<vmem>>
      %dma_start3A_224 = tpu.memref_squeeze %dma_start3A_223 : memref<1x128xi32, #tpu.memory_space<vmem>> -> memref<128xi32, #tpu.memory_space<vmem>>
      %dma_start3A_225 = arith.constant 0 : i32
      %dma_start3A_226 = arith.constant 0 : i32
      %dma_start3A_227 = tpu.memref_slice %arg17[%dma_start3A_225, %dma_start3A_226] : memref<10048x64xf32, #tpu.memory_space<vmem_shared>> -> memref<10048x64xf32, #tpu.memory_space<vmem_shared>>
      tpu.enqueue_indirect_dma source(%arg15 : memref<128x64xf32, #tpu.memory_space<vmem>>) target(%dma_start3A_227 : memref<10048x64xf32, #tpu.memory_space<vmem_shared>>) offsets(%dma_start3A_224 : memref<128xi32, #tpu.memory_space<vmem>>) semaphore(%arg26 : memref<!tpu.dma_semaphore, #tpu.memory_space<semaphore_mem>>) {add = true}
      %dma_start3A_228 = arith.constant 0 : i32
      %dma_start3A_229 = tpu.memref_slice %arg11[%add3A_215, %dma_start3A_228] : memref<145x128xi32, #tpu.memory_space<vmem>> -> memref<1x128xi32, #tpu.memory_space<vmem>>
      %dma_start3A_230 = tpu.memref_squeeze %dma_start3A_229 : memref<1x128xi32, #tpu.memory_space<vmem>> -> memref<128xi32, #tpu.memory_space<vmem>>
      %dma_start3A_231 = arith.constant 0 : i32
      %dma_start3A_232 = arith.constant 0 : i32
      %dma_start3A_233 = tpu.memref_slice %arg29[%dma_start3A_231, %dma_start3A_232] : memref<10048x8xf32, #tpu.memory_space<vmem_shared>> -> memref<10048x8xf32, #tpu.memory_space<vmem_shared>>
      tpu.enqueue_indirect_dma source(%arg28 : memref<128x8xf32, #tpu.memory_space<vmem>>) target(%dma_start3A_233 : memref<10048x8xf32, #tpu.memory_space<vmem_shared>>) offsets(%dma_start3A_230 : memref<128xi32, #tpu.memory_space<vmem>>) semaphore(%arg26 : memref<!tpu.dma_semaphore, #tpu.memory_space<semaphore_mem>>) {add = true}
      %add3A_234 = arith.constant 4 : i32
      %add3A_235 = arith.addi %add3A_215, %add3A_234 : i32
      %sub3A_236 = arith.constant 5 : i32
      %sub3A_237 = arith.subi %add3A_235, %sub3A_236 : i32
      %ge3A_238 = arith.constant 0 : i32
      %ge3A_239 = arith.cmpi sge, %sub3A_237, %ge3A_238 : i32
      %convert_element_type3A_240 = arith.extui %ge3A_239 : i1 to i32
      %cond3A_241 = arith.constant 0 : i32
      %cond3A_242 = arith.cmpi ne, %convert_element_type3A_240, %cond3A_241 : i32
      scf.if %cond3A_242 {
        %dma_wait3A_282 = arith.constant 0 : i32
        %dma_wait3A_283 = tpu.memref_slice %arg11[%add3A_215, %dma_wait3A_282] : memref<145x128xi32, #tpu.memory_space<vmem>> -> memref<1x128xi32, #tpu.memory_space<vmem>>
        %dma_wait3A_284 = tpu.memref_squeeze %dma_wait3A_283 : memref<1x128xi32, #tpu.memory_space<vmem>> -> memref<128xi32, #tpu.memory_space<vmem>>
        %dma_wait3A_285 = arith.constant 0 : i32
        %dma_wait3A_286 = arith.constant 0 : i32
        %dma_wait3A_287 = tpu.memref_slice %arg17[%dma_wait3A_285, %dma_wait3A_286] : memref<10048x64xf32, #tpu.memory_space<vmem_shared>> -> memref<10048x64xf32, #tpu.memory_space<vmem_shared>>
        tpu.wait_indirect_dma semaphore(%arg25 : memref<!tpu.dma_semaphore, #tpu.memory_space<semaphore_mem>>) src(%arg14 : memref<128x64xf32, #tpu.memory_space<vmem>>) dst(%dma_wait3A_287 : memref<10048x64xf32, #tpu.memory_space<vmem_shared>>)
        %dma_wait3A_288 = arith.constant 0 : i32
        %dma_wait3A_289 = tpu.memref_slice %arg11[%add3A_215, %dma_wait3A_288] : memref<145x128xi32, #tpu.memory_space<vmem>> -> memref<1x128xi32, #tpu.memory_space<vmem>>
        %dma_wait3A_290 = tpu.memref_squeeze %dma_wait3A_289 : memref<1x128xi32, #tpu.memory_space<vmem>> -> memref<128xi32, #tpu.memory_space<vmem>>
        %dma_wait3A_291 = arith.constant 0 : i32
        %dma_wait3A_292 = arith.constant 0 : i32
        %dma_wait3A_293 = tpu.memref_slice %arg29[%dma_wait3A_291, %dma_wait3A_292] : memref<10048x8xf32, #tpu.memory_space<vmem_shared>> -> memref<10048x8xf32, #tpu.memory_space<vmem_shared>>
        tpu.wait_indirect_dma semaphore(%arg25 : memref<!tpu.dma_semaphore, #tpu.memory_space<semaphore_mem>>) src(%arg28 : memref<128x8xf32, #tpu.memory_space<vmem>>) dst(%dma_wait3A_293 : memref<10048x8xf32, #tpu.memory_space<vmem_shared>>)
      } else {
      }
      %lt3A_243 = arith.cmpi slt, %add3A_235, %select_n3A_8 : i32
      %convert_element_type3A_244 = arith.extui %lt3A_243 : i1 to i32
      %cond3A_245 = arith.constant 0 : i32
      %cond3A_246 = arith.cmpi ne, %convert_element_type3A_244, %cond3A_245 : i32
      scf.if %cond3A_246 {
        %dma_start3A_282 = arith.constant 0 : i32
        %dma_start3A_283 = tpu.memref_slice %arg10[%add3A_235, %dma_start3A_282] : memref<145x128xi32, #tpu.memory_space<vmem>> -> memref<1x128xi32, #tpu.memory_space<vmem>>
        %dma_start3A_284 = tpu.memref_squeeze %dma_start3A_283 : memref<1x128xi32, #tpu.memory_space<vmem>> -> memref<128xi32, #tpu.memory_space<vmem>>
        %dma_start3A_285 = arith.constant 0 : i32
        %dma_start3A_286 = arith.constant 0 : i32
        %dma_start3A_287 = tpu.memref_slice %arg2[%dma_start3A_285, %dma_start3A_286] : memref<10000x64xf32, #tpu.memory_space<hbm>> -> memref<10000x64xf32, #tpu.memory_space<hbm>>
        tpu.enqueue_indirect_dma source(%dma_start3A_287 : memref<10000x64xf32, #tpu.memory_space<hbm>>) target(%arg14 : memref<128x64xf32, #tpu.memory_space<vmem>>) offsets(%dma_start3A_284 : memref<128xi32, #tpu.memory_space<vmem>>) semaphore(%arg20 : memref<!tpu.dma_semaphore, #tpu.memory_space<semaphore_mem>>)
      } else {
      }
      %mul3A_247 = arith.constant 5 : i32
      %mul3A_248 = arith.muli %add3A_108, %mul3A_247 : i32
      %add3A_249 = arith.constant 4 : i32
      %add3A_250 = arith.addi %mul3A_248, %add3A_249 : i32
      %dma_wait3A_251 = arith.constant 0 : i32
      %dma_wait3A_252 = tpu.memref_slice %arg10[%add3A_250, %dma_wait3A_251] : memref<145x128xi32, #tpu.memory_space<vmem>> -> memref<1x128xi32, #tpu.memory_space<vmem>>
      %dma_wait3A_253 = tpu.memref_squeeze %dma_wait3A_252 : memref<1x128xi32, #tpu.memory_space<vmem>> -> memref<128xi32, #tpu.memory_space<vmem>>
      %dma_wait3A_254 = arith.constant 0 : i32
      %dma_wait3A_255 = arith.constant 0 : i32
      %dma_wait3A_256 = tpu.memref_slice %arg2[%dma_wait3A_254, %dma_wait3A_255] : memref<10000x64xf32, #tpu.memory_space<hbm>> -> memref<10000x64xf32, #tpu.memory_space<hbm>>
      tpu.wait_indirect_dma semaphore(%arg22 : memref<!tpu.dma_semaphore, #tpu.memory_space<semaphore_mem>>) src(%dma_wait3A_256 : memref<10000x64xf32, #tpu.memory_space<hbm>>) dst(%arg16 : memref<128x64xf32, #tpu.memory_space<vmem>>)
      %dma_start3A_257 = arith.constant 0 : i32
      %dma_start3A_258 = tpu.memref_slice %arg11[%add3A_250, %dma_start3A_257] : memref<145x128xi32, #tpu.memory_space<vmem>> -> memref<1x128xi32, #tpu.memory_space<vmem>>
      %dma_start3A_259 = tpu.memref_squeeze %dma_start3A_258 : memref<1x128xi32, #tpu.memory_space<vmem>> -> memref<128xi32, #tpu.memory_space<vmem>>
      %dma_start3A_260 = arith.constant 0 : i32
      %dma_start3A_261 = arith.constant 0 : i32
      %dma_start3A_262 = tpu.memref_slice %arg17[%dma_start3A_260, %dma_start3A_261] : memref<10048x64xf32, #tpu.memory_space<vmem_shared>> -> memref<10048x64xf32, #tpu.memory_space<vmem_shared>>
      tpu.enqueue_indirect_dma source(%arg16 : memref<128x64xf32, #tpu.memory_space<vmem>>) target(%dma_start3A_262 : memref<10048x64xf32, #tpu.memory_space<vmem_shared>>) offsets(%dma_start3A_259 : memref<128xi32, #tpu.memory_space<vmem>>) semaphore(%arg27 : memref<!tpu.dma_semaphore, #tpu.memory_space<semaphore_mem>>) {add = true}
      %dma_start3A_263 = arith.constant 0 : i32
      %dma_start3A_264 = tpu.memref_slice %arg11[%add3A_250, %dma_start3A_263] : memref<145x128xi32, #tpu.memory_space<vmem>> -> memref<1x128xi32, #tpu.memory_space<vmem>>
      %dma_start3A_265 = tpu.memref_squeeze %dma_start3A_264 : memref<1x128xi32, #tpu.memory_space<vmem>> -> memref<128xi32, #tpu.memory_space<vmem>>
      %dma_start3A_266 = arith.constant 0 : i32
      %dma_start3A_267 = arith.constant 0 : i32
      %dma_start3A_268 = tpu.memref_slice %arg29[%dma_start3A_266, %dma_start3A_267] : memref<10048x8xf32, #tpu.memory_space<vmem_shared>> -> memref<10048x8xf32, #tpu.memory_space<vmem_shared>>
      tpu.enqueue_indirect_dma source(%arg28 : memref<128x8xf32, #tpu.memory_space<vmem>>) target(%dma_start3A_268 : memref<10048x8xf32, #tpu.memory_space<vmem_shared>>) offsets(%dma_start3A_265 : memref<128xi32, #tpu.memory_space<vmem>>) semaphore(%arg27 : memref<!tpu.dma_semaphore, #tpu.memory_space<semaphore_mem>>) {add = true}
      %add3A_269 = arith.constant 4 : i32
      %add3A_270 = arith.addi %add3A_250, %add3A_269 : i32
      %sub3A_271 = arith.constant 5 : i32
      %sub3A_272 = arith.subi %add3A_270, %sub3A_271 : i32
      %ge3A_273 = arith.constant 0 : i32
      %ge3A_274 = arith.cmpi sge, %sub3A_272, %ge3A_273 : i32
      %convert_element_type3A_275 = arith.extui %ge3A_274 : i1 to i32
      %cond3A_276 = arith.constant 0 : i32
      %cond3A_277 = arith.cmpi ne, %convert_element_type3A_275, %cond3A_276 : i32
      scf.if %cond3A_277 {
        %dma_wait3A_282 = arith.constant 0 : i32
        %dma_wait3A_283 = tpu.memref_slice %arg11[%add3A_250, %dma_wait3A_282] : memref<145x128xi32, #tpu.memory_space<vmem>> -> memref<1x128xi32, #tpu.memory_space<vmem>>
        %dma_wait3A_284 = tpu.memref_squeeze %dma_wait3A_283 : memref<1x128xi32, #tpu.memory_space<vmem>> -> memref<128xi32, #tpu.memory_space<vmem>>
        %dma_wait3A_285 = arith.constant 0 : i32
        %dma_wait3A_286 = arith.constant 0 : i32
        %dma_wait3A_287 = tpu.memref_slice %arg17[%dma_wait3A_285, %dma_wait3A_286] : memref<10048x64xf32, #tpu.memory_space<vmem_shared>> -> memref<10048x64xf32, #tpu.memory_space<vmem_shared>>
        tpu.wait_indirect_dma semaphore(%arg26 : memref<!tpu.dma_semaphore, #tpu.memory_space<semaphore_mem>>) src(%arg15 : memref<128x64xf32, #tpu.memory_space<vmem>>) dst(%dma_wait3A_287 : memref<10048x64xf32, #tpu.memory_space<vmem_shared>>)
        %dma_wait3A_288 = arith.constant 0 : i32
        %dma_wait3A_289 = tpu.memref_slice %arg11[%add3A_250, %dma_wait3A_288] : memref<145x128xi32, #tpu.memory_space<vmem>> -> memref<1x128xi32, #tpu.memory_space<vmem>>
        %dma_wait3A_290 = tpu.memref_squeeze %dma_wait3A_289 : memref<1x128xi32, #tpu.memory_space<vmem>> -> memref<128xi32, #tpu.memory_space<vmem>>
        %dma_wait3A_291 = arith.constant 0 : i32
        %dma_wait3A_292 = arith.constant 0 : i32
        %dma_wait3A_293 = tpu.memref_slice %arg29[%dma_wait3A_291, %dma_wait3A_292] : memref<10048x8xf32, #tpu.memory_space<vmem_shared>> -> memref<10048x8xf32, #tpu.memory_space<vmem_shared>>
        tpu.wait_indirect_dma semaphore(%arg26 : memref<!tpu.dma_semaphore, #tpu.memory_space<semaphore_mem>>) src(%arg28 : memref<128x8xf32, #tpu.memory_space<vmem>>) dst(%dma_wait3A_293 : memref<10048x8xf32, #tpu.memory_space<vmem_shared>>)
      } else {
      }
      %lt3A_278 = arith.cmpi slt, %add3A_270, %select_n3A_8 : i32
      %convert_element_type3A_279 = arith.extui %lt3A_278 : i1 to i32
      %cond3A_280 = arith.constant 0 : i32
      %cond3A_281 = arith.cmpi ne, %convert_element_type3A_279, %cond3A_280 : i32
      scf.if %cond3A_281 {
        %dma_start3A_282 = arith.constant 0 : i32
        %dma_start3A_283 = tpu.memref_slice %arg10[%add3A_270, %dma_start3A_282] : memref<145x128xi32, #tpu.memory_space<vmem>> -> memref<1x128xi32, #tpu.memory_space<vmem>>
        %dma_start3A_284 = tpu.memref_squeeze %dma_start3A_283 : memref<1x128xi32, #tpu.memory_space<vmem>> -> memref<128xi32, #tpu.memory_space<vmem>>
        %dma_start3A_285 = arith.constant 0 : i32
        %dma_start3A_286 = arith.constant 0 : i32
        %dma_start3A_287 = tpu.memref_slice %arg2[%dma_start3A_285, %dma_start3A_286] : memref<10000x64xf32, #tpu.memory_space<hbm>> -> memref<10000x64xf32, #tpu.memory_space<hbm>>
        tpu.enqueue_indirect_dma source(%dma_start3A_287 : memref<10000x64xf32, #tpu.memory_space<hbm>>) target(%arg15 : memref<128x64xf32, #tpu.memory_space<vmem>>) offsets(%dma_start3A_284 : memref<128xi32, #tpu.memory_space<vmem>>) semaphore(%arg21 : memref<!tpu.dma_semaphore, #tpu.memory_space<semaphore_mem>>)
      } else {
      }
    }
    %dma_wait3A = arith.constant 0 : i32
    %dma_wait3A_84 = arith.constant 0 : i32
    %dma_wait3A_85 = tpu.memref_slice %arg11[%dma_wait3A, %dma_wait3A_84] : memref<145x128xi32, #tpu.memory_space<vmem>> -> memref<1x128xi32, #tpu.memory_space<vmem>>
    %dma_wait3A_86 = tpu.memref_squeeze %dma_wait3A_85 : memref<1x128xi32, #tpu.memory_space<vmem>> -> memref<128xi32, #tpu.memory_space<vmem>>
    %dma_wait3A_87 = arith.constant 0 : i32
    %dma_wait3A_88 = arith.constant 0 : i32
    %dma_wait3A_89 = tpu.memref_slice %arg17[%dma_wait3A_87, %dma_wait3A_88] : memref<10048x64xf32, #tpu.memory_space<vmem_shared>> -> memref<10048x64xf32, #tpu.memory_space<vmem_shared>>
    tpu.wait_indirect_dma semaphore(%arg27 : memref<!tpu.dma_semaphore, #tpu.memory_space<semaphore_mem>>) src(%arg16 : memref<128x64xf32, #tpu.memory_space<vmem>>) dst(%dma_wait3A_89 : memref<10048x64xf32, #tpu.memory_space<vmem_shared>>)
    %dma_wait3A_90 = arith.constant 0 : i32
    %dma_wait3A_91 = arith.constant 0 : i32
    %dma_wait3A_92 = tpu.memref_slice %arg11[%dma_wait3A_90, %dma_wait3A_91] : memref<145x128xi32, #tpu.memory_space<vmem>> -> memref<1x128xi32, #tpu.memory_space<vmem>>
    %dma_wait3A_93 = tpu.memref_squeeze %dma_wait3A_92 : memref<1x128xi32, #tpu.memory_space<vmem>> -> memref<128xi32, #tpu.memory_space<vmem>>
    %dma_wait3A_94 = arith.constant 0 : i32
    %dma_wait3A_95 = arith.constant 0 : i32
    %dma_wait3A_96 = tpu.memref_slice %arg29[%dma_wait3A_94, %dma_wait3A_95] : memref<10048x8xf32, #tpu.memory_space<vmem_shared>> -> memref<10048x8xf32, #tpu.memory_space<vmem_shared>>
    tpu.wait_indirect_dma semaphore(%arg27 : memref<!tpu.dma_semaphore, #tpu.memory_space<semaphore_mem>>) src(%arg28 : memref<128x8xf32, #tpu.memory_space<vmem>>) dst(%dma_wait3A_96 : memref<10048x8xf32, #tpu.memory_space<vmem_shared>>)
    %barrier3A_97 = arith.constant 0 : index
    tpu.barrier barrier_id(%barrier3A_97)
    %mul3A_98 = arith.constant 628 : i32
    %mul3A_99 = arith.muli %arg1, %mul3A_98 : i32
    %mul3A_100 = arith.constant 628 : i32
    %mul3A_101 = arith.muli %arg1, %mul3A_100 : i32
    "tpu.region"() ({
      %run_scoped3A = tpu.sem_alloc : memref<!tpu.dma_semaphore, #tpu.memory_space<semaphore_mem>>
      %dma_start3A_106 = arith.constant 0 : i32
      %dma_start3A_107 = tpu.memref_slice %arg8[%arg0, %mul3A_101, %dma_start3A_106] : memref<2x10048x64xf32, #tpu.memory_space<hbm>> -> memref<1x628x64xf32, #tpu.memory_space<hbm>>
      %dma_start3A_108 = tpu.memref_squeeze %dma_start3A_107 : memref<1x628x64xf32, #tpu.memory_space<hbm>> -> memref<628x64xf32, #tpu.memory_space<hbm>>
      %dma_start3A_109 = arith.constant 0 : i32
      %dma_start3A_110 = tpu.memref_slice %arg17[%mul3A_99, %dma_start3A_109] : memref<10048x64xf32, #tpu.memory_space<vmem_shared>> -> memref<628x64xf32, #tpu.memory_space<vmem_shared>>
      tpu.enqueue_dma source(%dma_start3A_110 : memref<628x64xf32, #tpu.memory_space<vmem_shared>>) target(%dma_start3A_108 : memref<628x64xf32, #tpu.memory_space<hbm>>) target_semaphore(%run_scoped3A : memref<!tpu.dma_semaphore, #tpu.memory_space<semaphore_mem>>)
      %dma_wait3A_111 = arith.constant 0 : i32
      %dma_wait3A_112 = tpu.memref_slice %arg8[%arg0, %mul3A_101, %dma_wait3A_111] : memref<2x10048x64xf32, #tpu.memory_space<hbm>> -> memref<1x628x64xf32, #tpu.memory_space<hbm>>
      %dma_wait3A_113 = tpu.memref_squeeze %dma_wait3A_112 : memref<1x628x64xf32, #tpu.memory_space<hbm>> -> memref<628x64xf32, #tpu.memory_space<hbm>>
      %dma_wait3A_114 = arith.constant 0 : i32
      %dma_wait3A_115 = tpu.memref_slice %arg17[%mul3A_99, %dma_wait3A_114] : memref<10048x64xf32, #tpu.memory_space<vmem_shared>> -> memref<628x64xf32, #tpu.memory_space<vmem_shared>>
      tpu.wait_dma2 semaphore(%run_scoped3A : memref<!tpu.dma_semaphore, #tpu.memory_space<semaphore_mem>>) src(%dma_wait3A_115 : memref<628x64xf32, #tpu.memory_space<vmem_shared>>) dst(%dma_wait3A_113 : memref<628x64xf32, #tpu.memory_space<hbm>>)
      tpu.yield
    }) : () -> ()
    %mul3A_102 = arith.constant 628 : i32
    %mul3A_103 = arith.muli %arg1, %mul3A_102 : i32
    %mul3A_104 = arith.constant 628 : i32
    %mul3A_105 = arith.muli %arg1, %mul3A_104 : i32
    "tpu.region"() ({
      %run_scoped3A = tpu.sem_alloc : memref<!tpu.dma_semaphore, #tpu.memory_space<semaphore_mem>>
      %dma_start3A_106 = arith.constant 0 : i32
      %dma_start3A_107 = tpu.memref_slice %arg9[%arg0, %mul3A_105, %dma_start3A_106] : memref<2x10048x8xf32, #tpu.memory_space<hbm>> -> memref<1x628x8xf32, #tpu.memory_space<hbm>>
      %dma_start3A_108 = tpu.memref_squeeze %dma_start3A_107 : memref<1x628x8xf32, #tpu.memory_space<hbm>> -> memref<628x8xf32, #tpu.memory_space<hbm>>
      %dma_start3A_109 = arith.constant 0 : i32
      %dma_start3A_110 = tpu.memref_slice %arg29[%mul3A_103, %dma_start3A_109] : memref<10048x8xf32, #tpu.memory_space<vmem_shared>> -> memref<628x8xf32, #tpu.memory_space<vmem_shared>>
      tpu.enqueue_dma source(%dma_start3A_110 : memref<628x8xf32, #tpu.memory_space<vmem_shared>>) target(%dma_start3A_108 : memref<628x8xf32, #tpu.memory_space<hbm>>) target_semaphore(%run_scoped3A : memref<!tpu.dma_semaphore, #tpu.memory_space<semaphore_mem>>)
      %dma_wait3A_111 = arith.constant 0 : i32
      %dma_wait3A_112 = tpu.memref_slice %arg9[%arg0, %mul3A_105, %dma_wait3A_111] : memref<2x10048x8xf32, #tpu.memory_space<hbm>> -> memref<1x628x8xf32, #tpu.memory_space<hbm>>
      %dma_wait3A_113 = tpu.memref_squeeze %dma_wait3A_112 : memref<1x628x8xf32, #tpu.memory_space<hbm>> -> memref<628x8xf32, #tpu.memory_space<hbm>>
      %dma_wait3A_114 = arith.constant 0 : i32
      %dma_wait3A_115 = tpu.memref_slice %arg29[%mul3A_103, %dma_wait3A_114] : memref<10048x8xf32, #tpu.memory_space<vmem_shared>> -> memref<628x8xf32, #tpu.memory_space<vmem_shared>>
      tpu.wait_dma2 semaphore(%run_scoped3A : memref<!tpu.dma_semaphore, #tpu.memory_space<semaphore_mem>>) src(%dma_wait3A_115 : memref<628x8xf32, #tpu.memory_space<vmem_shared>>) dst(%dma_wait3A_113 : memref<628x8xf32, #tpu.memory_space<hbm>>)
      tpu.yield
    }) : () -> ()
    return
  }
}

#map = affine_map<(d0, d1) -> (0, 0)>
#map1 = affine_map<(d0, d1) -> (0, 0, 0)>
module attributes {stable_mosaic.version = 14 : i64} {
  func.func @body(%arg0: i32, %arg1: i32, %arg2: memref<10000x8xf32, #tpu.memory_space<hbm>>, %arg3: memref<2705x128xi32, #tpu.memory_space<hbm>>, %arg4: memref<2705x128xi32, #tpu.memory_space<hbm>>, %arg5: memref<628x8xf32, #tpu.memory_space<hbm>>, %arg6: memref<2x10048x8xf32, #tpu.memory_space<hbm>>, %arg7: memref<145x128xi32, #tpu.memory_space<vmem>>, %arg8: memref<145x128xi32, #tpu.memory_space<vmem>>, %arg9: memref<128x8xf32, #tpu.memory_space<vmem>>, %arg10: memref<128x8xf32, #tpu.memory_space<vmem>>, %arg11: memref<128x8xf32, #tpu.memory_space<vmem>>, %arg12: memref<128x8xf32, #tpu.memory_space<vmem>>, %arg13: memref<128x8xf32, #tpu.memory_space<vmem>>, %arg14: memref<10048x8xf32, #tpu.memory_space<vmem_shared>>, %arg15: memref<!tpu.dma_semaphore, #tpu.memory_space<semaphore_mem>>, %arg16: memref<!tpu.dma_semaphore, #tpu.memory_space<semaphore_mem>>, %arg17: memref<!tpu.dma_semaphore, #tpu.memory_space<semaphore_mem>>, %arg18: memref<!tpu.dma_semaphore, #tpu.memory_space<semaphore_mem>>, %arg19: memref<!tpu.dma_semaphore, #tpu.memory_space<semaphore_mem>>, %arg20: memref<!tpu.dma_semaphore, #tpu.memory_space<semaphore_mem>>, %arg21: memref<!tpu.dma_semaphore, #tpu.memory_space<semaphore_mem>>, %arg22: memref<!tpu.dma_semaphore, #tpu.memory_space<semaphore_mem>>, %arg23: memref<!tpu.dma_semaphore, #tpu.memory_space<semaphore_mem>>, %arg24: memref<!tpu.dma_semaphore, #tpu.memory_space<semaphore_mem>>) attributes {dimension_semantics = [#tpu.dimension_semantics<core_parallel>, #tpu.dimension_semantics<subcore_parallel>], iteration_bounds = array<i64: 2, 16>, scalar_prefetch = 0 : i64, scratch_operands = 18 : i64, tpu.core_type = #tpu.core_type<sc_vector_subcore>, window_params = [{transform_indices = #map}, {transform_indices = #map}, {transform_indices = #map}, {transform_indices = #map}, {transform_indices = #map1}]} {
    %eq3A = arith.constant 0 : i32
    %eq3A_0 = arith.cmpi eq, %arg0, %eq3A : i32
    %mul3A = arith.constant 145 : i32
    %mul3A_1 = arith.muli %arg1, %mul3A : i32
    %mul3A_2 = arith.constant 15 : i32
    %mul3A_3 = arith.muli %arg1, %mul3A_2 : i32
    %add3A = arith.constant 2320 : i32
    %add3A_4 = arith.addi %add3A, %mul3A_3 : i32
    %select_n3A = arith.select %eq3A_0, %mul3A_1, %add3A_4 : i32
    %eq3A_5 = arith.constant 0 : i32
    %eq3A_6 = arith.cmpi eq, %arg0, %eq3A_5 : i32
    %jit3A = arith.constant 145 : i32
    %jit3A_7 = arith.constant 15 : i32
    %select_n3A_8 = arith.select %eq3A_6, %jit3A, %jit3A_7 : i32
    %eq3A_9 = arith.constant 0 : i32
    %eq3A_10 = arith.cmpi eq, %arg0, %eq3A_9 : i32
    %convert_element_type3A = arith.extui %eq3A_10 : i1 to i32
    %cond3A = arith.constant 0 : i32
    %cond3A_11 = arith.cmpi ne, %convert_element_type3A, %cond3A : i32
    scf.if %cond3A_11 {
      %mul3A_93 = arith.constant 145 : i32
      %mul3A_94 = arith.muli %arg1, %mul3A_93 : i32
      "tpu.region"() ({
        %run_scoped3A = tpu.sem_alloc : memref<!tpu.dma_semaphore, #tpu.memory_space<semaphore_mem>>
        %dma_start3A_97 = arith.constant 0 : i32
        %dma_start3A_98 = arith.constant 0 : i32
        %dma_start3A_99 = tpu.memref_slice %arg7[%dma_start3A_97, %dma_start3A_98] : memref<145x128xi32, #tpu.memory_space<vmem>> -> memref<145x128xi32, #tpu.memory_space<vmem>>
        %dma_start3A_100 = arith.constant 0 : i32
        %dma_start3A_101 = tpu.memref_slice %arg3[%mul3A_94, %dma_start3A_100] : memref<2705x128xi32, #tpu.memory_space<hbm>> -> memref<145x128xi32, #tpu.memory_space<hbm>>
        %dma_start3A_102 = arith.constant 0 : i32
        %dma_start3A_103 = arith.constant 0 : i32
        %dma_start3A_104 = tpu.memref_slice %arg7[%dma_start3A_102, %dma_start3A_103] : memref<145x128xi32, #tpu.memory_space<vmem>> -> memref<145x128xi32, #tpu.memory_space<vmem>>
        %dma_start3A_105 = arith.constant 0 : i32
        %dma_start3A_106 = tpu.memref_slice %arg3[%mul3A_94, %dma_start3A_105] : memref<2705x128xi32, #tpu.memory_space<hbm>> -> memref<145x128xi32, #tpu.memory_space<hbm>>
        tpu.enqueue_dma source(%dma_start3A_106 : memref<145x128xi32, #tpu.memory_space<hbm>>) target(%dma_start3A_104 : memref<145x128xi32, #tpu.memory_space<vmem>>) target_semaphore(%run_scoped3A : memref<!tpu.dma_semaphore, #tpu.memory_space<semaphore_mem>>)
        %dma_wait3A_107 = arith.constant 0 : i32
        %dma_wait3A_108 = arith.constant 0 : i32
        %dma_wait3A_109 = tpu.memref_slice %arg7[%dma_wait3A_107, %dma_wait3A_108] : memref<145x128xi32, #tpu.memory_space<vmem>> -> memref<145x128xi32, #tpu.memory_space<vmem>>
        %dma_wait3A_110 = arith.constant 0 : i32
        %dma_wait3A_111 = tpu.memref_slice %arg3[%mul3A_94, %dma_wait3A_110] : memref<2705x128xi32, #tpu.memory_space<hbm>> -> memref<145x128xi32, #tpu.memory_space<hbm>>
        %dma_wait3A_112 = arith.constant 0 : i32
        %dma_wait3A_113 = arith.constant 0 : i32
        %dma_wait3A_114 = tpu.memref_slice %arg7[%dma_wait3A_112, %dma_wait3A_113] : memref<145x128xi32, #tpu.memory_space<vmem>> -> memref<145x128xi32, #tpu.memory_space<vmem>>
        %dma_wait3A_115 = arith.constant 0 : i32
        %dma_wait3A_116 = tpu.memref_slice %arg3[%mul3A_94, %dma_wait3A_115] : memref<2705x128xi32, #tpu.memory_space<hbm>> -> memref<145x128xi32, #tpu.memory_space<hbm>>
        tpu.wait_dma2 semaphore(%run_scoped3A : memref<!tpu.dma_semaphore, #tpu.memory_space<semaphore_mem>>) src(%dma_wait3A_116 : memref<145x128xi32, #tpu.memory_space<hbm>>) dst(%dma_wait3A_114 : memref<145x128xi32, #tpu.memory_space<vmem>>)
        tpu.yield
      }) : () -> ()
      %mul3A_95 = arith.constant 145 : i32
      %mul3A_96 = arith.muli %arg1, %mul3A_95 : i32
      "tpu.region"() ({
        %run_scoped3A = tpu.sem_alloc : memref<!tpu.dma_semaphore, #tpu.memory_space<semaphore_mem>>
        %dma_start3A_97 = arith.constant 0 : i32
        %dma_start3A_98 = arith.constant 0 : i32
        %dma_start3A_99 = tpu.memref_slice %arg8[%dma_start3A_97, %dma_start3A_98] : memref<145x128xi32, #tpu.memory_space<vmem>> -> memref<145x128xi32, #tpu.memory_space<vmem>>
        %dma_start3A_100 = arith.constant 0 : i32
        %dma_start3A_101 = tpu.memref_slice %arg4[%mul3A_96, %dma_start3A_100] : memref<2705x128xi32, #tpu.memory_space<hbm>> -> memref<145x128xi32, #tpu.memory_space<hbm>>
        %dma_start3A_102 = arith.constant 0 : i32
        %dma_start3A_103 = arith.constant 0 : i32
        %dma_start3A_104 = tpu.memref_slice %arg8[%dma_start3A_102, %dma_start3A_103] : memref<145x128xi32, #tpu.memory_space<vmem>> -> memref<145x128xi32, #tpu.memory_space<vmem>>
        %dma_start3A_105 = arith.constant 0 : i32
        %dma_start3A_106 = tpu.memref_slice %arg4[%mul3A_96, %dma_start3A_105] : memref<2705x128xi32, #tpu.memory_space<hbm>> -> memref<145x128xi32, #tpu.memory_space<hbm>>
        tpu.enqueue_dma source(%dma_start3A_106 : memref<145x128xi32, #tpu.memory_space<hbm>>) target(%dma_start3A_104 : memref<145x128xi32, #tpu.memory_space<vmem>>) target_semaphore(%run_scoped3A : memref<!tpu.dma_semaphore, #tpu.memory_space<semaphore_mem>>)
        %dma_wait3A_107 = arith.constant 0 : i32
        %dma_wait3A_108 = arith.constant 0 : i32
        %dma_wait3A_109 = tpu.memref_slice %arg8[%dma_wait3A_107, %dma_wait3A_108] : memref<145x128xi32, #tpu.memory_space<vmem>> -> memref<145x128xi32, #tpu.memory_space<vmem>>
        %dma_wait3A_110 = arith.constant 0 : i32
        %dma_wait3A_111 = tpu.memref_slice %arg4[%mul3A_96, %dma_wait3A_110] : memref<2705x128xi32, #tpu.memory_space<hbm>> -> memref<145x128xi32, #tpu.memory_space<hbm>>
        %dma_wait3A_112 = arith.constant 0 : i32
        %dma_wait3A_113 = arith.constant 0 : i32
        %dma_wait3A_114 = tpu.memref_slice %arg8[%dma_wait3A_112, %dma_wait3A_113] : memref<145x128xi32, #tpu.memory_space<vmem>> -> memref<145x128xi32, #tpu.memory_space<vmem>>
        %dma_wait3A_115 = arith.constant 0 : i32
        %dma_wait3A_116 = tpu.memref_slice %arg4[%mul3A_96, %dma_wait3A_115] : memref<2705x128xi32, #tpu.memory_space<hbm>> -> memref<145x128xi32, #tpu.memory_space<hbm>>
        tpu.wait_dma2 semaphore(%run_scoped3A : memref<!tpu.dma_semaphore, #tpu.memory_space<semaphore_mem>>) src(%dma_wait3A_116 : memref<145x128xi32, #tpu.memory_space<hbm>>) dst(%dma_wait3A_114 : memref<145x128xi32, #tpu.memory_space<vmem>>)
        tpu.yield
      }) : () -> ()
    } else {
    }
    %eq3A_12 = arith.constant 1 : i32
    %eq3A_13 = arith.cmpi eq, %arg0, %eq3A_12 : i32
    %convert_element_type3A_14 = arith.extui %eq3A_13 : i1 to i32
    %cond3A_15 = arith.constant 0 : i32
    %cond3A_16 = arith.cmpi ne, %convert_element_type3A_14, %cond3A_15 : i32
    scf.if %cond3A_16 {
      %mul3A_93 = arith.constant 15 : i32
      %mul3A_94 = arith.muli %arg1, %mul3A_93 : i32
      %add3A_95 = arith.constant 2320 : i32
      %add3A_96 = arith.addi %add3A_95, %mul3A_94 : i32
      "tpu.region"() ({
        %run_scoped3A = tpu.sem_alloc : memref<!tpu.dma_semaphore, #tpu.memory_space<semaphore_mem>>
        %dma_start3A_97 = arith.constant 0 : i32
        %dma_start3A_98 = arith.constant 0 : i32
        %dma_start3A_99 = tpu.memref_slice %arg7[%dma_start3A_97, %dma_start3A_98] : memref<145x128xi32, #tpu.memory_space<vmem>> -> memref<15x128xi32, #tpu.memory_space<vmem>>
        %dma_start3A_100 = arith.constant 0 : i32
        %dma_start3A_101 = tpu.memref_slice %arg3[%add3A_96, %dma_start3A_100] : memref<2705x128xi32, #tpu.memory_space<hbm>> -> memref<15x128xi32, #tpu.memory_space<hbm>>
        %dma_start3A_102 = arith.constant 0 : i32
        %dma_start3A_103 = arith.constant 0 : i32
        %dma_start3A_104 = tpu.memref_slice %arg7[%dma_start3A_102, %dma_start3A_103] : memref<145x128xi32, #tpu.memory_space<vmem>> -> memref<15x128xi32, #tpu.memory_space<vmem>>
        %dma_start3A_105 = arith.constant 0 : i32
        %dma_start3A_106 = tpu.memref_slice %arg3[%add3A_96, %dma_start3A_105] : memref<2705x128xi32, #tpu.memory_space<hbm>> -> memref<15x128xi32, #tpu.memory_space<hbm>>
        tpu.enqueue_dma source(%dma_start3A_106 : memref<15x128xi32, #tpu.memory_space<hbm>>) target(%dma_start3A_104 : memref<15x128xi32, #tpu.memory_space<vmem>>) target_semaphore(%run_scoped3A : memref<!tpu.dma_semaphore, #tpu.memory_space<semaphore_mem>>)
        %dma_wait3A_107 = arith.constant 0 : i32
        %dma_wait3A_108 = arith.constant 0 : i32
        %dma_wait3A_109 = tpu.memref_slice %arg7[%dma_wait3A_107, %dma_wait3A_108] : memref<145x128xi32, #tpu.memory_space<vmem>> -> memref<15x128xi32, #tpu.memory_space<vmem>>
        %dma_wait3A_110 = arith.constant 0 : i32
        %dma_wait3A_111 = tpu.memref_slice %arg3[%add3A_96, %dma_wait3A_110] : memref<2705x128xi32, #tpu.memory_space<hbm>> -> memref<15x128xi32, #tpu.memory_space<hbm>>
        %dma_wait3A_112 = arith.constant 0 : i32
        %dma_wait3A_113 = arith.constant 0 : i32
        %dma_wait3A_114 = tpu.memref_slice %arg7[%dma_wait3A_112, %dma_wait3A_113] : memref<145x128xi32, #tpu.memory_space<vmem>> -> memref<15x128xi32, #tpu.memory_space<vmem>>
        %dma_wait3A_115 = arith.constant 0 : i32
        %dma_wait3A_116 = tpu.memref_slice %arg3[%add3A_96, %dma_wait3A_115] : memref<2705x128xi32, #tpu.memory_space<hbm>> -> memref<15x128xi32, #tpu.memory_space<hbm>>
        tpu.wait_dma2 semaphore(%run_scoped3A : memref<!tpu.dma_semaphore, #tpu.memory_space<semaphore_mem>>) src(%dma_wait3A_116 : memref<15x128xi32, #tpu.memory_space<hbm>>) dst(%dma_wait3A_114 : memref<15x128xi32, #tpu.memory_space<vmem>>)
        tpu.yield
      }) : () -> ()
      "tpu.region"() ({
        %run_scoped3A = tpu.sem_alloc : memref<!tpu.dma_semaphore, #tpu.memory_space<semaphore_mem>>
        %dma_start3A_97 = arith.constant 0 : i32
        %dma_start3A_98 = arith.constant 0 : i32
        %dma_start3A_99 = tpu.memref_slice %arg8[%dma_start3A_97, %dma_start3A_98] : memref<145x128xi32, #tpu.memory_space<vmem>> -> memref<15x128xi32, #tpu.memory_space<vmem>>
        %dma_start3A_100 = arith.constant 0 : i32
        %dma_start3A_101 = tpu.memref_slice %arg4[%add3A_96, %dma_start3A_100] : memref<2705x128xi32, #tpu.memory_space<hbm>> -> memref<15x128xi32, #tpu.memory_space<hbm>>
        %dma_start3A_102 = arith.constant 0 : i32
        %dma_start3A_103 = arith.constant 0 : i32
        %dma_start3A_104 = tpu.memref_slice %arg8[%dma_start3A_102, %dma_start3A_103] : memref<145x128xi32, #tpu.memory_space<vmem>> -> memref<15x128xi32, #tpu.memory_space<vmem>>
        %dma_start3A_105 = arith.constant 0 : i32
        %dma_start3A_106 = tpu.memref_slice %arg4[%add3A_96, %dma_start3A_105] : memref<2705x128xi32, #tpu.memory_space<hbm>> -> memref<15x128xi32, #tpu.memory_space<hbm>>
        tpu.enqueue_dma source(%dma_start3A_106 : memref<15x128xi32, #tpu.memory_space<hbm>>) target(%dma_start3A_104 : memref<15x128xi32, #tpu.memory_space<vmem>>) target_semaphore(%run_scoped3A : memref<!tpu.dma_semaphore, #tpu.memory_space<semaphore_mem>>)
        %dma_wait3A_107 = arith.constant 0 : i32
        %dma_wait3A_108 = arith.constant 0 : i32
        %dma_wait3A_109 = tpu.memref_slice %arg8[%dma_wait3A_107, %dma_wait3A_108] : memref<145x128xi32, #tpu.memory_space<vmem>> -> memref<15x128xi32, #tpu.memory_space<vmem>>
        %dma_wait3A_110 = arith.constant 0 : i32
        %dma_wait3A_111 = tpu.memref_slice %arg4[%add3A_96, %dma_wait3A_110] : memref<2705x128xi32, #tpu.memory_space<hbm>> -> memref<15x128xi32, #tpu.memory_space<hbm>>
        %dma_wait3A_112 = arith.constant 0 : i32
        %dma_wait3A_113 = arith.constant 0 : i32
        %dma_wait3A_114 = tpu.memref_slice %arg8[%dma_wait3A_112, %dma_wait3A_113] : memref<145x128xi32, #tpu.memory_space<vmem>> -> memref<15x128xi32, #tpu.memory_space<vmem>>
        %dma_wait3A_115 = arith.constant 0 : i32
        %dma_wait3A_116 = tpu.memref_slice %arg4[%add3A_96, %dma_wait3A_115] : memref<2705x128xi32, #tpu.memory_space<hbm>> -> memref<15x128xi32, #tpu.memory_space<hbm>>
        tpu.wait_dma2 semaphore(%run_scoped3A : memref<!tpu.dma_semaphore, #tpu.memory_space<semaphore_mem>>) src(%dma_wait3A_116 : memref<15x128xi32, #tpu.memory_space<hbm>>) dst(%dma_wait3A_114 : memref<15x128xi32, #tpu.memory_space<vmem>>)
        tpu.yield
      }) : () -> ()
    } else {
    }
    %mul3A_17 = arith.constant 628 : i32
    %mul3A_18 = arith.muli %arg1, %mul3A_17 : i32
    "tpu.region"() ({
      %run_scoped3A = tpu.sem_alloc : memref<!tpu.dma_semaphore, #tpu.memory_space<semaphore_mem>>
      %dma_start3A_93 = arith.constant 0 : i32
      %dma_start3A_94 = tpu.memref_slice %arg14[%mul3A_18, %dma_start3A_93] : memref<10048x8xf32, #tpu.memory_space<vmem_shared>> -> memref<628x8xf32, #tpu.memory_space<vmem_shared>>
      tpu.enqueue_dma source(%arg5 : memref<628x8xf32, #tpu.memory_space<hbm>>) target(%dma_start3A_94 : memref<628x8xf32, #tpu.memory_space<vmem_shared>>) target_semaphore(%run_scoped3A : memref<!tpu.dma_semaphore, #tpu.memory_space<semaphore_mem>>)
      %dma_wait3A_95 = arith.constant 0 : i32
      %dma_wait3A_96 = tpu.memref_slice %arg14[%mul3A_18, %dma_wait3A_95] : memref<10048x8xf32, #tpu.memory_space<vmem_shared>> -> memref<628x8xf32, #tpu.memory_space<vmem_shared>>
      tpu.wait_dma2 semaphore(%run_scoped3A : memref<!tpu.dma_semaphore, #tpu.memory_space<semaphore_mem>>) src(%arg5 : memref<628x8xf32, #tpu.memory_space<hbm>>) dst(%dma_wait3A_96 : memref<628x8xf32, #tpu.memory_space<vmem_shared>>)
      tpu.yield
    }) : () -> ()
    %barrier3A = arith.constant 0 : index
    tpu.barrier barrier_id(%barrier3A)
    %dma_start3A = arith.constant 0 : i32
    %dma_start3A_19 = arith.constant 0 : i32
    %dma_start3A_20 = tpu.memref_slice %arg7[%dma_start3A, %dma_start3A_19] : memref<145x128xi32, #tpu.memory_space<vmem>> -> memref<1x128xi32, #tpu.memory_space<vmem>>
    %dma_start3A_21 = tpu.memref_squeeze %dma_start3A_20 : memref<1x128xi32, #tpu.memory_space<vmem>> -> memref<128xi32, #tpu.memory_space<vmem>>
    %dma_start3A_22 = arith.constant 0 : i32
    %dma_start3A_23 = arith.constant 0 : i32
    %dma_start3A_24 = tpu.memref_slice %arg2[%dma_start3A_22, %dma_start3A_23] : memref<10000x8xf32, #tpu.memory_space<hbm>> -> memref<10000x8xf32, #tpu.memory_space<hbm>>
    tpu.enqueue_indirect_dma source(%dma_start3A_24 : memref<10000x8xf32, #tpu.memory_space<hbm>>) target(%arg9 : memref<128x8xf32, #tpu.memory_space<vmem>>) offsets(%dma_start3A_21 : memref<128xi32, #tpu.memory_space<vmem>>) semaphore(%arg15 : memref<!tpu.dma_semaphore, #tpu.memory_space<semaphore_mem>>)
    %dma_start3A_25 = arith.constant 1 : i32
    %dma_start3A_26 = arith.constant 0 : i32
    %dma_start3A_27 = tpu.memref_slice %arg7[%dma_start3A_25, %dma_start3A_26] : memref<145x128xi32, #tpu.memory_space<vmem>> -> memref<1x128xi32, #tpu.memory_space<vmem>>
    %dma_start3A_28 = tpu.memref_squeeze %dma_start3A_27 : memref<1x128xi32, #tpu.memory_space<vmem>> -> memref<128xi32, #tpu.memory_space<vmem>>
    %dma_start3A_29 = arith.constant 0 : i32
    %dma_start3A_30 = arith.constant 0 : i32
    %dma_start3A_31 = tpu.memref_slice %arg2[%dma_start3A_29, %dma_start3A_30] : memref<10000x8xf32, #tpu.memory_space<hbm>> -> memref<10000x8xf32, #tpu.memory_space<hbm>>
    tpu.enqueue_indirect_dma source(%dma_start3A_31 : memref<10000x8xf32, #tpu.memory_space<hbm>>) target(%arg10 : memref<128x8xf32, #tpu.memory_space<vmem>>) offsets(%dma_start3A_28 : memref<128xi32, #tpu.memory_space<vmem>>) semaphore(%arg16 : memref<!tpu.dma_semaphore, #tpu.memory_space<semaphore_mem>>)
    %dma_start3A_32 = arith.constant 2 : i32
    %dma_start3A_33 = arith.constant 0 : i32
    %dma_start3A_34 = tpu.memref_slice %arg7[%dma_start3A_32, %dma_start3A_33] : memref<145x128xi32, #tpu.memory_space<vmem>> -> memref<1x128xi32, #tpu.memory_space<vmem>>
    %dma_start3A_35 = tpu.memref_squeeze %dma_start3A_34 : memref<1x128xi32, #tpu.memory_space<vmem>> -> memref<128xi32, #tpu.memory_space<vmem>>
    %dma_start3A_36 = arith.constant 0 : i32
    %dma_start3A_37 = arith.constant 0 : i32
    %dma_start3A_38 = tpu.memref_slice %arg2[%dma_start3A_36, %dma_start3A_37] : memref<10000x8xf32, #tpu.memory_space<hbm>> -> memref<10000x8xf32, #tpu.memory_space<hbm>>
    tpu.enqueue_indirect_dma source(%dma_start3A_38 : memref<10000x8xf32, #tpu.memory_space<hbm>>) target(%arg11 : memref<128x8xf32, #tpu.memory_space<vmem>>) offsets(%dma_start3A_35 : memref<128xi32, #tpu.memory_space<vmem>>) semaphore(%arg17 : memref<!tpu.dma_semaphore, #tpu.memory_space<semaphore_mem>>)
    %dma_start3A_39 = arith.constant 3 : i32
    %dma_start3A_40 = arith.constant 0 : i32
    %dma_start3A_41 = tpu.memref_slice %arg7[%dma_start3A_39, %dma_start3A_40] : memref<145x128xi32, #tpu.memory_space<vmem>> -> memref<1x128xi32, #tpu.memory_space<vmem>>
    %dma_start3A_42 = tpu.memref_squeeze %dma_start3A_41 : memref<1x128xi32, #tpu.memory_space<vmem>> -> memref<128xi32, #tpu.memory_space<vmem>>
    %dma_start3A_43 = arith.constant 0 : i32
    %dma_start3A_44 = arith.constant 0 : i32
    %dma_start3A_45 = tpu.memref_slice %arg2[%dma_start3A_43, %dma_start3A_44] : memref<10000x8xf32, #tpu.memory_space<hbm>> -> memref<10000x8xf32, #tpu.memory_space<hbm>>
    tpu.enqueue_indirect_dma source(%dma_start3A_45 : memref<10000x8xf32, #tpu.memory_space<hbm>>) target(%arg12 : memref<128x8xf32, #tpu.memory_space<vmem>>) offsets(%dma_start3A_42 : memref<128xi32, #tpu.memory_space<vmem>>) semaphore(%arg18 : memref<!tpu.dma_semaphore, #tpu.memory_space<semaphore_mem>>)
    %jit3A_46 = arith.constant 5 : i32
    %div3A = arith.divsi %select_n3A_8, %jit3A_46 : i32
    %sign3A = arith.constant 0 : i32
    %sign3A_47 = arith.cmpi sgt, %select_n3A_8, %sign3A : i32
    %sign3A_48 = arith.extui %sign3A_47 : i1 to i32
    %sign3A_49 = arith.constant 0 : i32
    %sign3A_50 = arith.cmpi slt, %select_n3A_8, %sign3A_49 : i32
    %sign3A_51 = arith.extui %sign3A_50 : i1 to i32
    %sign3A_52 = arith.subi %sign3A_48, %sign3A_51 : i32
    %sign3A_53 = arith.constant 0 : i32
    %sign3A_54 = arith.cmpi sgt, %jit3A_46, %sign3A_53 : i32
    %sign3A_55 = arith.extui %sign3A_54 : i1 to i32
    %sign3A_56 = arith.constant 0 : i32
    %sign3A_57 = arith.cmpi slt, %jit3A_46, %sign3A_56 : i32
    %sign3A_58 = arith.extui %sign3A_57 : i1 to i32
    %sign3A_59 = arith.subi %sign3A_55, %sign3A_58 : i32
    %ne3A = arith.cmpi ne, %sign3A_52, %sign3A_59 : i32
    %rem3A = arith.remsi %select_n3A_8, %jit3A_46 : i32
    %ne3A_60 = arith.constant 0 : i32
    %ne3A_61 = arith.cmpi ne, %rem3A, %ne3A_60 : i32
    %and3A = arith.andi %ne3A, %ne3A_61 : i1
    %sub3A = arith.constant 1 : i32
    %sub3A_62 = arith.subi %div3A, %sub3A : i32
    %select_n3A_63 = arith.select %and3A, %sub3A_62, %div3A : i32
    %sub3A_64 = arith.constant 0 : i32
    %sub3A_65 = arith.subi %select_n3A_63, %sub3A_64 : i32
    %sub3A_66 = arith.constant 1 : i32
    %sub3A_67 = arith.constant 1 : i32
    %sub3A_68 = arith.subi %sub3A_66, %sub3A_67 : i32
    %add3A_69 = arith.addi %sub3A_65, %sub3A_68 : i32
    %div3A_70 = arith.constant 1 : i32
    %div3A_71 = arith.divsi %add3A_69, %div3A_70 : i32
    %while3A = arith.constant 1 : i32
    %while3A_72 = arith.constant 0 : i32
    %while3A_73 = arith.constant 0 : i32
    %while3A_74 = arith.subi %div3A_71, %while3A_73 : i32
    %while3A_75 = arith.addi %while3A_73, %while3A_74 : i32
    %while3A_76 = arith.constant 1 : i32
    %while3A_77 = arith.divsi %while3A_74, %while3A_76 : i32
    %while3A_78 = arith.muli %while3A_77, %while3A_76 : i32
    %while3A_79 = arith.addi %while3A_73, %while3A_78 : i32
    %while3A_80 = arith.constant 1 : i32
    scf.for %while3A_93 = %while3A_73 to %while3A_79 step %while3A_80  : i32 {
      %mul3A_94 = arith.muli %while3A_93, %while3A : i32
      %add3A_95 = arith.addi %while3A_72, %mul3A_94 : i32
      %mul3A_96 = arith.constant 5 : i32
      %mul3A_97 = arith.muli %add3A_95, %mul3A_96 : i32
      %add3A_98 = arith.constant 0 : i32
      %add3A_99 = arith.addi %mul3A_97, %add3A_98 : i32
      %dma_wait3A_100 = arith.constant 0 : i32
      %dma_wait3A_101 = tpu.memref_slice %arg7[%add3A_99, %dma_wait3A_100] : memref<145x128xi32, #tpu.memory_space<vmem>> -> memref<1x128xi32, #tpu.memory_space<vmem>>
      %dma_wait3A_102 = tpu.memref_squeeze %dma_wait3A_101 : memref<1x128xi32, #tpu.memory_space<vmem>> -> memref<128xi32, #tpu.memory_space<vmem>>
      %dma_wait3A_103 = arith.constant 0 : i32
      %dma_wait3A_104 = arith.constant 0 : i32
      %dma_wait3A_105 = tpu.memref_slice %arg2[%dma_wait3A_103, %dma_wait3A_104] : memref<10000x8xf32, #tpu.memory_space<hbm>> -> memref<10000x8xf32, #tpu.memory_space<hbm>>
      tpu.wait_indirect_dma semaphore(%arg15 : memref<!tpu.dma_semaphore, #tpu.memory_space<semaphore_mem>>) src(%dma_wait3A_105 : memref<10000x8xf32, #tpu.memory_space<hbm>>) dst(%arg9 : memref<128x8xf32, #tpu.memory_space<vmem>>)
      %dma_start3A_106 = arith.constant 0 : i32
      %dma_start3A_107 = tpu.memref_slice %arg8[%add3A_99, %dma_start3A_106] : memref<145x128xi32, #tpu.memory_space<vmem>> -> memref<1x128xi32, #tpu.memory_space<vmem>>
      %dma_start3A_108 = tpu.memref_squeeze %dma_start3A_107 : memref<1x128xi32, #tpu.memory_space<vmem>> -> memref<128xi32, #tpu.memory_space<vmem>>
      %dma_start3A_109 = arith.constant 0 : i32
      %dma_start3A_110 = arith.constant 0 : i32
      %dma_start3A_111 = tpu.memref_slice %arg14[%dma_start3A_109, %dma_start3A_110] : memref<10048x8xf32, #tpu.memory_space<vmem_shared>> -> memref<10048x8xf32, #tpu.memory_space<vmem_shared>>
      tpu.enqueue_indirect_dma source(%arg9 : memref<128x8xf32, #tpu.memory_space<vmem>>) target(%dma_start3A_111 : memref<10048x8xf32, #tpu.memory_space<vmem_shared>>) offsets(%dma_start3A_108 : memref<128xi32, #tpu.memory_space<vmem>>) semaphore(%arg20 : memref<!tpu.dma_semaphore, #tpu.memory_space<semaphore_mem>>) {add = true}
      %add3A_112 = arith.constant 4 : i32
      %add3A_113 = arith.addi %add3A_99, %add3A_112 : i32
      %sub3A_114 = arith.constant 5 : i32
      %sub3A_115 = arith.subi %add3A_113, %sub3A_114 : i32
      %ge3A = arith.constant 0 : i32
      %ge3A_116 = arith.cmpi sge, %sub3A_115, %ge3A : i32
      %convert_element_type3A_117 = arith.extui %ge3A_116 : i1 to i32
      %cond3A_118 = arith.constant 0 : i32
      %cond3A_119 = arith.cmpi ne, %convert_element_type3A_117, %cond3A_118 : i32
      scf.if %cond3A_119 {
        %dma_wait3A_239 = arith.constant 0 : i32
        %dma_wait3A_240 = tpu.memref_slice %arg8[%add3A_99, %dma_wait3A_239] : memref<145x128xi32, #tpu.memory_space<vmem>> -> memref<1x128xi32, #tpu.memory_space<vmem>>
        %dma_wait3A_241 = tpu.memref_squeeze %dma_wait3A_240 : memref<1x128xi32, #tpu.memory_space<vmem>> -> memref<128xi32, #tpu.memory_space<vmem>>
        %dma_wait3A_242 = arith.constant 0 : i32
        %dma_wait3A_243 = arith.constant 0 : i32
        %dma_wait3A_244 = tpu.memref_slice %arg14[%dma_wait3A_242, %dma_wait3A_243] : memref<10048x8xf32, #tpu.memory_space<vmem_shared>> -> memref<10048x8xf32, #tpu.memory_space<vmem_shared>>
        tpu.wait_indirect_dma semaphore(%arg24 : memref<!tpu.dma_semaphore, #tpu.memory_space<semaphore_mem>>) src(%arg13 : memref<128x8xf32, #tpu.memory_space<vmem>>) dst(%dma_wait3A_244 : memref<10048x8xf32, #tpu.memory_space<vmem_shared>>)
      } else {
      }
      %lt3A = arith.cmpi slt, %add3A_113, %select_n3A_8 : i32
      %convert_element_type3A_120 = arith.extui %lt3A : i1 to i32
      %cond3A_121 = arith.constant 0 : i32
      %cond3A_122 = arith.cmpi ne, %convert_element_type3A_120, %cond3A_121 : i32
      scf.if %cond3A_122 {
        %dma_start3A_239 = arith.constant 0 : i32
        %dma_start3A_240 = tpu.memref_slice %arg7[%add3A_113, %dma_start3A_239] : memref<145x128xi32, #tpu.memory_space<vmem>> -> memref<1x128xi32, #tpu.memory_space<vmem>>
        %dma_start3A_241 = tpu.memref_squeeze %dma_start3A_240 : memref<1x128xi32, #tpu.memory_space<vmem>> -> memref<128xi32, #tpu.memory_space<vmem>>
        %dma_start3A_242 = arith.constant 0 : i32
        %dma_start3A_243 = arith.constant 0 : i32
        %dma_start3A_244 = tpu.memref_slice %arg2[%dma_start3A_242, %dma_start3A_243] : memref<10000x8xf32, #tpu.memory_space<hbm>> -> memref<10000x8xf32, #tpu.memory_space<hbm>>
        tpu.enqueue_indirect_dma source(%dma_start3A_244 : memref<10000x8xf32, #tpu.memory_space<hbm>>) target(%arg13 : memref<128x8xf32, #tpu.memory_space<vmem>>) offsets(%dma_start3A_241 : memref<128xi32, #tpu.memory_space<vmem>>) semaphore(%arg19 : memref<!tpu.dma_semaphore, #tpu.memory_space<semaphore_mem>>)
      } else {
      }
      %mul3A_123 = arith.constant 5 : i32
      %mul3A_124 = arith.muli %add3A_95, %mul3A_123 : i32
      %add3A_125 = arith.constant 1 : i32
      %add3A_126 = arith.addi %mul3A_124, %add3A_125 : i32
      %dma_wait3A_127 = arith.constant 0 : i32
      %dma_wait3A_128 = tpu.memref_slice %arg7[%add3A_126, %dma_wait3A_127] : memref<145x128xi32, #tpu.memory_space<vmem>> -> memref<1x128xi32, #tpu.memory_space<vmem>>
      %dma_wait3A_129 = tpu.memref_squeeze %dma_wait3A_128 : memref<1x128xi32, #tpu.memory_space<vmem>> -> memref<128xi32, #tpu.memory_space<vmem>>
      %dma_wait3A_130 = arith.constant 0 : i32
      %dma_wait3A_131 = arith.constant 0 : i32
      %dma_wait3A_132 = tpu.memref_slice %arg2[%dma_wait3A_130, %dma_wait3A_131] : memref<10000x8xf32, #tpu.memory_space<hbm>> -> memref<10000x8xf32, #tpu.memory_space<hbm>>
      tpu.wait_indirect_dma semaphore(%arg16 : memref<!tpu.dma_semaphore, #tpu.memory_space<semaphore_mem>>) src(%dma_wait3A_132 : memref<10000x8xf32, #tpu.memory_space<hbm>>) dst(%arg10 : memref<128x8xf32, #tpu.memory_space<vmem>>)
      %dma_start3A_133 = arith.constant 0 : i32
      %dma_start3A_134 = tpu.memref_slice %arg8[%add3A_126, %dma_start3A_133] : memref<145x128xi32, #tpu.memory_space<vmem>> -> memref<1x128xi32, #tpu.memory_space<vmem>>
      %dma_start3A_135 = tpu.memref_squeeze %dma_start3A_134 : memref<1x128xi32, #tpu.memory_space<vmem>> -> memref<128xi32, #tpu.memory_space<vmem>>
      %dma_start3A_136 = arith.constant 0 : i32
      %dma_start3A_137 = arith.constant 0 : i32
      %dma_start3A_138 = tpu.memref_slice %arg14[%dma_start3A_136, %dma_start3A_137] : memref<10048x8xf32, #tpu.memory_space<vmem_shared>> -> memref<10048x8xf32, #tpu.memory_space<vmem_shared>>
      tpu.enqueue_indirect_dma source(%arg10 : memref<128x8xf32, #tpu.memory_space<vmem>>) target(%dma_start3A_138 : memref<10048x8xf32, #tpu.memory_space<vmem_shared>>) offsets(%dma_start3A_135 : memref<128xi32, #tpu.memory_space<vmem>>) semaphore(%arg21 : memref<!tpu.dma_semaphore, #tpu.memory_space<semaphore_mem>>) {add = true}
      %add3A_139 = arith.constant 4 : i32
      %add3A_140 = arith.addi %add3A_126, %add3A_139 : i32
      %sub3A_141 = arith.constant 5 : i32
      %sub3A_142 = arith.subi %add3A_140, %sub3A_141 : i32
      %ge3A_143 = arith.constant 0 : i32
      %ge3A_144 = arith.cmpi sge, %sub3A_142, %ge3A_143 : i32
      %convert_element_type3A_145 = arith.extui %ge3A_144 : i1 to i32
      %cond3A_146 = arith.constant 0 : i32
      %cond3A_147 = arith.cmpi ne, %convert_element_type3A_145, %cond3A_146 : i32
      scf.if %cond3A_147 {
        %dma_wait3A_239 = arith.constant 0 : i32
        %dma_wait3A_240 = tpu.memref_slice %arg8[%add3A_126, %dma_wait3A_239] : memref<145x128xi32, #tpu.memory_space<vmem>> -> memref<1x128xi32, #tpu.memory_space<vmem>>
        %dma_wait3A_241 = tpu.memref_squeeze %dma_wait3A_240 : memref<1x128xi32, #tpu.memory_space<vmem>> -> memref<128xi32, #tpu.memory_space<vmem>>
        %dma_wait3A_242 = arith.constant 0 : i32
        %dma_wait3A_243 = arith.constant 0 : i32
        %dma_wait3A_244 = tpu.memref_slice %arg14[%dma_wait3A_242, %dma_wait3A_243] : memref<10048x8xf32, #tpu.memory_space<vmem_shared>> -> memref<10048x8xf32, #tpu.memory_space<vmem_shared>>
        tpu.wait_indirect_dma semaphore(%arg20 : memref<!tpu.dma_semaphore, #tpu.memory_space<semaphore_mem>>) src(%arg9 : memref<128x8xf32, #tpu.memory_space<vmem>>) dst(%dma_wait3A_244 : memref<10048x8xf32, #tpu.memory_space<vmem_shared>>)
      } else {
      }
      %lt3A_148 = arith.cmpi slt, %add3A_140, %select_n3A_8 : i32
      %convert_element_type3A_149 = arith.extui %lt3A_148 : i1 to i32
      %cond3A_150 = arith.constant 0 : i32
      %cond3A_151 = arith.cmpi ne, %convert_element_type3A_149, %cond3A_150 : i32
      scf.if %cond3A_151 {
        %dma_start3A_239 = arith.constant 0 : i32
        %dma_start3A_240 = tpu.memref_slice %arg7[%add3A_140, %dma_start3A_239] : memref<145x128xi32, #tpu.memory_space<vmem>> -> memref<1x128xi32, #tpu.memory_space<vmem>>
        %dma_start3A_241 = tpu.memref_squeeze %dma_start3A_240 : memref<1x128xi32, #tpu.memory_space<vmem>> -> memref<128xi32, #tpu.memory_space<vmem>>
        %dma_start3A_242 = arith.constant 0 : i32
        %dma_start3A_243 = arith.constant 0 : i32
        %dma_start3A_244 = tpu.memref_slice %arg2[%dma_start3A_242, %dma_start3A_243] : memref<10000x8xf32, #tpu.memory_space<hbm>> -> memref<10000x8xf32, #tpu.memory_space<hbm>>
        tpu.enqueue_indirect_dma source(%dma_start3A_244 : memref<10000x8xf32, #tpu.memory_space<hbm>>) target(%arg9 : memref<128x8xf32, #tpu.memory_space<vmem>>) offsets(%dma_start3A_241 : memref<128xi32, #tpu.memory_space<vmem>>) semaphore(%arg15 : memref<!tpu.dma_semaphore, #tpu.memory_space<semaphore_mem>>)
      } else {
      }
      %mul3A_152 = arith.constant 5 : i32
      %mul3A_153 = arith.muli %add3A_95, %mul3A_152 : i32
      %add3A_154 = arith.constant 2 : i32
      %add3A_155 = arith.addi %mul3A_153, %add3A_154 : i32
      %dma_wait3A_156 = arith.constant 0 : i32
      %dma_wait3A_157 = tpu.memref_slice %arg7[%add3A_155, %dma_wait3A_156] : memref<145x128xi32, #tpu.memory_space<vmem>> -> memref<1x128xi32, #tpu.memory_space<vmem>>
      %dma_wait3A_158 = tpu.memref_squeeze %dma_wait3A_157 : memref<1x128xi32, #tpu.memory_space<vmem>> -> memref<128xi32, #tpu.memory_space<vmem>>
      %dma_wait3A_159 = arith.constant 0 : i32
      %dma_wait3A_160 = arith.constant 0 : i32
      %dma_wait3A_161 = tpu.memref_slice %arg2[%dma_wait3A_159, %dma_wait3A_160] : memref<10000x8xf32, #tpu.memory_space<hbm>> -> memref<10000x8xf32, #tpu.memory_space<hbm>>
      tpu.wait_indirect_dma semaphore(%arg17 : memref<!tpu.dma_semaphore, #tpu.memory_space<semaphore_mem>>) src(%dma_wait3A_161 : memref<10000x8xf32, #tpu.memory_space<hbm>>) dst(%arg11 : memref<128x8xf32, #tpu.memory_space<vmem>>)
      %dma_start3A_162 = arith.constant 0 : i32
      %dma_start3A_163 = tpu.memref_slice %arg8[%add3A_155, %dma_start3A_162] : memref<145x128xi32, #tpu.memory_space<vmem>> -> memref<1x128xi32, #tpu.memory_space<vmem>>
      %dma_start3A_164 = tpu.memref_squeeze %dma_start3A_163 : memref<1x128xi32, #tpu.memory_space<vmem>> -> memref<128xi32, #tpu.memory_space<vmem>>
      %dma_start3A_165 = arith.constant 0 : i32
      %dma_start3A_166 = arith.constant 0 : i32
      %dma_start3A_167 = tpu.memref_slice %arg14[%dma_start3A_165, %dma_start3A_166] : memref<10048x8xf32, #tpu.memory_space<vmem_shared>> -> memref<10048x8xf32, #tpu.memory_space<vmem_shared>>
      tpu.enqueue_indirect_dma source(%arg11 : memref<128x8xf32, #tpu.memory_space<vmem>>) target(%dma_start3A_167 : memref<10048x8xf32, #tpu.memory_space<vmem_shared>>) offsets(%dma_start3A_164 : memref<128xi32, #tpu.memory_space<vmem>>) semaphore(%arg22 : memref<!tpu.dma_semaphore, #tpu.memory_space<semaphore_mem>>) {add = true}
      %add3A_168 = arith.constant 4 : i32
      %add3A_169 = arith.addi %add3A_155, %add3A_168 : i32
      %sub3A_170 = arith.constant 5 : i32
      %sub3A_171 = arith.subi %add3A_169, %sub3A_170 : i32
      %ge3A_172 = arith.constant 0 : i32
      %ge3A_173 = arith.cmpi sge, %sub3A_171, %ge3A_172 : i32
      %convert_element_type3A_174 = arith.extui %ge3A_173 : i1 to i32
      %cond3A_175 = arith.constant 0 : i32
      %cond3A_176 = arith.cmpi ne, %convert_element_type3A_174, %cond3A_175 : i32
      scf.if %cond3A_176 {
        %dma_wait3A_239 = arith.constant 0 : i32
        %dma_wait3A_240 = tpu.memref_slice %arg8[%add3A_155, %dma_wait3A_239] : memref<145x128xi32, #tpu.memory_space<vmem>> -> memref<1x128xi32, #tpu.memory_space<vmem>>
        %dma_wait3A_241 = tpu.memref_squeeze %dma_wait3A_240 : memref<1x128xi32, #tpu.memory_space<vmem>> -> memref<128xi32, #tpu.memory_space<vmem>>
        %dma_wait3A_242 = arith.constant 0 : i32
        %dma_wait3A_243 = arith.constant 0 : i32
        %dma_wait3A_244 = tpu.memref_slice %arg14[%dma_wait3A_242, %dma_wait3A_243] : memref<10048x8xf32, #tpu.memory_space<vmem_shared>> -> memref<10048x8xf32, #tpu.memory_space<vmem_shared>>
        tpu.wait_indirect_dma semaphore(%arg21 : memref<!tpu.dma_semaphore, #tpu.memory_space<semaphore_mem>>) src(%arg10 : memref<128x8xf32, #tpu.memory_space<vmem>>) dst(%dma_wait3A_244 : memref<10048x8xf32, #tpu.memory_space<vmem_shared>>)
      } else {
      }
      %lt3A_177 = arith.cmpi slt, %add3A_169, %select_n3A_8 : i32
      %convert_element_type3A_178 = arith.extui %lt3A_177 : i1 to i32
      %cond3A_179 = arith.constant 0 : i32
      %cond3A_180 = arith.cmpi ne, %convert_element_type3A_178, %cond3A_179 : i32
      scf.if %cond3A_180 {
        %dma_start3A_239 = arith.constant 0 : i32
        %dma_start3A_240 = tpu.memref_slice %arg7[%add3A_169, %dma_start3A_239] : memref<145x128xi32, #tpu.memory_space<vmem>> -> memref<1x128xi32, #tpu.memory_space<vmem>>
        %dma_start3A_241 = tpu.memref_squeeze %dma_start3A_240 : memref<1x128xi32, #tpu.memory_space<vmem>> -> memref<128xi32, #tpu.memory_space<vmem>>
        %dma_start3A_242 = arith.constant 0 : i32
        %dma_start3A_243 = arith.constant 0 : i32
        %dma_start3A_244 = tpu.memref_slice %arg2[%dma_start3A_242, %dma_start3A_243] : memref<10000x8xf32, #tpu.memory_space<hbm>> -> memref<10000x8xf32, #tpu.memory_space<hbm>>
        tpu.enqueue_indirect_dma source(%dma_start3A_244 : memref<10000x8xf32, #tpu.memory_space<hbm>>) target(%arg10 : memref<128x8xf32, #tpu.memory_space<vmem>>) offsets(%dma_start3A_241 : memref<128xi32, #tpu.memory_space<vmem>>) semaphore(%arg16 : memref<!tpu.dma_semaphore, #tpu.memory_space<semaphore_mem>>)
      } else {
      }
      %mul3A_181 = arith.constant 5 : i32
      %mul3A_182 = arith.muli %add3A_95, %mul3A_181 : i32
      %add3A_183 = arith.constant 3 : i32
      %add3A_184 = arith.addi %mul3A_182, %add3A_183 : i32
      %dma_wait3A_185 = arith.constant 0 : i32
      %dma_wait3A_186 = tpu.memref_slice %arg7[%add3A_184, %dma_wait3A_185] : memref<145x128xi32, #tpu.memory_space<vmem>> -> memref<1x128xi32, #tpu.memory_space<vmem>>
      %dma_wait3A_187 = tpu.memref_squeeze %dma_wait3A_186 : memref<1x128xi32, #tpu.memory_space<vmem>> -> memref<128xi32, #tpu.memory_space<vmem>>
      %dma_wait3A_188 = arith.constant 0 : i32
      %dma_wait3A_189 = arith.constant 0 : i32
      %dma_wait3A_190 = tpu.memref_slice %arg2[%dma_wait3A_188, %dma_wait3A_189] : memref<10000x8xf32, #tpu.memory_space<hbm>> -> memref<10000x8xf32, #tpu.memory_space<hbm>>
      tpu.wait_indirect_dma semaphore(%arg18 : memref<!tpu.dma_semaphore, #tpu.memory_space<semaphore_mem>>) src(%dma_wait3A_190 : memref<10000x8xf32, #tpu.memory_space<hbm>>) dst(%arg12 : memref<128x8xf32, #tpu.memory_space<vmem>>)
      %dma_start3A_191 = arith.constant 0 : i32
      %dma_start3A_192 = tpu.memref_slice %arg8[%add3A_184, %dma_start3A_191] : memref<145x128xi32, #tpu.memory_space<vmem>> -> memref<1x128xi32, #tpu.memory_space<vmem>>
      %dma_start3A_193 = tpu.memref_squeeze %dma_start3A_192 : memref<1x128xi32, #tpu.memory_space<vmem>> -> memref<128xi32, #tpu.memory_space<vmem>>
      %dma_start3A_194 = arith.constant 0 : i32
      %dma_start3A_195 = arith.constant 0 : i32
      %dma_start3A_196 = tpu.memref_slice %arg14[%dma_start3A_194, %dma_start3A_195] : memref<10048x8xf32, #tpu.memory_space<vmem_shared>> -> memref<10048x8xf32, #tpu.memory_space<vmem_shared>>
      tpu.enqueue_indirect_dma source(%arg12 : memref<128x8xf32, #tpu.memory_space<vmem>>) target(%dma_start3A_196 : memref<10048x8xf32, #tpu.memory_space<vmem_shared>>) offsets(%dma_start3A_193 : memref<128xi32, #tpu.memory_space<vmem>>) semaphore(%arg23 : memref<!tpu.dma_semaphore, #tpu.memory_space<semaphore_mem>>) {add = true}
      %add3A_197 = arith.constant 4 : i32
      %add3A_198 = arith.addi %add3A_184, %add3A_197 : i32
      %sub3A_199 = arith.constant 5 : i32
      %sub3A_200 = arith.subi %add3A_198, %sub3A_199 : i32
      %ge3A_201 = arith.constant 0 : i32
      %ge3A_202 = arith.cmpi sge, %sub3A_200, %ge3A_201 : i32
      %convert_element_type3A_203 = arith.extui %ge3A_202 : i1 to i32
      %cond3A_204 = arith.constant 0 : i32
      %cond3A_205 = arith.cmpi ne, %convert_element_type3A_203, %cond3A_204 : i32
      scf.if %cond3A_205 {
        %dma_wait3A_239 = arith.constant 0 : i32
        %dma_wait3A_240 = tpu.memref_slice %arg8[%add3A_184, %dma_wait3A_239] : memref<145x128xi32, #tpu.memory_space<vmem>> -> memref<1x128xi32, #tpu.memory_space<vmem>>
        %dma_wait3A_241 = tpu.memref_squeeze %dma_wait3A_240 : memref<1x128xi32, #tpu.memory_space<vmem>> -> memref<128xi32, #tpu.memory_space<vmem>>
        %dma_wait3A_242 = arith.constant 0 : i32
        %dma_wait3A_243 = arith.constant 0 : i32
        %dma_wait3A_244 = tpu.memref_slice %arg14[%dma_wait3A_242, %dma_wait3A_243] : memref<10048x8xf32, #tpu.memory_space<vmem_shared>> -> memref<10048x8xf32, #tpu.memory_space<vmem_shared>>
        tpu.wait_indirect_dma semaphore(%arg22 : memref<!tpu.dma_semaphore, #tpu.memory_space<semaphore_mem>>) src(%arg11 : memref<128x8xf32, #tpu.memory_space<vmem>>) dst(%dma_wait3A_244 : memref<10048x8xf32, #tpu.memory_space<vmem_shared>>)
      } else {
      }
      %lt3A_206 = arith.cmpi slt, %add3A_198, %select_n3A_8 : i32
      %convert_element_type3A_207 = arith.extui %lt3A_206 : i1 to i32
      %cond3A_208 = arith.constant 0 : i32
      %cond3A_209 = arith.cmpi ne, %convert_element_type3A_207, %cond3A_208 : i32
      scf.if %cond3A_209 {
        %dma_start3A_239 = arith.constant 0 : i32
        %dma_start3A_240 = tpu.memref_slice %arg7[%add3A_198, %dma_start3A_239] : memref<145x128xi32, #tpu.memory_space<vmem>> -> memref<1x128xi32, #tpu.memory_space<vmem>>
        %dma_start3A_241 = tpu.memref_squeeze %dma_start3A_240 : memref<1x128xi32, #tpu.memory_space<vmem>> -> memref<128xi32, #tpu.memory_space<vmem>>
        %dma_start3A_242 = arith.constant 0 : i32
        %dma_start3A_243 = arith.constant 0 : i32
        %dma_start3A_244 = tpu.memref_slice %arg2[%dma_start3A_242, %dma_start3A_243] : memref<10000x8xf32, #tpu.memory_space<hbm>> -> memref<10000x8xf32, #tpu.memory_space<hbm>>
        tpu.enqueue_indirect_dma source(%dma_start3A_244 : memref<10000x8xf32, #tpu.memory_space<hbm>>) target(%arg11 : memref<128x8xf32, #tpu.memory_space<vmem>>) offsets(%dma_start3A_241 : memref<128xi32, #tpu.memory_space<vmem>>) semaphore(%arg17 : memref<!tpu.dma_semaphore, #tpu.memory_space<semaphore_mem>>)
      } else {
      }
      %mul3A_210 = arith.constant 5 : i32
      %mul3A_211 = arith.muli %add3A_95, %mul3A_210 : i32
      %add3A_212 = arith.constant 4 : i32
      %add3A_213 = arith.addi %mul3A_211, %add3A_212 : i32
      %dma_wait3A_214 = arith.constant 0 : i32
      %dma_wait3A_215 = tpu.memref_slice %arg7[%add3A_213, %dma_wait3A_214] : memref<145x128xi32, #tpu.memory_space<vmem>> -> memref<1x128xi32, #tpu.memory_space<vmem>>
      %dma_wait3A_216 = tpu.memref_squeeze %dma_wait3A_215 : memref<1x128xi32, #tpu.memory_space<vmem>> -> memref<128xi32, #tpu.memory_space<vmem>>
      %dma_wait3A_217 = arith.constant 0 : i32
      %dma_wait3A_218 = arith.constant 0 : i32
      %dma_wait3A_219 = tpu.memref_slice %arg2[%dma_wait3A_217, %dma_wait3A_218] : memref<10000x8xf32, #tpu.memory_space<hbm>> -> memref<10000x8xf32, #tpu.memory_space<hbm>>
      tpu.wait_indirect_dma semaphore(%arg19 : memref<!tpu.dma_semaphore, #tpu.memory_space<semaphore_mem>>) src(%dma_wait3A_219 : memref<10000x8xf32, #tpu.memory_space<hbm>>) dst(%arg13 : memref<128x8xf32, #tpu.memory_space<vmem>>)
      %dma_start3A_220 = arith.constant 0 : i32
      %dma_start3A_221 = tpu.memref_slice %arg8[%add3A_213, %dma_start3A_220] : memref<145x128xi32, #tpu.memory_space<vmem>> -> memref<1x128xi32, #tpu.memory_space<vmem>>
      %dma_start3A_222 = tpu.memref_squeeze %dma_start3A_221 : memref<1x128xi32, #tpu.memory_space<vmem>> -> memref<128xi32, #tpu.memory_space<vmem>>
      %dma_start3A_223 = arith.constant 0 : i32
      %dma_start3A_224 = arith.constant 0 : i32
      %dma_start3A_225 = tpu.memref_slice %arg14[%dma_start3A_223, %dma_start3A_224] : memref<10048x8xf32, #tpu.memory_space<vmem_shared>> -> memref<10048x8xf32, #tpu.memory_space<vmem_shared>>
      tpu.enqueue_indirect_dma source(%arg13 : memref<128x8xf32, #tpu.memory_space<vmem>>) target(%dma_start3A_225 : memref<10048x8xf32, #tpu.memory_space<vmem_shared>>) offsets(%dma_start3A_222 : memref<128xi32, #tpu.memory_space<vmem>>) semaphore(%arg24 : memref<!tpu.dma_semaphore, #tpu.memory_space<semaphore_mem>>) {add = true}
      %add3A_226 = arith.constant 4 : i32
      %add3A_227 = arith.addi %add3A_213, %add3A_226 : i32
      %sub3A_228 = arith.constant 5 : i32
      %sub3A_229 = arith.subi %add3A_227, %sub3A_228 : i32
      %ge3A_230 = arith.constant 0 : i32
      %ge3A_231 = arith.cmpi sge, %sub3A_229, %ge3A_230 : i32
      %convert_element_type3A_232 = arith.extui %ge3A_231 : i1 to i32
      %cond3A_233 = arith.constant 0 : i32
      %cond3A_234 = arith.cmpi ne, %convert_element_type3A_232, %cond3A_233 : i32
      scf.if %cond3A_234 {
        %dma_wait3A_239 = arith.constant 0 : i32
        %dma_wait3A_240 = tpu.memref_slice %arg8[%add3A_213, %dma_wait3A_239] : memref<145x128xi32, #tpu.memory_space<vmem>> -> memref<1x128xi32, #tpu.memory_space<vmem>>
        %dma_wait3A_241 = tpu.memref_squeeze %dma_wait3A_240 : memref<1x128xi32, #tpu.memory_space<vmem>> -> memref<128xi32, #tpu.memory_space<vmem>>
        %dma_wait3A_242 = arith.constant 0 : i32
        %dma_wait3A_243 = arith.constant 0 : i32
        %dma_wait3A_244 = tpu.memref_slice %arg14[%dma_wait3A_242, %dma_wait3A_243] : memref<10048x8xf32, #tpu.memory_space<vmem_shared>> -> memref<10048x8xf32, #tpu.memory_space<vmem_shared>>
        tpu.wait_indirect_dma semaphore(%arg23 : memref<!tpu.dma_semaphore, #tpu.memory_space<semaphore_mem>>) src(%arg12 : memref<128x8xf32, #tpu.memory_space<vmem>>) dst(%dma_wait3A_244 : memref<10048x8xf32, #tpu.memory_space<vmem_shared>>)
      } else {
      }
      %lt3A_235 = arith.cmpi slt, %add3A_227, %select_n3A_8 : i32
      %convert_element_type3A_236 = arith.extui %lt3A_235 : i1 to i32
      %cond3A_237 = arith.constant 0 : i32
      %cond3A_238 = arith.cmpi ne, %convert_element_type3A_236, %cond3A_237 : i32
      scf.if %cond3A_238 {
        %dma_start3A_239 = arith.constant 0 : i32
        %dma_start3A_240 = tpu.memref_slice %arg7[%add3A_227, %dma_start3A_239] : memref<145x128xi32, #tpu.memory_space<vmem>> -> memref<1x128xi32, #tpu.memory_space<vmem>>
        %dma_start3A_241 = tpu.memref_squeeze %dma_start3A_240 : memref<1x128xi32, #tpu.memory_space<vmem>> -> memref<128xi32, #tpu.memory_space<vmem>>
        %dma_start3A_242 = arith.constant 0 : i32
        %dma_start3A_243 = arith.constant 0 : i32
        %dma_start3A_244 = tpu.memref_slice %arg2[%dma_start3A_242, %dma_start3A_243] : memref<10000x8xf32, #tpu.memory_space<hbm>> -> memref<10000x8xf32, #tpu.memory_space<hbm>>
        tpu.enqueue_indirect_dma source(%dma_start3A_244 : memref<10000x8xf32, #tpu.memory_space<hbm>>) target(%arg12 : memref<128x8xf32, #tpu.memory_space<vmem>>) offsets(%dma_start3A_241 : memref<128xi32, #tpu.memory_space<vmem>>) semaphore(%arg18 : memref<!tpu.dma_semaphore, #tpu.memory_space<semaphore_mem>>)
      } else {
      }
    }
    %while3A_81 = arith.constant 1 : i32
    scf.for %while3A_93 = %while3A_79 to %while3A_75 step %while3A_81  : i32 {
      %mul3A_94 = arith.muli %while3A_93, %while3A : i32
      %add3A_95 = arith.addi %while3A_72, %mul3A_94 : i32
      %mul3A_96 = arith.constant 5 : i32
      %mul3A_97 = arith.muli %add3A_95, %mul3A_96 : i32
      %add3A_98 = arith.constant 0 : i32
      %add3A_99 = arith.addi %mul3A_97, %add3A_98 : i32
      %dma_wait3A_100 = arith.constant 0 : i32
      %dma_wait3A_101 = tpu.memref_slice %arg7[%add3A_99, %dma_wait3A_100] : memref<145x128xi32, #tpu.memory_space<vmem>> -> memref<1x128xi32, #tpu.memory_space<vmem>>
      %dma_wait3A_102 = tpu.memref_squeeze %dma_wait3A_101 : memref<1x128xi32, #tpu.memory_space<vmem>> -> memref<128xi32, #tpu.memory_space<vmem>>
      %dma_wait3A_103 = arith.constant 0 : i32
      %dma_wait3A_104 = arith.constant 0 : i32
      %dma_wait3A_105 = tpu.memref_slice %arg2[%dma_wait3A_103, %dma_wait3A_104] : memref<10000x8xf32, #tpu.memory_space<hbm>> -> memref<10000x8xf32, #tpu.memory_space<hbm>>
      tpu.wait_indirect_dma semaphore(%arg15 : memref<!tpu.dma_semaphore, #tpu.memory_space<semaphore_mem>>) src(%dma_wait3A_105 : memref<10000x8xf32, #tpu.memory_space<hbm>>) dst(%arg9 : memref<128x8xf32, #tpu.memory_space<vmem>>)
      %dma_start3A_106 = arith.constant 0 : i32
      %dma_start3A_107 = tpu.memref_slice %arg8[%add3A_99, %dma_start3A_106] : memref<145x128xi32, #tpu.memory_space<vmem>> -> memref<1x128xi32, #tpu.memory_space<vmem>>
      %dma_start3A_108 = tpu.memref_squeeze %dma_start3A_107 : memref<1x128xi32, #tpu.memory_space<vmem>> -> memref<128xi32, #tpu.memory_space<vmem>>
      %dma_start3A_109 = arith.constant 0 : i32
      %dma_start3A_110 = arith.constant 0 : i32
      %dma_start3A_111 = tpu.memref_slice %arg14[%dma_start3A_109, %dma_start3A_110] : memref<10048x8xf32, #tpu.memory_space<vmem_shared>> -> memref<10048x8xf32, #tpu.memory_space<vmem_shared>>
      tpu.enqueue_indirect_dma source(%arg9 : memref<128x8xf32, #tpu.memory_space<vmem>>) target(%dma_start3A_111 : memref<10048x8xf32, #tpu.memory_space<vmem_shared>>) offsets(%dma_start3A_108 : memref<128xi32, #tpu.memory_space<vmem>>) semaphore(%arg20 : memref<!tpu.dma_semaphore, #tpu.memory_space<semaphore_mem>>) {add = true}
      %add3A_112 = arith.constant 4 : i32
      %add3A_113 = arith.addi %add3A_99, %add3A_112 : i32
      %sub3A_114 = arith.constant 5 : i32
      %sub3A_115 = arith.subi %add3A_113, %sub3A_114 : i32
      %ge3A = arith.constant 0 : i32
      %ge3A_116 = arith.cmpi sge, %sub3A_115, %ge3A : i32
      %convert_element_type3A_117 = arith.extui %ge3A_116 : i1 to i32
      %cond3A_118 = arith.constant 0 : i32
      %cond3A_119 = arith.cmpi ne, %convert_element_type3A_117, %cond3A_118 : i32
      scf.if %cond3A_119 {
        %dma_wait3A_239 = arith.constant 0 : i32
        %dma_wait3A_240 = tpu.memref_slice %arg8[%add3A_99, %dma_wait3A_239] : memref<145x128xi32, #tpu.memory_space<vmem>> -> memref<1x128xi32, #tpu.memory_space<vmem>>
        %dma_wait3A_241 = tpu.memref_squeeze %dma_wait3A_240 : memref<1x128xi32, #tpu.memory_space<vmem>> -> memref<128xi32, #tpu.memory_space<vmem>>
        %dma_wait3A_242 = arith.constant 0 : i32
        %dma_wait3A_243 = arith.constant 0 : i32
        %dma_wait3A_244 = tpu.memref_slice %arg14[%dma_wait3A_242, %dma_wait3A_243] : memref<10048x8xf32, #tpu.memory_space<vmem_shared>> -> memref<10048x8xf32, #tpu.memory_space<vmem_shared>>
        tpu.wait_indirect_dma semaphore(%arg24 : memref<!tpu.dma_semaphore, #tpu.memory_space<semaphore_mem>>) src(%arg13 : memref<128x8xf32, #tpu.memory_space<vmem>>) dst(%dma_wait3A_244 : memref<10048x8xf32, #tpu.memory_space<vmem_shared>>)
      } else {
      }
      %lt3A = arith.cmpi slt, %add3A_113, %select_n3A_8 : i32
      %convert_element_type3A_120 = arith.extui %lt3A : i1 to i32
      %cond3A_121 = arith.constant 0 : i32
      %cond3A_122 = arith.cmpi ne, %convert_element_type3A_120, %cond3A_121 : i32
      scf.if %cond3A_122 {
        %dma_start3A_239 = arith.constant 0 : i32
        %dma_start3A_240 = tpu.memref_slice %arg7[%add3A_113, %dma_start3A_239] : memref<145x128xi32, #tpu.memory_space<vmem>> -> memref<1x128xi32, #tpu.memory_space<vmem>>
        %dma_start3A_241 = tpu.memref_squeeze %dma_start3A_240 : memref<1x128xi32, #tpu.memory_space<vmem>> -> memref<128xi32, #tpu.memory_space<vmem>>
        %dma_start3A_242 = arith.constant 0 : i32
        %dma_start3A_243 = arith.constant 0 : i32
        %dma_start3A_244 = tpu.memref_slice %arg2[%dma_start3A_242, %dma_start3A_243] : memref<10000x8xf32, #tpu.memory_space<hbm>> -> memref<10000x8xf32, #tpu.memory_space<hbm>>
        tpu.enqueue_indirect_dma source(%dma_start3A_244 : memref<10000x8xf32, #tpu.memory_space<hbm>>) target(%arg13 : memref<128x8xf32, #tpu.memory_space<vmem>>) offsets(%dma_start3A_241 : memref<128xi32, #tpu.memory_space<vmem>>) semaphore(%arg19 : memref<!tpu.dma_semaphore, #tpu.memory_space<semaphore_mem>>)
      } else {
      }
      %mul3A_123 = arith.constant 5 : i32
      %mul3A_124 = arith.muli %add3A_95, %mul3A_123 : i32
      %add3A_125 = arith.constant 1 : i32
      %add3A_126 = arith.addi %mul3A_124, %add3A_125 : i32
      %dma_wait3A_127 = arith.constant 0 : i32
      %dma_wait3A_128 = tpu.memref_slice %arg7[%add3A_126, %dma_wait3A_127] : memref<145x128xi32, #tpu.memory_space<vmem>> -> memref<1x128xi32, #tpu.memory_space<vmem>>
      %dma_wait3A_129 = tpu.memref_squeeze %dma_wait3A_128 : memref<1x128xi32, #tpu.memory_space<vmem>> -> memref<128xi32, #tpu.memory_space<vmem>>
      %dma_wait3A_130 = arith.constant 0 : i32
      %dma_wait3A_131 = arith.constant 0 : i32
      %dma_wait3A_132 = tpu.memref_slice %arg2[%dma_wait3A_130, %dma_wait3A_131] : memref<10000x8xf32, #tpu.memory_space<hbm>> -> memref<10000x8xf32, #tpu.memory_space<hbm>>
      tpu.wait_indirect_dma semaphore(%arg16 : memref<!tpu.dma_semaphore, #tpu.memory_space<semaphore_mem>>) src(%dma_wait3A_132 : memref<10000x8xf32, #tpu.memory_space<hbm>>) dst(%arg10 : memref<128x8xf32, #tpu.memory_space<vmem>>)
      %dma_start3A_133 = arith.constant 0 : i32
      %dma_start3A_134 = tpu.memref_slice %arg8[%add3A_126, %dma_start3A_133] : memref<145x128xi32, #tpu.memory_space<vmem>> -> memref<1x128xi32, #tpu.memory_space<vmem>>
      %dma_start3A_135 = tpu.memref_squeeze %dma_start3A_134 : memref<1x128xi32, #tpu.memory_space<vmem>> -> memref<128xi32, #tpu.memory_space<vmem>>
      %dma_start3A_136 = arith.constant 0 : i32
      %dma_start3A_137 = arith.constant 0 : i32
      %dma_start3A_138 = tpu.memref_slice %arg14[%dma_start3A_136, %dma_start3A_137] : memref<10048x8xf32, #tpu.memory_space<vmem_shared>> -> memref<10048x8xf32, #tpu.memory_space<vmem_shared>>
      tpu.enqueue_indirect_dma source(%arg10 : memref<128x8xf32, #tpu.memory_space<vmem>>) target(%dma_start3A_138 : memref<10048x8xf32, #tpu.memory_space<vmem_shared>>) offsets(%dma_start3A_135 : memref<128xi32, #tpu.memory_space<vmem>>) semaphore(%arg21 : memref<!tpu.dma_semaphore, #tpu.memory_space<semaphore_mem>>) {add = true}
      %add3A_139 = arith.constant 4 : i32
      %add3A_140 = arith.addi %add3A_126, %add3A_139 : i32
      %sub3A_141 = arith.constant 5 : i32
      %sub3A_142 = arith.subi %add3A_140, %sub3A_141 : i32
      %ge3A_143 = arith.constant 0 : i32
      %ge3A_144 = arith.cmpi sge, %sub3A_142, %ge3A_143 : i32
      %convert_element_type3A_145 = arith.extui %ge3A_144 : i1 to i32
      %cond3A_146 = arith.constant 0 : i32
      %cond3A_147 = arith.cmpi ne, %convert_element_type3A_145, %cond3A_146 : i32
      scf.if %cond3A_147 {
        %dma_wait3A_239 = arith.constant 0 : i32
        %dma_wait3A_240 = tpu.memref_slice %arg8[%add3A_126, %dma_wait3A_239] : memref<145x128xi32, #tpu.memory_space<vmem>> -> memref<1x128xi32, #tpu.memory_space<vmem>>
        %dma_wait3A_241 = tpu.memref_squeeze %dma_wait3A_240 : memref<1x128xi32, #tpu.memory_space<vmem>> -> memref<128xi32, #tpu.memory_space<vmem>>
        %dma_wait3A_242 = arith.constant 0 : i32
        %dma_wait3A_243 = arith.constant 0 : i32
        %dma_wait3A_244 = tpu.memref_slice %arg14[%dma_wait3A_242, %dma_wait3A_243] : memref<10048x8xf32, #tpu.memory_space<vmem_shared>> -> memref<10048x8xf32, #tpu.memory_space<vmem_shared>>
        tpu.wait_indirect_dma semaphore(%arg20 : memref<!tpu.dma_semaphore, #tpu.memory_space<semaphore_mem>>) src(%arg9 : memref<128x8xf32, #tpu.memory_space<vmem>>) dst(%dma_wait3A_244 : memref<10048x8xf32, #tpu.memory_space<vmem_shared>>)
      } else {
      }
      %lt3A_148 = arith.cmpi slt, %add3A_140, %select_n3A_8 : i32
      %convert_element_type3A_149 = arith.extui %lt3A_148 : i1 to i32
      %cond3A_150 = arith.constant 0 : i32
      %cond3A_151 = arith.cmpi ne, %convert_element_type3A_149, %cond3A_150 : i32
      scf.if %cond3A_151 {
        %dma_start3A_239 = arith.constant 0 : i32
        %dma_start3A_240 = tpu.memref_slice %arg7[%add3A_140, %dma_start3A_239] : memref<145x128xi32, #tpu.memory_space<vmem>> -> memref<1x128xi32, #tpu.memory_space<vmem>>
        %dma_start3A_241 = tpu.memref_squeeze %dma_start3A_240 : memref<1x128xi32, #tpu.memory_space<vmem>> -> memref<128xi32, #tpu.memory_space<vmem>>
        %dma_start3A_242 = arith.constant 0 : i32
        %dma_start3A_243 = arith.constant 0 : i32
        %dma_start3A_244 = tpu.memref_slice %arg2[%dma_start3A_242, %dma_start3A_243] : memref<10000x8xf32, #tpu.memory_space<hbm>> -> memref<10000x8xf32, #tpu.memory_space<hbm>>
        tpu.enqueue_indirect_dma source(%dma_start3A_244 : memref<10000x8xf32, #tpu.memory_space<hbm>>) target(%arg9 : memref<128x8xf32, #tpu.memory_space<vmem>>) offsets(%dma_start3A_241 : memref<128xi32, #tpu.memory_space<vmem>>) semaphore(%arg15 : memref<!tpu.dma_semaphore, #tpu.memory_space<semaphore_mem>>)
      } else {
      }
      %mul3A_152 = arith.constant 5 : i32
      %mul3A_153 = arith.muli %add3A_95, %mul3A_152 : i32
      %add3A_154 = arith.constant 2 : i32
      %add3A_155 = arith.addi %mul3A_153, %add3A_154 : i32
      %dma_wait3A_156 = arith.constant 0 : i32
      %dma_wait3A_157 = tpu.memref_slice %arg7[%add3A_155, %dma_wait3A_156] : memref<145x128xi32, #tpu.memory_space<vmem>> -> memref<1x128xi32, #tpu.memory_space<vmem>>
      %dma_wait3A_158 = tpu.memref_squeeze %dma_wait3A_157 : memref<1x128xi32, #tpu.memory_space<vmem>> -> memref<128xi32, #tpu.memory_space<vmem>>
      %dma_wait3A_159 = arith.constant 0 : i32
      %dma_wait3A_160 = arith.constant 0 : i32
      %dma_wait3A_161 = tpu.memref_slice %arg2[%dma_wait3A_159, %dma_wait3A_160] : memref<10000x8xf32, #tpu.memory_space<hbm>> -> memref<10000x8xf32, #tpu.memory_space<hbm>>
      tpu.wait_indirect_dma semaphore(%arg17 : memref<!tpu.dma_semaphore, #tpu.memory_space<semaphore_mem>>) src(%dma_wait3A_161 : memref<10000x8xf32, #tpu.memory_space<hbm>>) dst(%arg11 : memref<128x8xf32, #tpu.memory_space<vmem>>)
      %dma_start3A_162 = arith.constant 0 : i32
      %dma_start3A_163 = tpu.memref_slice %arg8[%add3A_155, %dma_start3A_162] : memref<145x128xi32, #tpu.memory_space<vmem>> -> memref<1x128xi32, #tpu.memory_space<vmem>>
      %dma_start3A_164 = tpu.memref_squeeze %dma_start3A_163 : memref<1x128xi32, #tpu.memory_space<vmem>> -> memref<128xi32, #tpu.memory_space<vmem>>
      %dma_start3A_165 = arith.constant 0 : i32
      %dma_start3A_166 = arith.constant 0 : i32
      %dma_start3A_167 = tpu.memref_slice %arg14[%dma_start3A_165, %dma_start3A_166] : memref<10048x8xf32, #tpu.memory_space<vmem_shared>> -> memref<10048x8xf32, #tpu.memory_space<vmem_shared>>
      tpu.enqueue_indirect_dma source(%arg11 : memref<128x8xf32, #tpu.memory_space<vmem>>) target(%dma_start3A_167 : memref<10048x8xf32, #tpu.memory_space<vmem_shared>>) offsets(%dma_start3A_164 : memref<128xi32, #tpu.memory_space<vmem>>) semaphore(%arg22 : memref<!tpu.dma_semaphore, #tpu.memory_space<semaphore_mem>>) {add = true}
      %add3A_168 = arith.constant 4 : i32
      %add3A_169 = arith.addi %add3A_155, %add3A_168 : i32
      %sub3A_170 = arith.constant 5 : i32
      %sub3A_171 = arith.subi %add3A_169, %sub3A_170 : i32
      %ge3A_172 = arith.constant 0 : i32
      %ge3A_173 = arith.cmpi sge, %sub3A_171, %ge3A_172 : i32
      %convert_element_type3A_174 = arith.extui %ge3A_173 : i1 to i32
      %cond3A_175 = arith.constant 0 : i32
      %cond3A_176 = arith.cmpi ne, %convert_element_type3A_174, %cond3A_175 : i32
      scf.if %cond3A_176 {
        %dma_wait3A_239 = arith.constant 0 : i32
        %dma_wait3A_240 = tpu.memref_slice %arg8[%add3A_155, %dma_wait3A_239] : memref<145x128xi32, #tpu.memory_space<vmem>> -> memref<1x128xi32, #tpu.memory_space<vmem>>
        %dma_wait3A_241 = tpu.memref_squeeze %dma_wait3A_240 : memref<1x128xi32, #tpu.memory_space<vmem>> -> memref<128xi32, #tpu.memory_space<vmem>>
        %dma_wait3A_242 = arith.constant 0 : i32
        %dma_wait3A_243 = arith.constant 0 : i32
        %dma_wait3A_244 = tpu.memref_slice %arg14[%dma_wait3A_242, %dma_wait3A_243] : memref<10048x8xf32, #tpu.memory_space<vmem_shared>> -> memref<10048x8xf32, #tpu.memory_space<vmem_shared>>
        tpu.wait_indirect_dma semaphore(%arg21 : memref<!tpu.dma_semaphore, #tpu.memory_space<semaphore_mem>>) src(%arg10 : memref<128x8xf32, #tpu.memory_space<vmem>>) dst(%dma_wait3A_244 : memref<10048x8xf32, #tpu.memory_space<vmem_shared>>)
      } else {
      }
      %lt3A_177 = arith.cmpi slt, %add3A_169, %select_n3A_8 : i32
      %convert_element_type3A_178 = arith.extui %lt3A_177 : i1 to i32
      %cond3A_179 = arith.constant 0 : i32
      %cond3A_180 = arith.cmpi ne, %convert_element_type3A_178, %cond3A_179 : i32
      scf.if %cond3A_180 {
        %dma_start3A_239 = arith.constant 0 : i32
        %dma_start3A_240 = tpu.memref_slice %arg7[%add3A_169, %dma_start3A_239] : memref<145x128xi32, #tpu.memory_space<vmem>> -> memref<1x128xi32, #tpu.memory_space<vmem>>
        %dma_start3A_241 = tpu.memref_squeeze %dma_start3A_240 : memref<1x128xi32, #tpu.memory_space<vmem>> -> memref<128xi32, #tpu.memory_space<vmem>>
        %dma_start3A_242 = arith.constant 0 : i32
        %dma_start3A_243 = arith.constant 0 : i32
        %dma_start3A_244 = tpu.memref_slice %arg2[%dma_start3A_242, %dma_start3A_243] : memref<10000x8xf32, #tpu.memory_space<hbm>> -> memref<10000x8xf32, #tpu.memory_space<hbm>>
        tpu.enqueue_indirect_dma source(%dma_start3A_244 : memref<10000x8xf32, #tpu.memory_space<hbm>>) target(%arg10 : memref<128x8xf32, #tpu.memory_space<vmem>>) offsets(%dma_start3A_241 : memref<128xi32, #tpu.memory_space<vmem>>) semaphore(%arg16 : memref<!tpu.dma_semaphore, #tpu.memory_space<semaphore_mem>>)
      } else {
      }
      %mul3A_181 = arith.constant 5 : i32
      %mul3A_182 = arith.muli %add3A_95, %mul3A_181 : i32
      %add3A_183 = arith.constant 3 : i32
      %add3A_184 = arith.addi %mul3A_182, %add3A_183 : i32
      %dma_wait3A_185 = arith.constant 0 : i32
      %dma_wait3A_186 = tpu.memref_slice %arg7[%add3A_184, %dma_wait3A_185] : memref<145x128xi32, #tpu.memory_space<vmem>> -> memref<1x128xi32, #tpu.memory_space<vmem>>
      %dma_wait3A_187 = tpu.memref_squeeze %dma_wait3A_186 : memref<1x128xi32, #tpu.memory_space<vmem>> -> memref<128xi32, #tpu.memory_space<vmem>>
      %dma_wait3A_188 = arith.constant 0 : i32
      %dma_wait3A_189 = arith.constant 0 : i32
      %dma_wait3A_190 = tpu.memref_slice %arg2[%dma_wait3A_188, %dma_wait3A_189] : memref<10000x8xf32, #tpu.memory_space<hbm>> -> memref<10000x8xf32, #tpu.memory_space<hbm>>
      tpu.wait_indirect_dma semaphore(%arg18 : memref<!tpu.dma_semaphore, #tpu.memory_space<semaphore_mem>>) src(%dma_wait3A_190 : memref<10000x8xf32, #tpu.memory_space<hbm>>) dst(%arg12 : memref<128x8xf32, #tpu.memory_space<vmem>>)
      %dma_start3A_191 = arith.constant 0 : i32
      %dma_start3A_192 = tpu.memref_slice %arg8[%add3A_184, %dma_start3A_191] : memref<145x128xi32, #tpu.memory_space<vmem>> -> memref<1x128xi32, #tpu.memory_space<vmem>>
      %dma_start3A_193 = tpu.memref_squeeze %dma_start3A_192 : memref<1x128xi32, #tpu.memory_space<vmem>> -> memref<128xi32, #tpu.memory_space<vmem>>
      %dma_start3A_194 = arith.constant 0 : i32
      %dma_start3A_195 = arith.constant 0 : i32
      %dma_start3A_196 = tpu.memref_slice %arg14[%dma_start3A_194, %dma_start3A_195] : memref<10048x8xf32, #tpu.memory_space<vmem_shared>> -> memref<10048x8xf32, #tpu.memory_space<vmem_shared>>
      tpu.enqueue_indirect_dma source(%arg12 : memref<128x8xf32, #tpu.memory_space<vmem>>) target(%dma_start3A_196 : memref<10048x8xf32, #tpu.memory_space<vmem_shared>>) offsets(%dma_start3A_193 : memref<128xi32, #tpu.memory_space<vmem>>) semaphore(%arg23 : memref<!tpu.dma_semaphore, #tpu.memory_space<semaphore_mem>>) {add = true}
      %add3A_197 = arith.constant 4 : i32
      %add3A_198 = arith.addi %add3A_184, %add3A_197 : i32
      %sub3A_199 = arith.constant 5 : i32
      %sub3A_200 = arith.subi %add3A_198, %sub3A_199 : i32
      %ge3A_201 = arith.constant 0 : i32
      %ge3A_202 = arith.cmpi sge, %sub3A_200, %ge3A_201 : i32
      %convert_element_type3A_203 = arith.extui %ge3A_202 : i1 to i32
      %cond3A_204 = arith.constant 0 : i32
      %cond3A_205 = arith.cmpi ne, %convert_element_type3A_203, %cond3A_204 : i32
      scf.if %cond3A_205 {
        %dma_wait3A_239 = arith.constant 0 : i32
        %dma_wait3A_240 = tpu.memref_slice %arg8[%add3A_184, %dma_wait3A_239] : memref<145x128xi32, #tpu.memory_space<vmem>> -> memref<1x128xi32, #tpu.memory_space<vmem>>
        %dma_wait3A_241 = tpu.memref_squeeze %dma_wait3A_240 : memref<1x128xi32, #tpu.memory_space<vmem>> -> memref<128xi32, #tpu.memory_space<vmem>>
        %dma_wait3A_242 = arith.constant 0 : i32
        %dma_wait3A_243 = arith.constant 0 : i32
        %dma_wait3A_244 = tpu.memref_slice %arg14[%dma_wait3A_242, %dma_wait3A_243] : memref<10048x8xf32, #tpu.memory_space<vmem_shared>> -> memref<10048x8xf32, #tpu.memory_space<vmem_shared>>
        tpu.wait_indirect_dma semaphore(%arg22 : memref<!tpu.dma_semaphore, #tpu.memory_space<semaphore_mem>>) src(%arg11 : memref<128x8xf32, #tpu.memory_space<vmem>>) dst(%dma_wait3A_244 : memref<10048x8xf32, #tpu.memory_space<vmem_shared>>)
      } else {
      }
      %lt3A_206 = arith.cmpi slt, %add3A_198, %select_n3A_8 : i32
      %convert_element_type3A_207 = arith.extui %lt3A_206 : i1 to i32
      %cond3A_208 = arith.constant 0 : i32
      %cond3A_209 = arith.cmpi ne, %convert_element_type3A_207, %cond3A_208 : i32
      scf.if %cond3A_209 {
        %dma_start3A_239 = arith.constant 0 : i32
        %dma_start3A_240 = tpu.memref_slice %arg7[%add3A_198, %dma_start3A_239] : memref<145x128xi32, #tpu.memory_space<vmem>> -> memref<1x128xi32, #tpu.memory_space<vmem>>
        %dma_start3A_241 = tpu.memref_squeeze %dma_start3A_240 : memref<1x128xi32, #tpu.memory_space<vmem>> -> memref<128xi32, #tpu.memory_space<vmem>>
        %dma_start3A_242 = arith.constant 0 : i32
        %dma_start3A_243 = arith.constant 0 : i32
        %dma_start3A_244 = tpu.memref_slice %arg2[%dma_start3A_242, %dma_start3A_243] : memref<10000x8xf32, #tpu.memory_space<hbm>> -> memref<10000x8xf32, #tpu.memory_space<hbm>>
        tpu.enqueue_indirect_dma source(%dma_start3A_244 : memref<10000x8xf32, #tpu.memory_space<hbm>>) target(%arg11 : memref<128x8xf32, #tpu.memory_space<vmem>>) offsets(%dma_start3A_241 : memref<128xi32, #tpu.memory_space<vmem>>) semaphore(%arg17 : memref<!tpu.dma_semaphore, #tpu.memory_space<semaphore_mem>>)
      } else {
      }
      %mul3A_210 = arith.constant 5 : i32
      %mul3A_211 = arith.muli %add3A_95, %mul3A_210 : i32
      %add3A_212 = arith.constant 4 : i32
      %add3A_213 = arith.addi %mul3A_211, %add3A_212 : i32
      %dma_wait3A_214 = arith.constant 0 : i32
      %dma_wait3A_215 = tpu.memref_slice %arg7[%add3A_213, %dma_wait3A_214] : memref<145x128xi32, #tpu.memory_space<vmem>> -> memref<1x128xi32, #tpu.memory_space<vmem>>
      %dma_wait3A_216 = tpu.memref_squeeze %dma_wait3A_215 : memref<1x128xi32, #tpu.memory_space<vmem>> -> memref<128xi32, #tpu.memory_space<vmem>>
      %dma_wait3A_217 = arith.constant 0 : i32
      %dma_wait3A_218 = arith.constant 0 : i32
      %dma_wait3A_219 = tpu.memref_slice %arg2[%dma_wait3A_217, %dma_wait3A_218] : memref<10000x8xf32, #tpu.memory_space<hbm>> -> memref<10000x8xf32, #tpu.memory_space<hbm>>
      tpu.wait_indirect_dma semaphore(%arg19 : memref<!tpu.dma_semaphore, #tpu.memory_space<semaphore_mem>>) src(%dma_wait3A_219 : memref<10000x8xf32, #tpu.memory_space<hbm>>) dst(%arg13 : memref<128x8xf32, #tpu.memory_space<vmem>>)
      %dma_start3A_220 = arith.constant 0 : i32
      %dma_start3A_221 = tpu.memref_slice %arg8[%add3A_213, %dma_start3A_220] : memref<145x128xi32, #tpu.memory_space<vmem>> -> memref<1x128xi32, #tpu.memory_space<vmem>>
      %dma_start3A_222 = tpu.memref_squeeze %dma_start3A_221 : memref<1x128xi32, #tpu.memory_space<vmem>> -> memref<128xi32, #tpu.memory_space<vmem>>
      %dma_start3A_223 = arith.constant 0 : i32
      %dma_start3A_224 = arith.constant 0 : i32
      %dma_start3A_225 = tpu.memref_slice %arg14[%dma_start3A_223, %dma_start3A_224] : memref<10048x8xf32, #tpu.memory_space<vmem_shared>> -> memref<10048x8xf32, #tpu.memory_space<vmem_shared>>
      tpu.enqueue_indirect_dma source(%arg13 : memref<128x8xf32, #tpu.memory_space<vmem>>) target(%dma_start3A_225 : memref<10048x8xf32, #tpu.memory_space<vmem_shared>>) offsets(%dma_start3A_222 : memref<128xi32, #tpu.memory_space<vmem>>) semaphore(%arg24 : memref<!tpu.dma_semaphore, #tpu.memory_space<semaphore_mem>>) {add = true}
      %add3A_226 = arith.constant 4 : i32
      %add3A_227 = arith.addi %add3A_213, %add3A_226 : i32
      %sub3A_228 = arith.constant 5 : i32
      %sub3A_229 = arith.subi %add3A_227, %sub3A_228 : i32
      %ge3A_230 = arith.constant 0 : i32
      %ge3A_231 = arith.cmpi sge, %sub3A_229, %ge3A_230 : i32
      %convert_element_type3A_232 = arith.extui %ge3A_231 : i1 to i32
      %cond3A_233 = arith.constant 0 : i32
      %cond3A_234 = arith.cmpi ne, %convert_element_type3A_232, %cond3A_233 : i32
      scf.if %cond3A_234 {
        %dma_wait3A_239 = arith.constant 0 : i32
        %dma_wait3A_240 = tpu.memref_slice %arg8[%add3A_213, %dma_wait3A_239] : memref<145x128xi32, #tpu.memory_space<vmem>> -> memref<1x128xi32, #tpu.memory_space<vmem>>
        %dma_wait3A_241 = tpu.memref_squeeze %dma_wait3A_240 : memref<1x128xi32, #tpu.memory_space<vmem>> -> memref<128xi32, #tpu.memory_space<vmem>>
        %dma_wait3A_242 = arith.constant 0 : i32
        %dma_wait3A_243 = arith.constant 0 : i32
        %dma_wait3A_244 = tpu.memref_slice %arg14[%dma_wait3A_242, %dma_wait3A_243] : memref<10048x8xf32, #tpu.memory_space<vmem_shared>> -> memref<10048x8xf32, #tpu.memory_space<vmem_shared>>
        tpu.wait_indirect_dma semaphore(%arg23 : memref<!tpu.dma_semaphore, #tpu.memory_space<semaphore_mem>>) src(%arg12 : memref<128x8xf32, #tpu.memory_space<vmem>>) dst(%dma_wait3A_244 : memref<10048x8xf32, #tpu.memory_space<vmem_shared>>)
      } else {
      }
      %lt3A_235 = arith.cmpi slt, %add3A_227, %select_n3A_8 : i32
      %convert_element_type3A_236 = arith.extui %lt3A_235 : i1 to i32
      %cond3A_237 = arith.constant 0 : i32
      %cond3A_238 = arith.cmpi ne, %convert_element_type3A_236, %cond3A_237 : i32
      scf.if %cond3A_238 {
        %dma_start3A_239 = arith.constant 0 : i32
        %dma_start3A_240 = tpu.memref_slice %arg7[%add3A_227, %dma_start3A_239] : memref<145x128xi32, #tpu.memory_space<vmem>> -> memref<1x128xi32, #tpu.memory_space<vmem>>
        %dma_start3A_241 = tpu.memref_squeeze %dma_start3A_240 : memref<1x128xi32, #tpu.memory_space<vmem>> -> memref<128xi32, #tpu.memory_space<vmem>>
        %dma_start3A_242 = arith.constant 0 : i32
        %dma_start3A_243 = arith.constant 0 : i32
        %dma_start3A_244 = tpu.memref_slice %arg2[%dma_start3A_242, %dma_start3A_243] : memref<10000x8xf32, #tpu.memory_space<hbm>> -> memref<10000x8xf32, #tpu.memory_space<hbm>>
        tpu.enqueue_indirect_dma source(%dma_start3A_244 : memref<10000x8xf32, #tpu.memory_space<hbm>>) target(%arg12 : memref<128x8xf32, #tpu.memory_space<vmem>>) offsets(%dma_start3A_241 : memref<128xi32, #tpu.memory_space<vmem>>) semaphore(%arg18 : memref<!tpu.dma_semaphore, #tpu.memory_space<semaphore_mem>>)
      } else {
      }
    }
    %dma_wait3A = arith.constant 0 : i32
    %dma_wait3A_82 = arith.constant 0 : i32
    %dma_wait3A_83 = tpu.memref_slice %arg8[%dma_wait3A, %dma_wait3A_82] : memref<145x128xi32, #tpu.memory_space<vmem>> -> memref<1x128xi32, #tpu.memory_space<vmem>>
    %dma_wait3A_84 = tpu.memref_squeeze %dma_wait3A_83 : memref<1x128xi32, #tpu.memory_space<vmem>> -> memref<128xi32, #tpu.memory_space<vmem>>
    %dma_wait3A_85 = arith.constant 0 : i32
    %dma_wait3A_86 = arith.constant 0 : i32
    %dma_wait3A_87 = tpu.memref_slice %arg14[%dma_wait3A_85, %dma_wait3A_86] : memref<10048x8xf32, #tpu.memory_space<vmem_shared>> -> memref<10048x8xf32, #tpu.memory_space<vmem_shared>>
    tpu.wait_indirect_dma semaphore(%arg24 : memref<!tpu.dma_semaphore, #tpu.memory_space<semaphore_mem>>) src(%arg13 : memref<128x8xf32, #tpu.memory_space<vmem>>) dst(%dma_wait3A_87 : memref<10048x8xf32, #tpu.memory_space<vmem_shared>>)
    %barrier3A_88 = arith.constant 0 : index
    tpu.barrier barrier_id(%barrier3A_88)
    %mul3A_89 = arith.constant 628 : i32
    %mul3A_90 = arith.muli %arg1, %mul3A_89 : i32
    %mul3A_91 = arith.constant 628 : i32
    %mul3A_92 = arith.muli %arg1, %mul3A_91 : i32
    "tpu.region"() ({
      %run_scoped3A = tpu.sem_alloc : memref<!tpu.dma_semaphore, #tpu.memory_space<semaphore_mem>>
      %dma_start3A_93 = arith.constant 0 : i32
      %dma_start3A_94 = tpu.memref_slice %arg6[%arg0, %mul3A_92, %dma_start3A_93] : memref<2x10048x8xf32, #tpu.memory_space<hbm>> -> memref<1x628x8xf32, #tpu.memory_space<hbm>>
      %dma_start3A_95 = tpu.memref_squeeze %dma_start3A_94 : memref<1x628x8xf32, #tpu.memory_space<hbm>> -> memref<628x8xf32, #tpu.memory_space<hbm>>
      %dma_start3A_96 = arith.constant 0 : i32
      %dma_start3A_97 = tpu.memref_slice %arg14[%mul3A_90, %dma_start3A_96] : memref<10048x8xf32, #tpu.memory_space<vmem_shared>> -> memref<628x8xf32, #tpu.memory_space<vmem_shared>>
      tpu.enqueue_dma source(%dma_start3A_97 : memref<628x8xf32, #tpu.memory_space<vmem_shared>>) target(%dma_start3A_95 : memref<628x8xf32, #tpu.memory_space<hbm>>) target_semaphore(%run_scoped3A : memref<!tpu.dma_semaphore, #tpu.memory_space<semaphore_mem>>)
      %dma_wait3A_98 = arith.constant 0 : i32
      %dma_wait3A_99 = tpu.memref_slice %arg6[%arg0, %mul3A_92, %dma_wait3A_98] : memref<2x10048x8xf32, #tpu.memory_space<hbm>> -> memref<1x628x8xf32, #tpu.memory_space<hbm>>
      %dma_wait3A_100 = tpu.memref_squeeze %dma_wait3A_99 : memref<1x628x8xf32, #tpu.memory_space<hbm>> -> memref<628x8xf32, #tpu.memory_space<hbm>>
      %dma_wait3A_101 = arith.constant 0 : i32
      %dma_wait3A_102 = tpu.memref_slice %arg14[%mul3A_90, %dma_wait3A_101] : memref<10048x8xf32, #tpu.memory_space<vmem_shared>> -> memref<628x8xf32, #tpu.memory_space<vmem_shared>>
      tpu.wait_dma2 semaphore(%run_scoped3A : memref<!tpu.dma_semaphore, #tpu.memory_space<semaphore_mem>>) src(%dma_wait3A_102 : memref<628x8xf32, #tpu.memory_space<vmem_shared>>) dst(%dma_wait3A_100 : memref<628x8xf32, #tpu.memory_space<hbm>>)
      tpu.yield
    }) : () -> ()
    return
  }
}

#map = affine_map<(d0, d1) -> (0, 0)>
#map1 = affine_map<(d0, d1) -> (0, 0, 0)>
module attributes {stable_mosaic.version = 14 : i64} {
  func.func @body(%arg0: i32, %arg1: i32, %arg2: memref<10000x64xf32, #tpu.memory_space<hbm>>, %arg3: memref<2705x128xi32, #tpu.memory_space<hbm>>, %arg4: memref<2705x128xi32, #tpu.memory_space<hbm>>, %arg5: memref<628x64xf32, #tpu.memory_space<hbm>>, %arg6: memref<2x10048x64xf32, #tpu.memory_space<hbm>>, %arg7: memref<145x128xi32, #tpu.memory_space<vmem>>, %arg8: memref<145x128xi32, #tpu.memory_space<vmem>>, %arg9: memref<128x64xf32, #tpu.memory_space<vmem>>, %arg10: memref<128x64xf32, #tpu.memory_space<vmem>>, %arg11: memref<128x64xf32, #tpu.memory_space<vmem>>, %arg12: memref<128x64xf32, #tpu.memory_space<vmem>>, %arg13: memref<128x64xf32, #tpu.memory_space<vmem>>, %arg14: memref<10048x64xf32, #tpu.memory_space<vmem_shared>>, %arg15: memref<!tpu.dma_semaphore, #tpu.memory_space<semaphore_mem>>, %arg16: memref<!tpu.dma_semaphore, #tpu.memory_space<semaphore_mem>>, %arg17: memref<!tpu.dma_semaphore, #tpu.memory_space<semaphore_mem>>, %arg18: memref<!tpu.dma_semaphore, #tpu.memory_space<semaphore_mem>>, %arg19: memref<!tpu.dma_semaphore, #tpu.memory_space<semaphore_mem>>, %arg20: memref<!tpu.dma_semaphore, #tpu.memory_space<semaphore_mem>>, %arg21: memref<!tpu.dma_semaphore, #tpu.memory_space<semaphore_mem>>, %arg22: memref<!tpu.dma_semaphore, #tpu.memory_space<semaphore_mem>>, %arg23: memref<!tpu.dma_semaphore, #tpu.memory_space<semaphore_mem>>, %arg24: memref<!tpu.dma_semaphore, #tpu.memory_space<semaphore_mem>>) attributes {dimension_semantics = [#tpu.dimension_semantics<core_parallel>, #tpu.dimension_semantics<subcore_parallel>], iteration_bounds = array<i64: 2, 16>, scalar_prefetch = 0 : i64, scratch_operands = 18 : i64, tpu.core_type = #tpu.core_type<sc_vector_subcore>, window_params = [{transform_indices = #map}, {transform_indices = #map}, {transform_indices = #map}, {transform_indices = #map}, {transform_indices = #map1}]} {
    %eq3A = arith.constant 0 : i32
    %eq3A_0 = arith.cmpi eq, %arg0, %eq3A : i32
    %mul3A = arith.constant 145 : i32
    %mul3A_1 = arith.muli %arg1, %mul3A : i32
    %mul3A_2 = arith.constant 15 : i32
    %mul3A_3 = arith.muli %arg1, %mul3A_2 : i32
    %add3A = arith.constant 2320 : i32
    %add3A_4 = arith.addi %add3A, %mul3A_3 : i32
    %select_n3A = arith.select %eq3A_0, %mul3A_1, %add3A_4 : i32
    %eq3A_5 = arith.constant 0 : i32
    %eq3A_6 = arith.cmpi eq, %arg0, %eq3A_5 : i32
    %jit3A = arith.constant 145 : i32
    %jit3A_7 = arith.constant 15 : i32
    %select_n3A_8 = arith.select %eq3A_6, %jit3A, %jit3A_7 : i32
    %eq3A_9 = arith.constant 0 : i32
    %eq3A_10 = arith.cmpi eq, %arg0, %eq3A_9 : i32
    %convert_element_type3A = arith.extui %eq3A_10 : i1 to i32
    %cond3A = arith.constant 0 : i32
    %cond3A_11 = arith.cmpi ne, %convert_element_type3A, %cond3A : i32
    scf.if %cond3A_11 {
      %mul3A_93 = arith.constant 145 : i32
      %mul3A_94 = arith.muli %arg1, %mul3A_93 : i32
      "tpu.region"() ({
        %run_scoped3A = tpu.sem_alloc : memref<!tpu.dma_semaphore, #tpu.memory_space<semaphore_mem>>
        %dma_start3A_97 = arith.constant 0 : i32
        %dma_start3A_98 = arith.constant 0 : i32
        %dma_start3A_99 = tpu.memref_slice %arg7[%dma_start3A_97, %dma_start3A_98] : memref<145x128xi32, #tpu.memory_space<vmem>> -> memref<145x128xi32, #tpu.memory_space<vmem>>
        %dma_start3A_100 = arith.constant 0 : i32
        %dma_start3A_101 = tpu.memref_slice %arg3[%mul3A_94, %dma_start3A_100] : memref<2705x128xi32, #tpu.memory_space<hbm>> -> memref<145x128xi32, #tpu.memory_space<hbm>>
        %dma_start3A_102 = arith.constant 0 : i32
        %dma_start3A_103 = arith.constant 0 : i32
        %dma_start3A_104 = tpu.memref_slice %arg7[%dma_start3A_102, %dma_start3A_103] : memref<145x128xi32, #tpu.memory_space<vmem>> -> memref<145x128xi32, #tpu.memory_space<vmem>>
        %dma_start3A_105 = arith.constant 0 : i32
        %dma_start3A_106 = tpu.memref_slice %arg3[%mul3A_94, %dma_start3A_105] : memref<2705x128xi32, #tpu.memory_space<hbm>> -> memref<145x128xi32, #tpu.memory_space<hbm>>
        tpu.enqueue_dma source(%dma_start3A_106 : memref<145x128xi32, #tpu.memory_space<hbm>>) target(%dma_start3A_104 : memref<145x128xi32, #tpu.memory_space<vmem>>) target_semaphore(%run_scoped3A : memref<!tpu.dma_semaphore, #tpu.memory_space<semaphore_mem>>)
        %dma_wait3A_107 = arith.constant 0 : i32
        %dma_wait3A_108 = arith.constant 0 : i32
        %dma_wait3A_109 = tpu.memref_slice %arg7[%dma_wait3A_107, %dma_wait3A_108] : memref<145x128xi32, #tpu.memory_space<vmem>> -> memref<145x128xi32, #tpu.memory_space<vmem>>
        %dma_wait3A_110 = arith.constant 0 : i32
        %dma_wait3A_111 = tpu.memref_slice %arg3[%mul3A_94, %dma_wait3A_110] : memref<2705x128xi32, #tpu.memory_space<hbm>> -> memref<145x128xi32, #tpu.memory_space<hbm>>
        %dma_wait3A_112 = arith.constant 0 : i32
        %dma_wait3A_113 = arith.constant 0 : i32
        %dma_wait3A_114 = tpu.memref_slice %arg7[%dma_wait3A_112, %dma_wait3A_113] : memref<145x128xi32, #tpu.memory_space<vmem>> -> memref<145x128xi32, #tpu.memory_space<vmem>>
        %dma_wait3A_115 = arith.constant 0 : i32
        %dma_wait3A_116 = tpu.memref_slice %arg3[%mul3A_94, %dma_wait3A_115] : memref<2705x128xi32, #tpu.memory_space<hbm>> -> memref<145x128xi32, #tpu.memory_space<hbm>>
        tpu.wait_dma2 semaphore(%run_scoped3A : memref<!tpu.dma_semaphore, #tpu.memory_space<semaphore_mem>>) src(%dma_wait3A_116 : memref<145x128xi32, #tpu.memory_space<hbm>>) dst(%dma_wait3A_114 : memref<145x128xi32, #tpu.memory_space<vmem>>)
        tpu.yield
      }) : () -> ()
      %mul3A_95 = arith.constant 145 : i32
      %mul3A_96 = arith.muli %arg1, %mul3A_95 : i32
      "tpu.region"() ({
        %run_scoped3A = tpu.sem_alloc : memref<!tpu.dma_semaphore, #tpu.memory_space<semaphore_mem>>
        %dma_start3A_97 = arith.constant 0 : i32
        %dma_start3A_98 = arith.constant 0 : i32
        %dma_start3A_99 = tpu.memref_slice %arg8[%dma_start3A_97, %dma_start3A_98] : memref<145x128xi32, #tpu.memory_space<vmem>> -> memref<145x128xi32, #tpu.memory_space<vmem>>
        %dma_start3A_100 = arith.constant 0 : i32
        %dma_start3A_101 = tpu.memref_slice %arg4[%mul3A_96, %dma_start3A_100] : memref<2705x128xi32, #tpu.memory_space<hbm>> -> memref<145x128xi32, #tpu.memory_space<hbm>>
        %dma_start3A_102 = arith.constant 0 : i32
        %dma_start3A_103 = arith.constant 0 : i32
        %dma_start3A_104 = tpu.memref_slice %arg8[%dma_start3A_102, %dma_start3A_103] : memref<145x128xi32, #tpu.memory_space<vmem>> -> memref<145x128xi32, #tpu.memory_space<vmem>>
        %dma_start3A_105 = arith.constant 0 : i32
        %dma_start3A_106 = tpu.memref_slice %arg4[%mul3A_96, %dma_start3A_105] : memref<2705x128xi32, #tpu.memory_space<hbm>> -> memref<145x128xi32, #tpu.memory_space<hbm>>
        tpu.enqueue_dma source(%dma_start3A_106 : memref<145x128xi32, #tpu.memory_space<hbm>>) target(%dma_start3A_104 : memref<145x128xi32, #tpu.memory_space<vmem>>) target_semaphore(%run_scoped3A : memref<!tpu.dma_semaphore, #tpu.memory_space<semaphore_mem>>)
        %dma_wait3A_107 = arith.constant 0 : i32
        %dma_wait3A_108 = arith.constant 0 : i32
        %dma_wait3A_109 = tpu.memref_slice %arg8[%dma_wait3A_107, %dma_wait3A_108] : memref<145x128xi32, #tpu.memory_space<vmem>> -> memref<145x128xi32, #tpu.memory_space<vmem>>
        %dma_wait3A_110 = arith.constant 0 : i32
        %dma_wait3A_111 = tpu.memref_slice %arg4[%mul3A_96, %dma_wait3A_110] : memref<2705x128xi32, #tpu.memory_space<hbm>> -> memref<145x128xi32, #tpu.memory_space<hbm>>
        %dma_wait3A_112 = arith.constant 0 : i32
        %dma_wait3A_113 = arith.constant 0 : i32
        %dma_wait3A_114 = tpu.memref_slice %arg8[%dma_wait3A_112, %dma_wait3A_113] : memref<145x128xi32, #tpu.memory_space<vmem>> -> memref<145x128xi32, #tpu.memory_space<vmem>>
        %dma_wait3A_115 = arith.constant 0 : i32
        %dma_wait3A_116 = tpu.memref_slice %arg4[%mul3A_96, %dma_wait3A_115] : memref<2705x128xi32, #tpu.memory_space<hbm>> -> memref<145x128xi32, #tpu.memory_space<hbm>>
        tpu.wait_dma2 semaphore(%run_scoped3A : memref<!tpu.dma_semaphore, #tpu.memory_space<semaphore_mem>>) src(%dma_wait3A_116 : memref<145x128xi32, #tpu.memory_space<hbm>>) dst(%dma_wait3A_114 : memref<145x128xi32, #tpu.memory_space<vmem>>)
        tpu.yield
      }) : () -> ()
    } else {
    }
    %eq3A_12 = arith.constant 1 : i32
    %eq3A_13 = arith.cmpi eq, %arg0, %eq3A_12 : i32
    %convert_element_type3A_14 = arith.extui %eq3A_13 : i1 to i32
    %cond3A_15 = arith.constant 0 : i32
    %cond3A_16 = arith.cmpi ne, %convert_element_type3A_14, %cond3A_15 : i32
    scf.if %cond3A_16 {
      %mul3A_93 = arith.constant 15 : i32
      %mul3A_94 = arith.muli %arg1, %mul3A_93 : i32
      %add3A_95 = arith.constant 2320 : i32
      %add3A_96 = arith.addi %add3A_95, %mul3A_94 : i32
      "tpu.region"() ({
        %run_scoped3A = tpu.sem_alloc : memref<!tpu.dma_semaphore, #tpu.memory_space<semaphore_mem>>
        %dma_start3A_97 = arith.constant 0 : i32
        %dma_start3A_98 = arith.constant 0 : i32
        %dma_start3A_99 = tpu.memref_slice %arg7[%dma_start3A_97, %dma_start3A_98] : memref<145x128xi32, #tpu.memory_space<vmem>> -> memref<15x128xi32, #tpu.memory_space<vmem>>
        %dma_start3A_100 = arith.constant 0 : i32
        %dma_start3A_101 = tpu.memref_slice %arg3[%add3A_96, %dma_start3A_100] : memref<2705x128xi32, #tpu.memory_space<hbm>> -> memref<15x128xi32, #tpu.memory_space<hbm>>
        %dma_start3A_102 = arith.constant 0 : i32
        %dma_start3A_103 = arith.constant 0 : i32
        %dma_start3A_104 = tpu.memref_slice %arg7[%dma_start3A_102, %dma_start3A_103] : memref<145x128xi32, #tpu.memory_space<vmem>> -> memref<15x128xi32, #tpu.memory_space<vmem>>
        %dma_start3A_105 = arith.constant 0 : i32
        %dma_start3A_106 = tpu.memref_slice %arg3[%add3A_96, %dma_start3A_105] : memref<2705x128xi32, #tpu.memory_space<hbm>> -> memref<15x128xi32, #tpu.memory_space<hbm>>
        tpu.enqueue_dma source(%dma_start3A_106 : memref<15x128xi32, #tpu.memory_space<hbm>>) target(%dma_start3A_104 : memref<15x128xi32, #tpu.memory_space<vmem>>) target_semaphore(%run_scoped3A : memref<!tpu.dma_semaphore, #tpu.memory_space<semaphore_mem>>)
        %dma_wait3A_107 = arith.constant 0 : i32
        %dma_wait3A_108 = arith.constant 0 : i32
        %dma_wait3A_109 = tpu.memref_slice %arg7[%dma_wait3A_107, %dma_wait3A_108] : memref<145x128xi32, #tpu.memory_space<vmem>> -> memref<15x128xi32, #tpu.memory_space<vmem>>
        %dma_wait3A_110 = arith.constant 0 : i32
        %dma_wait3A_111 = tpu.memref_slice %arg3[%add3A_96, %dma_wait3A_110] : memref<2705x128xi32, #tpu.memory_space<hbm>> -> memref<15x128xi32, #tpu.memory_space<hbm>>
        %dma_wait3A_112 = arith.constant 0 : i32
        %dma_wait3A_113 = arith.constant 0 : i32
        %dma_wait3A_114 = tpu.memref_slice %arg7[%dma_wait3A_112, %dma_wait3A_113] : memref<145x128xi32, #tpu.memory_space<vmem>> -> memref<15x128xi32, #tpu.memory_space<vmem>>
        %dma_wait3A_115 = arith.constant 0 : i32
        %dma_wait3A_116 = tpu.memref_slice %arg3[%add3A_96, %dma_wait3A_115] : memref<2705x128xi32, #tpu.memory_space<hbm>> -> memref<15x128xi32, #tpu.memory_space<hbm>>
        tpu.wait_dma2 semaphore(%run_scoped3A : memref<!tpu.dma_semaphore, #tpu.memory_space<semaphore_mem>>) src(%dma_wait3A_116 : memref<15x128xi32, #tpu.memory_space<hbm>>) dst(%dma_wait3A_114 : memref<15x128xi32, #tpu.memory_space<vmem>>)
        tpu.yield
      }) : () -> ()
      "tpu.region"() ({
        %run_scoped3A = tpu.sem_alloc : memref<!tpu.dma_semaphore, #tpu.memory_space<semaphore_mem>>
        %dma_start3A_97 = arith.constant 0 : i32
        %dma_start3A_98 = arith.constant 0 : i32
        %dma_start3A_99 = tpu.memref_slice %arg8[%dma_start3A_97, %dma_start3A_98] : memref<145x128xi32, #tpu.memory_space<vmem>> -> memref<15x128xi32, #tpu.memory_space<vmem>>
        %dma_start3A_100 = arith.constant 0 : i32
        %dma_start3A_101 = tpu.memref_slice %arg4[%add3A_96, %dma_start3A_100] : memref<2705x128xi32, #tpu.memory_space<hbm>> -> memref<15x128xi32, #tpu.memory_space<hbm>>
        %dma_start3A_102 = arith.constant 0 : i32
        %dma_start3A_103 = arith.constant 0 : i32
        %dma_start3A_104 = tpu.memref_slice %arg8[%dma_start3A_102, %dma_start3A_103] : memref<145x128xi32, #tpu.memory_space<vmem>> -> memref<15x128xi32, #tpu.memory_space<vmem>>
        %dma_start3A_105 = arith.constant 0 : i32
        %dma_start3A_106 = tpu.memref_slice %arg4[%add3A_96, %dma_start3A_105] : memref<2705x128xi32, #tpu.memory_space<hbm>> -> memref<15x128xi32, #tpu.memory_space<hbm>>
        tpu.enqueue_dma source(%dma_start3A_106 : memref<15x128xi32, #tpu.memory_space<hbm>>) target(%dma_start3A_104 : memref<15x128xi32, #tpu.memory_space<vmem>>) target_semaphore(%run_scoped3A : memref<!tpu.dma_semaphore, #tpu.memory_space<semaphore_mem>>)
        %dma_wait3A_107 = arith.constant 0 : i32
        %dma_wait3A_108 = arith.constant 0 : i32
        %dma_wait3A_109 = tpu.memref_slice %arg8[%dma_wait3A_107, %dma_wait3A_108] : memref<145x128xi32, #tpu.memory_space<vmem>> -> memref<15x128xi32, #tpu.memory_space<vmem>>
        %dma_wait3A_110 = arith.constant 0 : i32
        %dma_wait3A_111 = tpu.memref_slice %arg4[%add3A_96, %dma_wait3A_110] : memref<2705x128xi32, #tpu.memory_space<hbm>> -> memref<15x128xi32, #tpu.memory_space<hbm>>
        %dma_wait3A_112 = arith.constant 0 : i32
        %dma_wait3A_113 = arith.constant 0 : i32
        %dma_wait3A_114 = tpu.memref_slice %arg8[%dma_wait3A_112, %dma_wait3A_113] : memref<145x128xi32, #tpu.memory_space<vmem>> -> memref<15x128xi32, #tpu.memory_space<vmem>>
        %dma_wait3A_115 = arith.constant 0 : i32
        %dma_wait3A_116 = tpu.memref_slice %arg4[%add3A_96, %dma_wait3A_115] : memref<2705x128xi32, #tpu.memory_space<hbm>> -> memref<15x128xi32, #tpu.memory_space<hbm>>
        tpu.wait_dma2 semaphore(%run_scoped3A : memref<!tpu.dma_semaphore, #tpu.memory_space<semaphore_mem>>) src(%dma_wait3A_116 : memref<15x128xi32, #tpu.memory_space<hbm>>) dst(%dma_wait3A_114 : memref<15x128xi32, #tpu.memory_space<vmem>>)
        tpu.yield
      }) : () -> ()
    } else {
    }
    %mul3A_17 = arith.constant 628 : i32
    %mul3A_18 = arith.muli %arg1, %mul3A_17 : i32
    "tpu.region"() ({
      %run_scoped3A = tpu.sem_alloc : memref<!tpu.dma_semaphore, #tpu.memory_space<semaphore_mem>>
      %dma_start3A_93 = arith.constant 0 : i32
      %dma_start3A_94 = tpu.memref_slice %arg14[%mul3A_18, %dma_start3A_93] : memref<10048x64xf32, #tpu.memory_space<vmem_shared>> -> memref<628x64xf32, #tpu.memory_space<vmem_shared>>
      tpu.enqueue_dma source(%arg5 : memref<628x64xf32, #tpu.memory_space<hbm>>) target(%dma_start3A_94 : memref<628x64xf32, #tpu.memory_space<vmem_shared>>) target_semaphore(%run_scoped3A : memref<!tpu.dma_semaphore, #tpu.memory_space<semaphore_mem>>)
      %dma_wait3A_95 = arith.constant 0 : i32
      %dma_wait3A_96 = tpu.memref_slice %arg14[%mul3A_18, %dma_wait3A_95] : memref<10048x64xf32, #tpu.memory_space<vmem_shared>> -> memref<628x64xf32, #tpu.memory_space<vmem_shared>>
      tpu.wait_dma2 semaphore(%run_scoped3A : memref<!tpu.dma_semaphore, #tpu.memory_space<semaphore_mem>>) src(%arg5 : memref<628x64xf32, #tpu.memory_space<hbm>>) dst(%dma_wait3A_96 : memref<628x64xf32, #tpu.memory_space<vmem_shared>>)
      tpu.yield
    }) : () -> ()
    %barrier3A = arith.constant 0 : index
    tpu.barrier barrier_id(%barrier3A)
    %dma_start3A = arith.constant 0 : i32
    %dma_start3A_19 = arith.constant 0 : i32
    %dma_start3A_20 = tpu.memref_slice %arg7[%dma_start3A, %dma_start3A_19] : memref<145x128xi32, #tpu.memory_space<vmem>> -> memref<1x128xi32, #tpu.memory_space<vmem>>
    %dma_start3A_21 = tpu.memref_squeeze %dma_start3A_20 : memref<1x128xi32, #tpu.memory_space<vmem>> -> memref<128xi32, #tpu.memory_space<vmem>>
    %dma_start3A_22 = arith.constant 0 : i32
    %dma_start3A_23 = arith.constant 0 : i32
    %dma_start3A_24 = tpu.memref_slice %arg2[%dma_start3A_22, %dma_start3A_23] : memref<10000x64xf32, #tpu.memory_space<hbm>> -> memref<10000x64xf32, #tpu.memory_space<hbm>>
    tpu.enqueue_indirect_dma source(%dma_start3A_24 : memref<10000x64xf32, #tpu.memory_space<hbm>>) target(%arg9 : memref<128x64xf32, #tpu.memory_space<vmem>>) offsets(%dma_start3A_21 : memref<128xi32, #tpu.memory_space<vmem>>) semaphore(%arg15 : memref<!tpu.dma_semaphore, #tpu.memory_space<semaphore_mem>>)
    %dma_start3A_25 = arith.constant 1 : i32
    %dma_start3A_26 = arith.constant 0 : i32
    %dma_start3A_27 = tpu.memref_slice %arg7[%dma_start3A_25, %dma_start3A_26] : memref<145x128xi32, #tpu.memory_space<vmem>> -> memref<1x128xi32, #tpu.memory_space<vmem>>
    %dma_start3A_28 = tpu.memref_squeeze %dma_start3A_27 : memref<1x128xi32, #tpu.memory_space<vmem>> -> memref<128xi32, #tpu.memory_space<vmem>>
    %dma_start3A_29 = arith.constant 0 : i32
    %dma_start3A_30 = arith.constant 0 : i32
    %dma_start3A_31 = tpu.memref_slice %arg2[%dma_start3A_29, %dma_start3A_30] : memref<10000x64xf32, #tpu.memory_space<hbm>> -> memref<10000x64xf32, #tpu.memory_space<hbm>>
    tpu.enqueue_indirect_dma source(%dma_start3A_31 : memref<10000x64xf32, #tpu.memory_space<hbm>>) target(%arg10 : memref<128x64xf32, #tpu.memory_space<vmem>>) offsets(%dma_start3A_28 : memref<128xi32, #tpu.memory_space<vmem>>) semaphore(%arg16 : memref<!tpu.dma_semaphore, #tpu.memory_space<semaphore_mem>>)
    %dma_start3A_32 = arith.constant 2 : i32
    %dma_start3A_33 = arith.constant 0 : i32
    %dma_start3A_34 = tpu.memref_slice %arg7[%dma_start3A_32, %dma_start3A_33] : memref<145x128xi32, #tpu.memory_space<vmem>> -> memref<1x128xi32, #tpu.memory_space<vmem>>
    %dma_start3A_35 = tpu.memref_squeeze %dma_start3A_34 : memref<1x128xi32, #tpu.memory_space<vmem>> -> memref<128xi32, #tpu.memory_space<vmem>>
    %dma_start3A_36 = arith.constant 0 : i32
    %dma_start3A_37 = arith.constant 0 : i32
    %dma_start3A_38 = tpu.memref_slice %arg2[%dma_start3A_36, %dma_start3A_37] : memref<10000x64xf32, #tpu.memory_space<hbm>> -> memref<10000x64xf32, #tpu.memory_space<hbm>>
    tpu.enqueue_indirect_dma source(%dma_start3A_38 : memref<10000x64xf32, #tpu.memory_space<hbm>>) target(%arg11 : memref<128x64xf32, #tpu.memory_space<vmem>>) offsets(%dma_start3A_35 : memref<128xi32, #tpu.memory_space<vmem>>) semaphore(%arg17 : memref<!tpu.dma_semaphore, #tpu.memory_space<semaphore_mem>>)
    %dma_start3A_39 = arith.constant 3 : i32
    %dma_start3A_40 = arith.constant 0 : i32
    %dma_start3A_41 = tpu.memref_slice %arg7[%dma_start3A_39, %dma_start3A_40] : memref<145x128xi32, #tpu.memory_space<vmem>> -> memref<1x128xi32, #tpu.memory_space<vmem>>
    %dma_start3A_42 = tpu.memref_squeeze %dma_start3A_41 : memref<1x128xi32, #tpu.memory_space<vmem>> -> memref<128xi32, #tpu.memory_space<vmem>>
    %dma_start3A_43 = arith.constant 0 : i32
    %dma_start3A_44 = arith.constant 0 : i32
    %dma_start3A_45 = tpu.memref_slice %arg2[%dma_start3A_43, %dma_start3A_44] : memref<10000x64xf32, #tpu.memory_space<hbm>> -> memref<10000x64xf32, #tpu.memory_space<hbm>>
    tpu.enqueue_indirect_dma source(%dma_start3A_45 : memref<10000x64xf32, #tpu.memory_space<hbm>>) target(%arg12 : memref<128x64xf32, #tpu.memory_space<vmem>>) offsets(%dma_start3A_42 : memref<128xi32, #tpu.memory_space<vmem>>) semaphore(%arg18 : memref<!tpu.dma_semaphore, #tpu.memory_space<semaphore_mem>>)
    %jit3A_46 = arith.constant 5 : i32
    %div3A = arith.divsi %select_n3A_8, %jit3A_46 : i32
    %sign3A = arith.constant 0 : i32
    %sign3A_47 = arith.cmpi sgt, %select_n3A_8, %sign3A : i32
    %sign3A_48 = arith.extui %sign3A_47 : i1 to i32
    %sign3A_49 = arith.constant 0 : i32
    %sign3A_50 = arith.cmpi slt, %select_n3A_8, %sign3A_49 : i32
    %sign3A_51 = arith.extui %sign3A_50 : i1 to i32
    %sign3A_52 = arith.subi %sign3A_48, %sign3A_51 : i32
    %sign3A_53 = arith.constant 0 : i32
    %sign3A_54 = arith.cmpi sgt, %jit3A_46, %sign3A_53 : i32
    %sign3A_55 = arith.extui %sign3A_54 : i1 to i32
    %sign3A_56 = arith.constant 0 : i32
    %sign3A_57 = arith.cmpi slt, %jit3A_46, %sign3A_56 : i32
    %sign3A_58 = arith.extui %sign3A_57 : i1 to i32
    %sign3A_59 = arith.subi %sign3A_55, %sign3A_58 : i32
    %ne3A = arith.cmpi ne, %sign3A_52, %sign3A_59 : i32
    %rem3A = arith.remsi %select_n3A_8, %jit3A_46 : i32
    %ne3A_60 = arith.constant 0 : i32
    %ne3A_61 = arith.cmpi ne, %rem3A, %ne3A_60 : i32
    %and3A = arith.andi %ne3A, %ne3A_61 : i1
    %sub3A = arith.constant 1 : i32
    %sub3A_62 = arith.subi %div3A, %sub3A : i32
    %select_n3A_63 = arith.select %and3A, %sub3A_62, %div3A : i32
    %sub3A_64 = arith.constant 0 : i32
    %sub3A_65 = arith.subi %select_n3A_63, %sub3A_64 : i32
    %sub3A_66 = arith.constant 1 : i32
    %sub3A_67 = arith.constant 1 : i32
    %sub3A_68 = arith.subi %sub3A_66, %sub3A_67 : i32
    %add3A_69 = arith.addi %sub3A_65, %sub3A_68 : i32
    %div3A_70 = arith.constant 1 : i32
    %div3A_71 = arith.divsi %add3A_69, %div3A_70 : i32
    %while3A = arith.constant 1 : i32
    %while3A_72 = arith.constant 0 : i32
    %while3A_73 = arith.constant 0 : i32
    %while3A_74 = arith.subi %div3A_71, %while3A_73 : i32
    %while3A_75 = arith.addi %while3A_73, %while3A_74 : i32
    %while3A_76 = arith.constant 1 : i32
    %while3A_77 = arith.divsi %while3A_74, %while3A_76 : i32
    %while3A_78 = arith.muli %while3A_77, %while3A_76 : i32
    %while3A_79 = arith.addi %while3A_73, %while3A_78 : i32
    %while3A_80 = arith.constant 1 : i32
    scf.for %while3A_93 = %while3A_73 to %while3A_79 step %while3A_80  : i32 {
      %mul3A_94 = arith.muli %while3A_93, %while3A : i32
      %add3A_95 = arith.addi %while3A_72, %mul3A_94 : i32
      %mul3A_96 = arith.constant 5 : i32
      %mul3A_97 = arith.muli %add3A_95, %mul3A_96 : i32
      %add3A_98 = arith.constant 0 : i32
      %add3A_99 = arith.addi %mul3A_97, %add3A_98 : i32
      %dma_wait3A_100 = arith.constant 0 : i32
      %dma_wait3A_101 = tpu.memref_slice %arg7[%add3A_99, %dma_wait3A_100] : memref<145x128xi32, #tpu.memory_space<vmem>> -> memref<1x128xi32, #tpu.memory_space<vmem>>
      %dma_wait3A_102 = tpu.memref_squeeze %dma_wait3A_101 : memref<1x128xi32, #tpu.memory_space<vmem>> -> memref<128xi32, #tpu.memory_space<vmem>>
      %dma_wait3A_103 = arith.constant 0 : i32
      %dma_wait3A_104 = arith.constant 0 : i32
      %dma_wait3A_105 = tpu.memref_slice %arg2[%dma_wait3A_103, %dma_wait3A_104] : memref<10000x64xf32, #tpu.memory_space<hbm>> -> memref<10000x64xf32, #tpu.memory_space<hbm>>
      tpu.wait_indirect_dma semaphore(%arg15 : memref<!tpu.dma_semaphore, #tpu.memory_space<semaphore_mem>>) src(%dma_wait3A_105 : memref<10000x64xf32, #tpu.memory_space<hbm>>) dst(%arg9 : memref<128x64xf32, #tpu.memory_space<vmem>>)
      %dma_start3A_106 = arith.constant 0 : i32
      %dma_start3A_107 = tpu.memref_slice %arg8[%add3A_99, %dma_start3A_106] : memref<145x128xi32, #tpu.memory_space<vmem>> -> memref<1x128xi32, #tpu.memory_space<vmem>>
      %dma_start3A_108 = tpu.memref_squeeze %dma_start3A_107 : memref<1x128xi32, #tpu.memory_space<vmem>> -> memref<128xi32, #tpu.memory_space<vmem>>
      %dma_start3A_109 = arith.constant 0 : i32
      %dma_start3A_110 = arith.constant 0 : i32
      %dma_start3A_111 = tpu.memref_slice %arg14[%dma_start3A_109, %dma_start3A_110] : memref<10048x64xf32, #tpu.memory_space<vmem_shared>> -> memref<10048x64xf32, #tpu.memory_space<vmem_shared>>
      tpu.enqueue_indirect_dma source(%arg9 : memref<128x64xf32, #tpu.memory_space<vmem>>) target(%dma_start3A_111 : memref<10048x64xf32, #tpu.memory_space<vmem_shared>>) offsets(%dma_start3A_108 : memref<128xi32, #tpu.memory_space<vmem>>) semaphore(%arg20 : memref<!tpu.dma_semaphore, #tpu.memory_space<semaphore_mem>>) {add = true}
      %add3A_112 = arith.constant 4 : i32
      %add3A_113 = arith.addi %add3A_99, %add3A_112 : i32
      %sub3A_114 = arith.constant 5 : i32
      %sub3A_115 = arith.subi %add3A_113, %sub3A_114 : i32
      %ge3A = arith.constant 0 : i32
      %ge3A_116 = arith.cmpi sge, %sub3A_115, %ge3A : i32
      %convert_element_type3A_117 = arith.extui %ge3A_116 : i1 to i32
      %cond3A_118 = arith.constant 0 : i32
      %cond3A_119 = arith.cmpi ne, %convert_element_type3A_117, %cond3A_118 : i32
      scf.if %cond3A_119 {
        %dma_wait3A_239 = arith.constant 0 : i32
        %dma_wait3A_240 = tpu.memref_slice %arg8[%add3A_99, %dma_wait3A_239] : memref<145x128xi32, #tpu.memory_space<vmem>> -> memref<1x128xi32, #tpu.memory_space<vmem>>
        %dma_wait3A_241 = tpu.memref_squeeze %dma_wait3A_240 : memref<1x128xi32, #tpu.memory_space<vmem>> -> memref<128xi32, #tpu.memory_space<vmem>>
        %dma_wait3A_242 = arith.constant 0 : i32
        %dma_wait3A_243 = arith.constant 0 : i32
        %dma_wait3A_244 = tpu.memref_slice %arg14[%dma_wait3A_242, %dma_wait3A_243] : memref<10048x64xf32, #tpu.memory_space<vmem_shared>> -> memref<10048x64xf32, #tpu.memory_space<vmem_shared>>
        tpu.wait_indirect_dma semaphore(%arg24 : memref<!tpu.dma_semaphore, #tpu.memory_space<semaphore_mem>>) src(%arg13 : memref<128x64xf32, #tpu.memory_space<vmem>>) dst(%dma_wait3A_244 : memref<10048x64xf32, #tpu.memory_space<vmem_shared>>)
      } else {
      }
      %lt3A = arith.cmpi slt, %add3A_113, %select_n3A_8 : i32
      %convert_element_type3A_120 = arith.extui %lt3A : i1 to i32
      %cond3A_121 = arith.constant 0 : i32
      %cond3A_122 = arith.cmpi ne, %convert_element_type3A_120, %cond3A_121 : i32
      scf.if %cond3A_122 {
        %dma_start3A_239 = arith.constant 0 : i32
        %dma_start3A_240 = tpu.memref_slice %arg7[%add3A_113, %dma_start3A_239] : memref<145x128xi32, #tpu.memory_space<vmem>> -> memref<1x128xi32, #tpu.memory_space<vmem>>
        %dma_start3A_241 = tpu.memref_squeeze %dma_start3A_240 : memref<1x128xi32, #tpu.memory_space<vmem>> -> memref<128xi32, #tpu.memory_space<vmem>>
        %dma_start3A_242 = arith.constant 0 : i32
        %dma_start3A_243 = arith.constant 0 : i32
        %dma_start3A_244 = tpu.memref_slice %arg2[%dma_start3A_242, %dma_start3A_243] : memref<10000x64xf32, #tpu.memory_space<hbm>> -> memref<10000x64xf32, #tpu.memory_space<hbm>>
        tpu.enqueue_indirect_dma source(%dma_start3A_244 : memref<10000x64xf32, #tpu.memory_space<hbm>>) target(%arg13 : memref<128x64xf32, #tpu.memory_space<vmem>>) offsets(%dma_start3A_241 : memref<128xi32, #tpu.memory_space<vmem>>) semaphore(%arg19 : memref<!tpu.dma_semaphore, #tpu.memory_space<semaphore_mem>>)
      } else {
      }
      %mul3A_123 = arith.constant 5 : i32
      %mul3A_124 = arith.muli %add3A_95, %mul3A_123 : i32
      %add3A_125 = arith.constant 1 : i32
      %add3A_126 = arith.addi %mul3A_124, %add3A_125 : i32
      %dma_wait3A_127 = arith.constant 0 : i32
      %dma_wait3A_128 = tpu.memref_slice %arg7[%add3A_126, %dma_wait3A_127] : memref<145x128xi32, #tpu.memory_space<vmem>> -> memref<1x128xi32, #tpu.memory_space<vmem>>
      %dma_wait3A_129 = tpu.memref_squeeze %dma_wait3A_128 : memref<1x128xi32, #tpu.memory_space<vmem>> -> memref<128xi32, #tpu.memory_space<vmem>>
      %dma_wait3A_130 = arith.constant 0 : i32
      %dma_wait3A_131 = arith.constant 0 : i32
      %dma_wait3A_132 = tpu.memref_slice %arg2[%dma_wait3A_130, %dma_wait3A_131] : memref<10000x64xf32, #tpu.memory_space<hbm>> -> memref<10000x64xf32, #tpu.memory_space<hbm>>
      tpu.wait_indirect_dma semaphore(%arg16 : memref<!tpu.dma_semaphore, #tpu.memory_space<semaphore_mem>>) src(%dma_wait3A_132 : memref<10000x64xf32, #tpu.memory_space<hbm>>) dst(%arg10 : memref<128x64xf32, #tpu.memory_space<vmem>>)
      %dma_start3A_133 = arith.constant 0 : i32
      %dma_start3A_134 = tpu.memref_slice %arg8[%add3A_126, %dma_start3A_133] : memref<145x128xi32, #tpu.memory_space<vmem>> -> memref<1x128xi32, #tpu.memory_space<vmem>>
      %dma_start3A_135 = tpu.memref_squeeze %dma_start3A_134 : memref<1x128xi32, #tpu.memory_space<vmem>> -> memref<128xi32, #tpu.memory_space<vmem>>
      %dma_start3A_136 = arith.constant 0 : i32
      %dma_start3A_137 = arith.constant 0 : i32
      %dma_start3A_138 = tpu.memref_slice %arg14[%dma_start3A_136, %dma_start3A_137] : memref<10048x64xf32, #tpu.memory_space<vmem_shared>> -> memref<10048x64xf32, #tpu.memory_space<vmem_shared>>
      tpu.enqueue_indirect_dma source(%arg10 : memref<128x64xf32, #tpu.memory_space<vmem>>) target(%dma_start3A_138 : memref<10048x64xf32, #tpu.memory_space<vmem_shared>>) offsets(%dma_start3A_135 : memref<128xi32, #tpu.memory_space<vmem>>) semaphore(%arg21 : memref<!tpu.dma_semaphore, #tpu.memory_space<semaphore_mem>>) {add = true}
      %add3A_139 = arith.constant 4 : i32
      %add3A_140 = arith.addi %add3A_126, %add3A_139 : i32
      %sub3A_141 = arith.constant 5 : i32
      %sub3A_142 = arith.subi %add3A_140, %sub3A_141 : i32
      %ge3A_143 = arith.constant 0 : i32
      %ge3A_144 = arith.cmpi sge, %sub3A_142, %ge3A_143 : i32
      %convert_element_type3A_145 = arith.extui %ge3A_144 : i1 to i32
      %cond3A_146 = arith.constant 0 : i32
      %cond3A_147 = arith.cmpi ne, %convert_element_type3A_145, %cond3A_146 : i32
      scf.if %cond3A_147 {
        %dma_wait3A_239 = arith.constant 0 : i32
        %dma_wait3A_240 = tpu.memref_slice %arg8[%add3A_126, %dma_wait3A_239] : memref<145x128xi32, #tpu.memory_space<vmem>> -> memref<1x128xi32, #tpu.memory_space<vmem>>
        %dma_wait3A_241 = tpu.memref_squeeze %dma_wait3A_240 : memref<1x128xi32, #tpu.memory_space<vmem>> -> memref<128xi32, #tpu.memory_space<vmem>>
        %dma_wait3A_242 = arith.constant 0 : i32
        %dma_wait3A_243 = arith.constant 0 : i32
        %dma_wait3A_244 = tpu.memref_slice %arg14[%dma_wait3A_242, %dma_wait3A_243] : memref<10048x64xf32, #tpu.memory_space<vmem_shared>> -> memref<10048x64xf32, #tpu.memory_space<vmem_shared>>
        tpu.wait_indirect_dma semaphore(%arg20 : memref<!tpu.dma_semaphore, #tpu.memory_space<semaphore_mem>>) src(%arg9 : memref<128x64xf32, #tpu.memory_space<vmem>>) dst(%dma_wait3A_244 : memref<10048x64xf32, #tpu.memory_space<vmem_shared>>)
      } else {
      }
      %lt3A_148 = arith.cmpi slt, %add3A_140, %select_n3A_8 : i32
      %convert_element_type3A_149 = arith.extui %lt3A_148 : i1 to i32
      %cond3A_150 = arith.constant 0 : i32
      %cond3A_151 = arith.cmpi ne, %convert_element_type3A_149, %cond3A_150 : i32
      scf.if %cond3A_151 {
        %dma_start3A_239 = arith.constant 0 : i32
        %dma_start3A_240 = tpu.memref_slice %arg7[%add3A_140, %dma_start3A_239] : memref<145x128xi32, #tpu.memory_space<vmem>> -> memref<1x128xi32, #tpu.memory_space<vmem>>
        %dma_start3A_241 = tpu.memref_squeeze %dma_start3A_240 : memref<1x128xi32, #tpu.memory_space<vmem>> -> memref<128xi32, #tpu.memory_space<vmem>>
        %dma_start3A_242 = arith.constant 0 : i32
        %dma_start3A_243 = arith.constant 0 : i32
        %dma_start3A_244 = tpu.memref_slice %arg2[%dma_start3A_242, %dma_start3A_243] : memref<10000x64xf32, #tpu.memory_space<hbm>> -> memref<10000x64xf32, #tpu.memory_space<hbm>>
        tpu.enqueue_indirect_dma source(%dma_start3A_244 : memref<10000x64xf32, #tpu.memory_space<hbm>>) target(%arg9 : memref<128x64xf32, #tpu.memory_space<vmem>>) offsets(%dma_start3A_241 : memref<128xi32, #tpu.memory_space<vmem>>) semaphore(%arg15 : memref<!tpu.dma_semaphore, #tpu.memory_space<semaphore_mem>>)
      } else {
      }
      %mul3A_152 = arith.constant 5 : i32
      %mul3A_153 = arith.muli %add3A_95, %mul3A_152 : i32
      %add3A_154 = arith.constant 2 : i32
      %add3A_155 = arith.addi %mul3A_153, %add3A_154 : i32
      %dma_wait3A_156 = arith.constant 0 : i32
      %dma_wait3A_157 = tpu.memref_slice %arg7[%add3A_155, %dma_wait3A_156] : memref<145x128xi32, #tpu.memory_space<vmem>> -> memref<1x128xi32, #tpu.memory_space<vmem>>
      %dma_wait3A_158 = tpu.memref_squeeze %dma_wait3A_157 : memref<1x128xi32, #tpu.memory_space<vmem>> -> memref<128xi32, #tpu.memory_space<vmem>>
      %dma_wait3A_159 = arith.constant 0 : i32
      %dma_wait3A_160 = arith.constant 0 : i32
      %dma_wait3A_161 = tpu.memref_slice %arg2[%dma_wait3A_159, %dma_wait3A_160] : memref<10000x64xf32, #tpu.memory_space<hbm>> -> memref<10000x64xf32, #tpu.memory_space<hbm>>
      tpu.wait_indirect_dma semaphore(%arg17 : memref<!tpu.dma_semaphore, #tpu.memory_space<semaphore_mem>>) src(%dma_wait3A_161 : memref<10000x64xf32, #tpu.memory_space<hbm>>) dst(%arg11 : memref<128x64xf32, #tpu.memory_space<vmem>>)
      %dma_start3A_162 = arith.constant 0 : i32
      %dma_start3A_163 = tpu.memref_slice %arg8[%add3A_155, %dma_start3A_162] : memref<145x128xi32, #tpu.memory_space<vmem>> -> memref<1x128xi32, #tpu.memory_space<vmem>>
      %dma_start3A_164 = tpu.memref_squeeze %dma_start3A_163 : memref<1x128xi32, #tpu.memory_space<vmem>> -> memref<128xi32, #tpu.memory_space<vmem>>
      %dma_start3A_165 = arith.constant 0 : i32
      %dma_start3A_166 = arith.constant 0 : i32
      %dma_start3A_167 = tpu.memref_slice %arg14[%dma_start3A_165, %dma_start3A_166] : memref<10048x64xf32, #tpu.memory_space<vmem_shared>> -> memref<10048x64xf32, #tpu.memory_space<vmem_shared>>
      tpu.enqueue_indirect_dma source(%arg11 : memref<128x64xf32, #tpu.memory_space<vmem>>) target(%dma_start3A_167 : memref<10048x64xf32, #tpu.memory_space<vmem_shared>>) offsets(%dma_start3A_164 : memref<128xi32, #tpu.memory_space<vmem>>) semaphore(%arg22 : memref<!tpu.dma_semaphore, #tpu.memory_space<semaphore_mem>>) {add = true}
      %add3A_168 = arith.constant 4 : i32
      %add3A_169 = arith.addi %add3A_155, %add3A_168 : i32
      %sub3A_170 = arith.constant 5 : i32
      %sub3A_171 = arith.subi %add3A_169, %sub3A_170 : i32
      %ge3A_172 = arith.constant 0 : i32
      %ge3A_173 = arith.cmpi sge, %sub3A_171, %ge3A_172 : i32
      %convert_element_type3A_174 = arith.extui %ge3A_173 : i1 to i32
      %cond3A_175 = arith.constant 0 : i32
      %cond3A_176 = arith.cmpi ne, %convert_element_type3A_174, %cond3A_175 : i32
      scf.if %cond3A_176 {
        %dma_wait3A_239 = arith.constant 0 : i32
        %dma_wait3A_240 = tpu.memref_slice %arg8[%add3A_155, %dma_wait3A_239] : memref<145x128xi32, #tpu.memory_space<vmem>> -> memref<1x128xi32, #tpu.memory_space<vmem>>
        %dma_wait3A_241 = tpu.memref_squeeze %dma_wait3A_240 : memref<1x128xi32, #tpu.memory_space<vmem>> -> memref<128xi32, #tpu.memory_space<vmem>>
        %dma_wait3A_242 = arith.constant 0 : i32
        %dma_wait3A_243 = arith.constant 0 : i32
        %dma_wait3A_244 = tpu.memref_slice %arg14[%dma_wait3A_242, %dma_wait3A_243] : memref<10048x64xf32, #tpu.memory_space<vmem_shared>> -> memref<10048x64xf32, #tpu.memory_space<vmem_shared>>
        tpu.wait_indirect_dma semaphore(%arg21 : memref<!tpu.dma_semaphore, #tpu.memory_space<semaphore_mem>>) src(%arg10 : memref<128x64xf32, #tpu.memory_space<vmem>>) dst(%dma_wait3A_244 : memref<10048x64xf32, #tpu.memory_space<vmem_shared>>)
      } else {
      }
      %lt3A_177 = arith.cmpi slt, %add3A_169, %select_n3A_8 : i32
      %convert_element_type3A_178 = arith.extui %lt3A_177 : i1 to i32
      %cond3A_179 = arith.constant 0 : i32
      %cond3A_180 = arith.cmpi ne, %convert_element_type3A_178, %cond3A_179 : i32
      scf.if %cond3A_180 {
        %dma_start3A_239 = arith.constant 0 : i32
        %dma_start3A_240 = tpu.memref_slice %arg7[%add3A_169, %dma_start3A_239] : memref<145x128xi32, #tpu.memory_space<vmem>> -> memref<1x128xi32, #tpu.memory_space<vmem>>
        %dma_start3A_241 = tpu.memref_squeeze %dma_start3A_240 : memref<1x128xi32, #tpu.memory_space<vmem>> -> memref<128xi32, #tpu.memory_space<vmem>>
        %dma_start3A_242 = arith.constant 0 : i32
        %dma_start3A_243 = arith.constant 0 : i32
        %dma_start3A_244 = tpu.memref_slice %arg2[%dma_start3A_242, %dma_start3A_243] : memref<10000x64xf32, #tpu.memory_space<hbm>> -> memref<10000x64xf32, #tpu.memory_space<hbm>>
        tpu.enqueue_indirect_dma source(%dma_start3A_244 : memref<10000x64xf32, #tpu.memory_space<hbm>>) target(%arg10 : memref<128x64xf32, #tpu.memory_space<vmem>>) offsets(%dma_start3A_241 : memref<128xi32, #tpu.memory_space<vmem>>) semaphore(%arg16 : memref<!tpu.dma_semaphore, #tpu.memory_space<semaphore_mem>>)
      } else {
      }
      %mul3A_181 = arith.constant 5 : i32
      %mul3A_182 = arith.muli %add3A_95, %mul3A_181 : i32
      %add3A_183 = arith.constant 3 : i32
      %add3A_184 = arith.addi %mul3A_182, %add3A_183 : i32
      %dma_wait3A_185 = arith.constant 0 : i32
      %dma_wait3A_186 = tpu.memref_slice %arg7[%add3A_184, %dma_wait3A_185] : memref<145x128xi32, #tpu.memory_space<vmem>> -> memref<1x128xi32, #tpu.memory_space<vmem>>
      %dma_wait3A_187 = tpu.memref_squeeze %dma_wait3A_186 : memref<1x128xi32, #tpu.memory_space<vmem>> -> memref<128xi32, #tpu.memory_space<vmem>>
      %dma_wait3A_188 = arith.constant 0 : i32
      %dma_wait3A_189 = arith.constant 0 : i32
      %dma_wait3A_190 = tpu.memref_slice %arg2[%dma_wait3A_188, %dma_wait3A_189] : memref<10000x64xf32, #tpu.memory_space<hbm>> -> memref<10000x64xf32, #tpu.memory_space<hbm>>
      tpu.wait_indirect_dma semaphore(%arg18 : memref<!tpu.dma_semaphore, #tpu.memory_space<semaphore_mem>>) src(%dma_wait3A_190 : memref<10000x64xf32, #tpu.memory_space<hbm>>) dst(%arg12 : memref<128x64xf32, #tpu.memory_space<vmem>>)
      %dma_start3A_191 = arith.constant 0 : i32
      %dma_start3A_192 = tpu.memref_slice %arg8[%add3A_184, %dma_start3A_191] : memref<145x128xi32, #tpu.memory_space<vmem>> -> memref<1x128xi32, #tpu.memory_space<vmem>>
      %dma_start3A_193 = tpu.memref_squeeze %dma_start3A_192 : memref<1x128xi32, #tpu.memory_space<vmem>> -> memref<128xi32, #tpu.memory_space<vmem>>
      %dma_start3A_194 = arith.constant 0 : i32
      %dma_start3A_195 = arith.constant 0 : i32
      %dma_start3A_196 = tpu.memref_slice %arg14[%dma_start3A_194, %dma_start3A_195] : memref<10048x64xf32, #tpu.memory_space<vmem_shared>> -> memref<10048x64xf32, #tpu.memory_space<vmem_shared>>
      tpu.enqueue_indirect_dma source(%arg12 : memref<128x64xf32, #tpu.memory_space<vmem>>) target(%dma_start3A_196 : memref<10048x64xf32, #tpu.memory_space<vmem_shared>>) offsets(%dma_start3A_193 : memref<128xi32, #tpu.memory_space<vmem>>) semaphore(%arg23 : memref<!tpu.dma_semaphore, #tpu.memory_space<semaphore_mem>>) {add = true}
      %add3A_197 = arith.constant 4 : i32
      %add3A_198 = arith.addi %add3A_184, %add3A_197 : i32
      %sub3A_199 = arith.constant 5 : i32
      %sub3A_200 = arith.subi %add3A_198, %sub3A_199 : i32
      %ge3A_201 = arith.constant 0 : i32
      %ge3A_202 = arith.cmpi sge, %sub3A_200, %ge3A_201 : i32
      %convert_element_type3A_203 = arith.extui %ge3A_202 : i1 to i32
      %cond3A_204 = arith.constant 0 : i32
      %cond3A_205 = arith.cmpi ne, %convert_element_type3A_203, %cond3A_204 : i32
      scf.if %cond3A_205 {
        %dma_wait3A_239 = arith.constant 0 : i32
        %dma_wait3A_240 = tpu.memref_slice %arg8[%add3A_184, %dma_wait3A_239] : memref<145x128xi32, #tpu.memory_space<vmem>> -> memref<1x128xi32, #tpu.memory_space<vmem>>
        %dma_wait3A_241 = tpu.memref_squeeze %dma_wait3A_240 : memref<1x128xi32, #tpu.memory_space<vmem>> -> memref<128xi32, #tpu.memory_space<vmem>>
        %dma_wait3A_242 = arith.constant 0 : i32
        %dma_wait3A_243 = arith.constant 0 : i32
        %dma_wait3A_244 = tpu.memref_slice %arg14[%dma_wait3A_242, %dma_wait3A_243] : memref<10048x64xf32, #tpu.memory_space<vmem_shared>> -> memref<10048x64xf32, #tpu.memory_space<vmem_shared>>
        tpu.wait_indirect_dma semaphore(%arg22 : memref<!tpu.dma_semaphore, #tpu.memory_space<semaphore_mem>>) src(%arg11 : memref<128x64xf32, #tpu.memory_space<vmem>>) dst(%dma_wait3A_244 : memref<10048x64xf32, #tpu.memory_space<vmem_shared>>)
      } else {
      }
      %lt3A_206 = arith.cmpi slt, %add3A_198, %select_n3A_8 : i32
      %convert_element_type3A_207 = arith.extui %lt3A_206 : i1 to i32
      %cond3A_208 = arith.constant 0 : i32
      %cond3A_209 = arith.cmpi ne, %convert_element_type3A_207, %cond3A_208 : i32
      scf.if %cond3A_209 {
        %dma_start3A_239 = arith.constant 0 : i32
        %dma_start3A_240 = tpu.memref_slice %arg7[%add3A_198, %dma_start3A_239] : memref<145x128xi32, #tpu.memory_space<vmem>> -> memref<1x128xi32, #tpu.memory_space<vmem>>
        %dma_start3A_241 = tpu.memref_squeeze %dma_start3A_240 : memref<1x128xi32, #tpu.memory_space<vmem>> -> memref<128xi32, #tpu.memory_space<vmem>>
        %dma_start3A_242 = arith.constant 0 : i32
        %dma_start3A_243 = arith.constant 0 : i32
        %dma_start3A_244 = tpu.memref_slice %arg2[%dma_start3A_242, %dma_start3A_243] : memref<10000x64xf32, #tpu.memory_space<hbm>> -> memref<10000x64xf32, #tpu.memory_space<hbm>>
        tpu.enqueue_indirect_dma source(%dma_start3A_244 : memref<10000x64xf32, #tpu.memory_space<hbm>>) target(%arg11 : memref<128x64xf32, #tpu.memory_space<vmem>>) offsets(%dma_start3A_241 : memref<128xi32, #tpu.memory_space<vmem>>) semaphore(%arg17 : memref<!tpu.dma_semaphore, #tpu.memory_space<semaphore_mem>>)
      } else {
      }
      %mul3A_210 = arith.constant 5 : i32
      %mul3A_211 = arith.muli %add3A_95, %mul3A_210 : i32
      %add3A_212 = arith.constant 4 : i32
      %add3A_213 = arith.addi %mul3A_211, %add3A_212 : i32
      %dma_wait3A_214 = arith.constant 0 : i32
      %dma_wait3A_215 = tpu.memref_slice %arg7[%add3A_213, %dma_wait3A_214] : memref<145x128xi32, #tpu.memory_space<vmem>> -> memref<1x128xi32, #tpu.memory_space<vmem>>
      %dma_wait3A_216 = tpu.memref_squeeze %dma_wait3A_215 : memref<1x128xi32, #tpu.memory_space<vmem>> -> memref<128xi32, #tpu.memory_space<vmem>>
      %dma_wait3A_217 = arith.constant 0 : i32
      %dma_wait3A_218 = arith.constant 0 : i32
      %dma_wait3A_219 = tpu.memref_slice %arg2[%dma_wait3A_217, %dma_wait3A_218] : memref<10000x64xf32, #tpu.memory_space<hbm>> -> memref<10000x64xf32, #tpu.memory_space<hbm>>
      tpu.wait_indirect_dma semaphore(%arg19 : memref<!tpu.dma_semaphore, #tpu.memory_space<semaphore_mem>>) src(%dma_wait3A_219 : memref<10000x64xf32, #tpu.memory_space<hbm>>) dst(%arg13 : memref<128x64xf32, #tpu.memory_space<vmem>>)
      %dma_start3A_220 = arith.constant 0 : i32
      %dma_start3A_221 = tpu.memref_slice %arg8[%add3A_213, %dma_start3A_220] : memref<145x128xi32, #tpu.memory_space<vmem>> -> memref<1x128xi32, #tpu.memory_space<vmem>>
      %dma_start3A_222 = tpu.memref_squeeze %dma_start3A_221 : memref<1x128xi32, #tpu.memory_space<vmem>> -> memref<128xi32, #tpu.memory_space<vmem>>
      %dma_start3A_223 = arith.constant 0 : i32
      %dma_start3A_224 = arith.constant 0 : i32
      %dma_start3A_225 = tpu.memref_slice %arg14[%dma_start3A_223, %dma_start3A_224] : memref<10048x64xf32, #tpu.memory_space<vmem_shared>> -> memref<10048x64xf32, #tpu.memory_space<vmem_shared>>
      tpu.enqueue_indirect_dma source(%arg13 : memref<128x64xf32, #tpu.memory_space<vmem>>) target(%dma_start3A_225 : memref<10048x64xf32, #tpu.memory_space<vmem_shared>>) offsets(%dma_start3A_222 : memref<128xi32, #tpu.memory_space<vmem>>) semaphore(%arg24 : memref<!tpu.dma_semaphore, #tpu.memory_space<semaphore_mem>>) {add = true}
      %add3A_226 = arith.constant 4 : i32
      %add3A_227 = arith.addi %add3A_213, %add3A_226 : i32
      %sub3A_228 = arith.constant 5 : i32
      %sub3A_229 = arith.subi %add3A_227, %sub3A_228 : i32
      %ge3A_230 = arith.constant 0 : i32
      %ge3A_231 = arith.cmpi sge, %sub3A_229, %ge3A_230 : i32
      %convert_element_type3A_232 = arith.extui %ge3A_231 : i1 to i32
      %cond3A_233 = arith.constant 0 : i32
      %cond3A_234 = arith.cmpi ne, %convert_element_type3A_232, %cond3A_233 : i32
      scf.if %cond3A_234 {
        %dma_wait3A_239 = arith.constant 0 : i32
        %dma_wait3A_240 = tpu.memref_slice %arg8[%add3A_213, %dma_wait3A_239] : memref<145x128xi32, #tpu.memory_space<vmem>> -> memref<1x128xi32, #tpu.memory_space<vmem>>
        %dma_wait3A_241 = tpu.memref_squeeze %dma_wait3A_240 : memref<1x128xi32, #tpu.memory_space<vmem>> -> memref<128xi32, #tpu.memory_space<vmem>>
        %dma_wait3A_242 = arith.constant 0 : i32
        %dma_wait3A_243 = arith.constant 0 : i32
        %dma_wait3A_244 = tpu.memref_slice %arg14[%dma_wait3A_242, %dma_wait3A_243] : memref<10048x64xf32, #tpu.memory_space<vmem_shared>> -> memref<10048x64xf32, #tpu.memory_space<vmem_shared>>
        tpu.wait_indirect_dma semaphore(%arg23 : memref<!tpu.dma_semaphore, #tpu.memory_space<semaphore_mem>>) src(%arg12 : memref<128x64xf32, #tpu.memory_space<vmem>>) dst(%dma_wait3A_244 : memref<10048x64xf32, #tpu.memory_space<vmem_shared>>)
      } else {
      }
      %lt3A_235 = arith.cmpi slt, %add3A_227, %select_n3A_8 : i32
      %convert_element_type3A_236 = arith.extui %lt3A_235 : i1 to i32
      %cond3A_237 = arith.constant 0 : i32
      %cond3A_238 = arith.cmpi ne, %convert_element_type3A_236, %cond3A_237 : i32
      scf.if %cond3A_238 {
        %dma_start3A_239 = arith.constant 0 : i32
        %dma_start3A_240 = tpu.memref_slice %arg7[%add3A_227, %dma_start3A_239] : memref<145x128xi32, #tpu.memory_space<vmem>> -> memref<1x128xi32, #tpu.memory_space<vmem>>
        %dma_start3A_241 = tpu.memref_squeeze %dma_start3A_240 : memref<1x128xi32, #tpu.memory_space<vmem>> -> memref<128xi32, #tpu.memory_space<vmem>>
        %dma_start3A_242 = arith.constant 0 : i32
        %dma_start3A_243 = arith.constant 0 : i32
        %dma_start3A_244 = tpu.memref_slice %arg2[%dma_start3A_242, %dma_start3A_243] : memref<10000x64xf32, #tpu.memory_space<hbm>> -> memref<10000x64xf32, #tpu.memory_space<hbm>>
        tpu.enqueue_indirect_dma source(%dma_start3A_244 : memref<10000x64xf32, #tpu.memory_space<hbm>>) target(%arg12 : memref<128x64xf32, #tpu.memory_space<vmem>>) offsets(%dma_start3A_241 : memref<128xi32, #tpu.memory_space<vmem>>) semaphore(%arg18 : memref<!tpu.dma_semaphore, #tpu.memory_space<semaphore_mem>>)
      } else {
      }
    }
    %while3A_81 = arith.constant 1 : i32
    scf.for %while3A_93 = %while3A_79 to %while3A_75 step %while3A_81  : i32 {
      %mul3A_94 = arith.muli %while3A_93, %while3A : i32
      %add3A_95 = arith.addi %while3A_72, %mul3A_94 : i32
      %mul3A_96 = arith.constant 5 : i32
      %mul3A_97 = arith.muli %add3A_95, %mul3A_96 : i32
      %add3A_98 = arith.constant 0 : i32
      %add3A_99 = arith.addi %mul3A_97, %add3A_98 : i32
      %dma_wait3A_100 = arith.constant 0 : i32
      %dma_wait3A_101 = tpu.memref_slice %arg7[%add3A_99, %dma_wait3A_100] : memref<145x128xi32, #tpu.memory_space<vmem>> -> memref<1x128xi32, #tpu.memory_space<vmem>>
      %dma_wait3A_102 = tpu.memref_squeeze %dma_wait3A_101 : memref<1x128xi32, #tpu.memory_space<vmem>> -> memref<128xi32, #tpu.memory_space<vmem>>
      %dma_wait3A_103 = arith.constant 0 : i32
      %dma_wait3A_104 = arith.constant 0 : i32
      %dma_wait3A_105 = tpu.memref_slice %arg2[%dma_wait3A_103, %dma_wait3A_104] : memref<10000x64xf32, #tpu.memory_space<hbm>> -> memref<10000x64xf32, #tpu.memory_space<hbm>>
      tpu.wait_indirect_dma semaphore(%arg15 : memref<!tpu.dma_semaphore, #tpu.memory_space<semaphore_mem>>) src(%dma_wait3A_105 : memref<10000x64xf32, #tpu.memory_space<hbm>>) dst(%arg9 : memref<128x64xf32, #tpu.memory_space<vmem>>)
      %dma_start3A_106 = arith.constant 0 : i32
      %dma_start3A_107 = tpu.memref_slice %arg8[%add3A_99, %dma_start3A_106] : memref<145x128xi32, #tpu.memory_space<vmem>> -> memref<1x128xi32, #tpu.memory_space<vmem>>
      %dma_start3A_108 = tpu.memref_squeeze %dma_start3A_107 : memref<1x128xi32, #tpu.memory_space<vmem>> -> memref<128xi32, #tpu.memory_space<vmem>>
      %dma_start3A_109 = arith.constant 0 : i32
      %dma_start3A_110 = arith.constant 0 : i32
      %dma_start3A_111 = tpu.memref_slice %arg14[%dma_start3A_109, %dma_start3A_110] : memref<10048x64xf32, #tpu.memory_space<vmem_shared>> -> memref<10048x64xf32, #tpu.memory_space<vmem_shared>>
      tpu.enqueue_indirect_dma source(%arg9 : memref<128x64xf32, #tpu.memory_space<vmem>>) target(%dma_start3A_111 : memref<10048x64xf32, #tpu.memory_space<vmem_shared>>) offsets(%dma_start3A_108 : memref<128xi32, #tpu.memory_space<vmem>>) semaphore(%arg20 : memref<!tpu.dma_semaphore, #tpu.memory_space<semaphore_mem>>) {add = true}
      %add3A_112 = arith.constant 4 : i32
      %add3A_113 = arith.addi %add3A_99, %add3A_112 : i32
      %sub3A_114 = arith.constant 5 : i32
      %sub3A_115 = arith.subi %add3A_113, %sub3A_114 : i32
      %ge3A = arith.constant 0 : i32
      %ge3A_116 = arith.cmpi sge, %sub3A_115, %ge3A : i32
      %convert_element_type3A_117 = arith.extui %ge3A_116 : i1 to i32
      %cond3A_118 = arith.constant 0 : i32
      %cond3A_119 = arith.cmpi ne, %convert_element_type3A_117, %cond3A_118 : i32
      scf.if %cond3A_119 {
        %dma_wait3A_239 = arith.constant 0 : i32
        %dma_wait3A_240 = tpu.memref_slice %arg8[%add3A_99, %dma_wait3A_239] : memref<145x128xi32, #tpu.memory_space<vmem>> -> memref<1x128xi32, #tpu.memory_space<vmem>>
        %dma_wait3A_241 = tpu.memref_squeeze %dma_wait3A_240 : memref<1x128xi32, #tpu.memory_space<vmem>> -> memref<128xi32, #tpu.memory_space<vmem>>
        %dma_wait3A_242 = arith.constant 0 : i32
        %dma_wait3A_243 = arith.constant 0 : i32
        %dma_wait3A_244 = tpu.memref_slice %arg14[%dma_wait3A_242, %dma_wait3A_243] : memref<10048x64xf32, #tpu.memory_space<vmem_shared>> -> memref<10048x64xf32, #tpu.memory_space<vmem_shared>>
        tpu.wait_indirect_dma semaphore(%arg24 : memref<!tpu.dma_semaphore, #tpu.memory_space<semaphore_mem>>) src(%arg13 : memref<128x64xf32, #tpu.memory_space<vmem>>) dst(%dma_wait3A_244 : memref<10048x64xf32, #tpu.memory_space<vmem_shared>>)
      } else {
      }
      %lt3A = arith.cmpi slt, %add3A_113, %select_n3A_8 : i32
      %convert_element_type3A_120 = arith.extui %lt3A : i1 to i32
      %cond3A_121 = arith.constant 0 : i32
      %cond3A_122 = arith.cmpi ne, %convert_element_type3A_120, %cond3A_121 : i32
      scf.if %cond3A_122 {
        %dma_start3A_239 = arith.constant 0 : i32
        %dma_start3A_240 = tpu.memref_slice %arg7[%add3A_113, %dma_start3A_239] : memref<145x128xi32, #tpu.memory_space<vmem>> -> memref<1x128xi32, #tpu.memory_space<vmem>>
        %dma_start3A_241 = tpu.memref_squeeze %dma_start3A_240 : memref<1x128xi32, #tpu.memory_space<vmem>> -> memref<128xi32, #tpu.memory_space<vmem>>
        %dma_start3A_242 = arith.constant 0 : i32
        %dma_start3A_243 = arith.constant 0 : i32
        %dma_start3A_244 = tpu.memref_slice %arg2[%dma_start3A_242, %dma_start3A_243] : memref<10000x64xf32, #tpu.memory_space<hbm>> -> memref<10000x64xf32, #tpu.memory_space<hbm>>
        tpu.enqueue_indirect_dma source(%dma_start3A_244 : memref<10000x64xf32, #tpu.memory_space<hbm>>) target(%arg13 : memref<128x64xf32, #tpu.memory_space<vmem>>) offsets(%dma_start3A_241 : memref<128xi32, #tpu.memory_space<vmem>>) semaphore(%arg19 : memref<!tpu.dma_semaphore, #tpu.memory_space<semaphore_mem>>)
      } else {
      }
      %mul3A_123 = arith.constant 5 : i32
      %mul3A_124 = arith.muli %add3A_95, %mul3A_123 : i32
      %add3A_125 = arith.constant 1 : i32
      %add3A_126 = arith.addi %mul3A_124, %add3A_125 : i32
      %dma_wait3A_127 = arith.constant 0 : i32
      %dma_wait3A_128 = tpu.memref_slice %arg7[%add3A_126, %dma_wait3A_127] : memref<145x128xi32, #tpu.memory_space<vmem>> -> memref<1x128xi32, #tpu.memory_space<vmem>>
      %dma_wait3A_129 = tpu.memref_squeeze %dma_wait3A_128 : memref<1x128xi32, #tpu.memory_space<vmem>> -> memref<128xi32, #tpu.memory_space<vmem>>
      %dma_wait3A_130 = arith.constant 0 : i32
      %dma_wait3A_131 = arith.constant 0 : i32
      %dma_wait3A_132 = tpu.memref_slice %arg2[%dma_wait3A_130, %dma_wait3A_131] : memref<10000x64xf32, #tpu.memory_space<hbm>> -> memref<10000x64xf32, #tpu.memory_space<hbm>>
      tpu.wait_indirect_dma semaphore(%arg16 : memref<!tpu.dma_semaphore, #tpu.memory_space<semaphore_mem>>) src(%dma_wait3A_132 : memref<10000x64xf32, #tpu.memory_space<hbm>>) dst(%arg10 : memref<128x64xf32, #tpu.memory_space<vmem>>)
      %dma_start3A_133 = arith.constant 0 : i32
      %dma_start3A_134 = tpu.memref_slice %arg8[%add3A_126, %dma_start3A_133] : memref<145x128xi32, #tpu.memory_space<vmem>> -> memref<1x128xi32, #tpu.memory_space<vmem>>
      %dma_start3A_135 = tpu.memref_squeeze %dma_start3A_134 : memref<1x128xi32, #tpu.memory_space<vmem>> -> memref<128xi32, #tpu.memory_space<vmem>>
      %dma_start3A_136 = arith.constant 0 : i32
      %dma_start3A_137 = arith.constant 0 : i32
      %dma_start3A_138 = tpu.memref_slice %arg14[%dma_start3A_136, %dma_start3A_137] : memref<10048x64xf32, #tpu.memory_space<vmem_shared>> -> memref<10048x64xf32, #tpu.memory_space<vmem_shared>>
      tpu.enqueue_indirect_dma source(%arg10 : memref<128x64xf32, #tpu.memory_space<vmem>>) target(%dma_start3A_138 : memref<10048x64xf32, #tpu.memory_space<vmem_shared>>) offsets(%dma_start3A_135 : memref<128xi32, #tpu.memory_space<vmem>>) semaphore(%arg21 : memref<!tpu.dma_semaphore, #tpu.memory_space<semaphore_mem>>) {add = true}
      %add3A_139 = arith.constant 4 : i32
      %add3A_140 = arith.addi %add3A_126, %add3A_139 : i32
      %sub3A_141 = arith.constant 5 : i32
      %sub3A_142 = arith.subi %add3A_140, %sub3A_141 : i32
      %ge3A_143 = arith.constant 0 : i32
      %ge3A_144 = arith.cmpi sge, %sub3A_142, %ge3A_143 : i32
      %convert_element_type3A_145 = arith.extui %ge3A_144 : i1 to i32
      %cond3A_146 = arith.constant 0 : i32
      %cond3A_147 = arith.cmpi ne, %convert_element_type3A_145, %cond3A_146 : i32
      scf.if %cond3A_147 {
        %dma_wait3A_239 = arith.constant 0 : i32
        %dma_wait3A_240 = tpu.memref_slice %arg8[%add3A_126, %dma_wait3A_239] : memref<145x128xi32, #tpu.memory_space<vmem>> -> memref<1x128xi32, #tpu.memory_space<vmem>>
        %dma_wait3A_241 = tpu.memref_squeeze %dma_wait3A_240 : memref<1x128xi32, #tpu.memory_space<vmem>> -> memref<128xi32, #tpu.memory_space<vmem>>
        %dma_wait3A_242 = arith.constant 0 : i32
        %dma_wait3A_243 = arith.constant 0 : i32
        %dma_wait3A_244 = tpu.memref_slice %arg14[%dma_wait3A_242, %dma_wait3A_243] : memref<10048x64xf32, #tpu.memory_space<vmem_shared>> -> memref<10048x64xf32, #tpu.memory_space<vmem_shared>>
        tpu.wait_indirect_dma semaphore(%arg20 : memref<!tpu.dma_semaphore, #tpu.memory_space<semaphore_mem>>) src(%arg9 : memref<128x64xf32, #tpu.memory_space<vmem>>) dst(%dma_wait3A_244 : memref<10048x64xf32, #tpu.memory_space<vmem_shared>>)
      } else {
      }
      %lt3A_148 = arith.cmpi slt, %add3A_140, %select_n3A_8 : i32
      %convert_element_type3A_149 = arith.extui %lt3A_148 : i1 to i32
      %cond3A_150 = arith.constant 0 : i32
      %cond3A_151 = arith.cmpi ne, %convert_element_type3A_149, %cond3A_150 : i32
      scf.if %cond3A_151 {
        %dma_start3A_239 = arith.constant 0 : i32
        %dma_start3A_240 = tpu.memref_slice %arg7[%add3A_140, %dma_start3A_239] : memref<145x128xi32, #tpu.memory_space<vmem>> -> memref<1x128xi32, #tpu.memory_space<vmem>>
        %dma_start3A_241 = tpu.memref_squeeze %dma_start3A_240 : memref<1x128xi32, #tpu.memory_space<vmem>> -> memref<128xi32, #tpu.memory_space<vmem>>
        %dma_start3A_242 = arith.constant 0 : i32
        %dma_start3A_243 = arith.constant 0 : i32
        %dma_start3A_244 = tpu.memref_slice %arg2[%dma_start3A_242, %dma_start3A_243] : memref<10000x64xf32, #tpu.memory_space<hbm>> -> memref<10000x64xf32, #tpu.memory_space<hbm>>
        tpu.enqueue_indirect_dma source(%dma_start3A_244 : memref<10000x64xf32, #tpu.memory_space<hbm>>) target(%arg9 : memref<128x64xf32, #tpu.memory_space<vmem>>) offsets(%dma_start3A_241 : memref<128xi32, #tpu.memory_space<vmem>>) semaphore(%arg15 : memref<!tpu.dma_semaphore, #tpu.memory_space<semaphore_mem>>)
      } else {
      }
      %mul3A_152 = arith.constant 5 : i32
      %mul3A_153 = arith.muli %add3A_95, %mul3A_152 : i32
      %add3A_154 = arith.constant 2 : i32
      %add3A_155 = arith.addi %mul3A_153, %add3A_154 : i32
      %dma_wait3A_156 = arith.constant 0 : i32
      %dma_wait3A_157 = tpu.memref_slice %arg7[%add3A_155, %dma_wait3A_156] : memref<145x128xi32, #tpu.memory_space<vmem>> -> memref<1x128xi32, #tpu.memory_space<vmem>>
      %dma_wait3A_158 = tpu.memref_squeeze %dma_wait3A_157 : memref<1x128xi32, #tpu.memory_space<vmem>> -> memref<128xi32, #tpu.memory_space<vmem>>
      %dma_wait3A_159 = arith.constant 0 : i32
      %dma_wait3A_160 = arith.constant 0 : i32
      %dma_wait3A_161 = tpu.memref_slice %arg2[%dma_wait3A_159, %dma_wait3A_160] : memref<10000x64xf32, #tpu.memory_space<hbm>> -> memref<10000x64xf32, #tpu.memory_space<hbm>>
      tpu.wait_indirect_dma semaphore(%arg17 : memref<!tpu.dma_semaphore, #tpu.memory_space<semaphore_mem>>) src(%dma_wait3A_161 : memref<10000x64xf32, #tpu.memory_space<hbm>>) dst(%arg11 : memref<128x64xf32, #tpu.memory_space<vmem>>)
      %dma_start3A_162 = arith.constant 0 : i32
      %dma_start3A_163 = tpu.memref_slice %arg8[%add3A_155, %dma_start3A_162] : memref<145x128xi32, #tpu.memory_space<vmem>> -> memref<1x128xi32, #tpu.memory_space<vmem>>
      %dma_start3A_164 = tpu.memref_squeeze %dma_start3A_163 : memref<1x128xi32, #tpu.memory_space<vmem>> -> memref<128xi32, #tpu.memory_space<vmem>>
      %dma_start3A_165 = arith.constant 0 : i32
      %dma_start3A_166 = arith.constant 0 : i32
      %dma_start3A_167 = tpu.memref_slice %arg14[%dma_start3A_165, %dma_start3A_166] : memref<10048x64xf32, #tpu.memory_space<vmem_shared>> -> memref<10048x64xf32, #tpu.memory_space<vmem_shared>>
      tpu.enqueue_indirect_dma source(%arg11 : memref<128x64xf32, #tpu.memory_space<vmem>>) target(%dma_start3A_167 : memref<10048x64xf32, #tpu.memory_space<vmem_shared>>) offsets(%dma_start3A_164 : memref<128xi32, #tpu.memory_space<vmem>>) semaphore(%arg22 : memref<!tpu.dma_semaphore, #tpu.memory_space<semaphore_mem>>) {add = true}
      %add3A_168 = arith.constant 4 : i32
      %add3A_169 = arith.addi %add3A_155, %add3A_168 : i32
      %sub3A_170 = arith.constant 5 : i32
      %sub3A_171 = arith.subi %add3A_169, %sub3A_170 : i32
      %ge3A_172 = arith.constant 0 : i32
      %ge3A_173 = arith.cmpi sge, %sub3A_171, %ge3A_172 : i32
      %convert_element_type3A_174 = arith.extui %ge3A_173 : i1 to i32
      %cond3A_175 = arith.constant 0 : i32
      %cond3A_176 = arith.cmpi ne, %convert_element_type3A_174, %cond3A_175 : i32
      scf.if %cond3A_176 {
        %dma_wait3A_239 = arith.constant 0 : i32
        %dma_wait3A_240 = tpu.memref_slice %arg8[%add3A_155, %dma_wait3A_239] : memref<145x128xi32, #tpu.memory_space<vmem>> -> memref<1x128xi32, #tpu.memory_space<vmem>>
        %dma_wait3A_241 = tpu.memref_squeeze %dma_wait3A_240 : memref<1x128xi32, #tpu.memory_space<vmem>> -> memref<128xi32, #tpu.memory_space<vmem>>
        %dma_wait3A_242 = arith.constant 0 : i32
        %dma_wait3A_243 = arith.constant 0 : i32
        %dma_wait3A_244 = tpu.memref_slice %arg14[%dma_wait3A_242, %dma_wait3A_243] : memref<10048x64xf32, #tpu.memory_space<vmem_shared>> -> memref<10048x64xf32, #tpu.memory_space<vmem_shared>>
        tpu.wait_indirect_dma semaphore(%arg21 : memref<!tpu.dma_semaphore, #tpu.memory_space<semaphore_mem>>) src(%arg10 : memref<128x64xf32, #tpu.memory_space<vmem>>) dst(%dma_wait3A_244 : memref<10048x64xf32, #tpu.memory_space<vmem_shared>>)
      } else {
      }
      %lt3A_177 = arith.cmpi slt, %add3A_169, %select_n3A_8 : i32
      %convert_element_type3A_178 = arith.extui %lt3A_177 : i1 to i32
      %cond3A_179 = arith.constant 0 : i32
      %cond3A_180 = arith.cmpi ne, %convert_element_type3A_178, %cond3A_179 : i32
      scf.if %cond3A_180 {
        %dma_start3A_239 = arith.constant 0 : i32
        %dma_start3A_240 = tpu.memref_slice %arg7[%add3A_169, %dma_start3A_239] : memref<145x128xi32, #tpu.memory_space<vmem>> -> memref<1x128xi32, #tpu.memory_space<vmem>>
        %dma_start3A_241 = tpu.memref_squeeze %dma_start3A_240 : memref<1x128xi32, #tpu.memory_space<vmem>> -> memref<128xi32, #tpu.memory_space<vmem>>
        %dma_start3A_242 = arith.constant 0 : i32
        %dma_start3A_243 = arith.constant 0 : i32
        %dma_start3A_244 = tpu.memref_slice %arg2[%dma_start3A_242, %dma_start3A_243] : memref<10000x64xf32, #tpu.memory_space<hbm>> -> memref<10000x64xf32, #tpu.memory_space<hbm>>
        tpu.enqueue_indirect_dma source(%dma_start3A_244 : memref<10000x64xf32, #tpu.memory_space<hbm>>) target(%arg10 : memref<128x64xf32, #tpu.memory_space<vmem>>) offsets(%dma_start3A_241 : memref<128xi32, #tpu.memory_space<vmem>>) semaphore(%arg16 : memref<!tpu.dma_semaphore, #tpu.memory_space<semaphore_mem>>)
      } else {
      }
      %mul3A_181 = arith.constant 5 : i32
      %mul3A_182 = arith.muli %add3A_95, %mul3A_181 : i32
      %add3A_183 = arith.constant 3 : i32
      %add3A_184 = arith.addi %mul3A_182, %add3A_183 : i32
      %dma_wait3A_185 = arith.constant 0 : i32
      %dma_wait3A_186 = tpu.memref_slice %arg7[%add3A_184, %dma_wait3A_185] : memref<145x128xi32, #tpu.memory_space<vmem>> -> memref<1x128xi32, #tpu.memory_space<vmem>>
      %dma_wait3A_187 = tpu.memref_squeeze %dma_wait3A_186 : memref<1x128xi32, #tpu.memory_space<vmem>> -> memref<128xi32, #tpu.memory_space<vmem>>
      %dma_wait3A_188 = arith.constant 0 : i32
      %dma_wait3A_189 = arith.constant 0 : i32
      %dma_wait3A_190 = tpu.memref_slice %arg2[%dma_wait3A_188, %dma_wait3A_189] : memref<10000x64xf32, #tpu.memory_space<hbm>> -> memref<10000x64xf32, #tpu.memory_space<hbm>>
      tpu.wait_indirect_dma semaphore(%arg18 : memref<!tpu.dma_semaphore, #tpu.memory_space<semaphore_mem>>) src(%dma_wait3A_190 : memref<10000x64xf32, #tpu.memory_space<hbm>>) dst(%arg12 : memref<128x64xf32, #tpu.memory_space<vmem>>)
      %dma_start3A_191 = arith.constant 0 : i32
      %dma_start3A_192 = tpu.memref_slice %arg8[%add3A_184, %dma_start3A_191] : memref<145x128xi32, #tpu.memory_space<vmem>> -> memref<1x128xi32, #tpu.memory_space<vmem>>
      %dma_start3A_193 = tpu.memref_squeeze %dma_start3A_192 : memref<1x128xi32, #tpu.memory_space<vmem>> -> memref<128xi32, #tpu.memory_space<vmem>>
      %dma_start3A_194 = arith.constant 0 : i32
      %dma_start3A_195 = arith.constant 0 : i32
      %dma_start3A_196 = tpu.memref_slice %arg14[%dma_start3A_194, %dma_start3A_195] : memref<10048x64xf32, #tpu.memory_space<vmem_shared>> -> memref<10048x64xf32, #tpu.memory_space<vmem_shared>>
      tpu.enqueue_indirect_dma source(%arg12 : memref<128x64xf32, #tpu.memory_space<vmem>>) target(%dma_start3A_196 : memref<10048x64xf32, #tpu.memory_space<vmem_shared>>) offsets(%dma_start3A_193 : memref<128xi32, #tpu.memory_space<vmem>>) semaphore(%arg23 : memref<!tpu.dma_semaphore, #tpu.memory_space<semaphore_mem>>) {add = true}
      %add3A_197 = arith.constant 4 : i32
      %add3A_198 = arith.addi %add3A_184, %add3A_197 : i32
      %sub3A_199 = arith.constant 5 : i32
      %sub3A_200 = arith.subi %add3A_198, %sub3A_199 : i32
      %ge3A_201 = arith.constant 0 : i32
      %ge3A_202 = arith.cmpi sge, %sub3A_200, %ge3A_201 : i32
      %convert_element_type3A_203 = arith.extui %ge3A_202 : i1 to i32
      %cond3A_204 = arith.constant 0 : i32
      %cond3A_205 = arith.cmpi ne, %convert_element_type3A_203, %cond3A_204 : i32
      scf.if %cond3A_205 {
        %dma_wait3A_239 = arith.constant 0 : i32
        %dma_wait3A_240 = tpu.memref_slice %arg8[%add3A_184, %dma_wait3A_239] : memref<145x128xi32, #tpu.memory_space<vmem>> -> memref<1x128xi32, #tpu.memory_space<vmem>>
        %dma_wait3A_241 = tpu.memref_squeeze %dma_wait3A_240 : memref<1x128xi32, #tpu.memory_space<vmem>> -> memref<128xi32, #tpu.memory_space<vmem>>
        %dma_wait3A_242 = arith.constant 0 : i32
        %dma_wait3A_243 = arith.constant 0 : i32
        %dma_wait3A_244 = tpu.memref_slice %arg14[%dma_wait3A_242, %dma_wait3A_243] : memref<10048x64xf32, #tpu.memory_space<vmem_shared>> -> memref<10048x64xf32, #tpu.memory_space<vmem_shared>>
        tpu.wait_indirect_dma semaphore(%arg22 : memref<!tpu.dma_semaphore, #tpu.memory_space<semaphore_mem>>) src(%arg11 : memref<128x64xf32, #tpu.memory_space<vmem>>) dst(%dma_wait3A_244 : memref<10048x64xf32, #tpu.memory_space<vmem_shared>>)
      } else {
      }
      %lt3A_206 = arith.cmpi slt, %add3A_198, %select_n3A_8 : i32
      %convert_element_type3A_207 = arith.extui %lt3A_206 : i1 to i32
      %cond3A_208 = arith.constant 0 : i32
      %cond3A_209 = arith.cmpi ne, %convert_element_type3A_207, %cond3A_208 : i32
      scf.if %cond3A_209 {
        %dma_start3A_239 = arith.constant 0 : i32
        %dma_start3A_240 = tpu.memref_slice %arg7[%add3A_198, %dma_start3A_239] : memref<145x128xi32, #tpu.memory_space<vmem>> -> memref<1x128xi32, #tpu.memory_space<vmem>>
        %dma_start3A_241 = tpu.memref_squeeze %dma_start3A_240 : memref<1x128xi32, #tpu.memory_space<vmem>> -> memref<128xi32, #tpu.memory_space<vmem>>
        %dma_start3A_242 = arith.constant 0 : i32
        %dma_start3A_243 = arith.constant 0 : i32
        %dma_start3A_244 = tpu.memref_slice %arg2[%dma_start3A_242, %dma_start3A_243] : memref<10000x64xf32, #tpu.memory_space<hbm>> -> memref<10000x64xf32, #tpu.memory_space<hbm>>
        tpu.enqueue_indirect_dma source(%dma_start3A_244 : memref<10000x64xf32, #tpu.memory_space<hbm>>) target(%arg11 : memref<128x64xf32, #tpu.memory_space<vmem>>) offsets(%dma_start3A_241 : memref<128xi32, #tpu.memory_space<vmem>>) semaphore(%arg17 : memref<!tpu.dma_semaphore, #tpu.memory_space<semaphore_mem>>)
      } else {
      }
      %mul3A_210 = arith.constant 5 : i32
      %mul3A_211 = arith.muli %add3A_95, %mul3A_210 : i32
      %add3A_212 = arith.constant 4 : i32
      %add3A_213 = arith.addi %mul3A_211, %add3A_212 : i32
      %dma_wait3A_214 = arith.constant 0 : i32
      %dma_wait3A_215 = tpu.memref_slice %arg7[%add3A_213, %dma_wait3A_214] : memref<145x128xi32, #tpu.memory_space<vmem>> -> memref<1x128xi32, #tpu.memory_space<vmem>>
      %dma_wait3A_216 = tpu.memref_squeeze %dma_wait3A_215 : memref<1x128xi32, #tpu.memory_space<vmem>> -> memref<128xi32, #tpu.memory_space<vmem>>
      %dma_wait3A_217 = arith.constant 0 : i32
      %dma_wait3A_218 = arith.constant 0 : i32
      %dma_wait3A_219 = tpu.memref_slice %arg2[%dma_wait3A_217, %dma_wait3A_218] : memref<10000x64xf32, #tpu.memory_space<hbm>> -> memref<10000x64xf32, #tpu.memory_space<hbm>>
      tpu.wait_indirect_dma semaphore(%arg19 : memref<!tpu.dma_semaphore, #tpu.memory_space<semaphore_mem>>) src(%dma_wait3A_219 : memref<10000x64xf32, #tpu.memory_space<hbm>>) dst(%arg13 : memref<128x64xf32, #tpu.memory_space<vmem>>)
      %dma_start3A_220 = arith.constant 0 : i32
      %dma_start3A_221 = tpu.memref_slice %arg8[%add3A_213, %dma_start3A_220] : memref<145x128xi32, #tpu.memory_space<vmem>> -> memref<1x128xi32, #tpu.memory_space<vmem>>
      %dma_start3A_222 = tpu.memref_squeeze %dma_start3A_221 : memref<1x128xi32, #tpu.memory_space<vmem>> -> memref<128xi32, #tpu.memory_space<vmem>>
      %dma_start3A_223 = arith.constant 0 : i32
      %dma_start3A_224 = arith.constant 0 : i32
      %dma_start3A_225 = tpu.memref_slice %arg14[%dma_start3A_223, %dma_start3A_224] : memref<10048x64xf32, #tpu.memory_space<vmem_shared>> -> memref<10048x64xf32, #tpu.memory_space<vmem_shared>>
      tpu.enqueue_indirect_dma source(%arg13 : memref<128x64xf32, #tpu.memory_space<vmem>>) target(%dma_start3A_225 : memref<10048x64xf32, #tpu.memory_space<vmem_shared>>) offsets(%dma_start3A_222 : memref<128xi32, #tpu.memory_space<vmem>>) semaphore(%arg24 : memref<!tpu.dma_semaphore, #tpu.memory_space<semaphore_mem>>) {add = true}
      %add3A_226 = arith.constant 4 : i32
      %add3A_227 = arith.addi %add3A_213, %add3A_226 : i32
      %sub3A_228 = arith.constant 5 : i32
      %sub3A_229 = arith.subi %add3A_227, %sub3A_228 : i32
      %ge3A_230 = arith.constant 0 : i32
      %ge3A_231 = arith.cmpi sge, %sub3A_229, %ge3A_230 : i32
      %convert_element_type3A_232 = arith.extui %ge3A_231 : i1 to i32
      %cond3A_233 = arith.constant 0 : i32
      %cond3A_234 = arith.cmpi ne, %convert_element_type3A_232, %cond3A_233 : i32
      scf.if %cond3A_234 {
        %dma_wait3A_239 = arith.constant 0 : i32
        %dma_wait3A_240 = tpu.memref_slice %arg8[%add3A_213, %dma_wait3A_239] : memref<145x128xi32, #tpu.memory_space<vmem>> -> memref<1x128xi32, #tpu.memory_space<vmem>>
        %dma_wait3A_241 = tpu.memref_squeeze %dma_wait3A_240 : memref<1x128xi32, #tpu.memory_space<vmem>> -> memref<128xi32, #tpu.memory_space<vmem>>
        %dma_wait3A_242 = arith.constant 0 : i32
        %dma_wait3A_243 = arith.constant 0 : i32
        %dma_wait3A_244 = tpu.memref_slice %arg14[%dma_wait3A_242, %dma_wait3A_243] : memref<10048x64xf32, #tpu.memory_space<vmem_shared>> -> memref<10048x64xf32, #tpu.memory_space<vmem_shared>>
        tpu.wait_indirect_dma semaphore(%arg23 : memref<!tpu.dma_semaphore, #tpu.memory_space<semaphore_mem>>) src(%arg12 : memref<128x64xf32, #tpu.memory_space<vmem>>) dst(%dma_wait3A_244 : memref<10048x64xf32, #tpu.memory_space<vmem_shared>>)
      } else {
      }
      %lt3A_235 = arith.cmpi slt, %add3A_227, %select_n3A_8 : i32
      %convert_element_type3A_236 = arith.extui %lt3A_235 : i1 to i32
      %cond3A_237 = arith.constant 0 : i32
      %cond3A_238 = arith.cmpi ne, %convert_element_type3A_236, %cond3A_237 : i32
      scf.if %cond3A_238 {
        %dma_start3A_239 = arith.constant 0 : i32
        %dma_start3A_240 = tpu.memref_slice %arg7[%add3A_227, %dma_start3A_239] : memref<145x128xi32, #tpu.memory_space<vmem>> -> memref<1x128xi32, #tpu.memory_space<vmem>>
        %dma_start3A_241 = tpu.memref_squeeze %dma_start3A_240 : memref<1x128xi32, #tpu.memory_space<vmem>> -> memref<128xi32, #tpu.memory_space<vmem>>
        %dma_start3A_242 = arith.constant 0 : i32
        %dma_start3A_243 = arith.constant 0 : i32
        %dma_start3A_244 = tpu.memref_slice %arg2[%dma_start3A_242, %dma_start3A_243] : memref<10000x64xf32, #tpu.memory_space<hbm>> -> memref<10000x64xf32, #tpu.memory_space<hbm>>
        tpu.enqueue_indirect_dma source(%dma_start3A_244 : memref<10000x64xf32, #tpu.memory_space<hbm>>) target(%arg12 : memref<128x64xf32, #tpu.memory_space<vmem>>) offsets(%dma_start3A_241 : memref<128xi32, #tpu.memory_space<vmem>>) semaphore(%arg18 : memref<!tpu.dma_semaphore, #tpu.memory_space<semaphore_mem>>)
      } else {
      }
    }
    %dma_wait3A = arith.constant 0 : i32
    %dma_wait3A_82 = arith.constant 0 : i32
    %dma_wait3A_83 = tpu.memref_slice %arg8[%dma_wait3A, %dma_wait3A_82] : memref<145x128xi32, #tpu.memory_space<vmem>> -> memref<1x128xi32, #tpu.memory_space<vmem>>
    %dma_wait3A_84 = tpu.memref_squeeze %dma_wait3A_83 : memref<1x128xi32, #tpu.memory_space<vmem>> -> memref<128xi32, #tpu.memory_space<vmem>>
    %dma_wait3A_85 = arith.constant 0 : i32
    %dma_wait3A_86 = arith.constant 0 : i32
    %dma_wait3A_87 = tpu.memref_slice %arg14[%dma_wait3A_85, %dma_wait3A_86] : memref<10048x64xf32, #tpu.memory_space<vmem_shared>> -> memref<10048x64xf32, #tpu.memory_space<vmem_shared>>
    tpu.wait_indirect_dma semaphore(%arg24 : memref<!tpu.dma_semaphore, #tpu.memory_space<semaphore_mem>>) src(%arg13 : memref<128x64xf32, #tpu.memory_space<vmem>>) dst(%dma_wait3A_87 : memref<10048x64xf32, #tpu.memory_space<vmem_shared>>)
    %barrier3A_88 = arith.constant 0 : index
    tpu.barrier barrier_id(%barrier3A_88)
    %mul3A_89 = arith.constant 628 : i32
    %mul3A_90 = arith.muli %arg1, %mul3A_89 : i32
    %mul3A_91 = arith.constant 628 : i32
    %mul3A_92 = arith.muli %arg1, %mul3A_91 : i32
    "tpu.region"() ({
      %run_scoped3A = tpu.sem_alloc : memref<!tpu.dma_semaphore, #tpu.memory_space<semaphore_mem>>
      %dma_start3A_93 = arith.constant 0 : i32
      %dma_start3A_94 = tpu.memref_slice %arg6[%arg0, %mul3A_92, %dma_start3A_93] : memref<2x10048x64xf32, #tpu.memory_space<hbm>> -> memref<1x628x64xf32, #tpu.memory_space<hbm>>
      %dma_start3A_95 = tpu.memref_squeeze %dma_start3A_94 : memref<1x628x64xf32, #tpu.memory_space<hbm>> -> memref<628x64xf32, #tpu.memory_space<hbm>>
      %dma_start3A_96 = arith.constant 0 : i32
      %dma_start3A_97 = tpu.memref_slice %arg14[%mul3A_90, %dma_start3A_96] : memref<10048x64xf32, #tpu.memory_space<vmem_shared>> -> memref<628x64xf32, #tpu.memory_space<vmem_shared>>
      tpu.enqueue_dma source(%dma_start3A_97 : memref<628x64xf32, #tpu.memory_space<vmem_shared>>) target(%dma_start3A_95 : memref<628x64xf32, #tpu.memory_space<hbm>>) target_semaphore(%run_scoped3A : memref<!tpu.dma_semaphore, #tpu.memory_space<semaphore_mem>>)
      %dma_wait3A_98 = arith.constant 0 : i32
      %dma_wait3A_99 = tpu.memref_slice %arg6[%arg0, %mul3A_92, %dma_wait3A_98] : memref<2x10048x64xf32, #tpu.memory_space<hbm>> -> memref<1x628x64xf32, #tpu.memory_space<hbm>>
      %dma_wait3A_100 = tpu.memref_squeeze %dma_wait3A_99 : memref<1x628x64xf32, #tpu.memory_space<hbm>> -> memref<628x64xf32, #tpu.memory_space<hbm>>
      %dma_wait3A_101 = arith.constant 0 : i32
      %dma_wait3A_102 = tpu.memref_slice %arg14[%mul3A_90, %dma_wait3A_101] : memref<10048x64xf32, #tpu.memory_space<vmem_shared>> -> memref<628x64xf32, #tpu.memory_space<vmem_shared>>
      tpu.wait_dma2 semaphore(%run_scoped3A : memref<!tpu.dma_semaphore, #tpu.memory_space<semaphore_mem>>) src(%dma_wait3A_102 : memref<628x64xf32, #tpu.memory_space<vmem_shared>>) dst(%dma_wait3A_100 : memref<628x64xf32, #tpu.memory_space<hbm>>)
      tpu.yield
    }) : () -> ()
    return
  }
}

module attributes {stable_mosaic.version = 14 : i64} {
  func.func @body(%arg0: i32, %arg1: memref<2000x128xf32, #tpu.memory_space<vmem>>, %arg2: memref<128x64xf32, #tpu.memory_space<vmem>>, %arg3: memref<128x64xf32, #tpu.memory_space<vmem>>, %arg4: memref<1x64xf32, #tpu.memory_space<vmem>>, %arg5: memref<2000x64xf32, #tpu.memory_space<vmem>>, %arg6: memref<2000x64xf32, #tpu.memory_space<vmem>>) attributes {dimension_semantics = [#tpu.dimension_semantics<arbitrary>], iteration_bounds = array<i64: 5>, scalar_prefetch = 0 : i64, scratch_operands = 0 : i64, tpu.core_type = #tpu.core_type<tc>, window_params = [{transform_indices = @transform_0, window_bounds = array<i64: 2000, 128>}, {pipeline_mode = #tpu.pipeline_mode<synchronous>, transform_indices = @transform_1, window_bounds = array<i64: 128, 64>}, {pipeline_mode = #tpu.pipeline_mode<synchronous>, transform_indices = @transform_2, window_bounds = array<i64: 128, 64>}, {pipeline_mode = #tpu.pipeline_mode<synchronous>, transform_indices = @transform_3, window_bounds = array<i64: 1, 64>}, {transform_indices = @transform_4, window_bounds = array<i64: 2000, 64>}, {transform_indices = @transform_5, window_bounds = array<i64: 2000, 64>}]} {
    %get3A = arith.constant 0 : index
    %get3A_0 = arith.constant 0 : index
    %get3A_1 = vector.load %arg1[%get3A, %get3A_0] : memref<2000x128xf32, #tpu.memory_space<vmem>>, vector<2000x128xf32>
    %get3A_2 = arith.constant 0 : index
    %get3A_3 = arith.constant 0 : index
    %get3A_4 = vector.load %arg2[%get3A_2, %get3A_3] : memref<128x64xf32, #tpu.memory_space<vmem>>, vector<128x64xf32>
    %dot_general3A = arith.constant dense<0.000000e+00> : vector<2000x64xf32>
    %dot_general3A_5 = tpu.matmul %get3A_1, %get3A_4, %dot_general3A {dimension_numbers = #tpu.dot_dimension_numbers<[1], [0], [0], [1], [0, 0, 1, 1], [], []>, transpose_lhs_hint = false} : vector<2000x128xf32>, vector<128x64xf32>, vector<2000x64xf32> -> vector<2000x64xf32>
    %swap3A = arith.constant 0 : index
    %swap3A_6 = arith.constant 0 : index
    %swap3A_7 = vector.load %arg5[%swap3A, %swap3A_6] : memref<2000x64xf32, #tpu.memory_space<vmem>>, vector<2000x64xf32>
    tpu.vector_store %arg5[%swap3A, %swap3A_6], %dot_general3A_5 {strides = array<i32>} : memref<2000x64xf32, #tpu.memory_space<vmem>>, vector<2000x64xf32>,
    %get3A_8 = arith.constant 0 : index
    %get3A_9 = arith.constant 0 : index
    %get3A_10 = vector.load %arg3[%get3A_8, %get3A_9] : memref<128x64xf32, #tpu.memory_space<vmem>>, vector<128x64xf32>
    %dot_general3A_11 = arith.constant dense<0.000000e+00> : vector<2000x64xf32>
    %dot_general3A_12 = tpu.matmul %get3A_1, %get3A_10, %dot_general3A_11 {dimension_numbers = #tpu.dot_dimension_numbers<[1], [0], [0], [1], [0, 0, 1, 1], [], []>, transpose_lhs_hint = false} : vector<2000x128xf32>, vector<128x64xf32>, vector<2000x64xf32> -> vector<2000x64xf32>
    %get3A_13 = arith.constant 0 : index
    %get3A_14 = arith.constant 0 : index
    %get3A_15 = vector.load %arg4[%get3A_13, %get3A_14] : memref<1x64xf32, #tpu.memory_space<vmem>>, vector<1x64xf32>
    %add3A = vector.broadcast %get3A_15 : vector<1x64xf32> to vector<2000x64xf32>
    %add3A_16 = arith.addf %dot_general3A_12, %add3A : vector<2000x64xf32>
    %swap3A_17 = arith.constant 0 : index
    %swap3A_18 = arith.constant 0 : index
    %swap3A_19 = vector.load %arg6[%swap3A_17, %swap3A_18] : memref<2000x64xf32, #tpu.memory_space<vmem>>, vector<2000x64xf32>
    tpu.vector_store %arg6[%swap3A_17, %swap3A_18], %add3A_16 {strides = array<i32>} : memref<2000x64xf32, #tpu.memory_space<vmem>>, vector<2000x64xf32>,
    return
  }
  func.func @transform_0(%arg0: i32) -> (i32, i32) {
    %c0_i32 = arith.constant 0 : i32
    %c0_i32_0 = arith.constant 0 : i32
    return %arg0, %c0_i32 : i32, i32
  }
  func.func @transform_1(%arg0: i32) -> (i32, i32) {
    %c0_i32 = arith.constant 0 : i32
    %c0_i32_0 = arith.constant 0 : i32
    %c0_i32_1 = arith.constant 0 : i32
    return %c0_i32, %c0_i32_0 : i32, i32
  }
  func.func @transform_2(%arg0: i32) -> (i32, i32) {
    %c0_i32 = arith.constant 0 : i32
    %c0_i32_0 = arith.constant 0 : i32
    %c0_i32_1 = arith.constant 0 : i32
    return %c0_i32, %c0_i32_0 : i32, i32
  }
  func.func @transform_3(%arg0: i32) -> (i32, i32) {
    %c0_i32 = arith.constant 0 : i32
    %c0_i32_0 = arith.constant 0 : i32
    %c0_i32_1 = arith.constant 0 : i32
    return %c0_i32, %c0_i32_0 : i32, i32
  }
  func.func @transform_4(%arg0: i32) -> (i32, i32) {
    %c0_i32 = arith.constant 0 : i32
    %c0_i32_0 = arith.constant 0 : i32
    return %arg0, %c0_i32 : i32, i32
  }
  func.func @transform_5(%arg0: i32) -> (i32, i32) {
    %c0_i32 = arith.constant 0 : i32
    %c0_i32_0 = arith.constant 0 : i32
    return %arg0, %c0_i32 : i32, i32
  }
}

module attributes {stable_mosaic.version = 14 : i64} {
  func.func @body(%arg0: i32, %arg1: memref<2000x64xf32, #tpu.memory_space<vmem>>, %arg2: memref<2000x64xf32, #tpu.memory_space<vmem>>, %arg3: memref<2000x8xf32, #tpu.memory_space<vmem>>, %arg4: memref<2000x8xf32, #tpu.memory_space<vmem>>, %arg5: memref<2000x64xf32, #tpu.memory_space<vmem>>, %arg6: memref<64x64xf32, #tpu.memory_space<vmem>>, %arg7: memref<64x64xf32, #tpu.memory_space<vmem>>, %arg8: memref<1x64xf32, #tpu.memory_space<vmem>>, %arg9: memref<2000x64xf32, #tpu.memory_space<vmem>>, %arg10: memref<2000x64xf32, #tpu.memory_space<vmem>>) attributes {dimension_semantics = [#tpu.dimension_semantics<arbitrary>], iteration_bounds = array<i64: 5>, scalar_prefetch = 0 : i64, scratch_operands = 0 : i64, tpu.core_type = #tpu.core_type<tc>, window_params = [{transform_indices = @transform_0, window_bounds = array<i64: 2000, 64>}, {transform_indices = @transform_1, window_bounds = array<i64: 2000, 64>}, {transform_indices = @transform_2, window_bounds = array<i64: 2000, 8>}, {transform_indices = @transform_3, window_bounds = array<i64: 2000, 8>}, {transform_indices = @transform_4, window_bounds = array<i64: 2000, 64>}, {pipeline_mode = #tpu.pipeline_mode<synchronous>, transform_indices = @transform_5, window_bounds = array<i64: 64, 64>}, {pipeline_mode = #tpu.pipeline_mode<synchronous>, transform_indices = @transform_6, window_bounds = array<i64: 64, 64>}, {pipeline_mode = #tpu.pipeline_mode<synchronous>, transform_indices = @transform_7, window_bounds = array<i64: 1, 64>}, {transform_indices = @transform_8, window_bounds = array<i64: 2000, 64>}, {transform_indices = @transform_9, window_bounds = array<i64: 2000, 64>}]} {
    %get3A = arith.constant 0 : index
    %get3A_0 = arith.constant 0 : index
    %get3A_1 = vector.load %arg3[%get3A, %get3A_0] : memref<2000x8xf32, #tpu.memory_space<vmem>>, vector<2000x8xf32>
    %slice3A = vector.extract_strided_slice %get3A_1 {offsets = [0, 0], sizes = [2000, 1], strides = [1, 1]} : vector<2000x8xf32> to vector<2000x1xf32>
    %get3A_2 = arith.constant 0 : index
    %get3A_3 = arith.constant 0 : index
    %get3A_4 = vector.load %arg4[%get3A_2, %get3A_3] : memref<2000x8xf32, #tpu.memory_space<vmem>>, vector<2000x8xf32>
    %slice3A_5 = vector.extract_strided_slice %get3A_4 {offsets = [0, 0], sizes = [2000, 1], strides = [1, 1]} : vector<2000x8xf32> to vector<2000x1xf32>
    %add3A = arith.addf %slice3A, %slice3A_5 : vector<2000x1xf32>
    %get3A_6 = arith.constant 0 : index
    %get3A_7 = arith.constant 0 : index
    %get3A_8 = vector.load %arg1[%get3A_6, %get3A_7] : memref<2000x64xf32, #tpu.memory_space<vmem>>, vector<2000x64xf32>
    %get3A_9 = arith.constant 0 : index
    %get3A_10 = arith.constant 0 : index
    %get3A_11 = vector.load %arg2[%get3A_9, %get3A_10] : memref<2000x64xf32, #tpu.memory_space<vmem>>, vector<2000x64xf32>
    %add3A_12 = arith.addf %get3A_8, %get3A_11 : vector<2000x64xf32>
    %max3A = arith.constant 1.000000e+00 : f32
    %max3A_13 = vector.broadcast %max3A : f32 to vector<2000x1xf32>
    %max3A_14 = arith.maximumf %add3A, %max3A_13 : vector<2000x1xf32>
    %div3A = vector.broadcast %max3A_14 : vector<2000x1xf32> to vector<2000x64xf32>
    %div3A_15 = arith.divf %add3A_12, %div3A : vector<2000x64xf32>
    %get3A_16 = arith.constant 0 : index
    %get3A_17 = arith.constant 0 : index
    %get3A_18 = vector.load %arg5[%get3A_16, %get3A_17] : memref<2000x64xf32, #tpu.memory_space<vmem>>, vector<2000x64xf32>
    %add3A_19 = arith.addf %div3A_15, %get3A_18 : vector<2000x64xf32>
    %max3A_20 = arith.constant 0.000000e+00 : f32
    %max3A_21 = vector.broadcast %max3A_20 : f32 to vector<2000x64xf32>
    %max3A_22 = arith.maximumf %add3A_19, %max3A_21 : vector<2000x64xf32>
    %get3A_23 = arith.constant 0 : index
    %get3A_24 = arith.constant 0 : index
    %get3A_25 = vector.load %arg6[%get3A_23, %get3A_24] : memref<64x64xf32, #tpu.memory_space<vmem>>, vector<64x64xf32>
    %dot_general3A = arith.constant dense<0.000000e+00> : vector<2000x64xf32>
    %dot_general3A_26 = tpu.matmul %max3A_22, %get3A_25, %dot_general3A {dimension_numbers = #tpu.dot_dimension_numbers<[1], [0], [0], [1], [0, 0, 1, 1], [], []>, transpose_lhs_hint = false} : vector<2000x64xf32>, vector<64x64xf32>, vector<2000x64xf32> -> vector<2000x64xf32>
    %swap3A = arith.constant 0 : index
    %swap3A_27 = arith.constant 0 : index
    %swap3A_28 = vector.load %arg9[%swap3A, %swap3A_27] : memref<2000x64xf32, #tpu.memory_space<vmem>>, vector<2000x64xf32>
    tpu.vector_store %arg9[%swap3A, %swap3A_27], %dot_general3A_26 {strides = array<i32>} : memref<2000x64xf32, #tpu.memory_space<vmem>>, vector<2000x64xf32>,
    %get3A_29 = arith.constant 0 : index
    %get3A_30 = arith.constant 0 : index
    %get3A_31 = vector.load %arg7[%get3A_29, %get3A_30] : memref<64x64xf32, #tpu.memory_space<vmem>>, vector<64x64xf32>
    %dot_general3A_32 = arith.constant dense<0.000000e+00> : vector<2000x64xf32>
    %dot_general3A_33 = tpu.matmul %max3A_22, %get3A_31, %dot_general3A_32 {dimension_numbers = #tpu.dot_dimension_numbers<[1], [0], [0], [1], [0, 0, 1, 1], [], []>, transpose_lhs_hint = false} : vector<2000x64xf32>, vector<64x64xf32>, vector<2000x64xf32> -> vector<2000x64xf32>
    %get3A_34 = arith.constant 0 : index
    %get3A_35 = arith.constant 0 : index
    %get3A_36 = vector.load %arg8[%get3A_34, %get3A_35] : memref<1x64xf32, #tpu.memory_space<vmem>>, vector<1x64xf32>
    %add3A_37 = vector.broadcast %get3A_36 : vector<1x64xf32> to vector<2000x64xf32>
    %add3A_38 = arith.addf %dot_general3A_33, %add3A_37 : vector<2000x64xf32>
    %swap3A_39 = arith.constant 0 : index
    %swap3A_40 = arith.constant 0 : index
    %swap3A_41 = vector.load %arg10[%swap3A_39, %swap3A_40] : memref<2000x64xf32, #tpu.memory_space<vmem>>, vector<2000x64xf32>
    tpu.vector_store %arg10[%swap3A_39, %swap3A_40], %add3A_38 {strides = array<i32>} : memref<2000x64xf32, #tpu.memory_space<vmem>>, vector<2000x64xf32>,
    return
  }
  func.func @transform_0(%arg0: i32) -> (i32, i32) {
    %c0_i32 = arith.constant 0 : i32
    %c0_i32_0 = arith.constant 0 : i32
    return %arg0, %c0_i32 : i32, i32
  }
  func.func @transform_1(%arg0: i32) -> (i32, i32) {
    %c0_i32 = arith.constant 0 : i32
    %c0_i32_0 = arith.constant 0 : i32
    return %arg0, %c0_i32 : i32, i32
  }
  func.func @transform_2(%arg0: i32) -> (i32, i32) {
    %c0_i32 = arith.constant 0 : i32
    %c0_i32_0 = arith.constant 0 : i32
    return %arg0, %c0_i32 : i32, i32
  }
  func.func @transform_3(%arg0: i32) -> (i32, i32) {
    %c0_i32 = arith.constant 0 : i32
    %c0_i32_0 = arith.constant 0 : i32
    return %arg0, %c0_i32 : i32, i32
  }
  func.func @transform_4(%arg0: i32) -> (i32, i32) {
    %c0_i32 = arith.constant 0 : i32
    %c0_i32_0 = arith.constant 0 : i32
    return %arg0, %c0_i32 : i32, i32
  }
  func.func @transform_5(%arg0: i32) -> (i32, i32) {
    %c0_i32 = arith.constant 0 : i32
    %c0_i32_0 = arith.constant 0 : i32
    %c0_i32_1 = arith.constant 0 : i32
    return %c0_i32, %c0_i32_0 : i32, i32
  }
  func.func @transform_6(%arg0: i32) -> (i32, i32) {
    %c0_i32 = arith.constant 0 : i32
    %c0_i32_0 = arith.constant 0 : i32
    %c0_i32_1 = arith.constant 0 : i32
    return %c0_i32, %c0_i32_0 : i32, i32
  }
  func.func @transform_7(%arg0: i32) -> (i32, i32) {
    %c0_i32 = arith.constant 0 : i32
    %c0_i32_0 = arith.constant 0 : i32
    %c0_i32_1 = arith.constant 0 : i32
    return %c0_i32, %c0_i32_0 : i32, i32
  }
  func.func @transform_8(%arg0: i32) -> (i32, i32) {
    %c0_i32 = arith.constant 0 : i32
    %c0_i32_0 = arith.constant 0 : i32
    return %arg0, %c0_i32 : i32, i32
  }
  func.func @transform_9(%arg0: i32) -> (i32, i32) {
    %c0_i32 = arith.constant 0 : i32
    %c0_i32_0 = arith.constant 0 : i32
    return %arg0, %c0_i32 : i32, i32
  }
}

module attributes {stable_mosaic.version = 14 : i64} {
  func.func @body(%arg0: i32, %arg1: memref<2000x64xf32, #tpu.memory_space<vmem>>, %arg2: memref<2000x64xf32, #tpu.memory_space<vmem>>, %arg3: memref<2000x8xf32, #tpu.memory_space<vmem>>, %arg4: memref<2000x8xf32, #tpu.memory_space<vmem>>, %arg5: memref<2000x64xf32, #tpu.memory_space<vmem>>, %arg6: memref<64x8xf32, #tpu.memory_space<vmem>>, %arg7: memref<64x8xf32, #tpu.memory_space<vmem>>, %arg8: memref<1x8xf32, #tpu.memory_space<vmem>>, %arg9: memref<2000x8xf32, #tpu.memory_space<vmem>>, %arg10: memref<2000x8xf32, #tpu.memory_space<vmem>>) attributes {dimension_semantics = [#tpu.dimension_semantics<arbitrary>], iteration_bounds = array<i64: 5>, scalar_prefetch = 0 : i64, scratch_operands = 0 : i64, tpu.core_type = #tpu.core_type<tc>, window_params = [{transform_indices = @transform_0, window_bounds = array<i64: 2000, 64>}, {transform_indices = @transform_1, window_bounds = array<i64: 2000, 64>}, {transform_indices = @transform_2, window_bounds = array<i64: 2000, 8>}, {transform_indices = @transform_3, window_bounds = array<i64: 2000, 8>}, {transform_indices = @transform_4, window_bounds = array<i64: 2000, 64>}, {pipeline_mode = #tpu.pipeline_mode<synchronous>, transform_indices = @transform_5, window_bounds = array<i64: 64, 8>}, {pipeline_mode = #tpu.pipeline_mode<synchronous>, transform_indices = @transform_6, window_bounds = array<i64: 64, 8>}, {pipeline_mode = #tpu.pipeline_mode<synchronous>, transform_indices = @transform_7, window_bounds = array<i64: 1, 8>}, {transform_indices = @transform_8, window_bounds = array<i64: 2000, 8>}, {transform_indices = @transform_9, window_bounds = array<i64: 2000, 8>}]} {
    %get3A = arith.constant 0 : index
    %get3A_0 = arith.constant 0 : index
    %get3A_1 = vector.load %arg3[%get3A, %get3A_0] : memref<2000x8xf32, #tpu.memory_space<vmem>>, vector<2000x8xf32>
    %slice3A = vector.extract_strided_slice %get3A_1 {offsets = [0, 0], sizes = [2000, 1], strides = [1, 1]} : vector<2000x8xf32> to vector<2000x1xf32>
    %get3A_2 = arith.constant 0 : index
    %get3A_3 = arith.constant 0 : index
    %get3A_4 = vector.load %arg4[%get3A_2, %get3A_3] : memref<2000x8xf32, #tpu.memory_space<vmem>>, vector<2000x8xf32>
    %slice3A_5 = vector.extract_strided_slice %get3A_4 {offsets = [0, 0], sizes = [2000, 1], strides = [1, 1]} : vector<2000x8xf32> to vector<2000x1xf32>
    %add3A = arith.addf %slice3A, %slice3A_5 : vector<2000x1xf32>
    %get3A_6 = arith.constant 0 : index
    %get3A_7 = arith.constant 0 : index
    %get3A_8 = vector.load %arg1[%get3A_6, %get3A_7] : memref<2000x64xf32, #tpu.memory_space<vmem>>, vector<2000x64xf32>
    %get3A_9 = arith.constant 0 : index
    %get3A_10 = arith.constant 0 : index
    %get3A_11 = vector.load %arg2[%get3A_9, %get3A_10] : memref<2000x64xf32, #tpu.memory_space<vmem>>, vector<2000x64xf32>
    %add3A_12 = arith.addf %get3A_8, %get3A_11 : vector<2000x64xf32>
    %max3A = arith.constant 1.000000e+00 : f32
    %max3A_13 = vector.broadcast %max3A : f32 to vector<2000x1xf32>
    %max3A_14 = arith.maximumf %add3A, %max3A_13 : vector<2000x1xf32>
    %div3A = vector.broadcast %max3A_14 : vector<2000x1xf32> to vector<2000x64xf32>
    %div3A_15 = arith.divf %add3A_12, %div3A : vector<2000x64xf32>
    %get3A_16 = arith.constant 0 : index
    %get3A_17 = arith.constant 0 : index
    %get3A_18 = vector.load %arg5[%get3A_16, %get3A_17] : memref<2000x64xf32, #tpu.memory_space<vmem>>, vector<2000x64xf32>
    %add3A_19 = arith.addf %div3A_15, %get3A_18 : vector<2000x64xf32>
    %max3A_20 = arith.constant 0.000000e+00 : f32
    %max3A_21 = vector.broadcast %max3A_20 : f32 to vector<2000x64xf32>
    %max3A_22 = arith.maximumf %add3A_19, %max3A_21 : vector<2000x64xf32>
    %get3A_23 = arith.constant 0 : index
    %get3A_24 = arith.constant 0 : index
    %get3A_25 = vector.load %arg6[%get3A_23, %get3A_24] : memref<64x8xf32, #tpu.memory_space<vmem>>, vector<64x8xf32>
    %dot_general3A = arith.constant dense<0.000000e+00> : vector<2000x8xf32>
    %dot_general3A_26 = tpu.matmul %max3A_22, %get3A_25, %dot_general3A {dimension_numbers = #tpu.dot_dimension_numbers<[1], [0], [0], [1], [0, 0, 1, 1], [], []>, transpose_lhs_hint = false} : vector<2000x64xf32>, vector<64x8xf32>, vector<2000x8xf32> -> vector<2000x8xf32>
    %swap3A = arith.constant 0 : index
    %swap3A_27 = arith.constant 0 : index
    %swap3A_28 = vector.load %arg9[%swap3A, %swap3A_27] : memref<2000x8xf32, #tpu.memory_space<vmem>>, vector<2000x8xf32>
    tpu.vector_store %arg9[%swap3A, %swap3A_27], %dot_general3A_26 {strides = array<i32>} : memref<2000x8xf32, #tpu.memory_space<vmem>>, vector<2000x8xf32>,
    %get3A_29 = arith.constant 0 : index
    %get3A_30 = arith.constant 0 : index
    %get3A_31 = vector.load %arg7[%get3A_29, %get3A_30] : memref<64x8xf32, #tpu.memory_space<vmem>>, vector<64x8xf32>
    %dot_general3A_32 = arith.constant dense<0.000000e+00> : vector<2000x8xf32>
    %dot_general3A_33 = tpu.matmul %max3A_22, %get3A_31, %dot_general3A_32 {dimension_numbers = #tpu.dot_dimension_numbers<[1], [0], [0], [1], [0, 0, 1, 1], [], []>, transpose_lhs_hint = false} : vector<2000x64xf32>, vector<64x8xf32>, vector<2000x8xf32> -> vector<2000x8xf32>
    %get3A_34 = arith.constant 0 : index
    %get3A_35 = arith.constant 0 : index
    %get3A_36 = vector.load %arg8[%get3A_34, %get3A_35] : memref<1x8xf32, #tpu.memory_space<vmem>>, vector<1x8xf32>
    %add3A_37 = vector.broadcast %get3A_36 : vector<1x8xf32> to vector<2000x8xf32>
    %add3A_38 = arith.addf %dot_general3A_33, %add3A_37 : vector<2000x8xf32>
    %swap3A_39 = arith.constant 0 : index
    %swap3A_40 = arith.constant 0 : index
    %swap3A_41 = vector.load %arg10[%swap3A_39, %swap3A_40] : memref<2000x8xf32, #tpu.memory_space<vmem>>, vector<2000x8xf32>
    tpu.vector_store %arg10[%swap3A_39, %swap3A_40], %add3A_38 {strides = array<i32>} : memref<2000x8xf32, #tpu.memory_space<vmem>>, vector<2000x8xf32>,
    return
  }
  func.func @transform_0(%arg0: i32) -> (i32, i32) {
    %c0_i32 = arith.constant 0 : i32
    %c0_i32_0 = arith.constant 0 : i32
    return %arg0, %c0_i32 : i32, i32
  }
  func.func @transform_1(%arg0: i32) -> (i32, i32) {
    %c0_i32 = arith.constant 0 : i32
    %c0_i32_0 = arith.constant 0 : i32
    return %arg0, %c0_i32 : i32, i32
  }
  func.func @transform_2(%arg0: i32) -> (i32, i32) {
    %c0_i32 = arith.constant 0 : i32
    %c0_i32_0 = arith.constant 0 : i32
    return %arg0, %c0_i32 : i32, i32
  }
  func.func @transform_3(%arg0: i32) -> (i32, i32) {
    %c0_i32 = arith.constant 0 : i32
    %c0_i32_0 = arith.constant 0 : i32
    return %arg0, %c0_i32 : i32, i32
  }
  func.func @transform_4(%arg0: i32) -> (i32, i32) {
    %c0_i32 = arith.constant 0 : i32
    %c0_i32_0 = arith.constant 0 : i32
    return %arg0, %c0_i32 : i32, i32
  }
  func.func @transform_5(%arg0: i32) -> (i32, i32) {
    %c0_i32 = arith.constant 0 : i32
    %c0_i32_0 = arith.constant 0 : i32
    %c0_i32_1 = arith.constant 0 : i32
    return %c0_i32, %c0_i32_0 : i32, i32
  }
  func.func @transform_6(%arg0: i32) -> (i32, i32) {
    %c0_i32 = arith.constant 0 : i32
    %c0_i32_0 = arith.constant 0 : i32
    %c0_i32_1 = arith.constant 0 : i32
    return %c0_i32, %c0_i32_0 : i32, i32
  }
  func.func @transform_7(%arg0: i32) -> (i32, i32) {
    %c0_i32 = arith.constant 0 : i32
    %c0_i32_0 = arith.constant 0 : i32
    %c0_i32_1 = arith.constant 0 : i32
    return %c0_i32, %c0_i32_0 : i32, i32
  }
  func.func @transform_8(%arg0: i32) -> (i32, i32) {
    %c0_i32 = arith.constant 0 : i32
    %c0_i32_0 = arith.constant 0 : i32
    return %arg0, %c0_i32 : i32, i32
  }
  func.func @transform_9(%arg0: i32) -> (i32, i32) {
    %c0_i32 = arith.constant 0 : i32
    %c0_i32_0 = arith.constant 0 : i32
    return %arg0, %c0_i32 : i32, i32
  }
}

module attributes {stable_mosaic.version = 14 : i64} {
  func.func @body(%arg0: i32, %arg1: memref<2000x8xf32, #tpu.memory_space<vmem>>, %arg2: memref<2000x8xf32, #tpu.memory_space<vmem>>, %arg3: memref<2000x8xf32, #tpu.memory_space<vmem>>, %arg4: memref<2000x8xf32, #tpu.memory_space<vmem>>, %arg5: memref<2000x8xf32, #tpu.memory_space<vmem>>, %arg6: memref<2000x8xf32, #tpu.memory_space<vmem>>) attributes {dimension_semantics = [#tpu.dimension_semantics<arbitrary>], iteration_bounds = array<i64: 5>, scalar_prefetch = 0 : i64, scratch_operands = 0 : i64, tpu.core_type = #tpu.core_type<tc>, window_params = [{transform_indices = @transform_0, window_bounds = array<i64: 2000, 8>}, {transform_indices = @transform_1, window_bounds = array<i64: 2000, 8>}, {transform_indices = @transform_2, window_bounds = array<i64: 2000, 8>}, {transform_indices = @transform_3, window_bounds = array<i64: 2000, 8>}, {transform_indices = @transform_4, window_bounds = array<i64: 2000, 8>}, {transform_indices = @transform_5, window_bounds = array<i64: 2000, 8>}]} {
    %get3A = arith.constant 0 : index
    %get3A_0 = arith.constant 0 : index
    %get3A_1 = vector.load %arg3[%get3A, %get3A_0] : memref<2000x8xf32, #tpu.memory_space<vmem>>, vector<2000x8xf32>
    %slice3A = vector.extract_strided_slice %get3A_1 {offsets = [0, 0], sizes = [2000, 1], strides = [1, 1]} : vector<2000x8xf32> to vector<2000x1xf32>
    %get3A_2 = arith.constant 0 : index
    %get3A_3 = arith.constant 0 : index
    %get3A_4 = vector.load %arg4[%get3A_2, %get3A_3] : memref<2000x8xf32, #tpu.memory_space<vmem>>, vector<2000x8xf32>
    %slice3A_5 = vector.extract_strided_slice %get3A_4 {offsets = [0, 0], sizes = [2000, 1], strides = [1, 1]} : vector<2000x8xf32> to vector<2000x1xf32>
    %add3A = arith.addf %slice3A, %slice3A_5 : vector<2000x1xf32>
    %get3A_6 = arith.constant 0 : index
    %get3A_7 = arith.constant 0 : index
    %get3A_8 = vector.load %arg1[%get3A_6, %get3A_7] : memref<2000x8xf32, #tpu.memory_space<vmem>>, vector<2000x8xf32>
    %get3A_9 = arith.constant 0 : index
    %get3A_10 = arith.constant 0 : index
    %get3A_11 = vector.load %arg2[%get3A_9, %get3A_10] : memref<2000x8xf32, #tpu.memory_space<vmem>>, vector<2000x8xf32>
    %add3A_12 = arith.addf %get3A_8, %get3A_11 : vector<2000x8xf32>
    %max3A = arith.constant 1.000000e+00 : f32
    %max3A_13 = vector.broadcast %max3A : f32 to vector<2000x1xf32>
    %max3A_14 = arith.maximumf %add3A, %max3A_13 : vector<2000x1xf32>
    %div3A = vector.broadcast %max3A_14 : vector<2000x1xf32> to vector<2000x8xf32>
    %div3A_15 = arith.divf %add3A_12, %div3A : vector<2000x8xf32>
    %get3A_16 = arith.constant 0 : index
    %get3A_17 = arith.constant 0 : index
    %get3A_18 = vector.load %arg5[%get3A_16, %get3A_17] : memref<2000x8xf32, #tpu.memory_space<vmem>>, vector<2000x8xf32>
    %add3A_19 = arith.addf %div3A_15, %get3A_18 : vector<2000x8xf32>
    %swap3A = arith.constant 0 : index
    %swap3A_20 = arith.constant 0 : index
    %swap3A_21 = vector.load %arg6[%swap3A, %swap3A_20] : memref<2000x8xf32, #tpu.memory_space<vmem>>, vector<2000x8xf32>
    tpu.vector_store %arg6[%swap3A, %swap3A_20], %add3A_19 {strides = array<i32>} : memref<2000x8xf32, #tpu.memory_space<vmem>>, vector<2000x8xf32>,
    return
  }
  func.func @transform_0(%arg0: i32) -> (i32, i32) {
    %c0_i32 = arith.constant 0 : i32
    %c0_i32_0 = arith.constant 0 : i32
    return %arg0, %c0_i32 : i32, i32
  }
  func.func @transform_1(%arg0: i32) -> (i32, i32) {
    %c0_i32 = arith.constant 0 : i32
    %c0_i32_0 = arith.constant 0 : i32
    return %arg0, %c0_i32 : i32, i32
  }
  func.func @transform_2(%arg0: i32) -> (i32, i32) {
    %c0_i32 = arith.constant 0 : i32
    %c0_i32_0 = arith.constant 0 : i32
    return %arg0, %c0_i32 : i32, i32
  }
  func.func @transform_3(%arg0: i32) -> (i32, i32) {
    %c0_i32 = arith.constant 0 : i32
    %c0_i32_0 = arith.constant 0 : i32
    return %arg0, %c0_i32 : i32, i32
  }
  func.func @transform_4(%arg0: i32) -> (i32, i32) {
    %c0_i32 = arith.constant 0 : i32
    %c0_i32_0 = arith.constant 0 : i32
    return %arg0, %c0_i32 : i32, i32
  }
  func.func @transform_5(%arg0: i32) -> (i32, i32) {
    %c0_i32 = arith.constant 0 : i32
    %c0_i32_0 = arith.constant 0 : i32
    return %arg0, %c0_i32 : i32, i32
  }
}

</mosaic_0001>

<sc_bundles>
// kernel: kernel.11.cloned.1.call-start
scs
__scs_entry_jumppad:
0x0: {  	(pc) =	sbr.rel $0x88, $3  }
0x1: {  	(tag) =	ssettag $0x0;
	lr =	simm.s32 $0x1  }
0x2: {  	[smem:$0x3F93] =	sst lr;
	_ =	strace $0xD0000000  }
0x3: {  	_ = 	snop  }
0x4: {  	_ = 	snop  }
0x5: {  	_ = 	snop  }
0x6: {  	_ = 	snop  }
0x7: {  	_ = 	snop  }
__scs_overlays_trampoline_lowered:
0x8: {  	[smem:$0x3FA2] =	sst s0  }
0x9: {  	[smem:$0x3FA3] =	sst s1  }
0xa: {  	[smem:$0x3FA4] =	sst s2  }
0xb: {  	[smem:$0x3FA5] =	sst s3  }
0xc: {  	[smem:$0x3FA6] =	sst s4  }
0xd: {  	[smem:$0x3FA7] =	sst s5  }
0xe: {  	[smem:$0x3FA8] =	sst s6  }
0xf: {  	[smem:$0x3FA9] =	sst s7  }
0x10: {  	[smem:$0x3FAA] =	sst s8  }
0x11: {  	[smem:$0x3FAB] =	sst s9;
	s0 =	simm.s32 @!p0 $0x0  }
0x12: {  	s1 =	sld [smem:$0x3F91];
	s0 =	simm.s32 @p0 $0x1  }
0x13: {  	[smem:$0x3FAC] =	sst s0;
	s0 =	simm.s32 @!p1 $0x0  }
0x14: {  	s2 =	sld [smem:$0x3F90];
	s0 =	simm.s32 @p1 $0x1  }
0x15: {  	[smem:$0x3FAD] =	sst s0;
	s0 =	simm.s32 @!p2 $0x0  }
0x16: {  	s3 =	sld [smem:$0x3FDB];
	s0 =	simm.s32 @p2 $0x1  }
0x17: {  	s4 =	simm.s32 $0x1BF5;
	[smem:$0x3FAF] =	sst s0  }
0x18: {  	s0 =	sld [smem:$0x3F92];
	_ =	swait.ge [sflag:s4], $0x0  }
0x19: {  	s7 =	sld [smem:$0x3F93]  }
0x1a: {  	s8 =	sadd.s32 $0xFFFFE003, lr  }
0x1b: {  	s9 =	sadd.s32 $0xFFFFFEF7, lr;
	s5 =	simm.s32 $0xFFFFFFFF;
	p2 =	slt.u32 s8, $0xFFFFF086  }
0x1c: {  	p1 =	slt.u32 s9, $0xF7A;
	s5 =	simm.s32 @!p2 $0x0  }
0x1d: {  	s5 =	simm.s32 @p1 $0x1;
	p0 =	seq.s32 s7, s2  }
0x1e: {  	s7 =	smul.u32 @!p0 $0xF7A, s2;
	p2 =	seq.s32 @!p0 s5, $0x0  }
0x1f: {  	s9 =	smul.u32 $0xF7A, s1;
	s8 =	simm.s32 @!p0 $0x1BF5;
	p2 =	por !p2, p0  }
0x20: {  	[sflag:s8] =	ssyncset.s32 @!p0 $0xFFFFF086;
	s6 =	sadd.s32 @!p0 s3, s7;
	s7 =	simm.s32 @!p0 $0x108  }
0x21: {  	s3 =	sadd.s32 s3, s9;
	s6 =	sadd.s32 @!p0 $0x88, s6;
	s7 =	simm.s32 @p2 $0x1082  }
0x22: {  	[simem:s7], [sflag:s8] =	dma.local @!p0 [hbm:s6], $0xF7A  }
0x23: {  	s9 =	sor.u32 $0xD0000000, s2;
	s6 =	simm.s32 $0x108;
	_ =	swait.ge @!p0 [sflag:s8], $0x0  }
0x24: {  	s3 =	sadd.s32 $0x88, s3;
	s6 =	simm.s32 @!p1 $0x1082;
	[sflag:s4] =	ssyncset.s32 $0xFFFFF086  }
0x25: {  	[simem:s6], [sflag:s4] =	dma.local [hbm:s3], $0xF7A  }
0x26: {  	[smem:$0x3F93] =	sst s1;
	(tag) =	ssettag s2;
	_ =	strace s9  }
0x27: {  	s1 =	sld [smem:$0x3FA3]  }
0x28: {  	s2 =	sld [smem:$0x3FA4]  }
0x29: {  	s4 =	sld [smem:$0x3FA6]  }
0x2a: {  	p0 =	seq.s32 s5, $0x0;
	s5 =	sld [smem:$0x3FA7]  }
0x2b: {  	s6 =	sld [smem:$0x3FA8]  }
0x2c: {  	s7 =	sld [smem:$0x3FA9]  }
0x2d: {  	s3 =	simm.s32 $0x108;
	s8 =	sld [smem:$0x3FAA]  }
0x2e: {  	s3 =	simm.s32 @!p0 $0x1082;
	s9 =	sld [smem:$0x3FAB]  }
0x2f: {  	lr =	sadd.s32 s0, s3;
	s0 =	sld [smem:$0x3FA2]  }
0x30: {  	s3 =	sld [smem:$0x3FA5]  }
0x31: {  	[smem:$0x3FAE] =	sst s10  }
0x32: {  	s10 =	sld [smem:$0x3FAC];
	_ =	sdelay $0x3  }
0x33: {  	p0 =	seq.s32 s10, $0x1;
	s10 =	sld [smem:$0x3FAE];
	_ =	sdelay $0x3  }
0x34: {  	[smem:$0x3FAE] =	sst s10  }
0x35: {  	s10 =	sld [smem:$0x3FAD];
	_ =	sdelay $0x3  }
0x36: {  	p1 =	seq.s32 s10, $0x1;
	s10 =	sld [smem:$0x3FAE];
	_ =	sdelay $0x3  }
0x37: {  	[smem:$0x3FAE] =	sst s10  }
0x38: {  	s10 =	sld [smem:$0x3FAF]  }
0x39: {  	_ = 	snop;
	(pc) =	sbr.ind lr, $3  }
0x3a: {  	_ = 	snop  }
0x3b: {  	_ = 	snop  }
0x3c: {  	p2 =	seq.s32 s10, $0x1;
	s10 =	sld [smem:$0x3FAE]  }
0x3d: {  	_ =	shalt  }
0x3e: {  	_ =	shalt  }
0x3f: {  	_ =	shalt  }
0x40: {  	_ =	shalt  }
0x41: {  	_ =	shalt  }
0x42: {  	_ =	shalt  }
0x43: {  	_ =	shalt  }
0x44: {  	_ =	shalt  }
0x45: {  	_ =	shalt  }
0x46: {  	_ =	shalt  }
0x47: {  	_ =	shalt  }
0x48: {  	_ =	shalt  }
0x49: {  	_ =	shalt  }
0x4a: {  	_ =	shalt  }
0x4b: {  	_ =	shalt  }
0x4c: {  	_ =	shalt  }
0x4d: {  	_ =	shalt  }
0x4e: {  	_ =	shalt  }
0x4f: {  	_ =	shalt  }
0x50: {  	_ =	shalt  }
0x51: {  	_ =	shalt  }
0x52: {  	_ =	shalt  }
0x53: {  	_ =	shalt  }
0x54: {  	_ =	shalt  }
0x55: {  	_ =	shalt  }
0x56: {  	_ =	shalt  }
0x57: {  	_ =	shalt  }
0x58: {  	_ =	shalt  }
0x59: {  	_ =	shalt  }
0x5a: {  	_ =	shalt  }
0x5b: {  	_ =	shalt  }
0x5c: {  	_ =	shalt  }
0x5d: {  	_ =	shalt  }
0x5e: {  	_ =	shalt  }
0x5f: {  	_ =	shalt  }
0x60: {  	_ =	shalt  }
0x61: {  	_ =	shalt  }
0x62: {  	_ =	shalt  }
0x63: {  	_ =	shalt  }
0x64: {  	_ =	shalt  }
0x65: {  	_ =	shalt  }
0x66: {  	_ =	shalt  }
0x67: {  	_ =	shalt  }
0x68: {  	_ =	shalt  }
0x69: {  	_ =	shalt  }
0x6a: {  	_ =	shalt  }
0x6b: {  	_ =	shalt  }
0x6c: {  	_ =	shalt  }
0x6d: {  	_ =	shalt  }
0x6e: {  	_ =	shalt  }
0x6f: {  	_ =	shalt  }
0x70: {  	_ =	shalt  }
0x71: {  	_ =	shalt  }
0x72: {  	_ =	shalt  }
0x73: {  	_ =	shalt  }
0x74: {  	_ =	shalt  }
0x75: {  	_ =	shalt  }
0x76: {  	_ =	shalt  }
0x77: {  	_ =	shalt  }
0x78: {  	_ =	shalt  }
0x79: {  	_ =	shalt  }
0x7a: {  	_ =	shalt  }
0x7b: {  	_ =	shalt  }
0x7c: {  	_ =	shalt  }
0x7d: {  	_ =	shalt  }
0x7e: {  	_ =	shalt  }
0x7f: {  	_ =	shalt  }
0x80: {  	_ =	shalt  }
0x81: {  	_ =	shalt  }
0x82: {  	_ =	shalt  }
0x83: {  	_ =	shalt  }
0x84: {  	_ =	shalt  }
0x85: {  	_ =	shalt  }
0x86: {  	_ =	shalt  }
0x87: {  	_ =	shalt  }
.Lfunc_end0:
.L_simem_size_0:
called_computation_lowered:
.L_overlay_start_0:
0x88: {  	s2 =	sld [smem:$0x3FD9]  }
0x89: {  	s3 =	sld [smem:$0x3FFE];
	_ =	sdelay $0x1  }
0x8a: {  	s1 =	srdreg.scid  }
0x8b: {  	s0 =	sand.u32 $0x1, s1  }
0x8c: {  	s17 =	sshll.u32 s0, $0xA;
	s2 =	sadd.s32 s3, s2  }
0x8d: {  	s2 =	sadd.s32 s2, s17  }
0x8e: {  	[smem:$0x3FBA] =	sst s2  }
0x8f: {  	_ = 	snop  }
0x90: {  	s2 =	sld [smem:$0x3FD0];
	(tm) =	ssettm $0x1  }
0x91: {  	s18 =	sld [smem:$0x3FFB];
	_ =	sdelay $0x3  }
0x92: {  	_ =	strace s18  }
0x93: {  	s3 =	sld [smem:$0x3FFC];
	_ =	sdelay $0x3  }
0x94: {  	_ =	strace s3  }
0x95: {  	s3 =	sld [smem:$0x3FFD];
	_ =	sdelay $0x3  }
0x96: {  	_ =	strace s3  }
0x97: {  	_ =	strace $0x8FFFFFFF  }
0x98: {  	s19 =	sld [smem:$0x3FDB];
	_ =	sdelay $0x1  }
0x99: {  	s4 =	simm.s32 $_scs_section_size  }
0x9a: {  	s5 =	simm.s32 $_size__tile_overlayer_lowered;
	s6 =	simm.s32 $_tile_overlayer_lowered  }
0x9b: {  	s22 =	simm.s32 $0x1BFF;
	s21 =	sshll.u32 s6, $0x1;
	s3 =	sadd.s32 s4, s19  }
0x9c: {  	s7 =	simm.s32 $0x0;
	s20 =	sshll.u32 s5, $0x1;
	s5 =	sadd.s32 s21, s3  }
0x9d: {  	[timem:s7], [sflag:s22] =	dma.local [hbm:s5], s20  }
0x9e: {  	_ =	swait.ge [sflag:s22], s20  }
0x9f: {  	s4 =	ssub.s32 $0x0, s20;
	[sflag:s22] =	ssyncset.done $0x0  }
0xa0: {  	[sflag:s22] =	ssyncadd.s32 s4;
	_ =	sdelay $0x1  }
0xa1: {  	s23 =	simm.s32 $0x1B8B  }
0xa2: {  	_ =	swait.ge [sflag:s23], $0x1  }
0xa3: {  	[sflag:s23] =	ssyncset.done $0x0  }
0xa4: {  	s25 =	simm.s32 $0x1B8E;
	s24 =	sld [smem:$0x3FFE];
	[sflag:s23] =	ssyncadd.s32 $0xFFFFFFFF  }
0xa5: {  	s26 =	simm.s32 $execute0_lowered;
	[smem:$0x3FD2] =	sst s25  }
0xa6: {  	s5 =	sshll.u32 s26, $0x1;
	_ =	strace $0x80000046;
	[dreg:$0x1] =	wrdreg $0xFFFFFFFF  }
0xa7: {  	s28 =	simm.s32 $_size_execute0_lowered;
	s3 =	sadd.s32 s3, s5;
	[dreg:$0x0] =	wrdreg $0x0  }
0xa8: {  	s5 =	sshll.u32 s28, $0x1;
	[dreg:$0x2] =	wrdreg s3  }
0xa9: {  	[dreg:$0x3] =	wrdreg s5  }
0xaa: {  	[dreg:$0x4] =	wrdreg $0xC0  }
0xab: {  	_ =	task [dreg:s7], $0x5FFFF  }
0xac: {  	[dreg:$0x1] =	wrdreg $0xFFFFFFFF  }
0xad: {  	[dreg:$0x0] =	wrdreg $0x60  }
0xae: {  	[dreg:$0x2] =	wrdreg s24  }
0xaf: {  	[dreg:$0x3] =	wrdreg s2  }
0xb0: {  	[dreg:$0x4] =	wrdreg $0x131000  }
0xb1: {  	[dreg:$0x5] =	wrdreg $0x1D2000  }
0xb2: {  	[dreg:$0x6] =	wrdreg $0x9  }
0xb3: {  	_ =	task.clear_ibuf [dreg:s7], $0x7FFFF;
	_ =	strace $0x90000046  }
0xb4: {  	s29 =	simm.s32 $0x9;
	_ =	strace $0x80000048  }
0xb5: {  	_ =	swait.ge [sflag:s29], $0x1  }
0xb6: {  	[sflag:s29] =	ssyncadd.s32 $0xFFFFFFFF  }
0xb7: {  	_ =	strace $0x90000048  }
0xb8: {  	_ =	sfence  }
0xb9: {  	s30 =	sld [smem:$0x0];
	_ =	sdelay $0x2  }
0xba: {  	s31 =	sshll.u32 s1, $0xD;
	s1 =	sshrl.u32 s1, $0x2  }
0xbb: {  	s3 =	sand.u32 $0x4000, s31;
	s1 =	sadd.s32 s1, s30  }
0xbc: {  	s0 =	sor.u32 s3, s0;
	s1 =	sshll.u32 s1, $0x11  }
0xbd: {  	s0 =	sor.u32 s1, s0  }
0xbe: {  	s0 =	sadd.s32 $0x8F2B, s0  }
0xbf: {  	[sflag:s0] =	ssyncadd.remote.s32 $0x1  }
0xc0: {  	_ =	sfence.sel $0xFFFF  }
0xc1: {  	[dreg:$0x0] =	wrdreg $0xFFFFFFFF;
	(pc) =	sbr.abs _section_cstart, $3  }
0xc2: {  	[dreg:$0x1] =	wrdreg $0xFFFFFFFF  }
0xc3: {  	_ =	task.clear_ibuf [dreg:s7], $0x2FFFF;
	_ =	strace $0x9FFFFFFF  }
0xc4: {  	(tm) =	ssettm $0x7FFFFFFF  }
0xc5: {  	_ =	shalt  }
tec
execute0_lowered:
.L_overlay_start_1:
0x0: {  	(tag) =	ssettag $0x1  }
0x1: {  	s0 =	rddreg [dreg:$0x0]  }
0x2: {  	s3 =	rddreg [dreg:$0x2]  }
0x3: {  	s4 =	rddreg [dreg:$0x3];
	s1 =	srdreg.scid  }
0x4: {  	s14 =	stileid.u32;
	s5 =	simm.s32 $0x0;
	s26 =	simm.s32 $0x11100  }
0x5: {  	s29 =	simm.s32 $0xF100;
	s30 =	simm.s32 $0x1;
	s31 =	simm.s32 $0x2  }
0x6: {  	s28 =	simm.s32 $0x8;
	s1 =	sand.u32 $0x1, s1;
	s2 =	smul.u32 $0x9D00, s14  }
0x7: {  	[smem:$0x7FF] =	sst s5;
	s6 =	sadd.s32 $0x2B400, s0;
	s7 =	smul.u32 $0x13A0, s14  }
0x8: {  	s8 =	sadd.s32 $0x49800, s0;
	s10 =	sadd.s32 $0x3EE00, s0;
	s13 =	smul.u32 $0x780, s14  }
0x9: {  	s11 =	sadd.s32 $0x54200, s0;
	s16 =	sadd.s32 $0x55600, s0;
	s19 =	smul.u32 $0x910, s14  }
0xa: {  	s15 =	smul.u32 $0x9D000, s1;
	_ =	strace $0x80000047;
	[dreg:$0x7] =	wrdreg s11  }
0xb: {  	s25 =	sshll.u32 s14, $0x6;
	s9 =	smul.u32 $0x13A00, s1;
	[dreg:$0x8] =	wrdreg s16  }
0xc: {  	s17 =	ssub.s32 $0x2, s1;
	p0 =	seq.s32 s1, $0x0;
	[dreg:$0x6] =	wrdreg s26  }
0xd: {  	s26 =	simm.s32 $0xD100;
	s12 =	sshrl.u32 s17, $0x1;
	s18 =	sshrl.u32 s13, $0x3  }
0xe: {  	s21 =	sadd.s32 s10, s19;
	s5 =	sadd.s32 s2, s15;
	s9 =	sadd.s32 s7, s9  }
0xf: {  	s11 =	ssub.s32 s17, s12;
	s12 =	sadd.s32 $0x9100, s18;
	[dreg:$0xc] =	wrdreg s21  }
0x10: {  	s2 =	sadd.s32 s2, s3;
	s7 =	sadd.s32 s7, s4;
	s18 =	sor.u32 $0x1C0B, s25  }
0x11: {  	s21 =	simm.s32 $0x1CE00;
	s25 =	simm.s32 $0x4;
	s5 =	sshrl.u32 s5, $0x3  }
0x12: {  	s9 =	sshrl.u32 s9, $0x3;
	s15 =	sadd.s32 s8, s12;
	[dreg:$0xd] =	wrdreg s7  }
0x13: {  	s12 =	sadd.s32 s10, s12;
	s8 =	sadd.s32 s8, s19;
	[dreg:$0x9] =	wrdreg s15  }
0x14: {  	s23 =	smax.u32 s11, $0x1;
	s7 =	simm.s32 $0x9;
	[dreg:$0xa] =	wrdreg s12  }
0x15: {  	s10 =	simm.s32 $0x0;
	s5 =	sadd.s32 s5, s0;
	[dreg:$0xb] =	wrdreg s8  }
0x16: {  	s0 =	sadd.s32 s9, s0;
	s9 =	simm.s32 $0x91;
	[dreg:$0x10] =	wrdreg s23  }
0x17: {  	s15 =	sshrl.u32 s2, $0x3;
	s23 =	simm.s32 $0x9100;
	s2 =	simm.s32 $0x3  }
0x18: {  	s8 =	simm.s32 $0xA;
	s9 =	simm.s32 @!p0 $0xF;
	s5 =	sadd.s32 $0x5A800, s5  }
0x19: {  	s0 =	sadd.s32 $0x55800, s0;
	[dreg:$0x11] =	wrdreg s15;
	s20 =	smul.u32 $0xCD, s9  }
0x1a: {  	p0 =	sne.s32 s1, $0x0;
	s1 =	simm.s32 $0x7;
	[dreg:$0xe] =	wrdreg s5  }
0x1b: {  	[dreg:$0xf] =	wrdreg s0;
	s0 =	simm.s32 $0x6;
	s22 =	sshrl.u32 s20, $0xA  }
0x1c: {  	s5 =	simm.s32 $0x5;
	s20 =	simm.s32 $0xB;
	s24 =	ssub.s32 $0x0, s22  }
0x1d: {  	s22 =	simm.s32 $0x80;
	[dreg:$0x5] =	wrdreg s24;
	s24 =	simm.s32 $0xB100  }
.LBB2_1:
0x1e: {  	s11 =	simm.s32 @p0 $0x0;
	s12 =	rddreg [dreg:$0x9]  }
0x1f: {  	[tilespmem:s11], [sflag:$0xB] =	stream.linear.gather @p0 [hbm4b:s12+s11], $0x780, $0x38;
	[tilespmem:$0x1E5A0] =	vst v63  }
0x20: {  	s12 =	simm.s32 @p0 $0xB  }
0x21: {  	_ =	swait.ge @p0 [sflag:s12], $0x780  }
0x22: {  	[sflag:s12] =	ssyncset.done @p0 $0x0  }
0x23: {  	s13 =	simm.s32 @p0 $0x4880;
	s14 =	rddreg [dreg:$0xa];
	[sflag:s12] =	ssyncadd.s32 @p0 $0xFFFFF880  }
0x24: {  	[tilespmem:s13], [sflag:$0xB] =	stream.linear.gather @p0 [hbm4b:s14+s11], $0x780, $0x38;
	[tilespmem:$0x1E5A0] =	vst v63  }
0x25: {  	_ =	swait.ge @p0 [sflag:s12], $0x780  }
0x26: {  	[sflag:s12] =	ssyncset.done @p0 $0x0  }
0x27: {  	s11 =	simm.s32 @!p0 $0x0;
	[sflag:s12] =	ssyncadd.s32 @p0 $0xFFFFF880;
	s12 =	rddreg [dreg:$0xb]  }
0x28: {  	[tilespmem:s11], [sflag:$0xB] =	stream.linear.gather @!p0 [hbm4b:s12+s11], $0x4880, $0x38;
	[tilespmem:$0x1E5A0] =	vst v63  }
0x29: {  	s12 =	simm.s32 @!p0 $0xB  }
0x2a: {  	_ =	swait.ge @!p0 [sflag:s12], $0x4880  }
0x2b: {  	[sflag:s12] =	ssyncset.done @!p0 $0x0  }
0x2c: {  	s13 =	simm.s32 @!p0 $0x4880;
	s14 =	rddreg [dreg:$0xc];
	[sflag:s12] =	ssyncadd.s32 @!p0 $0xFFFFB780  }
0x2d: {  	[tilespmem:s13], [sflag:$0xB] =	stream.linear.gather @!p0 [hbm4b:s14+s11], $0x4880, $0x38;
	[tilespmem:$0x1E5A0] =	vst v63  }
0x2e: {  	_ =	swait.ge @!p0 [sflag:s12], $0x4880  }
0x2f: {  	[sflag:s12] =	ssyncset.done @!p0 $0x0  }
0x30: {  	s17 =	rddreg [dreg:$0x7];
	[sflag:s12] =	ssyncadd.s32 @!p0 $0xFFFFB780  }
0x31: {  	[spmem:s15], [sflag:s18] =	dma.local [hbm:s17], $0x13A0  }
0x32: {  	_ =	swait.ge [sflag:s20], $0x13A0  }
0x33: {  	[sflag:s20] =	ssyncset.done $0x0  }
0x34: {  	s19 =	simm.s32 $0x0;
	s14 =	rddreg [dreg:$0x8];
	[sflag:s20] =	ssyncadd.s32 $0xFFFFEC60  }
0x35: {  	[tilespmem:s21], [sflag:$0xB] =	stream.linear.gather [hbm4b:s14+s19], $0x400, $0x38;
	[tilespmem:$0x1E5A0] =	vst v63  }
0x36: {  	_ =	swait.ge [sflag:s20], $0x400  }
0x37: {  	[sflag:s20] =	ssyncset.done $0x0  }
0x38: {  	s15 =	rddreg [dreg:$0xd];
	[sflag:s20] =	ssyncadd.s32 $0xFFFFFC00  }
0x39: {  	s11 =	sshrl.u32 s15, $0x3;
	s16 =	rddreg [dreg:$0x1]  }
0x3a: {  	[spmem:s11], [sflag:s18] =	dma.local [hbm:s16], $0x274  }
0x3b: {  	_ =	swait.ge [sflag:s20], $0x274  }
0x3c: {  	[sflag:s20] =	ssyncset.done $0x0  }
0x3d: {  	[sflag:s20] =	ssyncadd.s32 $0xFFFFFD8C  }
0x3e: {  	[bflag:$0x0] =	sbarrier.arrive $0xFFFF  }
0x3f: {  	[tilespmem:s23], [sflag:$0x1] =	stream.indirect.gather [hbm4b:s6+s22], $0x40, s19, s22, $0xb8;
	[tilespmem:$0x1E5A0] =	vst v63  }
0x40: {  	_ = 	snop  }
0x41: {  	[tilespmem:s24], [sflag:$0x2] =	stream.indirect.gather [hbm4b:s6+s22], $0x40, s22, s22, $0xb8;
	[tilespmem:$0x1E5A0] =	vst v63  }
0x42: {  	s13 =	simm.s32 $0x0;
	s17 =	simm.s32 $0x100  }
0x43: {  	[tilespmem:s26], [sflag:$0x3] =	stream.indirect.gather [hbm4b:s6+s22], $0x40, s17, s22, $0xb8;
	[tilespmem:$0x1E5A0] =	vst v63  }
0x44: {  	s12 =	simm.s32 $0x8;
	s14 =	simm.s32 $0x0;
	s19 =	simm.s32 $0x180  }
0x45: {  	[tilespmem:s29], [sflag:$0x4] =	stream.indirect.gather [hbm4b:s6+s22], $0x40, s19, s22, $0xb8;
	[tilespmem:$0x1E5A0] =	vst v63  }
.LBB2_2:
0x46: {  	_ =	swait.ge [sflag:s30], $0x2000  }
0x47: {  	s15 =	sshra.s32 s13, $0x2;
	[sflag:s30] =	ssyncset.done $0x0  }
0x48: {  	s16 =	sadd.s32 $0x4880, s15;
	[sflag:s30] =	ssyncadd.s32 $0xFFFFE000  }
0x49: {  	[spmem:s3] =	stream.indirect.scatter.add.f32 [tilespmem:s23], [sflag:$0x6], $0x40, s16, s22, $0xb8;
	[tilespmem:$0x1E5A0] =	vst v63  }
0x4a: {  	p1 =	seq.s32 s14, $0x0  }
0x4b: {  	[spmem:s4] =	stream.indirect.scatter.add.f32 [tilespmem:s21], [sflag:$0x6], $0x8, s16, s22, $0xb8;
	[tilespmem:$0x1E5A0] =	vst v63  }
0x4c: {  	s16 =	simm.s32 @!p1 $0xA  }
0x4d: {  	_ =	swait.ge @!p1 [sflag:s16], $0x2000  }
0x4e: {  	[sflag:s16] =	ssyncset.done @!p1 $0x0  }
0x4f: {  	[sflag:s16] =	ssyncadd.s32 @!p1 $0xFFFFE000  }
0x50: {  	s17 =	sadd.s32 $0xFFFFFFFC, s12;
	_ =	swait.ge @!p1 [sflag:s16], $0x400  }
0x51: {  	p2 =	sge.u32 s17, s9;
	[sflag:s16] =	ssyncset.done @!p1 $0x0  }
0x52: {  	[sflag:s16] =	ssyncadd.s32 @!p1 $0xFFFFFC00;
	s16 =	sshra.s32 @!p2 s13, $0x2  }
0x53: {  	s17 =	simm.s32 @!p2 $0x80;
	s19 =	simm.s32 @!p2 $0x11100;
	s16 =	sadd.s32 @!p2 $0x200, s16  }
0x54: {  	[tilespmem:s19], [sflag:$0x5] =	stream.indirect.gather @!p2 [hbm4b:s6+s17], $0x40, s16, s17, $0xb8;
	[tilespmem:$0x1E5A0] =	vst v63  }
0x55: {  	_ =	swait.ge [sflag:s31], $0x2000  }
0x56: {  	[sflag:s31] =	ssyncset.done $0x0  }
0x57: {  	s19 =	sadd.s32 $0x4900, s15;
	[sflag:s31] =	ssyncadd.s32 $0xFFFFE000  }
0x58: {  	[spmem:s3] =	stream.indirect.scatter.add.f32 [tilespmem:s24], [sflag:$0x7], $0x40, s19, s22, $0xb8;
	[tilespmem:$0x1E5A0] =	vst v63  }
0x59: {  	_ = 	snop  }
0x5a: {  	[spmem:s4] =	stream.indirect.scatter.add.f32 [tilespmem:s21], [sflag:$0x7], $0x8, s19, s22, $0xb8;
	[tilespmem:$0x1E5A0] =	vst v63  }
0x5b: {  	_ =	swait.ge [sflag:s0], $0x2000  }
0x5c: {  	[sflag:s0] =	ssyncset.done $0x0  }
0x5d: {  	s17 =	sadd.s32 $0xFFFFFFFD, s12;
	[sflag:s0] =	ssyncadd.s32 $0xFFFFE000  }
0x5e: {  	p1 =	sge.u32 s17, s9;
	_ =	swait.ge [sflag:s0], $0x400  }
0x5f: {  	s16 =	sshra.s32 @!p1 s13, $0x2;
	s17 =	simm.s32 @!p1 $0x80;
	[sflag:s0] =	ssyncset.done $0x0  }
0x60: {  	s16 =	sadd.s32 @!p1 $0x280, s16;
	s19 =	simm.s32 @!p1 $0x9100;
	[sflag:s0] =	ssyncadd.s32 $0xFFFFFC00  }
0x61: {  	[tilespmem:s19], [sflag:$0x1] =	stream.indirect.gather @!p1 [hbm4b:s6+s17], $0x40, s16, s17, $0xb8;
	[tilespmem:$0x1E5A0] =	vst v63  }
0x62: {  	_ =	swait.ge [sflag:s2], $0x2000  }
0x63: {  	[sflag:s2] =	ssyncset.done $0x0  }
0x64: {  	s19 =	sadd.s32 $0x4980, s15;
	[sflag:s2] =	ssyncadd.s32 $0xFFFFE000  }
0x65: {  	[spmem:s3] =	stream.indirect.scatter.add.f32 [tilespmem:s26], [sflag:$0x8], $0x40, s19, s22, $0xb8;
	[tilespmem:$0x1E5A0] =	vst v63  }
0x66: {  	_ = 	snop  }
0x67: {  	[spmem:s4] =	stream.indirect.scatter.add.f32 [tilespmem:s21], [sflag:$0x8], $0x8, s19, s22, $0xb8;
	[tilespmem:$0x1E5A0] =	vst v63  }
0x68: {  	_ =	swait.ge [sflag:s1], $0x2000  }
0x69: {  	[sflag:s1] =	ssyncset.done $0x0  }
0x6a: {  	s17 =	sadd.s32 $0xFFFFFFFE, s12;
	[sflag:s1] =	ssyncadd.s32 $0xFFFFE000  }
0x6b: {  	p1 =	sge.u32 s17, s9;
	_ =	swait.ge [sflag:s1], $0x400  }
0x6c: {  	s16 =	sshra.s32 @!p1 s13, $0x2;
	s17 =	simm.s32 @!p1 $0x80;
	[sflag:s1] =	ssyncset.done $0x0  }
0x6d: {  	s16 =	sadd.s32 @!p1 $0x300, s16;
	s19 =	simm.s32 @!p1 $0xB100;
	[sflag:s1] =	ssyncadd.s32 $0xFFFFFC00  }
0x6e: {  	[tilespmem:s19], [sflag:$0x2] =	stream.indirect.gather @!p1 [hbm4b:s6+s17], $0x40, s16, s17, $0xb8;
	[tilespmem:$0x1E5A0] =	vst v63  }
0x6f: {  	_ =	swait.ge [sflag:s25], $0x2000  }
0x70: {  	[sflag:s25] =	ssyncset.done $0x0  }
0x71: {  	s19 =	sadd.s32 $0x4A00, s15;
	[sflag:s25] =	ssyncadd.s32 $0xFFFFE000  }
0x72: {  	[spmem:s3] =	stream.indirect.scatter.add.f32 [tilespmem:s29], [sflag:$0x9], $0x40, s19, s22, $0xb8;
	[tilespmem:$0x1E5A0] =	vst v63  }
0x73: {  	_ = 	snop  }
0x74: {  	[spmem:s4] =	stream.indirect.scatter.add.f32 [tilespmem:s21], [sflag:$0x9], $0x8, s19, s22, $0xb8;
	[tilespmem:$0x1E5A0] =	vst v63  }
0x75: {  	_ =	swait.ge [sflag:s28], $0x2000  }
0x76: {  	[sflag:s28] =	ssyncset.done $0x0  }
0x77: {  	s17 =	sadd.s32 $0xFFFFFFFF, s12;
	[sflag:s28] =	ssyncadd.s32 $0xFFFFE000  }
0x78: {  	p1 =	sge.u32 s17, s9;
	_ =	swait.ge [sflag:s28], $0x400  }
0x79: {  	s16 =	sshra.s32 @!p1 s13, $0x2;
	s17 =	simm.s32 @!p1 $0x80;
	[sflag:s28] =	ssyncset.done $0x0  }
0x7a: {  	s16 =	sadd.s32 @!p1 $0x380, s16;
	s19 =	simm.s32 @!p1 $0xD100;
	[sflag:s28] =	ssyncadd.s32 $0xFFFFFC00  }
0x7b: {  	[tilespmem:s19], [sflag:$0x3] =	stream.indirect.gather @!p1 [hbm4b:s6+s17], $0x40, s16, s17, $0xb8;
	[tilespmem:$0x1E5A0] =	vst v63  }
0x7c: {  	_ =	swait.ge [sflag:s5], $0x2000  }
0x7d: {  	[sflag:s5] =	ssyncset.done $0x0  }
0x7e: {  	s15 =	sadd.s32 $0x4A80, s15;
	s19 =	rddreg [dreg:$0x6];
	[sflag:s5] =	ssyncadd.s32 $0xFFFFE000  }
0x7f: {  	[spmem:s3] =	stream.indirect.scatter.add.f32 [tilespmem:s19], [sflag:$0xA], $0x40, s15, s22, $0xb8;
	[tilespmem:$0x1E5A0] =	vst v63  }
0x80: {  	_ = 	snop  }
0x81: {  	[spmem:s4] =	stream.indirect.scatter.add.f32 [tilespmem:s21], [sflag:$0xA], $0x8, s15, s22, $0xb8;
	[tilespmem:$0x1E5A0] =	vst v63  }
0x82: {  	_ =	swait.ge [sflag:s7], $0x2000  }
0x83: {  	[sflag:s7] =	ssyncset.done $0x0  }
0x84: {  	p1 =	sge.u32 s12, s9;
	[sflag:s7] =	ssyncadd.s32 $0xFFFFE000  }
0x85: {  	s14 =	sadd.s32 $0xFFFFFFFF, s14;
	s16 =	simm.s32 @!p1 $0x80;
	_ =	swait.ge [sflag:s7], $0x400  }
0x86: {  	s17 =	simm.s32 @!p1 $0xF100;
	s15 =	sshra.s32 @!p1 s13, $0x2;
	[sflag:s7] =	ssyncset.done $0x0  }
0x87: {  	s15 =	sadd.s32 @!p1 $0x400, s15;
	s19 =	rddreg [dreg:$0x5];
	[sflag:s7] =	ssyncadd.s32 $0xFFFFFC00  }
0x88: {  	[tilespmem:s17], [sflag:$0x4] =	stream.indirect.gather @!p1 [hbm4b:s6+s16], $0x40, s15, s16, $0xb8;
	[tilespmem:$0x1E5A0] =	vst v63  }
0x89: {  	p1 =	sne.s32 s19, s14  }
.Ltmp0:
0x8a: {  	_ = 	snop;
	(pc) =	sbr.rel @p1 .LBB2_2-.Ltmp0, $2  }
0x8b: {  	_ =	sdelay $0x2  }
0x8c: {  	s12 =	sadd.s32 $0x5, s12;
	s13 =	sadd.s32 $0xA00, s13  }
0x8d: {  	_ =	swait.ge [sflag:s8], $0x2000  }
0x8e: {  	[sflag:s8] =	ssyncset.done $0x0  }
0x8f: {  	[sflag:s8] =	ssyncadd.s32 $0xFFFFE000  }
0x90: {  	_ =	swait.ge [sflag:s8], $0x400  }
0x91: {  	[sflag:s8] =	ssyncset.done $0x0  }
0x92: {  	[sflag:s8] =	ssyncadd.s32 $0xFFFFFC00  }
0x93: {  	[bflag:$0x0] =	sbarrier.arrive $0xFFFF  }
0x94: {  	s12 =	rddreg [dreg:$0xe]  }
0x95: {  	s15 =	rddreg [dreg:$0x11]  }
0x96: {  	[hbm:s12], [sflag:s18] =	dma.local [spmem:s15], $0x13A0  }
0x97: {  	_ =	swait.ge [sflag:s20], $0x13A0  }
0x98: {  	[sflag:s20] =	ssyncset.done $0x0  }
0x99: {  	s17 =	rddreg [dreg:$0xf];
	[sflag:s20] =	ssyncadd.s32 $0xFFFFEC60  }
0x9a: {  	[hbm:s17], [sflag:s18] =	dma.local [spmem:s11], $0x274  }
0x9b: {  	_ =	swait.ge [sflag:s20], $0x274  }
0x9c: {  	s10 =	sadd.s32 $0x1, s10;
	s19 =	rddreg [dreg:$0x10]  }
0x9d: {  	p1 =	sne.s32 s10, s19  }
.Ltmp1:
0x9e: {  	_ = 	snop;
	(pc) =	sbr.rel @p1 .LBB2_1-.Ltmp1, $3  }
0x9f: {  	_ =	sdelay $0x1  }
0xa0: {  	[sflag:s20] =	ssyncset.done $0x0  }
0xa1: {  	[sflag:s20] =	ssyncadd.s32 $0xFFFFFD8C  }
0xa2: {  	_ =	sfence.sel $0x180000  }
0xa3: {  	[bflag:$0x0] =	sbarrier.arrive $0xFFFF  }
0xa4: {  	_ =	strace $0x90000047  }
0xa5: {  	s0 =	stileid.u32;
	[bflag:$0x2] =	sbarrier.arrive $0xFFFF  }
0xa6: {  	p0 =	sne.s32 s0, $0x0;
	s0 =	rddreg [dreg:$0x4]  }
0xa7: {  	s0 =	sadd.s32 @!p0 $0x100000, s0  }
0xa8: {  	[sflag:s0] =	ssyncadd.tile.s32 @!p0 $0x1;
	_ =	shalt  }
.Lfunc_end2:
_tile_overlayer_lowered:
.L_overlay_start_2:
0xa9: {  	(tag) =	ssettag $0x2  }
0xaa: {  	s0 =	rddreg [dreg:$0x0];
	s2 =	stileid.u32  }
0xab: {  	s1 =	rddreg [dreg:$0x1];
	p0 =	sne.s32 s2, $0x0  }
0xac: {  	s3 =	rddreg [dreg:$0x2];
	[bflag:$0x3] =	sbarrier.arrive $0xFFFF;
	s2 =	simm.s32 @!p0 $0x1C0B  }
0xad: {  	[timem:s3], [sflag:s2] =	dma.local @!p0 [hbm:s0], s1  }
0xae: {  	s0 =	simm.s32 @!p0 $0xB  }
0xaf: {  	_ =	swait.ge @!p0 [sflag:s0], s1  }
0xb0: {  	s1 =	ssub.s32 @!p0 $0x0, s1;
	[sflag:s0] =	ssyncset.done @!p0 $0x0  }
0xb1: {  	[sflag:s0] =	ssyncadd.s32 @!p0 s1  }
0xb2: {  	[bflag:$0x3] =	sbarrier.arrive $0xFFFF  }
0xb3: {  	_ =	shalt  }

// kernel: kernel.14.cloned.1.call-start
scs
__scs_entry_jumppad:
0x0: {  	(pc) =	sbr.rel $0x88, $3  }
0x1: {  	(tag) =	ssettag $0x0;
	lr =	simm.s32 $0x1  }
0x2: {  	[smem:$0x3F93] =	sst lr;
	_ =	strace $0xD0000000  }
0x3: {  	_ = 	snop  }
0x4: {  	_ = 	snop  }
0x5: {  	_ = 	snop  }
0x6: {  	_ = 	snop  }
0x7: {  	_ = 	snop  }
__scs_overlays_trampoline_lowered:
0x8: {  	[smem:$0x3FA2] =	sst s0  }
0x9: {  	[smem:$0x3FA3] =	sst s1  }
0xa: {  	[smem:$0x3FA4] =	sst s2  }
0xb: {  	[smem:$0x3FA5] =	sst s3  }
0xc: {  	[smem:$0x3FA6] =	sst s4  }
0xd: {  	[smem:$0x3FA7] =	sst s5  }
0xe: {  	[smem:$0x3FA8] =	sst s6  }
0xf: {  	[smem:$0x3FA9] =	sst s7  }
0x10: {  	[smem:$0x3FAA] =	sst s8  }
0x11: {  	[smem:$0x3FAB] =	sst s9;
	s0 =	simm.s32 @!p0 $0x0  }
0x12: {  	s1 =	sld [smem:$0x3F91];
	s0 =	simm.s32 @p0 $0x1  }
0x13: {  	[smem:$0x3FAC] =	sst s0;
	s0 =	simm.s32 @!p1 $0x0  }
0x14: {  	s2 =	sld [smem:$0x3F90];
	s0 =	simm.s32 @p1 $0x1  }
0x15: {  	[smem:$0x3FAD] =	sst s0;
	s0 =	simm.s32 @!p2 $0x0  }
0x16: {  	s3 =	sld [smem:$0x3FDB];
	s0 =	simm.s32 @p2 $0x1  }
0x17: {  	s4 =	simm.s32 $0x1BF5;
	[smem:$0x3FAF] =	sst s0  }
0x18: {  	s0 =	sld [smem:$0x3F92];
	_ =	swait.ge [sflag:s4], $0x0  }
0x19: {  	s7 =	sld [smem:$0x3F93]  }
0x1a: {  	s8 =	sadd.s32 $0xFFFFE003, lr  }
0x1b: {  	s9 =	sadd.s32 $0xFFFFFEF7, lr;
	s5 =	simm.s32 $0xFFFFFFFF;
	p2 =	slt.u32 s8, $0xFFFFF086  }
0x1c: {  	p1 =	slt.u32 s9, $0xF7A;
	s5 =	simm.s32 @!p2 $0x0  }
0x1d: {  	s5 =	simm.s32 @p1 $0x1;
	p0 =	seq.s32 s7, s2  }
0x1e: {  	s7 =	smul.u32 @!p0 $0xF7A, s2;
	p2 =	seq.s32 @!p0 s5, $0x0  }
0x1f: {  	s9 =	smul.u32 $0xF7A, s1;
	s8 =	simm.s32 @!p0 $0x1BF5;
	p2 =	por !p2, p0  }
0x20: {  	[sflag:s8] =	ssyncset.s32 @!p0 $0xFFFFF086;
	s6 =	sadd.s32 @!p0 s3, s7;
	s7 =	simm.s32 @!p0 $0x108  }
0x21: {  	s3 =	sadd.s32 s3, s9;
	s6 =	sadd.s32 @!p0 $0x88, s6;
	s7 =	simm.s32 @p2 $0x1082  }
0x22: {  	[simem:s7], [sflag:s8] =	dma.local @!p0 [hbm:s6], $0xF7A  }
0x23: {  	s9 =	sor.u32 $0xD0000000, s2;
	s6 =	simm.s32 $0x108;
	_ =	swait.ge @!p0 [sflag:s8], $0x0  }
0x24: {  	s3 =	sadd.s32 $0x88, s3;
	s6 =	simm.s32 @!p1 $0x1082;
	[sflag:s4] =	ssyncset.s32 $0xFFFFF086  }
0x25: {  	[simem:s6], [sflag:s4] =	dma.local [hbm:s3], $0xF7A  }
0x26: {  	[smem:$0x3F93] =	sst s1;
	(tag) =	ssettag s2;
	_ =	strace s9  }
0x27: {  	s1 =	sld [smem:$0x3FA3]  }
0x28: {  	s2 =	sld [smem:$0x3FA4]  }
0x29: {  	s4 =	sld [smem:$0x3FA6]  }
0x2a: {  	p0 =	seq.s32 s5, $0x0;
	s5 =	sld [smem:$0x3FA7]  }
0x2b: {  	s6 =	sld [smem:$0x3FA8]  }
0x2c: {  	s7 =	sld [smem:$0x3FA9]  }
0x2d: {  	s3 =	simm.s32 $0x108;
	s8 =	sld [smem:$0x3FAA]  }
0x2e: {  	s3 =	simm.s32 @!p0 $0x1082;
	s9 =	sld [smem:$0x3FAB]  }
0x2f: {  	lr =	sadd.s32 s0, s3;
	s0 =	sld [smem:$0x3FA2]  }
0x30: {  	s3 =	sld [smem:$0x3FA5]  }
0x31: {  	[smem:$0x3FAE] =	sst s10  }
0x32: {  	s10 =	sld [smem:$0x3FAC];
	_ =	sdelay $0x3  }
0x33: {  	p0 =	seq.s32 s10, $0x1;
	s10 =	sld [smem:$0x3FAE];
	_ =	sdelay $0x3  }
0x34: {  	[smem:$0x3FAE] =	sst s10  }
0x35: {  	s10 =	sld [smem:$0x3FAD];
	_ =	sdelay $0x3  }
0x36: {  	p1 =	seq.s32 s10, $0x1;
	s10 =	sld [smem:$0x3FAE];
	_ =	sdelay $0x3  }
0x37: {  	[smem:$0x3FAE] =	sst s10  }
0x38: {  	s10 =	sld [smem:$0x3FAF]  }
0x39: {  	_ = 	snop;
	(pc) =	sbr.ind lr, $3  }
0x3a: {  	_ = 	snop  }
0x3b: {  	_ = 	snop  }
0x3c: {  	p2 =	seq.s32 s10, $0x1;
	s10 =	sld [smem:$0x3FAE]  }
0x3d: {  	_ =	shalt  }
0x3e: {  	_ =	shalt  }
0x3f: {  	_ =	shalt  }
0x40: {  	_ =	shalt  }
0x41: {  	_ =	shalt  }
0x42: {  	_ =	shalt  }
0x43: {  	_ =	shalt  }
0x44: {  	_ =	shalt  }
0x45: {  	_ =	shalt  }
0x46: {  	_ =	shalt  }
0x47: {  	_ =	shalt  }
0x48: {  	_ =	shalt  }
0x49: {  	_ =	shalt  }
0x4a: {  	_ =	shalt  }
0x4b: {  	_ =	shalt  }
0x4c: {  	_ =	shalt  }
0x4d: {  	_ =	shalt  }
0x4e: {  	_ =	shalt  }
0x4f: {  	_ =	shalt  }
0x50: {  	_ =	shalt  }
0x51: {  	_ =	shalt  }
0x52: {  	_ =	shalt  }
0x53: {  	_ =	shalt  }
0x54: {  	_ =	shalt  }
0x55: {  	_ =	shalt  }
0x56: {  	_ =	shalt  }
0x57: {  	_ =	shalt  }
0x58: {  	_ =	shalt  }
0x59: {  	_ =	shalt  }
0x5a: {  	_ =	shalt  }
0x5b: {  	_ =	shalt  }
0x5c: {  	_ =	shalt  }
0x5d: {  	_ =	shalt  }
0x5e: {  	_ =	shalt  }
0x5f: {  	_ =	shalt  }
0x60: {  	_ =	shalt  }
0x61: {  	_ =	shalt  }
0x62: {  	_ =	shalt  }
0x63: {  	_ =	shalt  }
0x64: {  	_ =	shalt  }
0x65: {  	_ =	shalt  }
0x66: {  	_ =	shalt  }
0x67: {  	_ =	shalt  }
0x68: {  	_ =	shalt  }
0x69: {  	_ =	shalt  }
0x6a: {  	_ =	shalt  }
0x6b: {  	_ =	shalt  }
0x6c: {  	_ =	shalt  }
0x6d: {  	_ =	shalt  }
0x6e: {  	_ =	shalt  }
0x6f: {  	_ =	shalt  }
0x70: {  	_ =	shalt  }
0x71: {  	_ =	shalt  }
0x72: {  	_ =	shalt  }
0x73: {  	_ =	shalt  }
0x74: {  	_ =	shalt  }
0x75: {  	_ =	shalt  }
0x76: {  	_ =	shalt  }
0x77: {  	_ =	shalt  }
0x78: {  	_ =	shalt  }
0x79: {  	_ =	shalt  }
0x7a: {  	_ =	shalt  }
0x7b: {  	_ =	shalt  }
0x7c: {  	_ =	shalt  }
0x7d: {  	_ =	shalt  }
0x7e: {  	_ =	shalt  }
0x7f: {  	_ =	shalt  }
0x80: {  	_ =	shalt  }
0x81: {  	_ =	shalt  }
0x82: {  	_ =	shalt  }
0x83: {  	_ =	shalt  }
0x84: {  	_ =	shalt  }
0x85: {  	_ =	shalt  }
0x86: {  	_ =	shalt  }
0x87: {  	_ =	shalt  }
.Lfunc_end0:
.L_simem_size_0:
called_computation.1_lowered:
.L_overlay_start_0:
0x88: {  	s2 =	sld [smem:$0x3FD9]  }
0x89: {  	s3 =	sld [smem:$0x3FFE];
	_ =	sdelay $0x1  }
0x8a: {  	s1 =	srdreg.scid  }
0x8b: {  	s0 =	sand.u32 $0x1, s1  }
0x8c: {  	s16 =	sshll.u32 s0, $0xA;
	s2 =	sadd.s32 s3, s2  }
0x8d: {  	s2 =	sadd.s32 s2, s16  }
0x8e: {  	[smem:$0x3FBA] =	sst s2  }
0x8f: {  	_ = 	snop  }
0x90: {  	(tm) =	ssettm $0x1  }
0x91: {  	s17 =	sld [smem:$0x3FFB];
	_ =	sdelay $0x3  }
0x92: {  	_ =	strace s17  }
0x93: {  	s2 =	sld [smem:$0x3FFC];
	_ =	sdelay $0x3  }
0x94: {  	_ =	strace s2  }
0x95: {  	s2 =	sld [smem:$0x3FFD];
	_ =	sdelay $0x3  }
0x96: {  	_ =	strace s2  }
0x97: {  	_ =	strace $0x8FFFFFFF  }
0x98: {  	s18 =	sld [smem:$0x3FDB];
	_ =	sdelay $0x1  }
0x99: {  	s19 =	simm.s32 $_scs_section_size  }
0x9a: {  	s4 =	simm.s32 $_size__tile_overlayer_lowered;
	s5 =	simm.s32 $_tile_overlayer_lowered  }
0x9b: {  	s22 =	simm.s32 $0x1BFF;
	s21 =	sshll.u32 s5, $0x1;
	s2 =	sadd.s32 s19, s18  }
0x9c: {  	s6 =	simm.s32 $0x0;
	s20 =	sshll.u32 s4, $0x1;
	s4 =	sadd.s32 s21, s2  }
0x9d: {  	[timem:s6], [sflag:s22] =	dma.local [hbm:s4], s20  }
0x9e: {  	_ =	swait.ge [sflag:s22], s20  }
0x9f: {  	s3 =	ssub.s32 $0x0, s20;
	[sflag:s22] =	ssyncset.done $0x0  }
0xa0: {  	[sflag:s22] =	ssyncadd.s32 s3;
	_ =	sdelay $0x1  }
0xa1: {  	s23 =	simm.s32 $0x1B8B  }
0xa2: {  	_ =	swait.ge [sflag:s23], $0x1  }
0xa3: {  	[sflag:s23] =	ssyncset.done $0x0  }
0xa4: {  	s25 =	simm.s32 $0x1B8E;
	s24 =	sld [smem:$0x3FFE];
	[sflag:s23] =	ssyncadd.s32 $0xFFFFFFFF  }
0xa5: {  	s26 =	simm.s32 $execute0_lowered;
	[smem:$0x3FD2] =	sst s25  }
0xa6: {  	s4 =	sshll.u32 s26, $0x1;
	_ =	strace $0x80000049;
	[dreg:$0x1] =	wrdreg $0xFFFFFFFF  }
0xa7: {  	s28 =	simm.s32 $_size_execute0_lowered;
	s2 =	sadd.s32 s2, s4;
	[dreg:$0x0] =	wrdreg $0x0  }
0xa8: {  	s4 =	sshll.u32 s28, $0x1;
	[dreg:$0x2] =	wrdreg s2  }
0xa9: {  	[dreg:$0x3] =	wrdreg s4  }
0xaa: {  	[dreg:$0x4] =	wrdreg $0xC0  }
0xab: {  	_ =	task [dreg:s6], $0x5FFFF  }
0xac: {  	[dreg:$0x1] =	wrdreg $0xFFFFFFFF  }
0xad: {  	[dreg:$0x0] =	wrdreg $0x60  }
0xae: {  	[dreg:$0x2] =	wrdreg s24  }
0xaf: {  	[dreg:$0x3] =	wrdreg $0x131000  }
0xb0: {  	[dreg:$0x4] =	wrdreg $0x9  }
0xb1: {  	_ =	task.clear_ibuf [dreg:s6], $0x5FFFF;
	_ =	strace $0x90000049  }
0xb2: {  	s29 =	simm.s32 $0x9;
	_ =	strace $0x8000004B  }
0xb3: {  	_ =	swait.ge [sflag:s29], $0x1  }
0xb4: {  	[sflag:s29] =	ssyncadd.s32 $0xFFFFFFFF  }
0xb5: {  	_ =	strace $0x9000004B  }
0xb6: {  	_ =	sfence  }
0xb7: {  	s30 =	sld [smem:$0x0];
	_ =	sdelay $0x2  }
0xb8: {  	s31 =	sshll.u32 s1, $0xD;
	s1 =	sshrl.u32 s1, $0x2  }
0xb9: {  	s3 =	sand.u32 $0x4000, s31;
	s1 =	sadd.s32 s1, s30  }
0xba: {  	s0 =	sor.u32 s3, s0;
	s1 =	sshll.u32 s1, $0x11  }
0xbb: {  	s0 =	sor.u32 s1, s0  }
0xbc: {  	s0 =	sadd.s32 $0x8F2B, s0  }
0xbd: {  	[sflag:s0] =	ssyncadd.remote.s32 $0x1  }
0xbe: {  	_ =	sfence.sel $0xFFFF  }
0xbf: {  	[dreg:$0x0] =	wrdreg $0xFFFFFFFF;
	(pc) =	sbr.abs _section_cstart, $3  }
0xc0: {  	[dreg:$0x1] =	wrdreg $0xFFFFFFFF  }
0xc1: {  	_ =	task.clear_ibuf [dreg:s6], $0x2FFFF;
	_ =	strace $0x9FFFFFFF  }
0xc2: {  	(tm) =	ssettm $0x7FFFFFFF  }
0xc3: {  	_ =	shalt  }
tec
execute0_lowered:
.L_overlay_start_1:
0x0: {  	(tag) =	ssettag $0x1  }
0x1: {  	s0 =	rddreg [dreg:$0x0]  }
0x2: {  	s1 =	srdreg.scid;
	s14 =	stileid.u32  }
0x3: {  	s2 =	rddreg [dreg:$0x1];
	s4 =	simm.s32 $0x0;
	s15 =	simm.s32 $0xB  }
0x4: {  	s16 =	simm.s32 $0x80;
	s17 =	simm.s32 $0x9100;
	s18 =	simm.s32 $0xB100  }
0x5: {  	s26 =	simm.s32 $0x11100;
	s28 =	simm.s32 $0x7;
	s29 =	simm.s32 $0x4  }
0x6: {  	s30 =	simm.s32 $0x8;
	s31 =	simm.s32 $0x5;
	s1 =	sand.u32 $0x1, s1  }
0x7: {  	s3 =	smul.u32 $0x9D00, s14;
	[smem:$0x7FF] =	sst s4;
	s4 =	sadd.s32 $0x4200, s0  }
0x8: {  	s7 =	sadd.s32 $0x49800, s0;
	s10 =	sadd.s32 $0x3EE00, s0;
	s19 =	smul.u32 $0x780, s14  }
0x9: {  	s6 =	sadd.s32 $0x54200, s0;
	s11 =	smul.u32 $0x910, s14;
	s25 =	sshll.u32 s14, $0x6  }
0xa: {  	s5 =	smul.u32 $0x9D000, s1;
	_ =	strace $0x8000004A;
	[dreg:$0x5] =	wrdreg s6  }
0xb: {  	s8 =	ssub.s32 $0x2, s1;
	p0 =	seq.s32 s1, $0x0;
	s6 =	simm.s32 $0x91  }
0xc: {  	[dreg:$0x4] =	wrdreg s26;
	s26 =	simm.s32 $0x3;
	s6 =	simm.s32 @!p0 $0xF  }
0xd: {  	s9 =	sshrl.u32 s8, $0x1;
	s21 =	sadd.s32 s7, s11;
	s22 =	sadd.s32 s10, s11  }
0xe: {  	p0 =	sne.s32 s1, $0x0;
	s1 =	simm.s32 $0x9;
	s5 =	sadd.s32 s3, s5  }
0xf: {  	s12 =	smul.u32 $0xCD, s6;
	s13 =	ssub.s32 s8, s9;
	[dreg:$0x8] =	wrdreg s21  }
0x10: {  	[dreg:$0x9] =	wrdreg s22;
	s3 =	sadd.s32 s3, s2;
	s22 =	simm.s32 $0xF100  }
0x11: {  	s5 =	sshrl.u32 s5, $0x3;
	s14 =	sshrl.u32 s3, $0x3;
	s3 =	simm.s32 $0x0  }
0x12: {  	s0 =	sadd.s32 s5, s0;
	s5 =	sshrl.u32 s19, $0x3;
	s23 =	sshrl.u32 s12, $0xA  }
0x13: {  	s12 =	smax.u32 s13, $0x1;
	s13 =	sor.u32 $0x1C0B, s25;
	s25 =	simm.s32 $0x6  }
0x14: {  	s5 =	sadd.s32 $0x9100, s5;
	s11 =	sadd.s32 $0xD0000, s0;
	s24 =	ssub.s32 $0x0, s23  }
0x15: {  	s23 =	simm.s32 $0x1;
	s20 =	sadd.s32 s7, s5;
	[dreg:$0x3] =	wrdreg s24  }
0x16: {  	s0 =	simm.s32 $0xA;
	s5 =	sadd.s32 s10, s5;
	[dreg:$0x6] =	wrdreg s20  }
0x17: {  	s24 =	simm.s32 $0x2;
	[dreg:$0x7] =	wrdreg s5;
	s20 =	simm.s32 $0xD100  }
.LBB2_1:
0x18: {  	s5 =	simm.s32 @p0 $0x0;
	s7 =	rddreg [dreg:$0x6]  }
0x19: {  	[tilespmem:s5], [sflag:$0xB] =	stream.linear.gather @p0 [hbm4b:s7+s5], $0x780, $0x38;
	[tilespmem:$0x1CE00] =	vst v63  }
0x1a: {  	s7 =	simm.s32 @p0 $0xB  }
0x1b: {  	_ =	swait.ge @p0 [sflag:s7], $0x780  }
0x1c: {  	[sflag:s7] =	ssyncset.done @p0 $0x0  }
0x1d: {  	s19 =	simm.s32 @p0 $0x4880;
	s8 =	rddreg [dreg:$0x7];
	[sflag:s7] =	ssyncadd.s32 @p0 $0xFFFFF880  }
0x1e: {  	[tilespmem:s19], [sflag:$0xB] =	stream.linear.gather @p0 [hbm4b:s8+s5], $0x780, $0x38;
	[tilespmem:$0x1CE00] =	vst v63  }
0x1f: {  	_ =	swait.ge @p0 [sflag:s7], $0x780  }
0x20: {  	[sflag:s7] =	ssyncset.done @p0 $0x0  }
0x21: {  	s5 =	simm.s32 @!p0 $0x0;
	[sflag:s7] =	ssyncadd.s32 @p0 $0xFFFFF880;
	s7 =	rddreg [dreg:$0x8]  }
0x22: {  	[tilespmem:s5], [sflag:$0xB] =	stream.linear.gather @!p0 [hbm4b:s7+s5], $0x4880, $0x38;
	[tilespmem:$0x1CE00] =	vst v63  }
0x23: {  	s7 =	simm.s32 @!p0 $0xB  }
0x24: {  	_ =	swait.ge @!p0 [sflag:s7], $0x4880  }
0x25: {  	[sflag:s7] =	ssyncset.done @!p0 $0x0  }
0x26: {  	s19 =	simm.s32 @!p0 $0x4880;
	s8 =	rddreg [dreg:$0x9];
	[sflag:s7] =	ssyncadd.s32 @!p0 $0xFFFFB780  }
0x27: {  	[tilespmem:s19], [sflag:$0xB] =	stream.linear.gather @!p0 [hbm4b:s8+s5], $0x4880, $0x38;
	[tilespmem:$0x1CE00] =	vst v63  }
0x28: {  	_ =	swait.ge @!p0 [sflag:s7], $0x4880  }
0x29: {  	[sflag:s7] =	ssyncset.done @!p0 $0x0  }
0x2a: {  	s9 =	rddreg [dreg:$0x5];
	[sflag:s7] =	ssyncadd.s32 @!p0 $0xFFFFB780  }
0x2b: {  	[spmem:s14], [sflag:s13] =	dma.local [hbm:s9], $0x13A0  }
0x2c: {  	_ =	swait.ge [sflag:s15], $0x13A0  }
0x2d: {  	[sflag:s15] =	ssyncset.done $0x0  }
0x2e: {  	[sflag:s15] =	ssyncadd.s32 $0xFFFFEC60  }
0x2f: {  	s10 =	simm.s32 $0x0;
	[bflag:$0x0] =	sbarrier.arrive $0xFFFF  }
0x30: {  	[tilespmem:s17], [sflag:$0x1] =	stream.indirect.gather [hbm4b:s4+s16], $0x40, s10, s16, $0xb8;
	[tilespmem:$0x1CE00] =	vst v63  }
0x31: {  	_ = 	snop  }
0x32: {  	[tilespmem:s18], [sflag:$0x2] =	stream.indirect.gather [hbm4b:s4+s16], $0x40, s16, s16, $0xb8;
	[tilespmem:$0x1CE00] =	vst v63  }
0x33: {  	s19 =	simm.s32 $0x100  }
0x34: {  	[tilespmem:s20], [sflag:$0x3] =	stream.indirect.gather [hbm4b:s4+s16], $0x40, s19, s16, $0xb8;
	[tilespmem:$0x1CE00] =	vst v63  }
0x35: {  	s21 =	simm.s32 $0x180  }
0x36: {  	[tilespmem:s22], [sflag:$0x4] =	stream.indirect.gather [hbm4b:s4+s16], $0x40, s21, s16, $0xb8;
	[tilespmem:$0x1CE00] =	vst v63  }
0x37: {  	s5 =	simm.s32 $0x0;
	s19 =	simm.s32 $0x8;
	s21 =	simm.s32 $0x0  }
.LBB2_2:
0x38: {  	_ =	swait.ge [sflag:s23], $0x2000  }
0x39: {  	s7 =	sshra.s32 s21, $0x2;
	[sflag:s23] =	ssyncset.done $0x0  }
0x3a: {  	p1 =	seq.s32 s5, $0x0;
	s8 =	sadd.s32 $0x4880, s7;
	[sflag:s23] =	ssyncadd.s32 $0xFFFFE000  }
0x3b: {  	[spmem:s2] =	stream.indirect.scatter.add.f32 [tilespmem:s17], [sflag:$0x6], $0x40, s8, s16, $0xb8;
	[tilespmem:$0x1CE00] =	vst v63  }
0x3c: {  	s8 =	simm.s32 @!p1 $0xA  }
0x3d: {  	s9 =	sadd.s32 $0xFFFFFFFC, s19;
	_ =	swait.ge @!p1 [sflag:s8], $0x2000  }
0x3e: {  	p2 =	sge.u32 s9, s6;
	[sflag:s8] =	ssyncset.done @!p1 $0x0  }
0x3f: {  	[sflag:s8] =	ssyncadd.s32 @!p1 $0xFFFFE000;
	s8 =	sshra.s32 @!p2 s21, $0x2  }
0x40: {  	s9 =	simm.s32 @!p2 $0x80;
	s10 =	simm.s32 @!p2 $0x11100;
	s8 =	sadd.s32 @!p2 $0x200, s8  }
0x41: {  	[tilespmem:s10], [sflag:$0x5] =	stream.indirect.gather @!p2 [hbm4b:s4+s9], $0x40, s8, s9, $0xb8;
	[tilespmem:$0x1CE00] =	vst v63  }
0x42: {  	_ =	swait.ge [sflag:s24], $0x2000  }
0x43: {  	[sflag:s24] =	ssyncset.done $0x0  }
0x44: {  	s10 =	sadd.s32 $0x4900, s7;
	s9 =	sadd.s32 $0xFFFFFFFD, s19;
	[sflag:s24] =	ssyncadd.s32 $0xFFFFE000  }
0x45: {  	[spmem:s2] =	stream.indirect.scatter.add.f32 [tilespmem:s18], [sflag:$0x7], $0x40, s10, s16, $0xb8;
	[tilespmem:$0x1CE00] =	vst v63  }
0x46: {  	p1 =	sge.u32 s9, s6;
	_ =	swait.ge [sflag:s25], $0x2000  }
0x47: {  	s8 =	sshra.s32 @!p1 s21, $0x2;
	s9 =	simm.s32 @!p1 $0x80;
	[sflag:s25] =	ssyncset.done $0x0  }
0x48: {  	s8 =	sadd.s32 @!p1 $0x280, s8;
	s10 =	simm.s32 @!p1 $0x9100;
	[sflag:s25] =	ssyncadd.s32 $0xFFFFE000  }
0x49: {  	[tilespmem:s10], [sflag:$0x1] =	stream.indirect.gather @!p1 [hbm4b:s4+s9], $0x40, s8, s9, $0xb8;
	[tilespmem:$0x1CE00] =	vst v63  }
0x4a: {  	_ =	swait.ge [sflag:s26], $0x2000  }
0x4b: {  	[sflag:s26] =	ssyncset.done $0x0  }
0x4c: {  	s10 =	sadd.s32 $0x4980, s7;
	s9 =	sadd.s32 $0xFFFFFFFE, s19;
	[sflag:s26] =	ssyncadd.s32 $0xFFFFE000  }
0x4d: {  	[spmem:s2] =	stream.indirect.scatter.add.f32 [tilespmem:s20], [sflag:$0x8], $0x40, s10, s16, $0xb8;
	[tilespmem:$0x1CE00] =	vst v63  }
0x4e: {  	p1 =	sge.u32 s9, s6;
	_ =	swait.ge [sflag:s28], $0x2000  }
0x4f: {  	s8 =	sshra.s32 @!p1 s21, $0x2;
	s9 =	simm.s32 @!p1 $0x80;
	[sflag:s28] =	ssyncset.done $0x0  }
0x50: {  	s8 =	sadd.s32 @!p1 $0x300, s8;
	s10 =	simm.s32 @!p1 $0xB100;
	[sflag:s28] =	ssyncadd.s32 $0xFFFFE000  }
0x51: {  	[tilespmem:s10], [sflag:$0x2] =	stream.indirect.gather @!p1 [hbm4b:s4+s9], $0x40, s8, s9, $0xb8;
	[tilespmem:$0x1CE00] =	vst v63  }
0x52: {  	_ =	swait.ge [sflag:s29], $0x2000  }
0x53: {  	[sflag:s29] =	ssyncset.done $0x0  }
0x54: {  	s10 =	sadd.s32 $0x4A00, s7;
	s9 =	sadd.s32 $0xFFFFFFFF, s19;
	[sflag:s29] =	ssyncadd.s32 $0xFFFFE000  }
0x55: {  	[spmem:s2] =	stream.indirect.scatter.add.f32 [tilespmem:s22], [sflag:$0x9], $0x40, s10, s16, $0xb8;
	[tilespmem:$0x1CE00] =	vst v63  }
0x56: {  	p1 =	sge.u32 s9, s6;
	_ =	swait.ge [sflag:s30], $0x2000  }
0x57: {  	s8 =	sshra.s32 @!p1 s21, $0x2;
	s9 =	simm.s32 @!p1 $0x80;
	[sflag:s30] =	ssyncset.done $0x0  }
0x58: {  	s8 =	sadd.s32 @!p1 $0x380, s8;
	s10 =	simm.s32 @!p1 $0xD100;
	[sflag:s30] =	ssyncadd.s32 $0xFFFFE000  }
0x59: {  	[tilespmem:s10], [sflag:$0x3] =	stream.indirect.gather @!p1 [hbm4b:s4+s9], $0x40, s8, s9, $0xb8;
	[tilespmem:$0x1CE00] =	vst v63  }
0x5a: {  	_ =	swait.ge [sflag:s31], $0x2000  }
0x5b: {  	s7 =	sadd.s32 $0x4A80, s7;
	[sflag:s31] =	ssyncset.done $0x0  }
0x5c: {  	p1 =	sge.u32 s19, s6;
	s10 =	rddreg [dreg:$0x4];
	[sflag:s31] =	ssyncadd.s32 $0xFFFFE000  }
0x5d: {  	[spmem:s2] =	stream.indirect.scatter.add.f32 [tilespmem:s10], [sflag:$0xA], $0x40, s7, s16, $0xb8;
	[tilespmem:$0x1CE00] =	vst v63  }
0x5e: {  	s5 =	sadd.s32 $0xFFFFFFFF, s5;
	s8 =	simm.s32 @!p1 $0x80;
	_ =	swait.ge [sflag:s1], $0x2000  }
0x5f: {  	s9 =	simm.s32 @!p1 $0xF100;
	s7 =	sshra.s32 @!p1 s21, $0x2;
	[sflag:s1] =	ssyncset.done $0x0  }
0x60: {  	s7 =	sadd.s32 @!p1 $0x400, s7;
	s10 =	rddreg [dreg:$0x3];
	[sflag:s1] =	ssyncadd.s32 $0xFFFFE000  }
0x61: {  	[tilespmem:s9], [sflag:$0x4] =	stream.indirect.gather @!p1 [hbm4b:s4+s8], $0x40, s7, s8, $0xb8;
	[tilespmem:$0x1CE00] =	vst v63  }
0x62: {  	p1 =	sne.s32 s10, s5  }
.Ltmp0:
0x63: {  	_ = 	snop;
	(pc) =	sbr.rel @p1 .LBB2_2-.Ltmp0, $2  }
0x64: {  	_ =	sdelay $0x2  }
0x65: {  	s19 =	sadd.s32 $0x5, s19;
	s21 =	sadd.s32 $0xA00, s21  }
0x66: {  	_ =	swait.ge [sflag:s0], $0x2000  }
0x67: {  	s3 =	sadd.s32 $0x1, s3;
	[sflag:s0] =	ssyncset.done $0x0  }
0x68: {  	p1 =	sne.s32 s3, s12;
	[sflag:s0] =	ssyncadd.s32 $0xFFFFE000  }
.Ltmp1:
0x69: {  	[bflag:$0x0] =	sbarrier.arrive $0xFFFF;
	(pc) =	sbr.rel @p1 .LBB2_1-.Ltmp1, $4  }
0x6a: {  	[hbm:s11], [sflag:s13] =	dma.local [spmem:s14], $0x13A0  }
0x6b: {  	_ =	swait.ge [sflag:s15], $0x13A0  }
0x6c: {  	[sflag:s15] =	ssyncset.done $0x0  }
0x6d: {  	[sflag:s15] =	ssyncadd.s32 $0xFFFFEC60  }
0x6e: {  	_ =	sfence.sel $0x180000  }
0x6f: {  	[bflag:$0x0] =	sbarrier.arrive $0xFFFF  }
0x70: {  	_ =	strace $0x9000004A  }
0x71: {  	s0 =	stileid.u32;
	[bflag:$0x2] =	sbarrier.arrive $0xFFFF  }
0x72: {  	p0 =	sne.s32 s0, $0x0;
	s0 =	rddreg [dreg:$0x2]  }
0x73: {  	s0 =	sadd.s32 @!p0 $0x100000, s0  }
0x74: {  	[sflag:s0] =	ssyncadd.tile.s32 @!p0 $0x1;
	_ =	shalt  }
.Lfunc_end2:
_tile_overlayer_lowered:
.L_overlay_start_2:
0x75: {  	(tag) =	ssettag $0x2  }
0x76: {  	s0 =	rddreg [dreg:$0x0];
	s2 =	stileid.u32  }
0x77: {  	s1 =	rddreg [dreg:$0x1];
	p0 =	sne.s32 s2, $0x0  }
0x78: {  	s3 =	rddreg [dreg:$0x2];
	[bflag:$0x3] =	sbarrier.arrive $0xFFFF;
	s2 =	simm.s32 @!p0 $0x1C0B  }
0x79: {  	[timem:s3], [sflag:s2] =	dma.local @!p0 [hbm:s0], s1  }
0x7a: {  	s0 =	simm.s32 @!p0 $0xB  }
0x7b: {  	_ =	swait.ge @!p0 [sflag:s0], s1  }
0x7c: {  	s1 =	ssub.s32 @!p0 $0x0, s1;
	[sflag:s0] =	ssyncset.done @!p0 $0x0  }
0x7d: {  	[sflag:s0] =	ssyncadd.s32 @!p0 s1  }
0x7e: {  	[bflag:$0x3] =	sbarrier.arrive $0xFFFF  }
0x7f: {  	_ =	shalt  }

// kernel: kernel.17.cloned.1.call-start
scs
__scs_entry_jumppad:
0x0: {  	(pc) =	sbr.rel $0x88, $3  }
0x1: {  	(tag) =	ssettag $0x0;
	lr =	simm.s32 $0x1  }
0x2: {  	[smem:$0x3F93] =	sst lr;
	_ =	strace $0xD0000000  }
0x3: {  	_ = 	snop  }
0x4: {  	_ = 	snop  }
0x5: {  	_ = 	snop  }
0x6: {  	_ = 	snop  }
0x7: {  	_ = 	snop  }
__scs_overlays_trampoline_lowered:
0x8: {  	[smem:$0x3FA2] =	sst s0  }
0x9: {  	[smem:$0x3FA3] =	sst s1  }
0xa: {  	[smem:$0x3FA4] =	sst s2  }
0xb: {  	[smem:$0x3FA5] =	sst s3  }
0xc: {  	[smem:$0x3FA6] =	sst s4  }
0xd: {  	[smem:$0x3FA7] =	sst s5  }
0xe: {  	[smem:$0x3FA8] =	sst s6  }
0xf: {  	[smem:$0x3FA9] =	sst s7  }
0x10: {  	[smem:$0x3FAA] =	sst s8  }
0x11: {  	[smem:$0x3FAB] =	sst s9;
	s0 =	simm.s32 @!p0 $0x0  }
0x12: {  	s1 =	sld [smem:$0x3F91];
	s0 =	simm.s32 @p0 $0x1  }
0x13: {  	[smem:$0x3FAC] =	sst s0;
	s0 =	simm.s32 @!p1 $0x0  }
0x14: {  	s2 =	sld [smem:$0x3F90];
	s0 =	simm.s32 @p1 $0x1  }
0x15: {  	[smem:$0x3FAD] =	sst s0;
	s0 =	simm.s32 @!p2 $0x0  }
0x16: {  	s3 =	sld [smem:$0x3FDB];
	s0 =	simm.s32 @p2 $0x1  }
0x17: {  	s4 =	simm.s32 $0x1BF5;
	[smem:$0x3FAF] =	sst s0  }
0x18: {  	s0 =	sld [smem:$0x3F92];
	_ =	swait.ge [sflag:s4], $0x0  }
0x19: {  	s7 =	sld [smem:$0x3F93]  }
0x1a: {  	s8 =	sadd.s32 $0xFFFFE003, lr  }
0x1b: {  	s9 =	sadd.s32 $0xFFFFFEF7, lr;
	s5 =	simm.s32 $0xFFFFFFFF;
	p2 =	slt.u32 s8, $0xFFFFF086  }
0x1c: {  	p1 =	slt.u32 s9, $0xF7A;
	s5 =	simm.s32 @!p2 $0x0  }
0x1d: {  	s5 =	simm.s32 @p1 $0x1;
	p0 =	seq.s32 s7, s2  }
0x1e: {  	s7 =	smul.u32 @!p0 $0xF7A, s2;
	p2 =	seq.s32 @!p0 s5, $0x0  }
0x1f: {  	s9 =	smul.u32 $0xF7A, s1;
	s8 =	simm.s32 @!p0 $0x1BF5;
	p2 =	por !p2, p0  }
0x20: {  	[sflag:s8] =	ssyncset.s32 @!p0 $0xFFFFF086;
	s6 =	sadd.s32 @!p0 s3, s7;
	s7 =	simm.s32 @!p0 $0x108  }
0x21: {  	s3 =	sadd.s32 s3, s9;
	s6 =	sadd.s32 @!p0 $0x88, s6;
	s7 =	simm.s32 @p2 $0x1082  }
0x22: {  	[simem:s7], [sflag:s8] =	dma.local @!p0 [hbm:s6], $0xF7A  }
0x23: {  	s9 =	sor.u32 $0xD0000000, s2;
	s6 =	simm.s32 $0x108;
	_ =	swait.ge @!p0 [sflag:s8], $0x0  }
0x24: {  	s3 =	sadd.s32 $0x88, s3;
	s6 =	simm.s32 @!p1 $0x1082;
	[sflag:s4] =	ssyncset.s32 $0xFFFFF086  }
0x25: {  	[simem:s6], [sflag:s4] =	dma.local [hbm:s3], $0xF7A  }
0x26: {  	[smem:$0x3F93] =	sst s1;
	(tag) =	ssettag s2;
	_ =	strace s9  }
0x27: {  	s1 =	sld [smem:$0x3FA3]  }
0x28: {  	s2 =	sld [smem:$0x3FA4]  }
0x29: {  	s4 =	sld [smem:$0x3FA6]  }
0x2a: {  	p0 =	seq.s32 s5, $0x0;
	s5 =	sld [smem:$0x3FA7]  }
0x2b: {  	s6 =	sld [smem:$0x3FA8]  }
0x2c: {  	s7 =	sld [smem:$0x3FA9]  }
0x2d: {  	s3 =	simm.s32 $0x108;
	s8 =	sld [smem:$0x3FAA]  }
0x2e: {  	s3 =	simm.s32 @!p0 $0x1082;
	s9 =	sld [smem:$0x3FAB]  }
0x2f: {  	lr =	sadd.s32 s0, s3;
	s0 =	sld [smem:$0x3FA2]  }
0x30: {  	s3 =	sld [smem:$0x3FA5]  }
0x31: {  	[smem:$0x3FAE] =	sst s10  }
0x32: {  	s10 =	sld [smem:$0x3FAC];
	_ =	sdelay $0x3  }
0x33: {  	p0 =	seq.s32 s10, $0x1;
	s10 =	sld [smem:$0x3FAE];
	_ =	sdelay $0x3  }
0x34: {  	[smem:$0x3FAE] =	sst s10  }
0x35: {  	s10 =	sld [smem:$0x3FAD];
	_ =	sdelay $0x3  }
0x36: {  	p1 =	seq.s32 s10, $0x1;
	s10 =	sld [smem:$0x3FAE];
	_ =	sdelay $0x3  }
0x37: {  	[smem:$0x3FAE] =	sst s10  }
0x38: {  	s10 =	sld [smem:$0x3FAF]  }
0x39: {  	_ = 	snop;
	(pc) =	sbr.ind lr, $3  }
0x3a: {  	_ = 	snop  }
0x3b: {  	_ = 	snop  }
0x3c: {  	p2 =	seq.s32 s10, $0x1;
	s10 =	sld [smem:$0x3FAE]  }
0x3d: {  	_ =	shalt  }
0x3e: {  	_ =	shalt  }
0x3f: {  	_ =	shalt  }
0x40: {  	_ =	shalt  }
0x41: {  	_ =	shalt  }
0x42: {  	_ =	shalt  }
0x43: {  	_ =	shalt  }
0x44: {  	_ =	shalt  }
0x45: {  	_ =	shalt  }
0x46: {  	_ =	shalt  }
0x47: {  	_ =	shalt  }
0x48: {  	_ =	shalt  }
0x49: {  	_ =	shalt  }
0x4a: {  	_ =	shalt  }
0x4b: {  	_ =	shalt  }
0x4c: {  	_ =	shalt  }
0x4d: {  	_ =	shalt  }
0x4e: {  	_ =	shalt  }
0x4f: {  	_ =	shalt  }
0x50: {  	_ =	shalt  }
0x51: {  	_ =	shalt  }
0x52: {  	_ =	shalt  }
0x53: {  	_ =	shalt  }
0x54: {  	_ =	shalt  }
0x55: {  	_ =	shalt  }
0x56: {  	_ =	shalt  }
0x57: {  	_ =	shalt  }
0x58: {  	_ =	shalt  }
0x59: {  	_ =	shalt  }
0x5a: {  	_ =	shalt  }
0x5b: {  	_ =	shalt  }
0x5c: {  	_ =	shalt  }
0x5d: {  	_ =	shalt  }
0x5e: {  	_ =	shalt  }
0x5f: {  	_ =	shalt  }
0x60: {  	_ =	shalt  }
0x61: {  	_ =	shalt  }
0x62: {  	_ =	shalt  }
0x63: {  	_ =	shalt  }
0x64: {  	_ =	shalt  }
0x65: {  	_ =	shalt  }
0x66: {  	_ =	shalt  }
0x67: {  	_ =	shalt  }
0x68: {  	_ =	shalt  }
0x69: {  	_ =	shalt  }
0x6a: {  	_ =	shalt  }
0x6b: {  	_ =	shalt  }
0x6c: {  	_ =	shalt  }
0x6d: {  	_ =	shalt  }
0x6e: {  	_ =	shalt  }
0x6f: {  	_ =	shalt  }
0x70: {  	_ =	shalt  }
0x71: {  	_ =	shalt  }
0x72: {  	_ =	shalt  }
0x73: {  	_ =	shalt  }
0x74: {  	_ =	shalt  }
0x75: {  	_ =	shalt  }
0x76: {  	_ =	shalt  }
0x77: {  	_ =	shalt  }
0x78: {  	_ =	shalt  }
0x79: {  	_ =	shalt  }
0x7a: {  	_ =	shalt  }
0x7b: {  	_ =	shalt  }
0x7c: {  	_ =	shalt  }
0x7d: {  	_ =	shalt  }
0x7e: {  	_ =	shalt  }
0x7f: {  	_ =	shalt  }
0x80: {  	_ =	shalt  }
0x81: {  	_ =	shalt  }
0x82: {  	_ =	shalt  }
0x83: {  	_ =	shalt  }
0x84: {  	_ =	shalt  }
0x85: {  	_ =	shalt  }
0x86: {  	_ =	shalt  }
0x87: {  	_ =	shalt  }
.Lfunc_end0:
.L_simem_size_0:
called_computation.2_lowered:
.L_overlay_start_0:
0x88: {  	s2 =	sld [smem:$0x3FD9]  }
0x89: {  	s3 =	sld [smem:$0x3FFE];
	_ =	sdelay $0x1  }
0x8a: {  	s1 =	srdreg.scid  }
0x8b: {  	s0 =	sand.u32 $0x1, s1  }
0x8c: {  	s16 =	sshll.u32 s0, $0xA;
	s2 =	sadd.s32 s3, s2  }
0x8d: {  	s2 =	sadd.s32 s2, s16  }
0x8e: {  	[smem:$0x3FBA] =	sst s2  }
0x8f: {  	_ = 	snop  }
0x90: {  	(tm) =	ssettm $0x1  }
0x91: {  	s17 =	sld [smem:$0x3FFB];
	_ =	sdelay $0x3  }
0x92: {  	_ =	strace s17  }
0x93: {  	s2 =	sld [smem:$0x3FFC];
	_ =	sdelay $0x3  }
0x94: {  	_ =	strace s2  }
0x95: {  	s2 =	sld [smem:$0x3FFD];
	_ =	sdelay $0x3  }
0x96: {  	_ =	strace s2  }
0x97: {  	_ =	strace $0x8FFFFFFF  }
0x98: {  	s18 =	sld [smem:$0x3FDB];
	_ =	sdelay $0x1  }
0x99: {  	s19 =	simm.s32 $_scs_section_size  }
0x9a: {  	s4 =	simm.s32 $_size__tile_overlayer_lowered;
	s5 =	simm.s32 $_tile_overlayer_lowered  }
0x9b: {  	s22 =	simm.s32 $0x1BFF;
	s21 =	sshll.u32 s5, $0x1;
	s2 =	sadd.s32 s19, s18  }
0x9c: {  	s6 =	simm.s32 $0x0;
	s20 =	sshll.u32 s4, $0x1;
	s4 =	sadd.s32 s21, s2  }
0x9d: {  	[timem:s6], [sflag:s22] =	dma.local [hbm:s4], s20  }
0x9e: {  	_ =	swait.ge [sflag:s22], s20  }
0x9f: {  	s3 =	ssub.s32 $0x0, s20;
	[sflag:s22] =	ssyncset.done $0x0  }
0xa0: {  	[sflag:s22] =	ssyncadd.s32 s3;
	_ =	sdelay $0x1  }
0xa1: {  	s23 =	simm.s32 $0x1B8B  }
0xa2: {  	_ =	swait.ge [sflag:s23], $0x1  }
0xa3: {  	[sflag:s23] =	ssyncset.done $0x0  }
0xa4: {  	s25 =	simm.s32 $0x1B8E;
	s24 =	sld [smem:$0x3FFE];
	[sflag:s23] =	ssyncadd.s32 $0xFFFFFFFF  }
0xa5: {  	s26 =	simm.s32 $execute0_lowered;
	[smem:$0x3FD2] =	sst s25  }
0xa6: {  	s4 =	sshll.u32 s26, $0x1;
	_ =	strace $0x8000004C;
	[dreg:$0x1] =	wrdreg $0xFFFFFFFF  }
0xa7: {  	s28 =	simm.s32 $_size_execute0_lowered;
	s2 =	sadd.s32 s2, s4;
	[dreg:$0x0] =	wrdreg $0x0  }
0xa8: {  	s4 =	sshll.u32 s28, $0x1;
	[dreg:$0x2] =	wrdreg s2  }
0xa9: {  	[dreg:$0x3] =	wrdreg s4  }
0xaa: {  	[dreg:$0x4] =	wrdreg $0xC0  }
0xab: {  	_ =	task [dreg:s6], $0x5FFFF  }
0xac: {  	[dreg:$0x1] =	wrdreg $0xFFFFFFFF  }
0xad: {  	[dreg:$0x0] =	wrdreg $0x60  }
0xae: {  	[dreg:$0x2] =	wrdreg s24  }
0xaf: {  	[dreg:$0x3] =	wrdreg $0x131000  }
0xb0: {  	[dreg:$0x4] =	wrdreg $0x9  }
0xb1: {  	_ =	task.clear_ibuf [dreg:s6], $0x5FFFF;
	_ =	strace $0x9000004C  }
0xb2: {  	s29 =	simm.s32 $0x9;
	_ =	strace $0x8000004E  }
0xb3: {  	_ =	swait.ge [sflag:s29], $0x1  }
0xb4: {  	[sflag:s29] =	ssyncadd.s32 $0xFFFFFFFF  }
0xb5: {  	_ =	strace $0x9000004E  }
0xb6: {  	_ =	sfence  }
0xb7: {  	s30 =	sld [smem:$0x0];
	_ =	sdelay $0x2  }
0xb8: {  	s31 =	sshll.u32 s1, $0xD;
	s1 =	sshrl.u32 s1, $0x2  }
0xb9: {  	s3 =	sand.u32 $0x4000, s31;
	s1 =	sadd.s32 s1, s30  }
0xba: {  	s0 =	sor.u32 s3, s0;
	s1 =	sshll.u32 s1, $0x11  }
0xbb: {  	s0 =	sor.u32 s1, s0  }
0xbc: {  	s0 =	sadd.s32 $0x8F2B, s0  }
0xbd: {  	[sflag:s0] =	ssyncadd.remote.s32 $0x1  }
0xbe: {  	_ =	sfence.sel $0xFFFF  }
0xbf: {  	[dreg:$0x0] =	wrdreg $0xFFFFFFFF;
	(pc) =	sbr.abs _section_cstart, $3  }
0xc0: {  	[dreg:$0x1] =	wrdreg $0xFFFFFFFF  }
0xc1: {  	_ =	task.clear_ibuf [dreg:s6], $0x2FFFF;
	_ =	strace $0x9FFFFFFF  }
0xc2: {  	(tm) =	ssettm $0x7FFFFFFF  }
0xc3: {  	_ =	shalt  }
tec
execute0_lowered:
.L_overlay_start_1:
0x0: {  	(tag) =	ssettag $0x1  }
0x1: {  	s0 =	rddreg [dreg:$0x0]  }
0x2: {  	s1 =	srdreg.scid;
	s14 =	stileid.u32  }
0x3: {  	s2 =	rddreg [dreg:$0x1];
	s4 =	simm.s32 $0x0;
	s15 =	simm.s32 $0xB  }
0x4: {  	s16 =	simm.s32 $0x80;
	s17 =	simm.s32 $0x9100;
	s18 =	simm.s32 $0xB100  }
0x5: {  	s26 =	simm.s32 $0x11100;
	s28 =	simm.s32 $0x7;
	s29 =	simm.s32 $0x4  }
0x6: {  	s30 =	simm.s32 $0x8;
	s31 =	simm.s32 $0x5;
	s1 =	sand.u32 $0x1, s1  }
0x7: {  	s3 =	smul.u32 $0x9D00, s14;
	[smem:$0x7FF] =	sst s4;
	s4 =	sadd.s32 $0x4200, s0  }
0x8: {  	s7 =	sadd.s32 $0x49800, s0;
	s10 =	sadd.s32 $0x3EE00, s0;
	s19 =	smul.u32 $0x780, s14  }
0x9: {  	s6 =	sadd.s32 $0x54200, s0;
	s11 =	smul.u32 $0x910, s14;
	s25 =	sshll.u32 s14, $0x6  }
0xa: {  	s5 =	smul.u32 $0x9D000, s1;
	_ =	strace $0x8000004D;
	[dreg:$0x5] =	wrdreg s6  }
0xb: {  	s8 =	ssub.s32 $0x2, s1;
	p0 =	seq.s32 s1, $0x0;
	s6 =	simm.s32 $0x91  }
0xc: {  	[dreg:$0x4] =	wrdreg s26;
	s26 =	simm.s32 $0x3;
	s6 =	simm.s32 @!p0 $0xF  }
0xd: {  	s9 =	sshrl.u32 s8, $0x1;
	s21 =	sadd.s32 s7, s11;
	s22 =	sadd.s32 s10, s11  }
0xe: {  	p0 =	sne.s32 s1, $0x0;
	s1 =	simm.s32 $0x9;
	s5 =	sadd.s32 s3, s5  }
0xf: {  	s12 =	smul.u32 $0xCD, s6;
	s13 =	ssub.s32 s8, s9;
	[dreg:$0x8] =	wrdreg s21  }
0x10: {  	[dreg:$0x9] =	wrdreg s22;
	s3 =	sadd.s32 s3, s2;
	s22 =	simm.s32 $0xF100  }
0x11: {  	s5 =	sshrl.u32 s5, $0x3;
	s14 =	sshrl.u32 s3, $0x3;
	s3 =	simm.s32 $0x0  }
0x12: {  	s0 =	sadd.s32 s5, s0;
	s5 =	sshrl.u32 s19, $0x3;
	s23 =	sshrl.u32 s12, $0xA  }
0x13: {  	s12 =	smax.u32 s13, $0x1;
	s13 =	sor.u32 $0x1C0B, s25;
	s25 =	simm.s32 $0x6  }
0x14: {  	s5 =	sadd.s32 $0x9100, s5;
	s11 =	sadd.s32 $0xD0000, s0;
	s24 =	ssub.s32 $0x0, s23  }
0x15: {  	s23 =	simm.s32 $0x1;
	s20 =	sadd.s32 s7, s5;
	[dreg:$0x3] =	wrdreg s24  }
0x16: {  	s0 =	simm.s32 $0xA;
	s5 =	sadd.s32 s10, s5;
	[dreg:$0x6] =	wrdreg s20  }
0x17: {  	s24 =	simm.s32 $0x2;
	[dreg:$0x7] =	wrdreg s5;
	s20 =	simm.s32 $0xD100  }
.LBB2_1:
0x18: {  	s5 =	simm.s32 @p0 $0x0;
	s7 =	rddreg [dreg:$0x6]  }
0x19: {  	[tilespmem:s5], [sflag:$0xB] =	stream.linear.gather @p0 [hbm4b:s7+s5], $0x780, $0x38;
	[tilespmem:$0x1CE00] =	vst v63  }
0x1a: {  	s7 =	simm.s32 @p0 $0xB  }
0x1b: {  	_ =	swait.ge @p0 [sflag:s7], $0x780  }
0x1c: {  	[sflag:s7] =	ssyncset.done @p0 $0x0  }
0x1d: {  	s19 =	simm.s32 @p0 $0x4880;
	s8 =	rddreg [dreg:$0x7];
	[sflag:s7] =	ssyncadd.s32 @p0 $0xFFFFF880  }
0x1e: {  	[tilespmem:s19], [sflag:$0xB] =	stream.linear.gather @p0 [hbm4b:s8+s5], $0x780, $0x38;
	[tilespmem:$0x1CE00] =	vst v63  }
0x1f: {  	_ =	swait.ge @p0 [sflag:s7], $0x780  }
0x20: {  	[sflag:s7] =	ssyncset.done @p0 $0x0  }
0x21: {  	s5 =	simm.s32 @!p0 $0x0;
	[sflag:s7] =	ssyncadd.s32 @p0 $0xFFFFF880;
	s7 =	rddreg [dreg:$0x8]  }
0x22: {  	[tilespmem:s5], [sflag:$0xB] =	stream.linear.gather @!p0 [hbm4b:s7+s5], $0x4880, $0x38;
	[tilespmem:$0x1CE00] =	vst v63  }
0x23: {  	s7 =	simm.s32 @!p0 $0xB  }
0x24: {  	_ =	swait.ge @!p0 [sflag:s7], $0x4880  }
0x25: {  	[sflag:s7] =	ssyncset.done @!p0 $0x0  }
0x26: {  	s19 =	simm.s32 @!p0 $0x4880;
	s8 =	rddreg [dreg:$0x9];
	[sflag:s7] =	ssyncadd.s32 @!p0 $0xFFFFB780  }
0x27: {  	[tilespmem:s19], [sflag:$0xB] =	stream.linear.gather @!p0 [hbm4b:s8+s5], $0x4880, $0x38;
	[tilespmem:$0x1CE00] =	vst v63  }
0x28: {  	_ =	swait.ge @!p0 [sflag:s7], $0x4880  }
0x29: {  	[sflag:s7] =	ssyncset.done @!p0 $0x0  }
0x2a: {  	s9 =	rddreg [dreg:$0x5];
	[sflag:s7] =	ssyncadd.s32 @!p0 $0xFFFFB780  }
0x2b: {  	[spmem:s14], [sflag:s13] =	dma.local [hbm:s9], $0x13A0  }
0x2c: {  	_ =	swait.ge [sflag:s15], $0x13A0  }
0x2d: {  	[sflag:s15] =	ssyncset.done $0x0  }
0x2e: {  	[sflag:s15] =	ssyncadd.s32 $0xFFFFEC60  }
0x2f: {  	s10 =	simm.s32 $0x0;
	[bflag:$0x0] =	sbarrier.arrive $0xFFFF  }
0x30: {  	[tilespmem:s17], [sflag:$0x1] =	stream.indirect.gather [hbm4b:s4+s16], $0x40, s10, s16, $0xb8;
	[tilespmem:$0x1CE00] =	vst v63  }
0x31: {  	_ = 	snop  }
0x32: {  	[tilespmem:s18], [sflag:$0x2] =	stream.indirect.gather [hbm4b:s4+s16], $0x40, s16, s16, $0xb8;
	[tilespmem:$0x1CE00] =	vst v63  }
0x33: {  	s19 =	simm.s32 $0x100  }
0x34: {  	[tilespmem:s20], [sflag:$0x3] =	stream.indirect.gather [hbm4b:s4+s16], $0x40, s19, s16, $0xb8;
	[tilespmem:$0x1CE00] =	vst v63  }
0x35: {  	s21 =	simm.s32 $0x180  }
0x36: {  	[tilespmem:s22], [sflag:$0x4] =	stream.indirect.gather [hbm4b:s4+s16], $0x40, s21, s16, $0xb8;
	[tilespmem:$0x1CE00] =	vst v63  }
0x37: {  	s5 =	simm.s32 $0x0;
	s19 =	simm.s32 $0x8;
	s21 =	simm.s32 $0x0  }
.LBB2_2:
0x38: {  	_ =	swait.ge [sflag:s23], $0x2000  }
0x39: {  	s7 =	sshra.s32 s21, $0x2;
	[sflag:s23] =	ssyncset.done $0x0  }
0x3a: {  	p1 =	seq.s32 s5, $0x0;
	s8 =	sadd.s32 $0x4880, s7;
	[sflag:s23] =	ssyncadd.s32 $0xFFFFE000  }
0x3b: {  	[spmem:s2] =	stream.indirect.scatter.add.f32 [tilespmem:s17], [sflag:$0x6], $0x40, s8, s16, $0xb8;
	[tilespmem:$0x1CE00] =	vst v63  }
0x3c: {  	s8 =	simm.s32 @!p1 $0xA  }
0x3d: {  	s9 =	sadd.s32 $0xFFFFFFFC, s19;
	_ =	swait.ge @!p1 [sflag:s8], $0x2000  }
0x3e: {  	p2 =	sge.u32 s9, s6;
	[sflag:s8] =	ssyncset.done @!p1 $0x0  }
0x3f: {  	[sflag:s8] =	ssyncadd.s32 @!p1 $0xFFFFE000;
	s8 =	sshra.s32 @!p2 s21, $0x2  }
0x40: {  	s9 =	simm.s32 @!p2 $0x80;
	s10 =	simm.s32 @!p2 $0x11100;
	s8 =	sadd.s32 @!p2 $0x200, s8  }
0x41: {  	[tilespmem:s10], [sflag:$0x5] =	stream.indirect.gather @!p2 [hbm4b:s4+s9], $0x40, s8, s9, $0xb8;
	[tilespmem:$0x1CE00] =	vst v63  }
0x42: {  	_ =	swait.ge [sflag:s24], $0x2000  }
0x43: {  	[sflag:s24] =	ssyncset.done $0x0  }
0x44: {  	s10 =	sadd.s32 $0x4900, s7;
	s9 =	sadd.s32 $0xFFFFFFFD, s19;
	[sflag:s24] =	ssyncadd.s32 $0xFFFFE000  }
0x45: {  	[spmem:s2] =	stream.indirect.scatter.add.f32 [tilespmem:s18], [sflag:$0x7], $0x40, s10, s16, $0xb8;
	[tilespmem:$0x1CE00] =	vst v63  }
0x46: {  	p1 =	sge.u32 s9, s6;
	_ =	swait.ge [sflag:s25], $0x2000  }
0x47: {  	s8 =	sshra.s32 @!p1 s21, $0x2;
	s9 =	simm.s32 @!p1 $0x80;
	[sflag:s25] =	ssyncset.done $0x0  }
0x48: {  	s8 =	sadd.s32 @!p1 $0x280, s8;
	s10 =	simm.s32 @!p1 $0x9100;
	[sflag:s25] =	ssyncadd.s32 $0xFFFFE000  }
0x49: {  	[tilespmem:s10], [sflag:$0x1] =	stream.indirect.gather @!p1 [hbm4b:s4+s9], $0x40, s8, s9, $0xb8;
	[tilespmem:$0x1CE00] =	vst v63  }
0x4a: {  	_ =	swait.ge [sflag:s26], $0x2000  }
0x4b: {  	[sflag:s26] =	ssyncset.done $0x0  }
0x4c: {  	s10 =	sadd.s32 $0x4980, s7;
	s9 =	sadd.s32 $0xFFFFFFFE, s19;
	[sflag:s26] =	ssyncadd.s32 $0xFFFFE000  }
0x4d: {  	[spmem:s2] =	stream.indirect.scatter.add.f32 [tilespmem:s20], [sflag:$0x8], $0x40, s10, s16, $0xb8;
	[tilespmem:$0x1CE00] =	vst v63  }
0x4e: {  	p1 =	sge.u32 s9, s6;
	_ =	swait.ge [sflag:s28], $0x2000  }
0x4f: {  	s8 =	sshra.s32 @!p1 s21, $0x2;
	s9 =	simm.s32 @!p1 $0x80;
	[sflag:s28] =	ssyncset.done $0x0  }
0x50: {  	s8 =	sadd.s32 @!p1 $0x300, s8;
	s10 =	simm.s32 @!p1 $0xB100;
	[sflag:s28] =	ssyncadd.s32 $0xFFFFE000  }
0x51: {  	[tilespmem:s10], [sflag:$0x2] =	stream.indirect.gather @!p1 [hbm4b:s4+s9], $0x40, s8, s9, $0xb8;
	[tilespmem:$0x1CE00] =	vst v63  }
0x52: {  	_ =	swait.ge [sflag:s29], $0x2000  }
0x53: {  	[sflag:s29] =	ssyncset.done $0x0  }
0x54: {  	s10 =	sadd.s32 $0x4A00, s7;
	s9 =	sadd.s32 $0xFFFFFFFF, s19;
	[sflag:s29] =	ssyncadd.s32 $0xFFFFE000  }
0x55: {  	[spmem:s2] =	stream.indirect.scatter.add.f32 [tilespmem:s22], [sflag:$0x9], $0x40, s10, s16, $0xb8;
	[tilespmem:$0x1CE00] =	vst v63  }
0x56: {  	p1 =	sge.u32 s9, s6;
	_ =	swait.ge [sflag:s30], $0x2000  }
0x57: {  	s8 =	sshra.s32 @!p1 s21, $0x2;
	s9 =	simm.s32 @!p1 $0x80;
	[sflag:s30] =	ssyncset.done $0x0  }
0x58: {  	s8 =	sadd.s32 @!p1 $0x380, s8;
	s10 =	simm.s32 @!p1 $0xD100;
	[sflag:s30] =	ssyncadd.s32 $0xFFFFE000  }
0x59: {  	[tilespmem:s10], [sflag:$0x3] =	stream.indirect.gather @!p1 [hbm4b:s4+s9], $0x40, s8, s9, $0xb8;
	[tilespmem:$0x1CE00] =	vst v63  }
0x5a: {  	_ =	swait.ge [sflag:s31], $0x2000  }
0x5b: {  	s7 =	sadd.s32 $0x4A80, s7;
	[sflag:s31] =	ssyncset.done $0x0  }
0x5c: {  	p1 =	sge.u32 s19, s6;
	s10 =	rddreg [dreg:$0x4];
	[sflag:s31] =	ssyncadd.s32 $0xFFFFE000  }
0x5d: {  	[spmem:s2] =	stream.indirect.scatter.add.f32 [tilespmem:s10], [sflag:$0xA], $0x40, s7, s16, $0xb8;
	[tilespmem:$0x1CE00] =	vst v63  }
0x5e: {  	s5 =	sadd.s32 $0xFFFFFFFF, s5;
	s8 =	simm.s32 @!p1 $0x80;
	_ =	swait.ge [sflag:s1], $0x2000  }
0x5f: {  	s9 =	simm.s32 @!p1 $0xF100;
	s7 =	sshra.s32 @!p1 s21, $0x2;
	[sflag:s1] =	ssyncset.done $0x0  }
0x60: {  	s7 =	sadd.s32 @!p1 $0x400, s7;
	s10 =	rddreg [dreg:$0x3];
	[sflag:s1] =	ssyncadd.s32 $0xFFFFE000  }
0x61: {  	[tilespmem:s9], [sflag:$0x4] =	stream.indirect.gather @!p1 [hbm4b:s4+s8], $0x40, s7, s8, $0xb8;
	[tilespmem:$0x1CE00] =	vst v63  }
0x62: {  	p1 =	sne.s32 s10, s5  }
.Ltmp0:
0x63: {  	_ = 	snop;
	(pc) =	sbr.rel @p1 .LBB2_2-.Ltmp0, $2  }
0x64: {  	_ =	sdelay $0x2  }
0x65: {  	s19 =	sadd.s32 $0x5, s19;
	s21 =	sadd.s32 $0xA00, s21  }
0x66: {  	_ =	swait.ge [sflag:s0], $0x2000  }
0x67: {  	s3 =	sadd.s32 $0x1, s3;
	[sflag:s0] =	ssyncset.done $0x0  }
0x68: {  	p1 =	sne.s32 s3, s12;
	[sflag:s0] =	ssyncadd.s32 $0xFFFFE000  }
.Ltmp1:
0x69: {  	[bflag:$0x0] =	sbarrier.arrive $0xFFFF;
	(pc) =	sbr.rel @p1 .LBB2_1-.Ltmp1, $4  }
0x6a: {  	[hbm:s11], [sflag:s13] =	dma.local [spmem:s14], $0x13A0  }
0x6b: {  	_ =	swait.ge [sflag:s15], $0x13A0  }
0x6c: {  	[sflag:s15] =	ssyncset.done $0x0  }
0x6d: {  	[sflag:s15] =	ssyncadd.s32 $0xFFFFEC60  }
0x6e: {  	_ =	sfence.sel $0x180000  }
0x6f: {  	[bflag:$0x0] =	sbarrier.arrive $0xFFFF  }
0x70: {  	_ =	strace $0x9000004D  }
0x71: {  	s0 =	stileid.u32;
	[bflag:$0x2] =	sbarrier.arrive $0xFFFF  }
0x72: {  	p0 =	sne.s32 s0, $0x0;
	s0 =	rddreg [dreg:$0x2]  }
0x73: {  	s0 =	sadd.s32 @!p0 $0x100000, s0  }
0x74: {  	[sflag:s0] =	ssyncadd.tile.s32 @!p0 $0x1;
	_ =	shalt  }
.Lfunc_end2:
_tile_overlayer_lowered:
.L_overlay_start_2:
0x75: {  	(tag) =	ssettag $0x2  }
0x76: {  	s0 =	rddreg [dreg:$0x0];
	s2 =	stileid.u32  }
0x77: {  	s1 =	rddreg [dreg:$0x1];
	p0 =	sne.s32 s2, $0x0  }
0x78: {  	s3 =	rddreg [dreg:$0x2];
	[bflag:$0x3] =	sbarrier.arrive $0xFFFF;
	s2 =	simm.s32 @!p0 $0x1C0B  }
0x79: {  	[timem:s3], [sflag:s2] =	dma.local @!p0 [hbm:s0], s1  }
0x7a: {  	s0 =	simm.s32 @!p0 $0xB  }
0x7b: {  	_ =	swait.ge @!p0 [sflag:s0], s1  }
0x7c: {  	s1 =	ssub.s32 @!p0 $0x0, s1;
	[sflag:s0] =	ssyncset.done @!p0 $0x0  }
0x7d: {  	[sflag:s0] =	ssyncadd.s32 @!p0 s1  }
0x7e: {  	[bflag:$0x3] =	sbarrier.arrive $0xFFFF  }
0x7f: {  	_ =	shalt  }

// kernel: kernel.20.cloned.1.call-start
scs
__scs_entry_jumppad:
0x0: {  	(pc) =	sbr.rel $0x88, $3  }
0x1: {  	(tag) =	ssettag $0x0;
	lr =	simm.s32 $0x1  }
0x2: {  	[smem:$0x3F93] =	sst lr;
	_ =	strace $0xD0000000  }
0x3: {  	_ = 	snop  }
0x4: {  	_ = 	snop  }
0x5: {  	_ = 	snop  }
0x6: {  	_ = 	snop  }
0x7: {  	_ = 	snop  }
__scs_overlays_trampoline_lowered:
0x8: {  	[smem:$0x3FA2] =	sst s0  }
0x9: {  	[smem:$0x3FA3] =	sst s1  }
0xa: {  	[smem:$0x3FA4] =	sst s2  }
0xb: {  	[smem:$0x3FA5] =	sst s3  }
0xc: {  	[smem:$0x3FA6] =	sst s4  }
0xd: {  	[smem:$0x3FA7] =	sst s5  }
0xe: {  	[smem:$0x3FA8] =	sst s6  }
0xf: {  	[smem:$0x3FA9] =	sst s7  }
0x10: {  	[smem:$0x3FAA] =	sst s8  }
0x11: {  	[smem:$0x3FAB] =	sst s9;
	s0 =	simm.s32 @!p0 $0x0  }
0x12: {  	s1 =	sld [smem:$0x3F91];
	s0 =	simm.s32 @p0 $0x1  }
0x13: {  	[smem:$0x3FAC] =	sst s0;
	s0 =	simm.s32 @!p1 $0x0  }
0x14: {  	s2 =	sld [smem:$0x3F90];
	s0 =	simm.s32 @p1 $0x1  }
0x15: {  	[smem:$0x3FAD] =	sst s0;
	s0 =	simm.s32 @!p2 $0x0  }
0x16: {  	s3 =	sld [smem:$0x3FDB];
	s0 =	simm.s32 @p2 $0x1  }
0x17: {  	s4 =	simm.s32 $0x1BF5;
	[smem:$0x3FAF] =	sst s0  }
0x18: {  	s0 =	sld [smem:$0x3F92];
	_ =	swait.ge [sflag:s4], $0x0  }
0x19: {  	s7 =	sld [smem:$0x3F93]  }
0x1a: {  	s8 =	sadd.s32 $0xFFFFE003, lr  }
0x1b: {  	s9 =	sadd.s32 $0xFFFFFEF7, lr;
	s5 =	simm.s32 $0xFFFFFFFF;
	p2 =	slt.u32 s8, $0xFFFFF086  }
0x1c: {  	p1 =	slt.u32 s9, $0xF7A;
	s5 =	simm.s32 @!p2 $0x0  }
0x1d: {  	s5 =	simm.s32 @p1 $0x1;
	p0 =	seq.s32 s7, s2  }
0x1e: {  	s7 =	smul.u32 @!p0 $0xF7A, s2;
	p2 =	seq.s32 @!p0 s5, $0x0  }
0x1f: {  	s9 =	smul.u32 $0xF7A, s1;
	s8 =	simm.s32 @!p0 $0x1BF5;
	p2 =	por !p2, p0  }
0x20: {  	[sflag:s8] =	ssyncset.s32 @!p0 $0xFFFFF086;
	s6 =	sadd.s32 @!p0 s3, s7;
	s7 =	simm.s32 @!p0 $0x108  }
0x21: {  	s3 =	sadd.s32 s3, s9;
	s6 =	sadd.s32 @!p0 $0x88, s6;
	s7 =	simm.s32 @p2 $0x1082  }
0x22: {  	[simem:s7], [sflag:s8] =	dma.local @!p0 [hbm:s6], $0xF7A  }
0x23: {  	s9 =	sor.u32 $0xD0000000, s2;
	s6 =	simm.s32 $0x108;
	_ =	swait.ge @!p0 [sflag:s8], $0x0  }
0x24: {  	s3 =	sadd.s32 $0x88, s3;
	s6 =	simm.s32 @!p1 $0x1082;
	[sflag:s4] =	ssyncset.s32 $0xFFFFF086  }
0x25: {  	[simem:s6], [sflag:s4] =	dma.local [hbm:s3], $0xF7A  }
0x26: {  	[smem:$0x3F93] =	sst s1;
	(tag) =	ssettag s2;
	_ =	strace s9  }
0x27: {  	s1 =	sld [smem:$0x3FA3]  }
0x28: {  	s2 =	sld [smem:$0x3FA4]  }
0x29: {  	s4 =	sld [smem:$0x3FA6]  }
0x2a: {  	p0 =	seq.s32 s5, $0x0;
	s5 =	sld [smem:$0x3FA7]  }
0x2b: {  	s6 =	sld [smem:$0x3FA8]  }
0x2c: {  	s7 =	sld [smem:$0x3FA9]  }
0x2d: {  	s3 =	simm.s32 $0x108;
	s8 =	sld [smem:$0x3FAA]  }
0x2e: {  	s3 =	simm.s32 @!p0 $0x1082;
	s9 =	sld [smem:$0x3FAB]  }
0x2f: {  	lr =	sadd.s32 s0, s3;
	s0 =	sld [smem:$0x3FA2]  }
0x30: {  	s3 =	sld [smem:$0x3FA5]  }
0x31: {  	[smem:$0x3FAE] =	sst s10  }
0x32: {  	s10 =	sld [smem:$0x3FAC];
	_ =	sdelay $0x3  }
0x33: {  	p0 =	seq.s32 s10, $0x1;
	s10 =	sld [smem:$0x3FAE];
	_ =	sdelay $0x3  }
0x34: {  	[smem:$0x3FAE] =	sst s10  }
0x35: {  	s10 =	sld [smem:$0x3FAD];
	_ =	sdelay $0x3  }
0x36: {  	p1 =	seq.s32 s10, $0x1;
	s10 =	sld [smem:$0x3FAE];
	_ =	sdelay $0x3  }
0x37: {  	[smem:$0x3FAE] =	sst s10  }
0x38: {  	s10 =	sld [smem:$0x3FAF]  }
0x39: {  	_ = 	snop;
	(pc) =	sbr.ind lr, $3  }
0x3a: {  	_ = 	snop  }
0x3b: {  	_ = 	snop  }
0x3c: {  	p2 =	seq.s32 s10, $0x1;
	s10 =	sld [smem:$0x3FAE]  }
0x3d: {  	_ =	shalt  }
0x3e: {  	_ =	shalt  }
0x3f: {  	_ =	shalt  }
0x40: {  	_ =	shalt  }
0x41: {  	_ =	shalt  }
0x42: {  	_ =	shalt  }
0x43: {  	_ =	shalt  }
0x44: {  	_ =	shalt  }
0x45: {  	_ =	shalt  }
0x46: {  	_ =	shalt  }
0x47: {  	_ =	shalt  }
0x48: {  	_ =	shalt  }
0x49: {  	_ =	shalt  }
0x4a: {  	_ =	shalt  }
0x4b: {  	_ =	shalt  }
0x4c: {  	_ =	shalt  }
0x4d: {  	_ =	shalt  }
0x4e: {  	_ =	shalt  }
0x4f: {  	_ =	shalt  }
0x50: {  	_ =	shalt  }
0x51: {  	_ =	shalt  }
0x52: {  	_ =	shalt  }
0x53: {  	_ =	shalt  }
0x54: {  	_ =	shalt  }
0x55: {  	_ =	shalt  }
0x56: {  	_ =	shalt  }
0x57: {  	_ =	shalt  }
0x58: {  	_ =	shalt  }
0x59: {  	_ =	shalt  }
0x5a: {  	_ =	shalt  }
0x5b: {  	_ =	shalt  }
0x5c: {  	_ =	shalt  }
0x5d: {  	_ =	shalt  }
0x5e: {  	_ =	shalt  }
0x5f: {  	_ =	shalt  }
0x60: {  	_ =	shalt  }
0x61: {  	_ =	shalt  }
0x62: {  	_ =	shalt  }
0x63: {  	_ =	shalt  }
0x64: {  	_ =	shalt  }
0x65: {  	_ =	shalt  }
0x66: {  	_ =	shalt  }
0x67: {  	_ =	shalt  }
0x68: {  	_ =	shalt  }
0x69: {  	_ =	shalt  }
0x6a: {  	_ =	shalt  }
0x6b: {  	_ =	shalt  }
0x6c: {  	_ =	shalt  }
0x6d: {  	_ =	shalt  }
0x6e: {  	_ =	shalt  }
0x6f: {  	_ =	shalt  }
0x70: {  	_ =	shalt  }
0x71: {  	_ =	shalt  }
0x72: {  	_ =	shalt  }
0x73: {  	_ =	shalt  }
0x74: {  	_ =	shalt  }
0x75: {  	_ =	shalt  }
0x76: {  	_ =	shalt  }
0x77: {  	_ =	shalt  }
0x78: {  	_ =	shalt  }
0x79: {  	_ =	shalt  }
0x7a: {  	_ =	shalt  }
0x7b: {  	_ =	shalt  }
0x7c: {  	_ =	shalt  }
0x7d: {  	_ =	shalt  }
0x7e: {  	_ =	shalt  }
0x7f: {  	_ =	shalt  }
0x80: {  	_ =	shalt  }
0x81: {  	_ =	shalt  }
0x82: {  	_ =	shalt  }
0x83: {  	_ =	shalt  }
0x84: {  	_ =	shalt  }
0x85: {  	_ =	shalt  }
0x86: {  	_ =	shalt  }
0x87: {  	_ =	shalt  }
.Lfunc_end0:
.L_simem_size_0:
called_computation.3_lowered:
.L_overlay_start_0:
0x88: {  	s2 =	sld [smem:$0x3FD9]  }
0x89: {  	s3 =	sld [smem:$0x3FFE];
	_ =	sdelay $0x1  }
0x8a: {  	s1 =	srdreg.scid  }
0x8b: {  	s0 =	sand.u32 $0x1, s1  }
0x8c: {  	s17 =	sshll.u32 s0, $0xA;
	s2 =	sadd.s32 s3, s2  }
0x8d: {  	s2 =	sadd.s32 s2, s17  }
0x8e: {  	[smem:$0x3FBA] =	sst s2  }
0x8f: {  	_ = 	snop  }
0x90: {  	s2 =	sld [smem:$0x3FD0];
	(tm) =	ssettm $0x1  }
0x91: {  	s18 =	sld [smem:$0x3FFB];
	_ =	sdelay $0x3  }
0x92: {  	_ =	strace s18  }
0x93: {  	s3 =	sld [smem:$0x3FFC];
	_ =	sdelay $0x3  }
0x94: {  	_ =	strace s3  }
0x95: {  	s3 =	sld [smem:$0x3FFD];
	_ =	sdelay $0x3  }
0x96: {  	_ =	strace s3  }
0x97: {  	_ =	strace $0x8FFFFFFF  }
0x98: {  	s19 =	sld [smem:$0x3FDB];
	_ =	sdelay $0x1  }
0x99: {  	s4 =	simm.s32 $_scs_section_size  }
0x9a: {  	s5 =	simm.s32 $_size__tile_overlayer_lowered;
	s6 =	simm.s32 $_tile_overlayer_lowered  }
0x9b: {  	s22 =	simm.s32 $0x1BFF;
	s21 =	sshll.u32 s6, $0x1;
	s3 =	sadd.s32 s4, s19  }
0x9c: {  	s7 =	simm.s32 $0x0;
	s20 =	sshll.u32 s5, $0x1;
	s5 =	sadd.s32 s21, s3  }
0x9d: {  	[timem:s7], [sflag:s22] =	dma.local [hbm:s5], s20  }
0x9e: {  	_ =	swait.ge [sflag:s22], s20  }
0x9f: {  	s4 =	ssub.s32 $0x0, s20;
	[sflag:s22] =	ssyncset.done $0x0  }
0xa0: {  	[sflag:s22] =	ssyncadd.s32 s4;
	_ =	sdelay $0x1  }
0xa1: {  	s23 =	simm.s32 $0x1B8B  }
0xa2: {  	_ =	swait.ge [sflag:s23], $0x1  }
0xa3: {  	[sflag:s23] =	ssyncset.done $0x0  }
0xa4: {  	s25 =	simm.s32 $0x1B8E;
	s24 =	sld [smem:$0x3FFE];
	[sflag:s23] =	ssyncadd.s32 $0xFFFFFFFF  }
0xa5: {  	s26 =	simm.s32 $execute0_lowered;
	[smem:$0x3FD2] =	sst s25  }
0xa6: {  	s5 =	sshll.u32 s26, $0x1;
	_ =	strace $0x8000004F;
	[dreg:$0x1] =	wrdreg $0xFFFFFFFF  }
0xa7: {  	s28 =	simm.s32 $_size_execute0_lowered;
	s3 =	sadd.s32 s3, s5;
	[dreg:$0x0] =	wrdreg $0x0  }
0xa8: {  	s5 =	sshll.u32 s28, $0x1;
	[dreg:$0x2] =	wrdreg s3  }
0xa9: {  	[dreg:$0x3] =	wrdreg s5  }
0xaa: {  	[dreg:$0x4] =	wrdreg $0xC0  }
0xab: {  	_ =	task [dreg:s7], $0x5FFFF  }
0xac: {  	[dreg:$0x1] =	wrdreg $0xFFFFFFFF  }
0xad: {  	[dreg:$0x0] =	wrdreg $0x60  }
0xae: {  	[dreg:$0x2] =	wrdreg s24  }
0xaf: {  	[dreg:$0x3] =	wrdreg s2  }
0xb0: {  	[dreg:$0x4] =	wrdreg $0xA5000  }
0xb1: {  	[dreg:$0x5] =	wrdreg $0x9  }
0xb2: {  	_ =	task.clear_ibuf [dreg:s7], $0x6FFFF;
	_ =	strace $0x9000004F  }
0xb3: {  	s29 =	simm.s32 $0x9;
	_ =	strace $0x80000051  }
0xb4: {  	_ =	swait.ge [sflag:s29], $0x1  }
0xb5: {  	[sflag:s29] =	ssyncadd.s32 $0xFFFFFFFF  }
0xb6: {  	_ =	strace $0x90000051  }
0xb7: {  	_ =	sfence  }
0xb8: {  	s30 =	sld [smem:$0x0];
	_ =	sdelay $0x2  }
0xb9: {  	s31 =	sshll.u32 s1, $0xD;
	s1 =	sshrl.u32 s1, $0x2  }
0xba: {  	s3 =	sand.u32 $0x4000, s31;
	s1 =	sadd.s32 s1, s30  }
0xbb: {  	s0 =	sor.u32 s3, s0;
	s1 =	sshll.u32 s1, $0x11  }
0xbc: {  	s0 =	sor.u32 s1, s0  }
0xbd: {  	s0 =	sadd.s32 $0x8F2B, s0  }
0xbe: {  	[sflag:s0] =	ssyncadd.remote.s32 $0x1  }
0xbf: {  	_ =	sfence.sel $0xFFFF  }
0xc0: {  	[dreg:$0x0] =	wrdreg $0xFFFFFFFF;
	(pc) =	sbr.abs _section_cstart, $3  }
0xc1: {  	[dreg:$0x1] =	wrdreg $0xFFFFFFFF  }
0xc2: {  	_ =	task.clear_ibuf [dreg:s7], $0x2FFFF;
	_ =	strace $0x9FFFFFFF  }
0xc3: {  	(tm) =	ssettm $0x7FFFFFFF  }
tec
execute0_lowered:
.L_overlay_start_1:
0x0: {  	(tag) =	ssettag $0x1  }
0x1: {  	s0 =	rddreg [dreg:$0x0];
	s1 =	srdreg.scid  }
0x2: {  	s14 =	stileid.u32;
	s3 =	rddreg [dreg:$0x2]  }
0x3: {  	s5 =	simm.s32 $0x0;
	s6 =	simm.s32 $0x91;
	s15 =	simm.s32 $0xB  }
0x4: {  	s16 =	simm.s32 $0x80;
	s17 =	simm.s32 $0x9100;
	s18 =	simm.s32 $0x9500  }
0x5: {  	s26 =	simm.s32 $0xA100;
	s28 =	simm.s32 $0x7;
	s29 =	simm.s32 $0x4  }
0x6: {  	s30 =	simm.s32 $0x8;
	s31 =	simm.s32 $0x5;
	s2 =	smul.u32 $0x13A0, s14  }
0x7: {  	s1 =	sand.u32 $0x1, s1;
	[smem:$0x7FF] =	sst s5;
	s19 =	smul.u32 $0x780, s14  }
0x8: {  	s5 =	sadd.s32 $0x7B400, s0;
	s7 =	sadd.s32 $0x49800, s0;
	s11 =	smul.u32 $0x910, s14  }
0x9: {  	s10 =	sadd.s32 $0x3EE00, s0;
	s25 =	sshll.u32 s14, $0x6;
	s4 =	smul.u32 $0x13A00, s1  }
0xa: {  	_ =	strace $0x80000050;
	s8 =	ssub.s32 $0x2, s1;
	p0 =	seq.s32 s1, $0x0  }
0xb: {  	[dreg:$0x5] =	wrdreg s26;
	s26 =	simm.s32 $0x3;
	s6 =	simm.s32 @!p0 $0xF  }
0xc: {  	s9 =	sshrl.u32 s8, $0x1;
	s21 =	sadd.s32 s7, s11;
	s22 =	sadd.s32 s10, s11  }
0xd: {  	p0 =	sne.s32 s1, $0x0;
	s1 =	simm.s32 $0x9;
	s4 =	sadd.s32 s2, s4  }
0xe: {  	s12 =	smul.u32 $0xCD, s6;
	s13 =	ssub.s32 s8, s9;
	[dreg:$0x8] =	wrdreg s21  }
0xf: {  	[dreg:$0x9] =	wrdreg s22;
	s2 =	sadd.s32 s2, s3;
	s22 =	simm.s32 $0x9D00  }
0x10: {  	s4 =	sshrl.u32 s4, $0x3;
	s14 =	sshrl.u32 s2, $0x3;
	s2 =	simm.s32 $0x0  }
0x11: {  	s0 =	sadd.s32 s4, s0;
	s4 =	sshrl.u32 s19, $0x3;
	s23 =	sshrl.u32 s12, $0xA  }
0x12: {  	s12 =	smax.u32 s13, $0x1;
	s13 =	sor.u32 $0x1C0B, s25;
	s25 =	simm.s32 $0x6  }
0x13: {  	s4 =	sadd.s32 $0x9100, s4;
	s11 =	sadd.s32 $0x4200, s0;
	s24 =	ssub.s32 $0x0, s23  }
0x14: {  	s23 =	simm.s32 $0x1;
	s20 =	sadd.s32 s7, s4;
	[dreg:$0x4] =	wrdreg s24  }
0x15: {  	s0 =	simm.s32 $0xA;
	s4 =	sadd.s32 s10, s4;
	[dreg:$0x6] =	wrdreg s20  }
0x16: {  	s24 =	simm.s32 $0x2;
	[dreg:$0x7] =	wrdreg s4;
	s20 =	simm.s32 $0x9900  }
.LBB2_1:
0x17: {  	s4 =	simm.s32 @p0 $0x0;
	s7 =	rddreg [dreg:$0x6]  }
0x18: {  	[tilespmem:s4], [sflag:$0xB] =	stream.linear.gather @p0 [hbm4b:s7+s4], $0x780, $0x38;
	[tilespmem:$0xB8A0] =	vst v63  }
0x19: {  	s7 =	simm.s32 @p0 $0xB  }
0x1a: {  	_ =	swait.ge @p0 [sflag:s7], $0x780  }
0x1b: {  	[sflag:s7] =	ssyncset.done @p0 $0x0  }
0x1c: {  	s19 =	simm.s32 @p0 $0x4880;
	s8 =	rddreg [dreg:$0x7];
	[sflag:s7] =	ssyncadd.s32 @p0 $0xFFFFF880  }
0x1d: {  	[tilespmem:s19], [sflag:$0xB] =	stream.linear.gather @p0 [hbm4b:s8+s4], $0x780, $0x38;
	[tilespmem:$0xB8A0] =	vst v63  }
0x1e: {  	_ =	swait.ge @p0 [sflag:s7], $0x780  }
0x1f: {  	[sflag:s7] =	ssyncset.done @p0 $0x0  }
0x20: {  	s4 =	simm.s32 @!p0 $0x0;
	[sflag:s7] =	ssyncadd.s32 @p0 $0xFFFFF880;
	s7 =	rddreg [dreg:$0x8]  }
0x21: {  	[tilespmem:s4], [sflag:$0xB] =	stream.linear.gather @!p0 [hbm4b:s7+s4], $0x4880, $0x38;
	[tilespmem:$0xB8A0] =	vst v63  }
0x22: {  	s7 =	simm.s32 @!p0 $0xB  }
0x23: {  	_ =	swait.ge @!p0 [sflag:s7], $0x4880  }
0x24: {  	[sflag:s7] =	ssyncset.done @!p0 $0x0  }
0x25: {  	s19 =	simm.s32 @!p0 $0x4880;
	s8 =	rddreg [dreg:$0x9];
	[sflag:s7] =	ssyncadd.s32 @!p0 $0xFFFFB780  }
0x26: {  	[tilespmem:s19], [sflag:$0xB] =	stream.linear.gather @!p0 [hbm4b:s8+s4], $0x4880, $0x38;
	[tilespmem:$0xB8A0] =	vst v63  }
0x27: {  	_ =	swait.ge @!p0 [sflag:s7], $0x4880  }
0x28: {  	[sflag:s7] =	ssyncset.done @!p0 $0x0  }
0x29: {  	[sflag:s7] =	ssyncadd.s32 @!p0 $0xFFFFB780  }
0x2a: {  	s9 =	rddreg [dreg:$0x1]  }
0x2b: {  	[spmem:s14], [sflag:s13] =	dma.local [hbm:s9], $0x274  }
0x2c: {  	_ =	swait.ge [sflag:s15], $0x274  }
0x2d: {  	[sflag:s15] =	ssyncset.done $0x0  }
0x2e: {  	[sflag:s15] =	ssyncadd.s32 $0xFFFFFD8C  }
0x2f: {  	s10 =	simm.s32 $0x0;
	[bflag:$0x0] =	sbarrier.arrive $0xFFFF  }
0x30: {  	[tilespmem:s17], [sflag:$0x1] =	stream.indirect.gather [hbm4b:s5+s16], $0x8, s10, s16, $0xb8;
	[tilespmem:$0xB8A0] =	vst v63  }
0x31: {  	_ = 	snop  }
0x32: {  	[tilespmem:s18], [sflag:$0x2] =	stream.indirect.gather [hbm4b:s5+s16], $0x8, s16, s16, $0xb8;
	[tilespmem:$0xB8A0] =	vst v63  }
0x33: {  	s19 =	simm.s32 $0x100  }
0x34: {  	[tilespmem:s20], [sflag:$0x3] =	stream.indirect.gather [hbm4b:s5+s16], $0x8, s19, s16, $0xb8;
	[tilespmem:$0xB8A0] =	vst v63  }
0x35: {  	s21 =	simm.s32 $0x180  }
0x36: {  	[tilespmem:s22], [sflag:$0x4] =	stream.indirect.gather [hbm4b:s5+s16], $0x8, s21, s16, $0xb8;
	[tilespmem:$0xB8A0] =	vst v63  }
0x37: {  	s4 =	simm.s32 $0x8;
	s19 =	simm.s32 $0x0;
	s21 =	simm.s32 $0x0  }
.LBB2_2:
0x38: {  	_ =	swait.ge [sflag:s23], $0x400  }
0x39: {  	s7 =	sshra.s32 s19, $0x2;
	[sflag:s23] =	ssyncset.done $0x0  }
0x3a: {  	p1 =	seq.s32 s21, $0x0;
	s8 =	sadd.s32 $0x4880, s7;
	[sflag:s23] =	ssyncadd.s32 $0xFFFFFC00  }
0x3b: {  	[spmem:s3] =	stream.indirect.scatter.add.f32 [tilespmem:s17], [sflag:$0x6], $0x8, s8, s16, $0xb8;
	[tilespmem:$0xB8A0] =	vst v63  }
0x3c: {  	s8 =	simm.s32 @!p1 $0xA  }
0x3d: {  	s9 =	sadd.s32 $0xFFFFFFFC, s4;
	_ =	swait.ge @!p1 [sflag:s8], $0x400  }
0x3e: {  	p2 =	sge.u32 s9, s6;
	[sflag:s8] =	ssyncset.done @!p1 $0x0  }
0x3f: {  	[sflag:s8] =	ssyncadd.s32 @!p1 $0xFFFFFC00;
	s8 =	sshra.s32 @!p2 s19, $0x2  }
0x40: {  	s9 =	simm.s32 @!p2 $0x80;
	s10 =	simm.s32 @!p2 $0xA100;
	s8 =	sadd.s32 @!p2 $0x200, s8  }
0x41: {  	[tilespmem:s10], [sflag:$0x5] =	stream.indirect.gather @!p2 [hbm4b:s5+s9], $0x8, s8, s9, $0xb8;
	[tilespmem:$0xB8A0] =	vst v63  }
0x42: {  	_ =	swait.ge [sflag:s24], $0x400  }
0x43: {  	[sflag:s24] =	ssyncset.done $0x0  }
0x44: {  	s10 =	sadd.s32 $0x4900, s7;
	s9 =	sadd.s32 $0xFFFFFFFD, s4;
	[sflag:s24] =	ssyncadd.s32 $0xFFFFFC00  }
0x45: {  	[spmem:s3] =	stream.indirect.scatter.add.f32 [tilespmem:s18], [sflag:$0x7], $0x8, s10, s16, $0xb8;
	[tilespmem:$0xB8A0] =	vst v63  }
0x46: {  	p1 =	sge.u32 s9, s6;
	_ =	swait.ge [sflag:s25], $0x400  }
0x47: {  	s8 =	sshra.s32 @!p1 s19, $0x2;
	s9 =	simm.s32 @!p1 $0x80;
	[sflag:s25] =	ssyncset.done $0x0  }
0x48: {  	s8 =	sadd.s32 @!p1 $0x280, s8;
	s10 =	simm.s32 @!p1 $0x9100;
	[sflag:s25] =	ssyncadd.s32 $0xFFFFFC00  }
0x49: {  	[tilespmem:s10], [sflag:$0x1] =	stream.indirect.gather @!p1 [hbm4b:s5+s9], $0x8, s8, s9, $0xb8;
	[tilespmem:$0xB8A0] =	vst v63  }
0x4a: {  	_ =	swait.ge [sflag:s26], $0x400  }
0x4b: {  	[sflag:s26] =	ssyncset.done $0x0  }
0x4c: {  	s10 =	sadd.s32 $0x4980, s7;
	s9 =	sadd.s32 $0xFFFFFFFE, s4;
	[sflag:s26] =	ssyncadd.s32 $0xFFFFFC00  }
0x4d: {  	[spmem:s3] =	stream.indirect.scatter.add.f32 [tilespmem:s20], [sflag:$0x8], $0x8, s10, s16, $0xb8;
	[tilespmem:$0xB8A0] =	vst v63  }
0x4e: {  	p1 =	sge.u32 s9, s6;
	_ =	swait.ge [sflag:s28], $0x400  }
0x4f: {  	s8 =	sshra.s32 @!p1 s19, $0x2;
	s9 =	simm.s32 @!p1 $0x80;
	[sflag:s28] =	ssyncset.done $0x0  }
0x50: {  	s8 =	sadd.s32 @!p1 $0x300, s8;
	s10 =	simm.s32 @!p1 $0x9500;
	[sflag:s28] =	ssyncadd.s32 $0xFFFFFC00  }
0x51: {  	[tilespmem:s10], [sflag:$0x2] =	stream.indirect.gather @!p1 [hbm4b:s5+s9], $0x8, s8, s9, $0xb8;
	[tilespmem:$0xB8A0] =	vst v63  }
0x52: {  	_ =	swait.ge [sflag:s29], $0x400  }
0x53: {  	[sflag:s29] =	ssyncset.done $0x0  }
0x54: {  	s10 =	sadd.s32 $0x4A00, s7;
	s9 =	sadd.s32 $0xFFFFFFFF, s4;
	[sflag:s29] =	ssyncadd.s32 $0xFFFFFC00  }
0x55: {  	[spmem:s3] =	stream.indirect.scatter.add.f32 [tilespmem:s22], [sflag:$0x9], $0x8, s10, s16, $0xb8;
	[tilespmem:$0xB8A0] =	vst v63  }
0x56: {  	p1 =	sge.u32 s9, s6;
	_ =	swait.ge [sflag:s30], $0x400  }
0x57: {  	s8 =	sshra.s32 @!p1 s19, $0x2;
	s9 =	simm.s32 @!p1 $0x80;
	[sflag:s30] =	ssyncset.done $0x0  }
0x58: {  	s8 =	sadd.s32 @!p1 $0x380, s8;
	s10 =	simm.s32 @!p1 $0x9900;
	[sflag:s30] =	ssyncadd.s32 $0xFFFFFC00  }
0x59: {  	[tilespmem:s10], [sflag:$0x3] =	stream.indirect.gather @!p1 [hbm4b:s5+s9], $0x8, s8, s9, $0xb8;
	[tilespmem:$0xB8A0] =	vst v63  }
0x5a: {  	_ =	swait.ge [sflag:s31], $0x400  }
0x5b: {  	s7 =	sadd.s32 $0x4A80, s7;
	[sflag:s31] =	ssyncset.done $0x0  }
0x5c: {  	p1 =	sge.u32 s4, s6;
	s10 =	rddreg [dreg:$0x5];
	[sflag:s31] =	ssyncadd.s32 $0xFFFFFC00  }
0x5d: {  	[spmem:s3] =	stream.indirect.scatter.add.f32 [tilespmem:s10], [sflag:$0xA], $0x8, s7, s16, $0xb8;
	[tilespmem:$0xB8A0] =	vst v63  }
0x5e: {  	s21 =	sadd.s32 $0xFFFFFFFF, s21;
	s8 =	simm.s32 @!p1 $0x80;
	_ =	swait.ge [sflag:s1], $0x400  }
0x5f: {  	s9 =	simm.s32 @!p1 $0x9D00;
	s7 =	sshra.s32 @!p1 s19, $0x2;
	[sflag:s1] =	ssyncset.done $0x0  }
0x60: {  	s7 =	sadd.s32 @!p1 $0x400, s7;
	s10 =	rddreg [dreg:$0x4];
	[sflag:s1] =	ssyncadd.s32 $0xFFFFFC00  }
0x61: {  	[tilespmem:s9], [sflag:$0x4] =	stream.indirect.gather @!p1 [hbm4b:s5+s8], $0x8, s7, s8, $0xb8;
	[tilespmem:$0xB8A0] =	vst v63  }
0x62: {  	p1 =	sne.s32 s10, s21  }
.Ltmp0:
0x63: {  	_ = 	snop;
	(pc) =	sbr.rel @p1 .LBB2_2-.Ltmp0, $2  }
0x64: {  	_ =	sdelay $0x2  }
0x65: {  	s4 =	sadd.s32 $0x5, s4;
	s19 =	sadd.s32 $0xA00, s19  }
0x66: {  	_ =	swait.ge [sflag:s0], $0x400  }
0x67: {  	s2 =	sadd.s32 $0x1, s2;
	[sflag:s0] =	ssyncset.done $0x0  }
0x68: {  	p1 =	sne.s32 s2, s12;
	[sflag:s0] =	ssyncadd.s32 $0xFFFFFC00  }
.Ltmp1:
0x69: {  	[bflag:$0x0] =	sbarrier.arrive $0xFFFF;
	(pc) =	sbr.rel @p1 .LBB2_1-.Ltmp1, $4  }
0x6a: {  	[hbm:s11], [sflag:s13] =	dma.local [spmem:s14], $0x274  }
0x6b: {  	_ =	swait.ge [sflag:s15], $0x274  }
0x6c: {  	[sflag:s15] =	ssyncset.done $0x0  }
0x6d: {  	[sflag:s15] =	ssyncadd.s32 $0xFFFFFD8C  }
0x6e: {  	_ =	sfence.sel $0x180000  }
0x6f: {  	[bflag:$0x0] =	sbarrier.arrive $0xFFFF  }
0x70: {  	_ =	strace $0x90000050  }
0x71: {  	s0 =	stileid.u32;
	[bflag:$0x2] =	sbarrier.arrive $0xFFFF  }
0x72: {  	p0 =	sne.s32 s0, $0x0;
	s0 =	rddreg [dreg:$0x3]  }
0x73: {  	s0 =	sadd.s32 @!p0 $0x100000, s0  }
0x74: {  	[sflag:s0] =	ssyncadd.tile.s32 @!p0 $0x1;
	_ =	shalt  }
.Lfunc_end2:
_tile_overlayer_lowered:
.L_overlay_start_2:
0x75: {  	(tag) =	ssettag $0x2  }
0x76: {  	s0 =	rddreg [dreg:$0x0];
	s2 =	stileid.u32  }
0x77: {  	s1 =	rddreg [dreg:$0x1];
	p0 =	sne.s32 s2, $0x0  }
0x78: {  	s3 =	rddreg [dreg:$0x2];
	[bflag:$0x3] =	sbarrier.arrive $0xFFFF;
	s2 =	simm.s32 @!p0 $0x1C0B  }
0x79: {  	[timem:s3], [sflag:s2] =	dma.local @!p0 [hbm:s0], s1  }
0x7a: {  	s0 =	simm.s32 @!p0 $0xB  }
0x7b: {  	_ =	swait.ge @!p0 [sflag:s0], s1  }
0x7c: {  	s1 =	ssub.s32 @!p0 $0x0, s1;
	[sflag:s0] =	ssyncset.done @!p0 $0x0  }
0x7d: {  	[sflag:s0] =	ssyncadd.s32 @!p0 s1  }
0x7e: {  	[bflag:$0x3] =	sbarrier.arrive $0xFFFF  }
0x7f: {  	_ =	shalt  }

</sc_bundles>
